<compile_context>
chip_gen: v7x
topology: tpu7x:2x2x1
jax: 0.10.2.dev20260603
libtpu: 0.0.44.dev20260713+nightly
codegen_flags: <defaults>
</compile_context>

<pallas_src>
import functools

import numpy as np
import jax
import jax.numpy as jnp
from jax import lax
from jax.experimental import pallas as pl
from jax.experimental.pallas import tpu as pltpu
from jax.experimental.pallas import tpu_sc as plsc

ALPHA = 35.0
SIGMA = 2.5
B, D, H, W = 2, 128, 128, 128
N = B * D * H * W
NC, NS = 2, 16
NW = NC * NS
ROWS = B * D * H
RPW = ROWS // NW

_DN = lax.ConvDimensionNumbers(lhs_spec=(2, 4, 0, 1, 3),
                               rhs_spec=(4, 3, 0, 1, 2),
                               out_spec=(2, 4, 0, 1, 3))


def _gauss_taps():
    ks = int(2 * np.round(3 * SIGMA) + 1)
    half = ks // 2
    ax = np.arange(-half + 1, half + 1, dtype=np.float32)
    k = np.exp(-ax ** 2 / (2.0 * SIGMA ** 2))
    k = k / k.sum()
    return jnp.asarray(k, dtype=jnp.float32)


def _smooth3d(x, kern):
    L = kern.shape[0]
    kd = kern.reshape(L, 1, 1, 1, 1)
    kh = kern.reshape(1, L, 1, 1, 1)
    kw = kern.reshape(1, 1, L, 1, 1)
    xt = x.transpose(1, 2, 0, 3, 4).reshape(D, H, 16, 16, 1)
    y = lax.conv_general_dilated(xt, kd, (1, 1, 1),
                                 [(7, 8), (0, 0), (0, 0)],
                                 dimension_numbers=_DN)
    y = lax.conv_general_dilated(y, kh, (1, 1, 1),
                                 [(0, 0), (7, 8), (0, 0)],
                                 dimension_numbers=_DN)
    z = y.reshape(D, H, 2, 8, 16, 1).transpose(2, 0, 1, 3, 4, 5)
    z = z.reshape(2, D, H, W, 1)
    zp = jnp.pad(z, ((0, 0), (0, 0), (0, 0), (7, 8), (0, 0)))
    chunks = jnp.stack([zp[:, :, :, c * 16:c * 16 + 31, :]
                        for c in range(8)], axis=3)
    ct = chunks.transpose(1, 2, 0, 3, 4, 5).reshape(D, H, 16, 31, 1)
    w = lax.conv_general_dilated(ct, kw, (1, 1, 1),
                                 [(0, 0), (0, 0), (0, 0)],
                                 dimension_numbers=_DN)
    out = w.reshape(D, H, 2, 8, 16, 1).transpose(2, 0, 1, 3, 4, 5)
    return out.reshape(2, D, H, W, 1)


def _full_flow(coarse_flow):
    flow = jax.image.resize(coarse_flow, (B, D, H, W, 3), method='cubic')
    kern = _gauss_taps()
    comps = [_smooth3d(flow[..., i:i + 1], kern)[..., 0] for i in range(3)]
    return jnp.stack(comps, axis=-1) * ALPHA


def _floor_i32(x):
    i = x.astype(jnp.int32)
    fi = i.astype(jnp.float32)
    return i - jnp.where(fi > x, 1, 0)


def _round_half_even_i32(x):
    y = x + 0.5
    r = _floor_i32(y)
    tie = r.astype(jnp.float32) == y
    odd = (r & 1) == 1
    return r - jnp.where(tie & odd, 1, 0)


def _clampD(i):
    return jnp.maximum(jnp.minimum(i, D - 1), 0)


@functools.cache
def _make_sc_deform():
    mesh = plsc.VectorSubcoreMesh(core_axis_name="c", subcore_axis_name="s",
                                  num_cores=NC, num_subcores=NS)
    return functools.partial(
        pl.kernel,
        out_type=(jax.ShapeDtypeStruct((N,), jnp.float32),
                  jax.ShapeDtypeStruct((N,), jnp.float32)),
        mesh=mesh,
        scratch_types=[
            pltpu.VMEM((3 * W,), jnp.float32),
            pltpu.VMEM((9, W), jnp.int32),
            pltpu.VMEM((9, W), jnp.float32),
            pltpu.VMEM((3, W), jnp.float32),
            pltpu.VMEM((W,), jnp.float32),
            pltpu.SemaphoreType.DMA,
        ],
        compiler_params=pltpu.CompilerParams(needs_layout_passes=False),
    )(_sc_deform_body)


def _sc_deform_body(flow_hbm, img_hbm, lbl_hbm, oimg_hbm, olbl_hbm,
                    fl_v, idx_v, val_v, tw_v, outrow_v, sem):
    wid = lax.axis_index("s") * NC + lax.axis_index("c")
    i3 = lax.iota(jnp.int32, 16) * 3

    def row_body(j, carry):
        r = wid * RPW + j
        h = lax.bitwise_and(r, H - 1)
        d = lax.bitwise_and(lax.shift_right_logical(r, 7), D - 1)
        n = lax.shift_right_logical(r, 14)
        rb = r * W
        nbase = n * (D * H * W)
        df = d.astype(jnp.float32)
        hf = h.astype(jnp.float32)
        pltpu.sync_copy(flow_hbm.at[pl.ds(rb * 3, 3 * W)], fl_v)

        for wc in range(8):
            sl = pl.ds(wc * 16, 16)
            wio = (lax.iota(jnp.int32, 16) + (wc * 16)).astype(jnp.float32)
            base = i3 + (wc * 48)
            wd = plsc.load_gather(fl_v, [base]) + df
            wh = plsc.load_gather(fl_v, [base + 1]) + hf
            ww = plsc.load_gather(fl_v, [base + 2]) + wio
            d0 = _floor_i32(wd)
            h0 = _floor_i32(wh)
            w0 = _floor_i32(ww)
            tw_v[0, sl] = wd - d0.astype(jnp.float32)
            tw_v[1, sl] = wh - h0.astype(jnp.float32)
            tw_v[2, sl] = ww - w0.astype(jnp.float32)
            pd0 = lax.shift_left(_clampD(d0), 14)
            pd1 = lax.shift_left(_clampD(d0 + 1), 14)
            ph0 = lax.shift_left(_clampD(h0), 7)
            ph1 = lax.shift_left(_clampD(h0 + 1), 7)
            w0c = _clampD(w0)
            w1c = _clampD(w0 + 1)
            e00 = nbase + pd0 + ph0
            e01 = nbase + pd0 + ph1
            e10 = nbase + pd1 + ph0
            e11 = nbase + pd1 + ph1
            idx_v[0, sl] = e00 + w0c
            idx_v[1, sl] = e00 + w1c
            idx_v[2, sl] = e01 + w0c
            idx_v[3, sl] = e01 + w1c
            idx_v[4, sl] = e10 + w0c
            idx_v[5, sl] = e10 + w1c
            idx_v[6, sl] = e11 + w0c
            idx_v[7, sl] = e11 + w1c
            rd = _clampD(_round_half_even_i32(wd))
            rh = _clampD(_round_half_even_i32(wh))
            rw = _clampD(_round_half_even_i32(ww))
            idx_v[8, sl] = (nbase + lax.shift_left(rd, 14)
                            + lax.shift_left(rh, 7) + rw)

        copies = [pltpu.async_copy(img_hbm.at[idx_v.at[c]],
                                   val_v.at[c], sem) for c in range(8)]
        copies.append(pltpu.async_copy(lbl_hbm.at[idx_v.at[8]],
                                       val_v.at[8], sem))
        for cp in copies:
            cp.wait()

        for wc in range(8):
            sl = pl.ds(wc * 16, 16)
            td = tw_v[0, sl]
            th = tw_v[1, sl]
            tw = tw_v[2, sl]
            c000 = val_v[0, sl]
            c001 = val_v[1, sl]
            c010 = val_v[2, sl]
            c011 = val_v[3, sl]
            c100 = val_v[4, sl]
            c101 = val_v[5, sl]
            c110 = val_v[6, sl]
            c111 = val_v[7, sl]
            c00 = c000 + tw * (c001 - c000)
            c01 = c010 + tw * (c011 - c010)
            c10 = c100 + tw * (c101 - c100)
            c11 = c110 + tw * (c111 - c110)
            c0 = c00 + th * (c01 - c00)
            c1 = c10 + th * (c11 - c10)
            outrow_v[sl] = c0 + td * (c1 - c0)

        pltpu.sync_copy(outrow_v, oimg_hbm.at[pl.ds(rb, W)])
        pltpu.sync_copy(val_v.at[8], olbl_hbm.at[pl.ds(rb, W)])
        return carry

    lax.fori_loop(0, RPW, row_body, 0)


def kernel(image_volume, label_volume, coarse_flow):
    img = image_volume.reshape(N)
    lbl = label_volume.reshape(N)
    flow = _full_flow(coarse_flow.astype(jnp.float32))
    f3 = flow.reshape(3 * N)
    oimg, olbl = _make_sc_deform()(f3, img, lbl)
    return (oimg.reshape(B, D, H, W, 1), olbl.reshape(B, D, H, W, 1))

# --- scband reference (transcript-rebuilt; emitter-appended) ---
"""Pipeline reference for scband-random-elastic-deformation3-d-28192165331066 (READ-ONLY COPY).

The authoritative reference and input builder live on the scoring server;
editing this copy changes nothing except your own understanding.
"""

import jax, jax.numpy as jnp
import numpy as np

GRID_SIZE = (4, 4, 4)
ALPHA = 35.0
SIGMA = 2.5


def _gauss_kernel(sigma):
    ks = int(2 * np.round(3 * sigma) + 1)
    half = ks // 2
    ax = np.arange(-half + 1, half + 1, dtype=np.float32)
    k = np.exp(-ax ** 2 / (2.0 * sigma ** 2))
    k = k / k.sum()
    return jnp.asarray(k, dtype=jnp.float32)


def _conv1(x, f):
    dn = jax.lax.conv_dimension_numbers(x.shape, f.shape, ('NDHWC', 'DHWIO', 'NDHWC'))
    return jax.lax.conv_general_dilated(x, f, (1, 1, 1), 'SAME', dimension_numbers=dn)


def _smooth3d(x, kern):
    L = kern.shape[0]
    x = _conv1(x, kern.reshape(L, 1, 1, 1, 1))
    x = _conv1(x, kern.reshape(1, L, 1, 1, 1))
    x = _conv1(x, kern.reshape(1, 1, L, 1, 1))
    return x


def _deform(image_volume, label_volume, coarse_flow):
    B, D, H, W, C = image_volume.shape
    flow = jax.image.resize(coarse_flow, (B, D, H, W, 3), method='cubic')
    kern = _gauss_kernel(SIGMA)
    comps = []
    for i in range(3):
        comps.append(_smooth3d(flow[..., i:i + 1], kern)[..., 0])
    flow = jnp.stack(comps, axis=-1) * ALPHA
    gd, gh, gw = jnp.meshgrid(jnp.arange(D, dtype=jnp.float32),
                              jnp.arange(H, dtype=jnp.float32),
                              jnp.arange(W, dtype=jnp.float32), indexing='ij')
    grid = jnp.stack([gd, gh, gw], axis=-1)
    warp = grid[None, ...] + flow
    wf = jnp.floor(warp)
    t = warp - wf
    d0 = wf[..., 0].astype(jnp.int32)
    h0 = wf[..., 1].astype(jnp.int32)
    w0 = wf[..., 2].astype(jnp.int32)
    d1 = jnp.clip(d0 + 1, 0, D - 1)
    h1 = jnp.clip(h0 + 1, 0, H - 1)
    w1 = jnp.clip(w0 + 1, 0, W - 1)
    d0 = jnp.clip(d0, 0, D - 1)
    h0 = jnp.clip(h0, 0, H - 1)
    w0 = jnp.clip(w0, 0, W - 1)
    gather = jax.vmap(lambda vol, di, hi, wi: vol[di, hi, wi])
    c000 = gather(image_volume, d0, h0, w0)
    c001 = gather(image_volume, d0, h0, w1)
    c010 = gather(image_volume, d0, h1, w0)
    c011 = gather(image_volume, d0, h1, w1)
    c100 = gather(image_volume, d1, h0, w0)
    c101 = gather(image_volume, d1, h0, w1)
    c110 = gather(image_volume, d1, h1, w0)
    c111 = gather(image_volume, d1, h1, w1)
    td = t[..., 0:1]
    th = t[..., 1:2]
    tw = t[..., 2:3]
    c00 = c000 * (1 - tw) + c001 * tw
    c01 = c010 * (1 - tw) + c011 * tw
    c10 = c100 * (1 - tw) + c101 * tw
    c11 = c110 * (1 - tw) + c111 * tw
    c0 = c00 * (1 - th) + c01 * th
    c1 = c10 * (1 - th) + c11 * th
    deformed_image = c0 * (1 - td) + c1 * td
    nr = jnp.round(warp)
    nd = jnp.clip(nr[..., 0].astype(jnp.int32), 0, D - 1)
    nh = jnp.clip(nr[..., 1].astype(jnp.int32), 0, H - 1)
    nw = jnp.clip(nr[..., 2].astype(jnp.int32), 0, W - 1)
    deformed_label = gather(label_volume, nd, nh, nw)
    return deformed_image, deformed_label


def setup_inputs(seed: int = 0):
    key = jax.random.key(seed)
    k1, k2, k3 = jax.random.split(key, 3)
    B, D, H, W, C = 2, 128, 128, 128, 1
    image_volume = jax.random.normal(k1, (B, D, H, W, C), dtype=jnp.float32)
    label_volume = jax.random.uniform(k2, (B, D, H, W, C), dtype=jnp.float32)
    coarse_flow = jax.random.uniform(k3, (B,) + GRID_SIZE + (3,), dtype=jnp.float32, minval=-1.0, maxval=1.0)
    return {'image_volume': image_volume, 'label_volume': label_volume, 'coarse_flow': coarse_flow}


def reference(image_volume, label_volume, coarse_flow):
    return _deform(image_volume, label_volume, coarse_flow)

if __name__ == "__main__":
    import jax
    _d = setup_inputs()
    print(jax.jit(kernel)(*tuple(_d.values())))

</pallas_src>

<mosaic_0001>
#map = affine_map<(d0, d1) -> (0)>
module attributes {stable_mosaic.version = 14 : i64} {
  func.func @_sc_deform_body(%arg0: i32, %arg1: i32, %arg2: memref<12582912xf32, #tpu.memory_space<hbm>>, %arg3: memref<4194304xf32, #tpu.memory_space<hbm>>, %arg4: memref<4194304xf32, #tpu.memory_space<hbm>>, %arg5: memref<4194304xf32, #tpu.memory_space<hbm>>, %arg6: memref<4194304xf32, #tpu.memory_space<hbm>>, %arg7: memref<384xf32, #tpu.memory_space<vmem>>, %arg8: memref<9x128xi32, #tpu.memory_space<vmem>>, %arg9: memref<9x128xf32, #tpu.memory_space<vmem>>, %arg10: memref<3x128xf32, #tpu.memory_space<vmem>>, %arg11: memref<128xf32, #tpu.memory_space<vmem>>, %arg12: memref<!tpu.dma_semaphore, #tpu.memory_space<semaphore_mem>>) attributes {dimension_semantics = [#tpu.dimension_semantics<core_parallel>, #tpu.dimension_semantics<subcore_parallel>], iteration_bounds = array<i64: 2, 16>, scalar_prefetch = 0 : i64, scratch_operands = 6 : i64, tpu.core_type = #tpu.core_type<sc_vector_subcore>, window_params = [{transform_indices = #map}, {transform_indices = #map}, {transform_indices = #map}, {transform_indices = #map}, {transform_indices = #map}]} {
    %mul3A = arith.constant 2 : i32
    %mul3A_0 = arith.muli %arg1, %mul3A : i32
    %add3A = arith.addi %mul3A_0, %arg0 : i32
    %iota3A = tpu.iota {dimensions = array<i32: 0>} : vector<16xi32>
    %mul3A_1 = arith.constant 3 : i32
    %mul3A_2 = vector.broadcast %mul3A_1 : i32 to vector<16xi32>
    %mul3A_3 = arith.muli %iota3A, %mul3A_2 : vector<16xi32>
    %scan3A = arith.constant 0 : i32
    %scan3A_4 = arith.constant 0 : i32
    %scan3A_5 = arith.constant 1024 : i32
    %scan3A_6 = arith.addi %scan3A_4, %scan3A_5 : i32
    %scan3A_7 = arith.constant 1 : i32
    scf.for %scan3A_9 = %scan3A_4 to %scan3A_6 step %scan3A_7  : i32 {
      %mul3A_10 = arith.constant 1024 : i32
      %mul3A_11 = arith.muli %add3A, %mul3A_10 : i32
      %add3A_12 = arith.addi %mul3A_11, %scan3A_9 : i32
      %and3A = arith.constant 127 : i32
      %and3A_13 = arith.andi %add3A_12, %and3A : i32
      %shift_right_logical3A = arith.constant 7 : i32
      %shift_right_logical3A_14 = arith.shrui %add3A_12, %shift_right_logical3A : i32
      %and3A_15 = arith.constant 127 : i32
      %and3A_16 = arith.andi %shift_right_logical3A_14, %and3A_15 : i32
      %shift_right_logical3A_17 = arith.constant 14 : i32
      %shift_right_logical3A_18 = arith.shrui %add3A_12, %shift_right_logical3A_17 : i32
      %mul3A_19 = arith.constant 128 : i32
      %mul3A_20 = arith.muli %add3A_12, %mul3A_19 : i32
      %mul3A_21 = arith.constant 2097152 : i32
      %mul3A_22 = arith.muli %shift_right_logical3A_18, %mul3A_21 : i32
      %convert_element_type3A = arith.sitofp %and3A_16 : i32 to f32
      %convert_element_type3A_23 = arith.sitofp %and3A_13 : i32 to f32
      %mul3A_24 = arith.constant 3 : i32
      %mul3A_25 = arith.muli %mul3A_20, %mul3A_24 : i32
      "tpu.region"() ({
        %run_scoped3A_3040 = tpu.sem_alloc : memref<!tpu.dma_semaphore, #tpu.memory_space<semaphore_mem>>
        %dma_start3A_3041 = tpu.memref_slice %arg2[%mul3A_25] : memref<12582912xf32, #tpu.memory_space<hbm>> -> memref<384xf32, #tpu.memory_space<hbm>>
        %dma_start3A_3042 = tpu.memref_slice %arg2[%mul3A_25] : memref<12582912xf32, #tpu.memory_space<hbm>> -> memref<384xf32, #tpu.memory_space<hbm>>
        tpu.enqueue_dma source(%dma_start3A_3042 : memref<384xf32, #tpu.memory_space<hbm>>) target(%arg7 : memref<384xf32, #tpu.memory_space<vmem>>) target_semaphore(%run_scoped3A_3040 : memref<!tpu.dma_semaphore, #tpu.memory_space<semaphore_mem>>)
        %dma_wait3A_3043 = tpu.memref_slice %arg2[%mul3A_25] : memref<12582912xf32, #tpu.memory_space<hbm>> -> memref<384xf32, #tpu.memory_space<hbm>>
        %dma_wait3A_3044 = tpu.memref_slice %arg2[%mul3A_25] : memref<12582912xf32, #tpu.memory_space<hbm>> -> memref<384xf32, #tpu.memory_space<hbm>>
        tpu.wait_dma2 semaphore(%run_scoped3A_3040 : memref<!tpu.dma_semaphore, #tpu.memory_space<semaphore_mem>>) src(%dma_wait3A_3044 : memref<384xf32, #tpu.memory_space<hbm>>) dst(%arg7 : memref<384xf32, #tpu.memory_space<vmem>>)
        tpu.yield
      }) : () -> ()
      %iota3A_26 = tpu.iota {dimensions = array<i32: 0>} : vector<16xi32>
      %add3A_27 = arith.constant 0 : i32
      %add3A_28 = vector.broadcast %add3A_27 : i32 to vector<16xi32>
      %add3A_29 = arith.addi %iota3A_26, %add3A_28 : vector<16xi32>
      %convert_element_type3A_30 = arith.sitofp %add3A_29 : vector<16xi32> to vector<16xf32>
      %add3A_31 = arith.constant 0 : i32
      %add3A_32 = vector.broadcast %add3A_31 : i32 to vector<16xi32>
      %add3A_33 = arith.addi %mul3A_3, %add3A_32 : vector<16xi32>
      %gather3A = tpu.vector_load_idx %arg7[%add3A_33] : memref<384xf32, #tpu.memory_space<vmem>>[vector<16xi32>], vector<16xf32>,
      %add3A_34 = vector.broadcast %convert_element_type3A : f32 to vector<16xf32>
      %add3A_35 = arith.addf %gather3A, %add3A_34 : vector<16xf32>
      %add3A_36 = arith.constant 1 : i32
      %add3A_37 = vector.broadcast %add3A_36 : i32 to vector<16xi32>
      %add3A_38 = arith.addi %add3A_33, %add3A_37 : vector<16xi32>
      %gather3A_39 = tpu.vector_load_idx %arg7[%add3A_38] : memref<384xf32, #tpu.memory_space<vmem>>[vector<16xi32>], vector<16xf32>,
      %add3A_40 = vector.broadcast %convert_element_type3A_23 : f32 to vector<16xf32>
      %add3A_41 = arith.addf %gather3A_39, %add3A_40 : vector<16xf32>
      %add3A_42 = arith.constant 2 : i32
      %add3A_43 = vector.broadcast %add3A_42 : i32 to vector<16xi32>
      %add3A_44 = arith.addi %add3A_33, %add3A_43 : vector<16xi32>
      %gather3A_45 = tpu.vector_load_idx %arg7[%add3A_44] : memref<384xf32, #tpu.memory_space<vmem>>[vector<16xi32>], vector<16xf32>,
      %add3A_46 = arith.addf %gather3A_45, %convert_element_type3A_30 : vector<16xf32>
      %convert_element_type3A_47 = arith.fptosi %add3A_35 : vector<16xf32> to vector<16xi32>
      %convert_element_type3A_48 = arith.sitofp %convert_element_type3A_47 : vector<16xi32> to vector<16xf32>
      %gt3A = arith.cmpf ogt, %convert_element_type3A_48, %add3A_35 : vector<16xf32>
      %jit3A = arith.constant 1 : i32
      %jit3A_49 = arith.constant 0 : i32
      %broadcast_in_dim3A = vector.broadcast %jit3A : i32 to vector<16xi32>
      %broadcast_in_dim3A_50 = vector.broadcast %jit3A_49 : i32 to vector<16xi32>
      %select_n3A = arith.select %gt3A, %broadcast_in_dim3A, %broadcast_in_dim3A_50 : vector<16xi1>, vector<16xi32>
      %sub3A = arith.subi %convert_element_type3A_47, %select_n3A : vector<16xi32>
      %convert_element_type3A_51 = arith.fptosi %add3A_41 : vector<16xf32> to vector<16xi32>
      %convert_element_type3A_52 = arith.sitofp %convert_element_type3A_51 : vector<16xi32> to vector<16xf32>
      %gt3A_53 = arith.cmpf ogt, %convert_element_type3A_52, %add3A_41 : vector<16xf32>
      %jit3A_54 = arith.constant 1 : i32
      %jit3A_55 = arith.constant 0 : i32
      %broadcast_in_dim3A_56 = vector.broadcast %jit3A_54 : i32 to vector<16xi32>
      %broadcast_in_dim3A_57 = vector.broadcast %jit3A_55 : i32 to vector<16xi32>
      %select_n3A_58 = arith.select %gt3A_53, %broadcast_in_dim3A_56, %broadcast_in_dim3A_57 : vector<16xi1>, vector<16xi32>
      %sub3A_59 = arith.subi %convert_element_type3A_51, %select_n3A_58 : vector<16xi32>
      %convert_element_type3A_60 = arith.fptosi %add3A_46 : vector<16xf32> to vector<16xi32>
      %convert_element_type3A_61 = arith.sitofp %convert_element_type3A_60 : vector<16xi32> to vector<16xf32>
      %gt3A_62 = arith.cmpf ogt, %convert_element_type3A_61, %add3A_46 : vector<16xf32>
      %jit3A_63 = arith.constant 1 : i32
      %jit3A_64 = arith.constant 0 : i32
      %broadcast_in_dim3A_65 = vector.broadcast %jit3A_63 : i32 to vector<16xi32>
      %broadcast_in_dim3A_66 = vector.broadcast %jit3A_64 : i32 to vector<16xi32>
      %select_n3A_67 = arith.select %gt3A_62, %broadcast_in_dim3A_65, %broadcast_in_dim3A_66 : vector<16xi1>, vector<16xi32>
      %sub3A_68 = arith.subi %convert_element_type3A_60, %select_n3A_67 : vector<16xi32>
      %convert_element_type3A_69 = arith.sitofp %sub3A : vector<16xi32> to vector<16xf32>
      %sub3A_70 = arith.subf %add3A_35, %convert_element_type3A_69 : vector<16xf32>
      %swap3A = arith.constant 0 : i32
      %swap3A_71 = arith.index_cast %swap3A : i32 to index
      %swap3A_72 = arith.constant 0 : index
      %swap3A_73 = tpu.vector_load %arg10[%swap3A_71, %swap3A_72] {strides = array<i32>} : memref<3x128xf32, #tpu.memory_space<vmem>>, vector<16xf32>,
      tpu.vector_store %arg10[%swap3A_71, %swap3A_72], %sub3A_70 {strides = array<i32>} : memref<3x128xf32, #tpu.memory_space<vmem>>, vector<16xf32>,
      %convert_element_type3A_74 = arith.sitofp %sub3A_59 : vector<16xi32> to vector<16xf32>
      %sub3A_75 = arith.subf %add3A_41, %convert_element_type3A_74 : vector<16xf32>
      %swap3A_76 = arith.constant 1 : i32
      %swap3A_77 = arith.index_cast %swap3A_76 : i32 to index
      %swap3A_78 = arith.constant 0 : index
      %swap3A_79 = tpu.vector_load %arg10[%swap3A_77, %swap3A_78] {strides = array<i32>} : memref<3x128xf32, #tpu.memory_space<vmem>>, vector<16xf32>,
      tpu.vector_store %arg10[%swap3A_77, %swap3A_78], %sub3A_75 {strides = array<i32>} : memref<3x128xf32, #tpu.memory_space<vmem>>, vector<16xf32>,
      %convert_element_type3A_80 = arith.sitofp %sub3A_68 : vector<16xi32> to vector<16xf32>
      %sub3A_81 = arith.subf %add3A_46, %convert_element_type3A_80 : vector<16xf32>
      %swap3A_82 = arith.constant 2 : i32
      %swap3A_83 = arith.index_cast %swap3A_82 : i32 to index
      %swap3A_84 = arith.constant 0 : index
      %swap3A_85 = tpu.vector_load %arg10[%swap3A_83, %swap3A_84] {strides = array<i32>} : memref<3x128xf32, #tpu.memory_space<vmem>>, vector<16xf32>,
      tpu.vector_store %arg10[%swap3A_83, %swap3A_84], %sub3A_81 {strides = array<i32>} : memref<3x128xf32, #tpu.memory_space<vmem>>, vector<16xf32>,
      %min3A = arith.constant 127 : i32
      %min3A_86 = vector.broadcast %min3A : i32 to vector<16xi32>
      %min3A_87 = arith.minsi %sub3A, %min3A_86 : vector<16xi32>
      %max3A = arith.constant 0 : i32
      %max3A_88 = vector.broadcast %max3A : i32 to vector<16xi32>
      %max3A_89 = arith.maxsi %min3A_87, %max3A_88 : vector<16xi32>
      %shift_left3A = arith.constant 14 : i32
      %shift_left3A_90 = vector.broadcast %shift_left3A : i32 to vector<16xi32>
      %shift_left3A_91 = arith.shli %max3A_89, %shift_left3A_90 : vector<16xi32>
      %add3A_92 = arith.constant 1 : i32
      %add3A_93 = vector.broadcast %add3A_92 : i32 to vector<16xi32>
      %add3A_94 = arith.addi %sub3A, %add3A_93 : vector<16xi32>
      %min3A_95 = arith.constant 127 : i32
      %min3A_96 = vector.broadcast %min3A_95 : i32 to vector<16xi32>
      %min3A_97 = arith.minsi %add3A_94, %min3A_96 : vector<16xi32>
      %max3A_98 = arith.constant 0 : i32
      %max3A_99 = vector.broadcast %max3A_98 : i32 to vector<16xi32>
      %max3A_100 = arith.maxsi %min3A_97, %max3A_99 : vector<16xi32>
      %shift_left3A_101 = arith.constant 14 : i32
      %shift_left3A_102 = vector.broadcast %shift_left3A_101 : i32 to vector<16xi32>
      %shift_left3A_103 = arith.shli %max3A_100, %shift_left3A_102 : vector<16xi32>
      %min3A_104 = arith.constant 127 : i32
      %min3A_105 = vector.broadcast %min3A_104 : i32 to vector<16xi32>
      %min3A_106 = arith.minsi %sub3A_59, %min3A_105 : vector<16xi32>
      %max3A_107 = arith.constant 0 : i32
      %max3A_108 = vector.broadcast %max3A_107 : i32 to vector<16xi32>
      %max3A_109 = arith.maxsi %min3A_106, %max3A_108 : vector<16xi32>
      %shift_left3A_110 = arith.constant 7 : i32
      %shift_left3A_111 = vector.broadcast %shift_left3A_110 : i32 to vector<16xi32>
      %shift_left3A_112 = arith.shli %max3A_109, %shift_left3A_111 : vector<16xi32>
      %add3A_113 = arith.constant 1 : i32
      %add3A_114 = vector.broadcast %add3A_113 : i32 to vector<16xi32>
      %add3A_115 = arith.addi %sub3A_59, %add3A_114 : vector<16xi32>
      %min3A_116 = arith.constant 127 : i32
      %min3A_117 = vector.broadcast %min3A_116 : i32 to vector<16xi32>
      %min3A_118 = arith.minsi %add3A_115, %min3A_117 : vector<16xi32>
      %max3A_119 = arith.constant 0 : i32
      %max3A_120 = vector.broadcast %max3A_119 : i32 to vector<16xi32>
      %max3A_121 = arith.maxsi %min3A_118, %max3A_120 : vector<16xi32>
      %shift_left3A_122 = arith.constant 7 : i32
      %shift_left3A_123 = vector.broadcast %shift_left3A_122 : i32 to vector<16xi32>
      %shift_left3A_124 = arith.shli %max3A_121, %shift_left3A_123 : vector<16xi32>
      %min3A_125 = arith.constant 127 : i32
      %min3A_126 = vector.broadcast %min3A_125 : i32 to vector<16xi32>
      %min3A_127 = arith.minsi %sub3A_68, %min3A_126 : vector<16xi32>
      %max3A_128 = arith.constant 0 : i32
      %max3A_129 = vector.broadcast %max3A_128 : i32 to vector<16xi32>
      %max3A_130 = arith.maxsi %min3A_127, %max3A_129 : vector<16xi32>
      %add3A_131 = arith.constant 1 : i32
      %add3A_132 = vector.broadcast %add3A_131 : i32 to vector<16xi32>
      %add3A_133 = arith.addi %sub3A_68, %add3A_132 : vector<16xi32>
      %min3A_134 = arith.constant 127 : i32
      %min3A_135 = vector.broadcast %min3A_134 : i32 to vector<16xi32>
      %min3A_136 = arith.minsi %add3A_133, %min3A_135 : vector<16xi32>
      %max3A_137 = arith.constant 0 : i32
      %max3A_138 = vector.broadcast %max3A_137 : i32 to vector<16xi32>
      %max3A_139 = arith.maxsi %min3A_136, %max3A_138 : vector<16xi32>
      %add3A_140 = vector.broadcast %mul3A_22 : i32 to vector<16xi32>
      %add3A_141 = arith.addi %add3A_140, %shift_left3A_91 : vector<16xi32>
      %add3A_142 = arith.addi %add3A_141, %shift_left3A_112 : vector<16xi32>
      %add3A_143 = vector.broadcast %mul3A_22 : i32 to vector<16xi32>
      %add3A_144 = arith.addi %add3A_143, %shift_left3A_91 : vector<16xi32>
      %add3A_145 = arith.addi %add3A_144, %shift_left3A_124 : vector<16xi32>
      %add3A_146 = vector.broadcast %mul3A_22 : i32 to vector<16xi32>
      %add3A_147 = arith.addi %add3A_146, %shift_left3A_103 : vector<16xi32>
      %add3A_148 = arith.addi %add3A_147, %shift_left3A_112 : vector<16xi32>
      %add3A_149 = vector.broadcast %mul3A_22 : i32 to vector<16xi32>
      %add3A_150 = arith.addi %add3A_149, %shift_left3A_103 : vector<16xi32>
      %add3A_151 = arith.addi %add3A_150, %shift_left3A_124 : vector<16xi32>
      %add3A_152 = arith.addi %add3A_142, %max3A_130 : vector<16xi32>
      %swap3A_153 = arith.constant 0 : i32
      %swap3A_154 = arith.index_cast %swap3A_153 : i32 to index
      %swap3A_155 = arith.constant 0 : index
      %swap3A_156 = tpu.vector_load %arg8[%swap3A_154, %swap3A_155] {strides = array<i32>} : memref<9x128xi32, #tpu.memory_space<vmem>>, vector<16xi32>,
      tpu.vector_store %arg8[%swap3A_154, %swap3A_155], %add3A_152 {strides = array<i32>} : memref<9x128xi32, #tpu.memory_space<vmem>>, vector<16xi32>,
      %add3A_157 = arith.addi %add3A_142, %max3A_139 : vector<16xi32>
      %swap3A_158 = arith.constant 1 : i32
      %swap3A_159 = arith.index_cast %swap3A_158 : i32 to index
      %swap3A_160 = arith.constant 0 : index
      %swap3A_161 = tpu.vector_load %arg8[%swap3A_159, %swap3A_160] {strides = array<i32>} : memref<9x128xi32, #tpu.memory_space<vmem>>, vector<16xi32>,
      tpu.vector_store %arg8[%swap3A_159, %swap3A_160], %add3A_157 {strides = array<i32>} : memref<9x128xi32, #tpu.memory_space<vmem>>, vector<16xi32>,
      %add3A_162 = arith.addi %add3A_145, %max3A_130 : vector<16xi32>
      %swap3A_163 = arith.constant 2 : i32
      %swap3A_164 = arith.index_cast %swap3A_163 : i32 to index
      %swap3A_165 = arith.constant 0 : index
      %swap3A_166 = tpu.vector_load %arg8[%swap3A_164, %swap3A_165] {strides = array<i32>} : memref<9x128xi32, #tpu.memory_space<vmem>>, vector<16xi32>,
      tpu.vector_store %arg8[%swap3A_164, %swap3A_165], %add3A_162 {strides = array<i32>} : memref<9x128xi32, #tpu.memory_space<vmem>>, vector<16xi32>,
      %add3A_167 = arith.addi %add3A_145, %max3A_139 : vector<16xi32>
      %swap3A_168 = arith.constant 3 : i32
      %swap3A_169 = arith.index_cast %swap3A_168 : i32 to index
      %swap3A_170 = arith.constant 0 : index
      %swap3A_171 = tpu.vector_load %arg8[%swap3A_169, %swap3A_170] {strides = array<i32>} : memref<9x128xi32, #tpu.memory_space<vmem>>, vector<16xi32>,
      tpu.vector_store %arg8[%swap3A_169, %swap3A_170], %add3A_167 {strides = array<i32>} : memref<9x128xi32, #tpu.memory_space<vmem>>, vector<16xi32>,
      %add3A_172 = arith.addi %add3A_148, %max3A_130 : vector<16xi32>
      %swap3A_173 = arith.constant 4 : i32
      %swap3A_174 = arith.index_cast %swap3A_173 : i32 to index
      %swap3A_175 = arith.constant 0 : index
      %swap3A_176 = tpu.vector_load %arg8[%swap3A_174, %swap3A_175] {strides = array<i32>} : memref<9x128xi32, #tpu.memory_space<vmem>>, vector<16xi32>,
      tpu.vector_store %arg8[%swap3A_174, %swap3A_175], %add3A_172 {strides = array<i32>} : memref<9x128xi32, #tpu.memory_space<vmem>>, vector<16xi32>,
      %add3A_177 = arith.addi %add3A_148, %max3A_139 : vector<16xi32>
      %swap3A_178 = arith.constant 5 : i32
      %swap3A_179 = arith.index_cast %swap3A_178 : i32 to index
      %swap3A_180 = arith.constant 0 : index
      %swap3A_181 = tpu.vector_load %arg8[%swap3A_179, %swap3A_180] {strides = array<i32>} : memref<9x128xi32, #tpu.memory_space<vmem>>, vector<16xi32>,
      tpu.vector_store %arg8[%swap3A_179, %swap3A_180], %add3A_177 {strides = array<i32>} : memref<9x128xi32, #tpu.memory_space<vmem>>, vector<16xi32>,
      %add3A_182 = arith.addi %add3A_151, %max3A_130 : vector<16xi32>
      %swap3A_183 = arith.constant 6 : i32
      %swap3A_184 = arith.index_cast %swap3A_183 : i32 to index
      %swap3A_185 = arith.constant 0 : index
      %swap3A_186 = tpu.vector_load %arg8[%swap3A_184, %swap3A_185] {strides = array<i32>} : memref<9x128xi32, #tpu.memory_space<vmem>>, vector<16xi32>,
      tpu.vector_store %arg8[%swap3A_184, %swap3A_185], %add3A_182 {strides = array<i32>} : memref<9x128xi32, #tpu.memory_space<vmem>>, vector<16xi32>,
      %add3A_187 = arith.addi %add3A_151, %max3A_139 : vector<16xi32>
      %swap3A_188 = arith.constant 7 : i32
      %swap3A_189 = arith.index_cast %swap3A_188 : i32 to index
      %swap3A_190 = arith.constant 0 : index
      %swap3A_191 = tpu.vector_load %arg8[%swap3A_189, %swap3A_190] {strides = array<i32>} : memref<9x128xi32, #tpu.memory_space<vmem>>, vector<16xi32>,
      tpu.vector_store %arg8[%swap3A_189, %swap3A_190], %add3A_187 {strides = array<i32>} : memref<9x128xi32, #tpu.memory_space<vmem>>, vector<16xi32>,
      %add3A_192 = arith.constant 5.000000e-01 : f32
      %add3A_193 = vector.broadcast %add3A_192 : f32 to vector<16xf32>
      %add3A_194 = arith.addf %add3A_35, %add3A_193 : vector<16xf32>
      %convert_element_type3A_195 = arith.fptosi %add3A_194 : vector<16xf32> to vector<16xi32>
      %convert_element_type3A_196 = arith.sitofp %convert_element_type3A_195 : vector<16xi32> to vector<16xf32>
      %gt3A_197 = arith.cmpf ogt, %convert_element_type3A_196, %add3A_194 : vector<16xf32>
      %jit3A_198 = arith.constant 1 : i32
      %jit3A_199 = arith.constant 0 : i32
      %broadcast_in_dim3A_200 = vector.broadcast %jit3A_198 : i32 to vector<16xi32>
      %broadcast_in_dim3A_201 = vector.broadcast %jit3A_199 : i32 to vector<16xi32>
      %select_n3A_202 = arith.select %gt3A_197, %broadcast_in_dim3A_200, %broadcast_in_dim3A_201 : vector<16xi1>, vector<16xi32>
      %sub3A_203 = arith.subi %convert_element_type3A_195, %select_n3A_202 : vector<16xi32>
      %convert_element_type3A_204 = arith.sitofp %sub3A_203 : vector<16xi32> to vector<16xf32>
      %eq3A = arith.cmpf oeq, %convert_element_type3A_204, %add3A_194 : vector<16xf32>
      %and3A_205 = arith.constant 1 : i32
      %and3A_206 = vector.broadcast %and3A_205 : i32 to vector<16xi32>
      %and3A_207 = arith.andi %sub3A_203, %and3A_206 : vector<16xi32>
      %eq3A_208 = arith.constant 1 : i32
      %eq3A_209 = vector.broadcast %eq3A_208 : i32 to vector<16xi32>
      %eq3A_210 = arith.cmpi eq, %and3A_207, %eq3A_209 : vector<16xi32>
      %and3A_211 = arith.andi %eq3A, %eq3A_210 : vector<16xi1>
      %jit3A_212 = arith.constant 1 : i32
      %jit3A_213 = arith.constant 0 : i32
      %broadcast_in_dim3A_214 = vector.broadcast %jit3A_212 : i32 to vector<16xi32>
      %broadcast_in_dim3A_215 = vector.broadcast %jit3A_213 : i32 to vector<16xi32>
      %select_n3A_216 = arith.select %and3A_211, %broadcast_in_dim3A_214, %broadcast_in_dim3A_215 : vector<16xi1>, vector<16xi32>
      %sub3A_217 = arith.subi %sub3A_203, %select_n3A_216 : vector<16xi32>
      %min3A_218 = arith.constant 127 : i32
      %min3A_219 = vector.broadcast %min3A_218 : i32 to vector<16xi32>
      %min3A_220 = arith.minsi %sub3A_217, %min3A_219 : vector<16xi32>
      %max3A_221 = arith.constant 0 : i32
      %max3A_222 = vector.broadcast %max3A_221 : i32 to vector<16xi32>
      %max3A_223 = arith.maxsi %min3A_220, %max3A_222 : vector<16xi32>
      %add3A_224 = arith.constant 5.000000e-01 : f32
      %add3A_225 = vector.broadcast %add3A_224 : f32 to vector<16xf32>
      %add3A_226 = arith.addf %add3A_41, %add3A_225 : vector<16xf32>
      %convert_element_type3A_227 = arith.fptosi %add3A_226 : vector<16xf32> to vector<16xi32>
      %convert_element_type3A_228 = arith.sitofp %convert_element_type3A_227 : vector<16xi32> to vector<16xf32>
      %gt3A_229 = arith.cmpf ogt, %convert_element_type3A_228, %add3A_226 : vector<16xf32>
      %jit3A_230 = arith.constant 1 : i32
      %jit3A_231 = arith.constant 0 : i32
      %broadcast_in_dim3A_232 = vector.broadcast %jit3A_230 : i32 to vector<16xi32>
      %broadcast_in_dim3A_233 = vector.broadcast %jit3A_231 : i32 to vector<16xi32>
      %select_n3A_234 = arith.select %gt3A_229, %broadcast_in_dim3A_232, %broadcast_in_dim3A_233 : vector<16xi1>, vector<16xi32>
      %sub3A_235 = arith.subi %convert_element_type3A_227, %select_n3A_234 : vector<16xi32>
      %convert_element_type3A_236 = arith.sitofp %sub3A_235 : vector<16xi32> to vector<16xf32>
      %eq3A_237 = arith.cmpf oeq, %convert_element_type3A_236, %add3A_226 : vector<16xf32>
      %and3A_238 = arith.constant 1 : i32
      %and3A_239 = vector.broadcast %and3A_238 : i32 to vector<16xi32>
      %and3A_240 = arith.andi %sub3A_235, %and3A_239 : vector<16xi32>
      %eq3A_241 = arith.constant 1 : i32
      %eq3A_242 = vector.broadcast %eq3A_241 : i32 to vector<16xi32>
      %eq3A_243 = arith.cmpi eq, %and3A_240, %eq3A_242 : vector<16xi32>
      %and3A_244 = arith.andi %eq3A_237, %eq3A_243 : vector<16xi1>
      %jit3A_245 = arith.constant 1 : i32
      %jit3A_246 = arith.constant 0 : i32
      %broadcast_in_dim3A_247 = vector.broadcast %jit3A_245 : i32 to vector<16xi32>
      %broadcast_in_dim3A_248 = vector.broadcast %jit3A_246 : i32 to vector<16xi32>
      %select_n3A_249 = arith.select %and3A_244, %broadcast_in_dim3A_247, %broadcast_in_dim3A_248 : vector<16xi1>, vector<16xi32>
      %sub3A_250 = arith.subi %sub3A_235, %select_n3A_249 : vector<16xi32>
      %min3A_251 = arith.constant 127 : i32
      %min3A_252 = vector.broadcast %min3A_251 : i32 to vector<16xi32>
      %min3A_253 = arith.minsi %sub3A_250, %min3A_252 : vector<16xi32>
      %max3A_254 = arith.constant 0 : i32
      %max3A_255 = vector.broadcast %max3A_254 : i32 to vector<16xi32>
      %max3A_256 = arith.maxsi %min3A_253, %max3A_255 : vector<16xi32>
      %add3A_257 = arith.constant 5.000000e-01 : f32
      %add3A_258 = vector.broadcast %add3A_257 : f32 to vector<16xf32>
      %add3A_259 = arith.addf %add3A_46, %add3A_258 : vector<16xf32>
      %convert_element_type3A_260 = arith.fptosi %add3A_259 : vector<16xf32> to vector<16xi32>
      %convert_element_type3A_261 = arith.sitofp %convert_element_type3A_260 : vector<16xi32> to vector<16xf32>
      %gt3A_262 = arith.cmpf ogt, %convert_element_type3A_261, %add3A_259 : vector<16xf32>
      %jit3A_263 = arith.constant 1 : i32
      %jit3A_264 = arith.constant 0 : i32
      %broadcast_in_dim3A_265 = vector.broadcast %jit3A_263 : i32 to vector<16xi32>
      %broadcast_in_dim3A_266 = vector.broadcast %jit3A_264 : i32 to vector<16xi32>
      %select_n3A_267 = arith.select %gt3A_262, %broadcast_in_dim3A_265, %broadcast_in_dim3A_266 : vector<16xi1>, vector<16xi32>
      %sub3A_268 = arith.subi %convert_element_type3A_260, %select_n3A_267 : vector<16xi32>
      %convert_element_type3A_269 = arith.sitofp %sub3A_268 : vector<16xi32> to vector<16xf32>
      %eq3A_270 = arith.cmpf oeq, %convert_element_type3A_269, %add3A_259 : vector<16xf32>
      %and3A_271 = arith.constant 1 : i32
      %and3A_272 = vector.broadcast %and3A_271 : i32 to vector<16xi32>
      %and3A_273 = arith.andi %sub3A_268, %and3A_272 : vector<16xi32>
      %eq3A_274 = arith.constant 1 : i32
      %eq3A_275 = vector.broadcast %eq3A_274 : i32 to vector<16xi32>
      %eq3A_276 = arith.cmpi eq, %and3A_273, %eq3A_275 : vector<16xi32>
      %and3A_277 = arith.andi %eq3A_270, %eq3A_276 : vector<16xi1>
      %jit3A_278 = arith.constant 1 : i32
      %jit3A_279 = arith.constant 0 : i32
      %broadcast_in_dim3A_280 = vector.broadcast %jit3A_278 : i32 to vector<16xi32>
      %broadcast_in_dim3A_281 = vector.broadcast %jit3A_279 : i32 to vector<16xi32>
      %select_n3A_282 = arith.select %and3A_277, %broadcast_in_dim3A_280, %broadcast_in_dim3A_281 : vector<16xi1>, vector<16xi32>
      %sub3A_283 = arith.subi %sub3A_268, %select_n3A_282 : vector<16xi32>
      %min3A_284 = arith.constant 127 : i32
      %min3A_285 = vector.broadcast %min3A_284 : i32 to vector<16xi32>
      %min3A_286 = arith.minsi %sub3A_283, %min3A_285 : vector<16xi32>
      %max3A_287 = arith.constant 0 : i32
      %max3A_288 = vector.broadcast %max3A_287 : i32 to vector<16xi32>
      %max3A_289 = arith.maxsi %min3A_286, %max3A_288 : vector<16xi32>
      %shift_left3A_290 = arith.constant 14 : i32
      %shift_left3A_291 = vector.broadcast %shift_left3A_290 : i32 to vector<16xi32>
      %shift_left3A_292 = arith.shli %max3A_223, %shift_left3A_291 : vector<16xi32>
      %add3A_293 = vector.broadcast %mul3A_22 : i32 to vector<16xi32>
      %add3A_294 = arith.addi %add3A_293, %shift_left3A_292 : vector<16xi32>
      %shift_left3A_295 = arith.constant 7 : i32
      %shift_left3A_296 = vector.broadcast %shift_left3A_295 : i32 to vector<16xi32>
      %shift_left3A_297 = arith.shli %max3A_256, %shift_left3A_296 : vector<16xi32>
      %add3A_298 = arith.addi %add3A_294, %shift_left3A_297 : vector<16xi32>
      %add3A_299 = arith.addi %add3A_298, %max3A_289 : vector<16xi32>
      %swap3A_300 = arith.constant 8 : i32
      %swap3A_301 = arith.index_cast %swap3A_300 : i32 to index
      %swap3A_302 = arith.constant 0 : index
      %swap3A_303 = tpu.vector_load %arg8[%swap3A_301, %swap3A_302] {strides = array<i32>} : memref<9x128xi32, #tpu.memory_space<vmem>>, vector<16xi32>,
      tpu.vector_store %arg8[%swap3A_301, %swap3A_302], %add3A_299 {strides = array<i32>} : memref<9x128xi32, #tpu.memory_space<vmem>>, vector<16xi32>,
      %iota3A_304 = tpu.iota {dimensions = array<i32: 0>} : vector<16xi32>
      %add3A_305 = arith.constant 16 : i32
      %add3A_306 = vector.broadcast %add3A_305 : i32 to vector<16xi32>
      %add3A_307 = arith.addi %iota3A_304, %add3A_306 : vector<16xi32>
      %convert_element_type3A_308 = arith.sitofp %add3A_307 : vector<16xi32> to vector<16xf32>
      %add3A_309 = arith.constant 48 : i32
      %add3A_310 = vector.broadcast %add3A_309 : i32 to vector<16xi32>
      %add3A_311 = arith.addi %mul3A_3, %add3A_310 : vector<16xi32>
      %gather3A_312 = tpu.vector_load_idx %arg7[%add3A_311] : memref<384xf32, #tpu.memory_space<vmem>>[vector<16xi32>], vector<16xf32>,
      %add3A_313 = vector.broadcast %convert_element_type3A : f32 to vector<16xf32>
      %add3A_314 = arith.addf %gather3A_312, %add3A_313 : vector<16xf32>
      %add3A_315 = arith.constant 1 : i32
      %add3A_316 = vector.broadcast %add3A_315 : i32 to vector<16xi32>
      %add3A_317 = arith.addi %add3A_311, %add3A_316 : vector<16xi32>
      %gather3A_318 = tpu.vector_load_idx %arg7[%add3A_317] : memref<384xf32, #tpu.memory_space<vmem>>[vector<16xi32>], vector<16xf32>,
      %add3A_319 = vector.broadcast %convert_element_type3A_23 : f32 to vector<16xf32>
      %add3A_320 = arith.addf %gather3A_318, %add3A_319 : vector<16xf32>
      %add3A_321 = arith.constant 2 : i32
      %add3A_322 = vector.broadcast %add3A_321 : i32 to vector<16xi32>
      %add3A_323 = arith.addi %add3A_311, %add3A_322 : vector<16xi32>
      %gather3A_324 = tpu.vector_load_idx %arg7[%add3A_323] : memref<384xf32, #tpu.memory_space<vmem>>[vector<16xi32>], vector<16xf32>,
      %add3A_325 = arith.addf %gather3A_324, %convert_element_type3A_308 : vector<16xf32>
      %convert_element_type3A_326 = arith.fptosi %add3A_314 : vector<16xf32> to vector<16xi32>
      %convert_element_type3A_327 = arith.sitofp %convert_element_type3A_326 : vector<16xi32> to vector<16xf32>
      %gt3A_328 = arith.cmpf ogt, %convert_element_type3A_327, %add3A_314 : vector<16xf32>
      %jit3A_329 = arith.constant 1 : i32
      %jit3A_330 = arith.constant 0 : i32
      %broadcast_in_dim3A_331 = vector.broadcast %jit3A_329 : i32 to vector<16xi32>
      %broadcast_in_dim3A_332 = vector.broadcast %jit3A_330 : i32 to vector<16xi32>
      %select_n3A_333 = arith.select %gt3A_328, %broadcast_in_dim3A_331, %broadcast_in_dim3A_332 : vector<16xi1>, vector<16xi32>
      %sub3A_334 = arith.subi %convert_element_type3A_326, %select_n3A_333 : vector<16xi32>
      %convert_element_type3A_335 = arith.fptosi %add3A_320 : vector<16xf32> to vector<16xi32>
      %convert_element_type3A_336 = arith.sitofp %convert_element_type3A_335 : vector<16xi32> to vector<16xf32>
      %gt3A_337 = arith.cmpf ogt, %convert_element_type3A_336, %add3A_320 : vector<16xf32>
      %jit3A_338 = arith.constant 1 : i32
      %jit3A_339 = arith.constant 0 : i32
      %broadcast_in_dim3A_340 = vector.broadcast %jit3A_338 : i32 to vector<16xi32>
      %broadcast_in_dim3A_341 = vector.broadcast %jit3A_339 : i32 to vector<16xi32>
      %select_n3A_342 = arith.select %gt3A_337, %broadcast_in_dim3A_340, %broadcast_in_dim3A_341 : vector<16xi1>, vector<16xi32>
      %sub3A_343 = arith.subi %convert_element_type3A_335, %select_n3A_342 : vector<16xi32>
      %convert_element_type3A_344 = arith.fptosi %add3A_325 : vector<16xf32> to vector<16xi32>
      %convert_element_type3A_345 = arith.sitofp %convert_element_type3A_344 : vector<16xi32> to vector<16xf32>
      %gt3A_346 = arith.cmpf ogt, %convert_element_type3A_345, %add3A_325 : vector<16xf32>
      %jit3A_347 = arith.constant 1 : i32
      %jit3A_348 = arith.constant 0 : i32
      %broadcast_in_dim3A_349 = vector.broadcast %jit3A_347 : i32 to vector<16xi32>
      %broadcast_in_dim3A_350 = vector.broadcast %jit3A_348 : i32 to vector<16xi32>
      %select_n3A_351 = arith.select %gt3A_346, %broadcast_in_dim3A_349, %broadcast_in_dim3A_350 : vector<16xi1>, vector<16xi32>
      %sub3A_352 = arith.subi %convert_element_type3A_344, %select_n3A_351 : vector<16xi32>
      %convert_element_type3A_353 = arith.sitofp %sub3A_334 : vector<16xi32> to vector<16xf32>
      %sub3A_354 = arith.subf %add3A_314, %convert_element_type3A_353 : vector<16xf32>
      %swap3A_355 = arith.constant 0 : i32
      %swap3A_356 = arith.index_cast %swap3A_355 : i32 to index
      %swap3A_357 = arith.constant 16 : index
      %swap3A_358 = tpu.vector_load %arg10[%swap3A_356, %swap3A_357] {strides = array<i32>} : memref<3x128xf32, #tpu.memory_space<vmem>>, vector<16xf32>,
      tpu.vector_store %arg10[%swap3A_356, %swap3A_357], %sub3A_354 {strides = array<i32>} : memref<3x128xf32, #tpu.memory_space<vmem>>, vector<16xf32>,
      %convert_element_type3A_359 = arith.sitofp %sub3A_343 : vector<16xi32> to vector<16xf32>
      %sub3A_360 = arith.subf %add3A_320, %convert_element_type3A_359 : vector<16xf32>
      %swap3A_361 = arith.constant 1 : i32
      %swap3A_362 = arith.index_cast %swap3A_361 : i32 to index
      %swap3A_363 = arith.constant 16 : index
      %swap3A_364 = tpu.vector_load %arg10[%swap3A_362, %swap3A_363] {strides = array<i32>} : memref<3x128xf32, #tpu.memory_space<vmem>>, vector<16xf32>,
      tpu.vector_store %arg10[%swap3A_362, %swap3A_363], %sub3A_360 {strides = array<i32>} : memref<3x128xf32, #tpu.memory_space<vmem>>, vector<16xf32>,
      %convert_element_type3A_365 = arith.sitofp %sub3A_352 : vector<16xi32> to vector<16xf32>
      %sub3A_366 = arith.subf %add3A_325, %convert_element_type3A_365 : vector<16xf32>
      %swap3A_367 = arith.constant 2 : i32
      %swap3A_368 = arith.index_cast %swap3A_367 : i32 to index
      %swap3A_369 = arith.constant 16 : index
      %swap3A_370 = tpu.vector_load %arg10[%swap3A_368, %swap3A_369] {strides = array<i32>} : memref<3x128xf32, #tpu.memory_space<vmem>>, vector<16xf32>,
      tpu.vector_store %arg10[%swap3A_368, %swap3A_369], %sub3A_366 {strides = array<i32>} : memref<3x128xf32, #tpu.memory_space<vmem>>, vector<16xf32>,
      %min3A_371 = arith.constant 127 : i32
      %min3A_372 = vector.broadcast %min3A_371 : i32 to vector<16xi32>
      %min3A_373 = arith.minsi %sub3A_334, %min3A_372 : vector<16xi32>
      %max3A_374 = arith.constant 0 : i32
      %max3A_375 = vector.broadcast %max3A_374 : i32 to vector<16xi32>
      %max3A_376 = arith.maxsi %min3A_373, %max3A_375 : vector<16xi32>
      %shift_left3A_377 = arith.constant 14 : i32
      %shift_left3A_378 = vector.broadcast %shift_left3A_377 : i32 to vector<16xi32>
      %shift_left3A_379 = arith.shli %max3A_376, %shift_left3A_378 : vector<16xi32>
      %add3A_380 = arith.constant 1 : i32
      %add3A_381 = vector.broadcast %add3A_380 : i32 to vector<16xi32>
      %add3A_382 = arith.addi %sub3A_334, %add3A_381 : vector<16xi32>
      %min3A_383 = arith.constant 127 : i32
      %min3A_384 = vector.broadcast %min3A_383 : i32 to vector<16xi32>
      %min3A_385 = arith.minsi %add3A_382, %min3A_384 : vector<16xi32>
      %max3A_386 = arith.constant 0 : i32
      %max3A_387 = vector.broadcast %max3A_386 : i32 to vector<16xi32>
      %max3A_388 = arith.maxsi %min3A_385, %max3A_387 : vector<16xi32>
      %shift_left3A_389 = arith.constant 14 : i32
      %shift_left3A_390 = vector.broadcast %shift_left3A_389 : i32 to vector<16xi32>
      %shift_left3A_391 = arith.shli %max3A_388, %shift_left3A_390 : vector<16xi32>
      %min3A_392 = arith.constant 127 : i32
      %min3A_393 = vector.broadcast %min3A_392 : i32 to vector<16xi32>
      %min3A_394 = arith.minsi %sub3A_343, %min3A_393 : vector<16xi32>
      %max3A_395 = arith.constant 0 : i32
      %max3A_396 = vector.broadcast %max3A_395 : i32 to vector<16xi32>
      %max3A_397 = arith.maxsi %min3A_394, %max3A_396 : vector<16xi32>
      %shift_left3A_398 = arith.constant 7 : i32
      %shift_left3A_399 = vector.broadcast %shift_left3A_398 : i32 to vector<16xi32>
      %shift_left3A_400 = arith.shli %max3A_397, %shift_left3A_399 : vector<16xi32>
      %add3A_401 = arith.constant 1 : i32
      %add3A_402 = vector.broadcast %add3A_401 : i32 to vector<16xi32>
      %add3A_403 = arith.addi %sub3A_343, %add3A_402 : vector<16xi32>
      %min3A_404 = arith.constant 127 : i32
      %min3A_405 = vector.broadcast %min3A_404 : i32 to vector<16xi32>
      %min3A_406 = arith.minsi %add3A_403, %min3A_405 : vector<16xi32>
      %max3A_407 = arith.constant 0 : i32
      %max3A_408 = vector.broadcast %max3A_407 : i32 to vector<16xi32>
      %max3A_409 = arith.maxsi %min3A_406, %max3A_408 : vector<16xi32>
      %shift_left3A_410 = arith.constant 7 : i32
      %shift_left3A_411 = vector.broadcast %shift_left3A_410 : i32 to vector<16xi32>
      %shift_left3A_412 = arith.shli %max3A_409, %shift_left3A_411 : vector<16xi32>
      %min3A_413 = arith.constant 127 : i32
      %min3A_414 = vector.broadcast %min3A_413 : i32 to vector<16xi32>
      %min3A_415 = arith.minsi %sub3A_352, %min3A_414 : vector<16xi32>
      %max3A_416 = arith.constant 0 : i32
      %max3A_417 = vector.broadcast %max3A_416 : i32 to vector<16xi32>
      %max3A_418 = arith.maxsi %min3A_415, %max3A_417 : vector<16xi32>
      %add3A_419 = arith.constant 1 : i32
      %add3A_420 = vector.broadcast %add3A_419 : i32 to vector<16xi32>
      %add3A_421 = arith.addi %sub3A_352, %add3A_420 : vector<16xi32>
      %min3A_422 = arith.constant 127 : i32
      %min3A_423 = vector.broadcast %min3A_422 : i32 to vector<16xi32>
      %min3A_424 = arith.minsi %add3A_421, %min3A_423 : vector<16xi32>
      %max3A_425 = arith.constant 0 : i32
      %max3A_426 = vector.broadcast %max3A_425 : i32 to vector<16xi32>
      %max3A_427 = arith.maxsi %min3A_424, %max3A_426 : vector<16xi32>
      %add3A_428 = vector.broadcast %mul3A_22 : i32 to vector<16xi32>
      %add3A_429 = arith.addi %add3A_428, %shift_left3A_379 : vector<16xi32>
      %add3A_430 = arith.addi %add3A_429, %shift_left3A_400 : vector<16xi32>
      %add3A_431 = vector.broadcast %mul3A_22 : i32 to vector<16xi32>
      %add3A_432 = arith.addi %add3A_431, %shift_left3A_379 : vector<16xi32>
      %add3A_433 = arith.addi %add3A_432, %shift_left3A_412 : vector<16xi32>
      %add3A_434 = vector.broadcast %mul3A_22 : i32 to vector<16xi32>
      %add3A_435 = arith.addi %add3A_434, %shift_left3A_391 : vector<16xi32>
      %add3A_436 = arith.addi %add3A_435, %shift_left3A_400 : vector<16xi32>
      %add3A_437 = vector.broadcast %mul3A_22 : i32 to vector<16xi32>
      %add3A_438 = arith.addi %add3A_437, %shift_left3A_391 : vector<16xi32>
      %add3A_439 = arith.addi %add3A_438, %shift_left3A_412 : vector<16xi32>
      %add3A_440 = arith.addi %add3A_430, %max3A_418 : vector<16xi32>
      %swap3A_441 = arith.constant 0 : i32
      %swap3A_442 = arith.index_cast %swap3A_441 : i32 to index
      %swap3A_443 = arith.constant 16 : index
      %swap3A_444 = tpu.vector_load %arg8[%swap3A_442, %swap3A_443] {strides = array<i32>} : memref<9x128xi32, #tpu.memory_space<vmem>>, vector<16xi32>,
      tpu.vector_store %arg8[%swap3A_442, %swap3A_443], %add3A_440 {strides = array<i32>} : memref<9x128xi32, #tpu.memory_space<vmem>>, vector<16xi32>,
      %add3A_445 = arith.addi %add3A_430, %max3A_427 : vector<16xi32>
      %swap3A_446 = arith.constant 1 : i32
      %swap3A_447 = arith.index_cast %swap3A_446 : i32 to index
      %swap3A_448 = arith.constant 16 : index
      %swap3A_449 = tpu.vector_load %arg8[%swap3A_447, %swap3A_448] {strides = array<i32>} : memref<9x128xi32, #tpu.memory_space<vmem>>, vector<16xi32>,
      tpu.vector_store %arg8[%swap3A_447, %swap3A_448], %add3A_445 {strides = array<i32>} : memref<9x128xi32, #tpu.memory_space<vmem>>, vector<16xi32>,
      %add3A_450 = arith.addi %add3A_433, %max3A_418 : vector<16xi32>
      %swap3A_451 = arith.constant 2 : i32
      %swap3A_452 = arith.index_cast %swap3A_451 : i32 to index
      %swap3A_453 = arith.constant 16 : index
      %swap3A_454 = tpu.vector_load %arg8[%swap3A_452, %swap3A_453] {strides = array<i32>} : memref<9x128xi32, #tpu.memory_space<vmem>>, vector<16xi32>,
      tpu.vector_store %arg8[%swap3A_452, %swap3A_453], %add3A_450 {strides = array<i32>} : memref<9x128xi32, #tpu.memory_space<vmem>>, vector<16xi32>,
      %add3A_455 = arith.addi %add3A_433, %max3A_427 : vector<16xi32>
      %swap3A_456 = arith.constant 3 : i32
      %swap3A_457 = arith.index_cast %swap3A_456 : i32 to index
      %swap3A_458 = arith.constant 16 : index
      %swap3A_459 = tpu.vector_load %arg8[%swap3A_457, %swap3A_458] {strides = array<i32>} : memref<9x128xi32, #tpu.memory_space<vmem>>, vector<16xi32>,
      tpu.vector_store %arg8[%swap3A_457, %swap3A_458], %add3A_455 {strides = array<i32>} : memref<9x128xi32, #tpu.memory_space<vmem>>, vector<16xi32>,
      %add3A_460 = arith.addi %add3A_436, %max3A_418 : vector<16xi32>
      %swap3A_461 = arith.constant 4 : i32
      %swap3A_462 = arith.index_cast %swap3A_461 : i32 to index
      %swap3A_463 = arith.constant 16 : index
      %swap3A_464 = tpu.vector_load %arg8[%swap3A_462, %swap3A_463] {strides = array<i32>} : memref<9x128xi32, #tpu.memory_space<vmem>>, vector<16xi32>,
      tpu.vector_store %arg8[%swap3A_462, %swap3A_463], %add3A_460 {strides = array<i32>} : memref<9x128xi32, #tpu.memory_space<vmem>>, vector<16xi32>,
      %add3A_465 = arith.addi %add3A_436, %max3A_427 : vector<16xi32>
      %swap3A_466 = arith.constant 5 : i32
      %swap3A_467 = arith.index_cast %swap3A_466 : i32 to index
      %swap3A_468 = arith.constant 16 : index
      %swap3A_469 = tpu.vector_load %arg8[%swap3A_467, %swap3A_468] {strides = array<i32>} : memref<9x128xi32, #tpu.memory_space<vmem>>, vector<16xi32>,
      tpu.vector_store %arg8[%swap3A_467, %swap3A_468], %add3A_465 {strides = array<i32>} : memref<9x128xi32, #tpu.memory_space<vmem>>, vector<16xi32>,
      %add3A_470 = arith.addi %add3A_439, %max3A_418 : vector<16xi32>
      %swap3A_471 = arith.constant 6 : i32
      %swap3A_472 = arith.index_cast %swap3A_471 : i32 to index
      %swap3A_473 = arith.constant 16 : index
      %swap3A_474 = tpu.vector_load %arg8[%swap3A_472, %swap3A_473] {strides = array<i32>} : memref<9x128xi32, #tpu.memory_space<vmem>>, vector<16xi32>,
      tpu.vector_store %arg8[%swap3A_472, %swap3A_473], %add3A_470 {strides = array<i32>} : memref<9x128xi32, #tpu.memory_space<vmem>>, vector<16xi32>,
      %add3A_475 = arith.addi %add3A_439, %max3A_427 : vector<16xi32>
      %swap3A_476 = arith.constant 7 : i32
      %swap3A_477 = arith.index_cast %swap3A_476 : i32 to index
      %swap3A_478 = arith.constant 16 : index
      %swap3A_479 = tpu.vector_load %arg8[%swap3A_477, %swap3A_478] {strides = array<i32>} : memref<9x128xi32, #tpu.memory_space<vmem>>, vector<16xi32>,
      tpu.vector_store %arg8[%swap3A_477, %swap3A_478], %add3A_475 {strides = array<i32>} : memref<9x128xi32, #tpu.memory_space<vmem>>, vector<16xi32>,
      %add3A_480 = arith.constant 5.000000e-01 : f32
      %add3A_481 = vector.broadcast %add3A_480 : f32 to vector<16xf32>
      %add3A_482 = arith.addf %add3A_314, %add3A_481 : vector<16xf32>
      %convert_element_type3A_483 = arith.fptosi %add3A_482 : vector<16xf32> to vector<16xi32>
      %convert_element_type3A_484 = arith.sitofp %convert_element_type3A_483 : vector<16xi32> to vector<16xf32>
      %gt3A_485 = arith.cmpf ogt, %convert_element_type3A_484, %add3A_482 : vector<16xf32>
      %jit3A_486 = arith.constant 1 : i32
      %jit3A_487 = arith.constant 0 : i32
      %broadcast_in_dim3A_488 = vector.broadcast %jit3A_486 : i32 to vector<16xi32>
      %broadcast_in_dim3A_489 = vector.broadcast %jit3A_487 : i32 to vector<16xi32>
      %select_n3A_490 = arith.select %gt3A_485, %broadcast_in_dim3A_488, %broadcast_in_dim3A_489 : vector<16xi1>, vector<16xi32>
      %sub3A_491 = arith.subi %convert_element_type3A_483, %select_n3A_490 : vector<16xi32>
      %convert_element_type3A_492 = arith.sitofp %sub3A_491 : vector<16xi32> to vector<16xf32>
      %eq3A_493 = arith.cmpf oeq, %convert_element_type3A_492, %add3A_482 : vector<16xf32>
      %and3A_494 = arith.constant 1 : i32
      %and3A_495 = vector.broadcast %and3A_494 : i32 to vector<16xi32>
      %and3A_496 = arith.andi %sub3A_491, %and3A_495 : vector<16xi32>
      %eq3A_497 = arith.constant 1 : i32
      %eq3A_498 = vector.broadcast %eq3A_497 : i32 to vector<16xi32>
      %eq3A_499 = arith.cmpi eq, %and3A_496, %eq3A_498 : vector<16xi32>
      %and3A_500 = arith.andi %eq3A_493, %eq3A_499 : vector<16xi1>
      %jit3A_501 = arith.constant 1 : i32
      %jit3A_502 = arith.constant 0 : i32
      %broadcast_in_dim3A_503 = vector.broadcast %jit3A_501 : i32 to vector<16xi32>
      %broadcast_in_dim3A_504 = vector.broadcast %jit3A_502 : i32 to vector<16xi32>
      %select_n3A_505 = arith.select %and3A_500, %broadcast_in_dim3A_503, %broadcast_in_dim3A_504 : vector<16xi1>, vector<16xi32>
      %sub3A_506 = arith.subi %sub3A_491, %select_n3A_505 : vector<16xi32>
      %min3A_507 = arith.constant 127 : i32
      %min3A_508 = vector.broadcast %min3A_507 : i32 to vector<16xi32>
      %min3A_509 = arith.minsi %sub3A_506, %min3A_508 : vector<16xi32>
      %max3A_510 = arith.constant 0 : i32
      %max3A_511 = vector.broadcast %max3A_510 : i32 to vector<16xi32>
      %max3A_512 = arith.maxsi %min3A_509, %max3A_511 : vector<16xi32>
      %add3A_513 = arith.constant 5.000000e-01 : f32
      %add3A_514 = vector.broadcast %add3A_513 : f32 to vector<16xf32>
      %add3A_515 = arith.addf %add3A_320, %add3A_514 : vector<16xf32>
      %convert_element_type3A_516 = arith.fptosi %add3A_515 : vector<16xf32> to vector<16xi32>
      %convert_element_type3A_517 = arith.sitofp %convert_element_type3A_516 : vector<16xi32> to vector<16xf32>
      %gt3A_518 = arith.cmpf ogt, %convert_element_type3A_517, %add3A_515 : vector<16xf32>
      %jit3A_519 = arith.constant 1 : i32
      %jit3A_520 = arith.constant 0 : i32
      %broadcast_in_dim3A_521 = vector.broadcast %jit3A_519 : i32 to vector<16xi32>
      %broadcast_in_dim3A_522 = vector.broadcast %jit3A_520 : i32 to vector<16xi32>
      %select_n3A_523 = arith.select %gt3A_518, %broadcast_in_dim3A_521, %broadcast_in_dim3A_522 : vector<16xi1>, vector<16xi32>
      %sub3A_524 = arith.subi %convert_element_type3A_516, %select_n3A_523 : vector<16xi32>
      %convert_element_type3A_525 = arith.sitofp %sub3A_524 : vector<16xi32> to vector<16xf32>
      %eq3A_526 = arith.cmpf oeq, %convert_element_type3A_525, %add3A_515 : vector<16xf32>
      %and3A_527 = arith.constant 1 : i32
      %and3A_528 = vector.broadcast %and3A_527 : i32 to vector<16xi32>
      %and3A_529 = arith.andi %sub3A_524, %and3A_528 : vector<16xi32>
      %eq3A_530 = arith.constant 1 : i32
      %eq3A_531 = vector.broadcast %eq3A_530 : i32 to vector<16xi32>
      %eq3A_532 = arith.cmpi eq, %and3A_529, %eq3A_531 : vector<16xi32>
      %and3A_533 = arith.andi %eq3A_526, %eq3A_532 : vector<16xi1>
      %jit3A_534 = arith.constant 1 : i32
      %jit3A_535 = arith.constant 0 : i32
      %broadcast_in_dim3A_536 = vector.broadcast %jit3A_534 : i32 to vector<16xi32>
      %broadcast_in_dim3A_537 = vector.broadcast %jit3A_535 : i32 to vector<16xi32>
      %select_n3A_538 = arith.select %and3A_533, %broadcast_in_dim3A_536, %broadcast_in_dim3A_537 : vector<16xi1>, vector<16xi32>
      %sub3A_539 = arith.subi %sub3A_524, %select_n3A_538 : vector<16xi32>
      %min3A_540 = arith.constant 127 : i32
      %min3A_541 = vector.broadcast %min3A_540 : i32 to vector<16xi32>
      %min3A_542 = arith.minsi %sub3A_539, %min3A_541 : vector<16xi32>
      %max3A_543 = arith.constant 0 : i32
      %max3A_544 = vector.broadcast %max3A_543 : i32 to vector<16xi32>
      %max3A_545 = arith.maxsi %min3A_542, %max3A_544 : vector<16xi32>
      %add3A_546 = arith.constant 5.000000e-01 : f32
      %add3A_547 = vector.broadcast %add3A_546 : f32 to vector<16xf32>
      %add3A_548 = arith.addf %add3A_325, %add3A_547 : vector<16xf32>
      %convert_element_type3A_549 = arith.fptosi %add3A_548 : vector<16xf32> to vector<16xi32>
      %convert_element_type3A_550 = arith.sitofp %convert_element_type3A_549 : vector<16xi32> to vector<16xf32>
      %gt3A_551 = arith.cmpf ogt, %convert_element_type3A_550, %add3A_548 : vector<16xf32>
      %jit3A_552 = arith.constant 1 : i32
      %jit3A_553 = arith.constant 0 : i32
      %broadcast_in_dim3A_554 = vector.broadcast %jit3A_552 : i32 to vector<16xi32>
      %broadcast_in_dim3A_555 = vector.broadcast %jit3A_553 : i32 to vector<16xi32>
      %select_n3A_556 = arith.select %gt3A_551, %broadcast_in_dim3A_554, %broadcast_in_dim3A_555 : vector<16xi1>, vector<16xi32>
      %sub3A_557 = arith.subi %convert_element_type3A_549, %select_n3A_556 : vector<16xi32>
      %convert_element_type3A_558 = arith.sitofp %sub3A_557 : vector<16xi32> to vector<16xf32>
      %eq3A_559 = arith.cmpf oeq, %convert_element_type3A_558, %add3A_548 : vector<16xf32>
      %and3A_560 = arith.constant 1 : i32
      %and3A_561 = vector.broadcast %and3A_560 : i32 to vector<16xi32>
      %and3A_562 = arith.andi %sub3A_557, %and3A_561 : vector<16xi32>
      %eq3A_563 = arith.constant 1 : i32
      %eq3A_564 = vector.broadcast %eq3A_563 : i32 to vector<16xi32>
      %eq3A_565 = arith.cmpi eq, %and3A_562, %eq3A_564 : vector<16xi32>
      %and3A_566 = arith.andi %eq3A_559, %eq3A_565 : vector<16xi1>
      %jit3A_567 = arith.constant 1 : i32
      %jit3A_568 = arith.constant 0 : i32
      %broadcast_in_dim3A_569 = vector.broadcast %jit3A_567 : i32 to vector<16xi32>
      %broadcast_in_dim3A_570 = vector.broadcast %jit3A_568 : i32 to vector<16xi32>
      %select_n3A_571 = arith.select %and3A_566, %broadcast_in_dim3A_569, %broadcast_in_dim3A_570 : vector<16xi1>, vector<16xi32>
      %sub3A_572 = arith.subi %sub3A_557, %select_n3A_571 : vector<16xi32>
      %min3A_573 = arith.constant 127 : i32
      %min3A_574 = vector.broadcast %min3A_573 : i32 to vector<16xi32>
      %min3A_575 = arith.minsi %sub3A_572, %min3A_574 : vector<16xi32>
      %max3A_576 = arith.constant 0 : i32
      %max3A_577 = vector.broadcast %max3A_576 : i32 to vector<16xi32>
      %max3A_578 = arith.maxsi %min3A_575, %max3A_577 : vector<16xi32>
      %shift_left3A_579 = arith.constant 14 : i32
      %shift_left3A_580 = vector.broadcast %shift_left3A_579 : i32 to vector<16xi32>
      %shift_left3A_581 = arith.shli %max3A_512, %shift_left3A_580 : vector<16xi32>
      %add3A_582 = vector.broadcast %mul3A_22 : i32 to vector<16xi32>
      %add3A_583 = arith.addi %add3A_582, %shift_left3A_581 : vector<16xi32>
      %shift_left3A_584 = arith.constant 7 : i32
      %shift_left3A_585 = vector.broadcast %shift_left3A_584 : i32 to vector<16xi32>
      %shift_left3A_586 = arith.shli %max3A_545, %shift_left3A_585 : vector<16xi32>
      %add3A_587 = arith.addi %add3A_583, %shift_left3A_586 : vector<16xi32>
      %add3A_588 = arith.addi %add3A_587, %max3A_578 : vector<16xi32>
      %swap3A_589 = arith.constant 8 : i32
      %swap3A_590 = arith.index_cast %swap3A_589 : i32 to index
      %swap3A_591 = arith.constant 16 : index
      %swap3A_592 = tpu.vector_load %arg8[%swap3A_590, %swap3A_591] {strides = array<i32>} : memref<9x128xi32, #tpu.memory_space<vmem>>, vector<16xi32>,
      tpu.vector_store %arg8[%swap3A_590, %swap3A_591], %add3A_588 {strides = array<i32>} : memref<9x128xi32, #tpu.memory_space<vmem>>, vector<16xi32>,
      %iota3A_593 = tpu.iota {dimensions = array<i32: 0>} : vector<16xi32>
      %add3A_594 = arith.constant 32 : i32
      %add3A_595 = vector.broadcast %add3A_594 : i32 to vector<16xi32>
      %add3A_596 = arith.addi %iota3A_593, %add3A_595 : vector<16xi32>
      %convert_element_type3A_597 = arith.sitofp %add3A_596 : vector<16xi32> to vector<16xf32>
      %add3A_598 = arith.constant 96 : i32
      %add3A_599 = vector.broadcast %add3A_598 : i32 to vector<16xi32>
      %add3A_600 = arith.addi %mul3A_3, %add3A_599 : vector<16xi32>
      %gather3A_601 = tpu.vector_load_idx %arg7[%add3A_600] : memref<384xf32, #tpu.memory_space<vmem>>[vector<16xi32>], vector<16xf32>,
      %add3A_602 = vector.broadcast %convert_element_type3A : f32 to vector<16xf32>
      %add3A_603 = arith.addf %gather3A_601, %add3A_602 : vector<16xf32>
      %add3A_604 = arith.constant 1 : i32
      %add3A_605 = vector.broadcast %add3A_604 : i32 to vector<16xi32>
      %add3A_606 = arith.addi %add3A_600, %add3A_605 : vector<16xi32>
      %gather3A_607 = tpu.vector_load_idx %arg7[%add3A_606] : memref<384xf32, #tpu.memory_space<vmem>>[vector<16xi32>], vector<16xf32>,
      %add3A_608 = vector.broadcast %convert_element_type3A_23 : f32 to vector<16xf32>
      %add3A_609 = arith.addf %gather3A_607, %add3A_608 : vector<16xf32>
      %add3A_610 = arith.constant 2 : i32
      %add3A_611 = vector.broadcast %add3A_610 : i32 to vector<16xi32>
      %add3A_612 = arith.addi %add3A_600, %add3A_611 : vector<16xi32>
      %gather3A_613 = tpu.vector_load_idx %arg7[%add3A_612] : memref<384xf32, #tpu.memory_space<vmem>>[vector<16xi32>], vector<16xf32>,
      %add3A_614 = arith.addf %gather3A_613, %convert_element_type3A_597 : vector<16xf32>
      %convert_element_type3A_615 = arith.fptosi %add3A_603 : vector<16xf32> to vector<16xi32>
      %convert_element_type3A_616 = arith.sitofp %convert_element_type3A_615 : vector<16xi32> to vector<16xf32>
      %gt3A_617 = arith.cmpf ogt, %convert_element_type3A_616, %add3A_603 : vector<16xf32>
      %jit3A_618 = arith.constant 1 : i32
      %jit3A_619 = arith.constant 0 : i32
      %broadcast_in_dim3A_620 = vector.broadcast %jit3A_618 : i32 to vector<16xi32>
      %broadcast_in_dim3A_621 = vector.broadcast %jit3A_619 : i32 to vector<16xi32>
      %select_n3A_622 = arith.select %gt3A_617, %broadcast_in_dim3A_620, %broadcast_in_dim3A_621 : vector<16xi1>, vector<16xi32>
      %sub3A_623 = arith.subi %convert_element_type3A_615, %select_n3A_622 : vector<16xi32>
      %convert_element_type3A_624 = arith.fptosi %add3A_609 : vector<16xf32> to vector<16xi32>
      %convert_element_type3A_625 = arith.sitofp %convert_element_type3A_624 : vector<16xi32> to vector<16xf32>
      %gt3A_626 = arith.cmpf ogt, %convert_element_type3A_625, %add3A_609 : vector<16xf32>
      %jit3A_627 = arith.constant 1 : i32
      %jit3A_628 = arith.constant 0 : i32
      %broadcast_in_dim3A_629 = vector.broadcast %jit3A_627 : i32 to vector<16xi32>
      %broadcast_in_dim3A_630 = vector.broadcast %jit3A_628 : i32 to vector<16xi32>
      %select_n3A_631 = arith.select %gt3A_626, %broadcast_in_dim3A_629, %broadcast_in_dim3A_630 : vector<16xi1>, vector<16xi32>
      %sub3A_632 = arith.subi %convert_element_type3A_624, %select_n3A_631 : vector<16xi32>
      %convert_element_type3A_633 = arith.fptosi %add3A_614 : vector<16xf32> to vector<16xi32>
      %convert_element_type3A_634 = arith.sitofp %convert_element_type3A_633 : vector<16xi32> to vector<16xf32>
      %gt3A_635 = arith.cmpf ogt, %convert_element_type3A_634, %add3A_614 : vector<16xf32>
      %jit3A_636 = arith.constant 1 : i32
      %jit3A_637 = arith.constant 0 : i32
      %broadcast_in_dim3A_638 = vector.broadcast %jit3A_636 : i32 to vector<16xi32>
      %broadcast_in_dim3A_639 = vector.broadcast %jit3A_637 : i32 to vector<16xi32>
      %select_n3A_640 = arith.select %gt3A_635, %broadcast_in_dim3A_638, %broadcast_in_dim3A_639 : vector<16xi1>, vector<16xi32>
      %sub3A_641 = arith.subi %convert_element_type3A_633, %select_n3A_640 : vector<16xi32>
      %convert_element_type3A_642 = arith.sitofp %sub3A_623 : vector<16xi32> to vector<16xf32>
      %sub3A_643 = arith.subf %add3A_603, %convert_element_type3A_642 : vector<16xf32>
      %swap3A_644 = arith.constant 0 : i32
      %swap3A_645 = arith.index_cast %swap3A_644 : i32 to index
      %swap3A_646 = arith.constant 32 : index
      %swap3A_647 = tpu.vector_load %arg10[%swap3A_645, %swap3A_646] {strides = array<i32>} : memref<3x128xf32, #tpu.memory_space<vmem>>, vector<16xf32>,
      tpu.vector_store %arg10[%swap3A_645, %swap3A_646], %sub3A_643 {strides = array<i32>} : memref<3x128xf32, #tpu.memory_space<vmem>>, vector<16xf32>,
      %convert_element_type3A_648 = arith.sitofp %sub3A_632 : vector<16xi32> to vector<16xf32>
      %sub3A_649 = arith.subf %add3A_609, %convert_element_type3A_648 : vector<16xf32>
      %swap3A_650 = arith.constant 1 : i32
      %swap3A_651 = arith.index_cast %swap3A_650 : i32 to index
      %swap3A_652 = arith.constant 32 : index
      %swap3A_653 = tpu.vector_load %arg10[%swap3A_651, %swap3A_652] {strides = array<i32>} : memref<3x128xf32, #tpu.memory_space<vmem>>, vector<16xf32>,
      tpu.vector_store %arg10[%swap3A_651, %swap3A_652], %sub3A_649 {strides = array<i32>} : memref<3x128xf32, #tpu.memory_space<vmem>>, vector<16xf32>,
      %convert_element_type3A_654 = arith.sitofp %sub3A_641 : vector<16xi32> to vector<16xf32>
      %sub3A_655 = arith.subf %add3A_614, %convert_element_type3A_654 : vector<16xf32>
      %swap3A_656 = arith.constant 2 : i32
      %swap3A_657 = arith.index_cast %swap3A_656 : i32 to index
      %swap3A_658 = arith.constant 32 : index
      %swap3A_659 = tpu.vector_load %arg10[%swap3A_657, %swap3A_658] {strides = array<i32>} : memref<3x128xf32, #tpu.memory_space<vmem>>, vector<16xf32>,
      tpu.vector_store %arg10[%swap3A_657, %swap3A_658], %sub3A_655 {strides = array<i32>} : memref<3x128xf32, #tpu.memory_space<vmem>>, vector<16xf32>,
      %min3A_660 = arith.constant 127 : i32
      %min3A_661 = vector.broadcast %min3A_660 : i32 to vector<16xi32>
      %min3A_662 = arith.minsi %sub3A_623, %min3A_661 : vector<16xi32>
      %max3A_663 = arith.constant 0 : i32
      %max3A_664 = vector.broadcast %max3A_663 : i32 to vector<16xi32>
      %max3A_665 = arith.maxsi %min3A_662, %max3A_664 : vector<16xi32>
      %shift_left3A_666 = arith.constant 14 : i32
      %shift_left3A_667 = vector.broadcast %shift_left3A_666 : i32 to vector<16xi32>
      %shift_left3A_668 = arith.shli %max3A_665, %shift_left3A_667 : vector<16xi32>
      %add3A_669 = arith.constant 1 : i32
      %add3A_670 = vector.broadcast %add3A_669 : i32 to vector<16xi32>
      %add3A_671 = arith.addi %sub3A_623, %add3A_670 : vector<16xi32>
      %min3A_672 = arith.constant 127 : i32
      %min3A_673 = vector.broadcast %min3A_672 : i32 to vector<16xi32>
      %min3A_674 = arith.minsi %add3A_671, %min3A_673 : vector<16xi32>
      %max3A_675 = arith.constant 0 : i32
      %max3A_676 = vector.broadcast %max3A_675 : i32 to vector<16xi32>
      %max3A_677 = arith.maxsi %min3A_674, %max3A_676 : vector<16xi32>
      %shift_left3A_678 = arith.constant 14 : i32
      %shift_left3A_679 = vector.broadcast %shift_left3A_678 : i32 to vector<16xi32>
      %shift_left3A_680 = arith.shli %max3A_677, %shift_left3A_679 : vector<16xi32>
      %min3A_681 = arith.constant 127 : i32
      %min3A_682 = vector.broadcast %min3A_681 : i32 to vector<16xi32>
      %min3A_683 = arith.minsi %sub3A_632, %min3A_682 : vector<16xi32>
      %max3A_684 = arith.constant 0 : i32
      %max3A_685 = vector.broadcast %max3A_684 : i32 to vector<16xi32>
      %max3A_686 = arith.maxsi %min3A_683, %max3A_685 : vector<16xi32>
      %shift_left3A_687 = arith.constant 7 : i32
      %shift_left3A_688 = vector.broadcast %shift_left3A_687 : i32 to vector<16xi32>
      %shift_left3A_689 = arith.shli %max3A_686, %shift_left3A_688 : vector<16xi32>
      %add3A_690 = arith.constant 1 : i32
      %add3A_691 = vector.broadcast %add3A_690 : i32 to vector<16xi32>
      %add3A_692 = arith.addi %sub3A_632, %add3A_691 : vector<16xi32>
      %min3A_693 = arith.constant 127 : i32
      %min3A_694 = vector.broadcast %min3A_693 : i32 to vector<16xi32>
      %min3A_695 = arith.minsi %add3A_692, %min3A_694 : vector<16xi32>
      %max3A_696 = arith.constant 0 : i32
      %max3A_697 = vector.broadcast %max3A_696 : i32 to vector<16xi32>
      %max3A_698 = arith.maxsi %min3A_695, %max3A_697 : vector<16xi32>
      %shift_left3A_699 = arith.constant 7 : i32
      %shift_left3A_700 = vector.broadcast %shift_left3A_699 : i32 to vector<16xi32>
      %shift_left3A_701 = arith.shli %max3A_698, %shift_left3A_700 : vector<16xi32>
      %min3A_702 = arith.constant 127 : i32
      %min3A_703 = vector.broadcast %min3A_702 : i32 to vector<16xi32>
      %min3A_704 = arith.minsi %sub3A_641, %min3A_703 : vector<16xi32>
      %max3A_705 = arith.constant 0 : i32
      %max3A_706 = vector.broadcast %max3A_705 : i32 to vector<16xi32>
      %max3A_707 = arith.maxsi %min3A_704, %max3A_706 : vector<16xi32>
      %add3A_708 = arith.constant 1 : i32
      %add3A_709 = vector.broadcast %add3A_708 : i32 to vector<16xi32>
      %add3A_710 = arith.addi %sub3A_641, %add3A_709 : vector<16xi32>
      %min3A_711 = arith.constant 127 : i32
      %min3A_712 = vector.broadcast %min3A_711 : i32 to vector<16xi32>
      %min3A_713 = arith.minsi %add3A_710, %min3A_712 : vector<16xi32>
      %max3A_714 = arith.constant 0 : i32
      %max3A_715 = vector.broadcast %max3A_714 : i32 to vector<16xi32>
      %max3A_716 = arith.maxsi %min3A_713, %max3A_715 : vector<16xi32>
      %add3A_717 = vector.broadcast %mul3A_22 : i32 to vector<16xi32>
      %add3A_718 = arith.addi %add3A_717, %shift_left3A_668 : vector<16xi32>
      %add3A_719 = arith.addi %add3A_718, %shift_left3A_689 : vector<16xi32>
      %add3A_720 = vector.broadcast %mul3A_22 : i32 to vector<16xi32>
      %add3A_721 = arith.addi %add3A_720, %shift_left3A_668 : vector<16xi32>
      %add3A_722 = arith.addi %add3A_721, %shift_left3A_701 : vector<16xi32>
      %add3A_723 = vector.broadcast %mul3A_22 : i32 to vector<16xi32>
      %add3A_724 = arith.addi %add3A_723, %shift_left3A_680 : vector<16xi32>
      %add3A_725 = arith.addi %add3A_724, %shift_left3A_689 : vector<16xi32>
      %add3A_726 = vector.broadcast %mul3A_22 : i32 to vector<16xi32>
      %add3A_727 = arith.addi %add3A_726, %shift_left3A_680 : vector<16xi32>
      %add3A_728 = arith.addi %add3A_727, %shift_left3A_701 : vector<16xi32>
      %add3A_729 = arith.addi %add3A_719, %max3A_707 : vector<16xi32>
      %swap3A_730 = arith.constant 0 : i32
      %swap3A_731 = arith.index_cast %swap3A_730 : i32 to index
      %swap3A_732 = arith.constant 32 : index
      %swap3A_733 = tpu.vector_load %arg8[%swap3A_731, %swap3A_732] {strides = array<i32>} : memref<9x128xi32, #tpu.memory_space<vmem>>, vector<16xi32>,
      tpu.vector_store %arg8[%swap3A_731, %swap3A_732], %add3A_729 {strides = array<i32>} : memref<9x128xi32, #tpu.memory_space<vmem>>, vector<16xi32>,
      %add3A_734 = arith.addi %add3A_719, %max3A_716 : vector<16xi32>
      %swap3A_735 = arith.constant 1 : i32
      %swap3A_736 = arith.index_cast %swap3A_735 : i32 to index
      %swap3A_737 = arith.constant 32 : index
      %swap3A_738 = tpu.vector_load %arg8[%swap3A_736, %swap3A_737] {strides = array<i32>} : memref<9x128xi32, #tpu.memory_space<vmem>>, vector<16xi32>,
      tpu.vector_store %arg8[%swap3A_736, %swap3A_737], %add3A_734 {strides = array<i32>} : memref<9x128xi32, #tpu.memory_space<vmem>>, vector<16xi32>,
      %add3A_739 = arith.addi %add3A_722, %max3A_707 : vector<16xi32>
      %swap3A_740 = arith.constant 2 : i32
      %swap3A_741 = arith.index_cast %swap3A_740 : i32 to index
      %swap3A_742 = arith.constant 32 : index
      %swap3A_743 = tpu.vector_load %arg8[%swap3A_741, %swap3A_742] {strides = array<i32>} : memref<9x128xi32, #tpu.memory_space<vmem>>, vector<16xi32>,
      tpu.vector_store %arg8[%swap3A_741, %swap3A_742], %add3A_739 {strides = array<i32>} : memref<9x128xi32, #tpu.memory_space<vmem>>, vector<16xi32>,
      %add3A_744 = arith.addi %add3A_722, %max3A_716 : vector<16xi32>
      %swap3A_745 = arith.constant 3 : i32
      %swap3A_746 = arith.index_cast %swap3A_745 : i32 to index
      %swap3A_747 = arith.constant 32 : index
      %swap3A_748 = tpu.vector_load %arg8[%swap3A_746, %swap3A_747] {strides = array<i32>} : memref<9x128xi32, #tpu.memory_space<vmem>>, vector<16xi32>,
      tpu.vector_store %arg8[%swap3A_746, %swap3A_747], %add3A_744 {strides = array<i32>} : memref<9x128xi32, #tpu.memory_space<vmem>>, vector<16xi32>,
      %add3A_749 = arith.addi %add3A_725, %max3A_707 : vector<16xi32>
      %swap3A_750 = arith.constant 4 : i32
      %swap3A_751 = arith.index_cast %swap3A_750 : i32 to index
      %swap3A_752 = arith.constant 32 : index
      %swap3A_753 = tpu.vector_load %arg8[%swap3A_751, %swap3A_752] {strides = array<i32>} : memref<9x128xi32, #tpu.memory_space<vmem>>, vector<16xi32>,
      tpu.vector_store %arg8[%swap3A_751, %swap3A_752], %add3A_749 {strides = array<i32>} : memref<9x128xi32, #tpu.memory_space<vmem>>, vector<16xi32>,
      %add3A_754 = arith.addi %add3A_725, %max3A_716 : vector<16xi32>
      %swap3A_755 = arith.constant 5 : i32
      %swap3A_756 = arith.index_cast %swap3A_755 : i32 to index
      %swap3A_757 = arith.constant 32 : index
      %swap3A_758 = tpu.vector_load %arg8[%swap3A_756, %swap3A_757] {strides = array<i32>} : memref<9x128xi32, #tpu.memory_space<vmem>>, vector<16xi32>,
      tpu.vector_store %arg8[%swap3A_756, %swap3A_757], %add3A_754 {strides = array<i32>} : memref<9x128xi32, #tpu.memory_space<vmem>>, vector<16xi32>,
      %add3A_759 = arith.addi %add3A_728, %max3A_707 : vector<16xi32>
      %swap3A_760 = arith.constant 6 : i32
      %swap3A_761 = arith.index_cast %swap3A_760 : i32 to index
      %swap3A_762 = arith.constant 32 : index
      %swap3A_763 = tpu.vector_load %arg8[%swap3A_761, %swap3A_762] {strides = array<i32>} : memref<9x128xi32, #tpu.memory_space<vmem>>, vector<16xi32>,
      tpu.vector_store %arg8[%swap3A_761, %swap3A_762], %add3A_759 {strides = array<i32>} : memref<9x128xi32, #tpu.memory_space<vmem>>, vector<16xi32>,
      %add3A_764 = arith.addi %add3A_728, %max3A_716 : vector<16xi32>
      %swap3A_765 = arith.constant 7 : i32
      %swap3A_766 = arith.index_cast %swap3A_765 : i32 to index
      %swap3A_767 = arith.constant 32 : index
      %swap3A_768 = tpu.vector_load %arg8[%swap3A_766, %swap3A_767] {strides = array<i32>} : memref<9x128xi32, #tpu.memory_space<vmem>>, vector<16xi32>,
      tpu.vector_store %arg8[%swap3A_766, %swap3A_767], %add3A_764 {strides = array<i32>} : memref<9x128xi32, #tpu.memory_space<vmem>>, vector<16xi32>,
      %add3A_769 = arith.constant 5.000000e-01 : f32
      %add3A_770 = vector.broadcast %add3A_769 : f32 to vector<16xf32>
      %add3A_771 = arith.addf %add3A_603, %add3A_770 : vector<16xf32>
      %convert_element_type3A_772 = arith.fptosi %add3A_771 : vector<16xf32> to vector<16xi32>
      %convert_element_type3A_773 = arith.sitofp %convert_element_type3A_772 : vector<16xi32> to vector<16xf32>
      %gt3A_774 = arith.cmpf ogt, %convert_element_type3A_773, %add3A_771 : vector<16xf32>
      %jit3A_775 = arith.constant 1 : i32
      %jit3A_776 = arith.constant 0 : i32
      %broadcast_in_dim3A_777 = vector.broadcast %jit3A_775 : i32 to vector<16xi32>
      %broadcast_in_dim3A_778 = vector.broadcast %jit3A_776 : i32 to vector<16xi32>
      %select_n3A_779 = arith.select %gt3A_774, %broadcast_in_dim3A_777, %broadcast_in_dim3A_778 : vector<16xi1>, vector<16xi32>
      %sub3A_780 = arith.subi %convert_element_type3A_772, %select_n3A_779 : vector<16xi32>
      %convert_element_type3A_781 = arith.sitofp %sub3A_780 : vector<16xi32> to vector<16xf32>
      %eq3A_782 = arith.cmpf oeq, %convert_element_type3A_781, %add3A_771 : vector<16xf32>
      %and3A_783 = arith.constant 1 : i32
      %and3A_784 = vector.broadcast %and3A_783 : i32 to vector<16xi32>
      %and3A_785 = arith.andi %sub3A_780, %and3A_784 : vector<16xi32>
      %eq3A_786 = arith.constant 1 : i32
      %eq3A_787 = vector.broadcast %eq3A_786 : i32 to vector<16xi32>
      %eq3A_788 = arith.cmpi eq, %and3A_785, %eq3A_787 : vector<16xi32>
      %and3A_789 = arith.andi %eq3A_782, %eq3A_788 : vector<16xi1>
      %jit3A_790 = arith.constant 1 : i32
      %jit3A_791 = arith.constant 0 : i32
      %broadcast_in_dim3A_792 = vector.broadcast %jit3A_790 : i32 to vector<16xi32>
      %broadcast_in_dim3A_793 = vector.broadcast %jit3A_791 : i32 to vector<16xi32>
      %select_n3A_794 = arith.select %and3A_789, %broadcast_in_dim3A_792, %broadcast_in_dim3A_793 : vector<16xi1>, vector<16xi32>
      %sub3A_795 = arith.subi %sub3A_780, %select_n3A_794 : vector<16xi32>
      %min3A_796 = arith.constant 127 : i32
      %min3A_797 = vector.broadcast %min3A_796 : i32 to vector<16xi32>
      %min3A_798 = arith.minsi %sub3A_795, %min3A_797 : vector<16xi32>
      %max3A_799 = arith.constant 0 : i32
      %max3A_800 = vector.broadcast %max3A_799 : i32 to vector<16xi32>
      %max3A_801 = arith.maxsi %min3A_798, %max3A_800 : vector<16xi32>
      %add3A_802 = arith.constant 5.000000e-01 : f32
      %add3A_803 = vector.broadcast %add3A_802 : f32 to vector<16xf32>
      %add3A_804 = arith.addf %add3A_609, %add3A_803 : vector<16xf32>
      %convert_element_type3A_805 = arith.fptosi %add3A_804 : vector<16xf32> to vector<16xi32>
      %convert_element_type3A_806 = arith.sitofp %convert_element_type3A_805 : vector<16xi32> to vector<16xf32>
      %gt3A_807 = arith.cmpf ogt, %convert_element_type3A_806, %add3A_804 : vector<16xf32>
      %jit3A_808 = arith.constant 1 : i32
      %jit3A_809 = arith.constant 0 : i32
      %broadcast_in_dim3A_810 = vector.broadcast %jit3A_808 : i32 to vector<16xi32>
      %broadcast_in_dim3A_811 = vector.broadcast %jit3A_809 : i32 to vector<16xi32>
      %select_n3A_812 = arith.select %gt3A_807, %broadcast_in_dim3A_810, %broadcast_in_dim3A_811 : vector<16xi1>, vector<16xi32>
      %sub3A_813 = arith.subi %convert_element_type3A_805, %select_n3A_812 : vector<16xi32>
      %convert_element_type3A_814 = arith.sitofp %sub3A_813 : vector<16xi32> to vector<16xf32>
      %eq3A_815 = arith.cmpf oeq, %convert_element_type3A_814, %add3A_804 : vector<16xf32>
      %and3A_816 = arith.constant 1 : i32
      %and3A_817 = vector.broadcast %and3A_816 : i32 to vector<16xi32>
      %and3A_818 = arith.andi %sub3A_813, %and3A_817 : vector<16xi32>
      %eq3A_819 = arith.constant 1 : i32
      %eq3A_820 = vector.broadcast %eq3A_819 : i32 to vector<16xi32>
      %eq3A_821 = arith.cmpi eq, %and3A_818, %eq3A_820 : vector<16xi32>
      %and3A_822 = arith.andi %eq3A_815, %eq3A_821 : vector<16xi1>
      %jit3A_823 = arith.constant 1 : i32
      %jit3A_824 = arith.constant 0 : i32
      %broadcast_in_dim3A_825 = vector.broadcast %jit3A_823 : i32 to vector<16xi32>
      %broadcast_in_dim3A_826 = vector.broadcast %jit3A_824 : i32 to vector<16xi32>
      %select_n3A_827 = arith.select %and3A_822, %broadcast_in_dim3A_825, %broadcast_in_dim3A_826 : vector<16xi1>, vector<16xi32>
      %sub3A_828 = arith.subi %sub3A_813, %select_n3A_827 : vector<16xi32>
      %min3A_829 = arith.constant 127 : i32
      %min3A_830 = vector.broadcast %min3A_829 : i32 to vector<16xi32>
      %min3A_831 = arith.minsi %sub3A_828, %min3A_830 : vector<16xi32>
      %max3A_832 = arith.constant 0 : i32
      %max3A_833 = vector.broadcast %max3A_832 : i32 to vector<16xi32>
      %max3A_834 = arith.maxsi %min3A_831, %max3A_833 : vector<16xi32>
      %add3A_835 = arith.constant 5.000000e-01 : f32
      %add3A_836 = vector.broadcast %add3A_835 : f32 to vector<16xf32>
      %add3A_837 = arith.addf %add3A_614, %add3A_836 : vector<16xf32>
      %convert_element_type3A_838 = arith.fptosi %add3A_837 : vector<16xf32> to vector<16xi32>
      %convert_element_type3A_839 = arith.sitofp %convert_element_type3A_838 : vector<16xi32> to vector<16xf32>
      %gt3A_840 = arith.cmpf ogt, %convert_element_type3A_839, %add3A_837 : vector<16xf32>
      %jit3A_841 = arith.constant 1 : i32
      %jit3A_842 = arith.constant 0 : i32
      %broadcast_in_dim3A_843 = vector.broadcast %jit3A_841 : i32 to vector<16xi32>
      %broadcast_in_dim3A_844 = vector.broadcast %jit3A_842 : i32 to vector<16xi32>
      %select_n3A_845 = arith.select %gt3A_840, %broadcast_in_dim3A_843, %broadcast_in_dim3A_844 : vector<16xi1>, vector<16xi32>
      %sub3A_846 = arith.subi %convert_element_type3A_838, %select_n3A_845 : vector<16xi32>
      %convert_element_type3A_847 = arith.sitofp %sub3A_846 : vector<16xi32> to vector<16xf32>
      %eq3A_848 = arith.cmpf oeq, %convert_element_type3A_847, %add3A_837 : vector<16xf32>
      %and3A_849 = arith.constant 1 : i32
      %and3A_850 = vector.broadcast %and3A_849 : i32 to vector<16xi32>
      %and3A_851 = arith.andi %sub3A_846, %and3A_850 : vector<16xi32>
      %eq3A_852 = arith.constant 1 : i32
      %eq3A_853 = vector.broadcast %eq3A_852 : i32 to vector<16xi32>
      %eq3A_854 = arith.cmpi eq, %and3A_851, %eq3A_853 : vector<16xi32>
      %and3A_855 = arith.andi %eq3A_848, %eq3A_854 : vector<16xi1>
      %jit3A_856 = arith.constant 1 : i32
      %jit3A_857 = arith.constant 0 : i32
      %broadcast_in_dim3A_858 = vector.broadcast %jit3A_856 : i32 to vector<16xi32>
      %broadcast_in_dim3A_859 = vector.broadcast %jit3A_857 : i32 to vector<16xi32>
      %select_n3A_860 = arith.select %and3A_855, %broadcast_in_dim3A_858, %broadcast_in_dim3A_859 : vector<16xi1>, vector<16xi32>
      %sub3A_861 = arith.subi %sub3A_846, %select_n3A_860 : vector<16xi32>
      %min3A_862 = arith.constant 127 : i32
      %min3A_863 = vector.broadcast %min3A_862 : i32 to vector<16xi32>
      %min3A_864 = arith.minsi %sub3A_861, %min3A_863 : vector<16xi32>
      %max3A_865 = arith.constant 0 : i32
      %max3A_866 = vector.broadcast %max3A_865 : i32 to vector<16xi32>
      %max3A_867 = arith.maxsi %min3A_864, %max3A_866 : vector<16xi32>
      %shift_left3A_868 = arith.constant 14 : i32
      %shift_left3A_869 = vector.broadcast %shift_left3A_868 : i32 to vector<16xi32>
      %shift_left3A_870 = arith.shli %max3A_801, %shift_left3A_869 : vector<16xi32>
      %add3A_871 = vector.broadcast %mul3A_22 : i32 to vector<16xi32>
      %add3A_872 = arith.addi %add3A_871, %shift_left3A_870 : vector<16xi32>
      %shift_left3A_873 = arith.constant 7 : i32
      %shift_left3A_874 = vector.broadcast %shift_left3A_873 : i32 to vector<16xi32>
      %shift_left3A_875 = arith.shli %max3A_834, %shift_left3A_874 : vector<16xi32>
      %add3A_876 = arith.addi %add3A_872, %shift_left3A_875 : vector<16xi32>
      %add3A_877 = arith.addi %add3A_876, %max3A_867 : vector<16xi32>
      %swap3A_878 = arith.constant 8 : i32
      %swap3A_879 = arith.index_cast %swap3A_878 : i32 to index
      %swap3A_880 = arith.constant 32 : index
      %swap3A_881 = tpu.vector_load %arg8[%swap3A_879, %swap3A_880] {strides = array<i32>} : memref<9x128xi32, #tpu.memory_space<vmem>>, vector<16xi32>,
      tpu.vector_store %arg8[%swap3A_879, %swap3A_880], %add3A_877 {strides = array<i32>} : memref<9x128xi32, #tpu.memory_space<vmem>>, vector<16xi32>,
      %iota3A_882 = tpu.iota {dimensions = array<i32: 0>} : vector<16xi32>
      %add3A_883 = arith.constant 48 : i32
      %add3A_884 = vector.broadcast %add3A_883 : i32 to vector<16xi32>
      %add3A_885 = arith.addi %iota3A_882, %add3A_884 : vector<16xi32>
      %convert_element_type3A_886 = arith.sitofp %add3A_885 : vector<16xi32> to vector<16xf32>
      %add3A_887 = arith.constant 144 : i32
      %add3A_888 = vector.broadcast %add3A_887 : i32 to vector<16xi32>
      %add3A_889 = arith.addi %mul3A_3, %add3A_888 : vector<16xi32>
      %gather3A_890 = tpu.vector_load_idx %arg7[%add3A_889] : memref<384xf32, #tpu.memory_space<vmem>>[vector<16xi32>], vector<16xf32>,
      %add3A_891 = vector.broadcast %convert_element_type3A : f32 to vector<16xf32>
      %add3A_892 = arith.addf %gather3A_890, %add3A_891 : vector<16xf32>
      %add3A_893 = arith.constant 1 : i32
      %add3A_894 = vector.broadcast %add3A_893 : i32 to vector<16xi32>
      %add3A_895 = arith.addi %add3A_889, %add3A_894 : vector<16xi32>
      %gather3A_896 = tpu.vector_load_idx %arg7[%add3A_895] : memref<384xf32, #tpu.memory_space<vmem>>[vector<16xi32>], vector<16xf32>,
      %add3A_897 = vector.broadcast %convert_element_type3A_23 : f32 to vector<16xf32>
      %add3A_898 = arith.addf %gather3A_896, %add3A_897 : vector<16xf32>
      %add3A_899 = arith.constant 2 : i32
      %add3A_900 = vector.broadcast %add3A_899 : i32 to vector<16xi32>
      %add3A_901 = arith.addi %add3A_889, %add3A_900 : vector<16xi32>
      %gather3A_902 = tpu.vector_load_idx %arg7[%add3A_901] : memref<384xf32, #tpu.memory_space<vmem>>[vector<16xi32>], vector<16xf32>,
      %add3A_903 = arith.addf %gather3A_902, %convert_element_type3A_886 : vector<16xf32>
      %convert_element_type3A_904 = arith.fptosi %add3A_892 : vector<16xf32> to vector<16xi32>
      %convert_element_type3A_905 = arith.sitofp %convert_element_type3A_904 : vector<16xi32> to vector<16xf32>
      %gt3A_906 = arith.cmpf ogt, %convert_element_type3A_905, %add3A_892 : vector<16xf32>
      %jit3A_907 = arith.constant 1 : i32
      %jit3A_908 = arith.constant 0 : i32
      %broadcast_in_dim3A_909 = vector.broadcast %jit3A_907 : i32 to vector<16xi32>
      %broadcast_in_dim3A_910 = vector.broadcast %jit3A_908 : i32 to vector<16xi32>
      %select_n3A_911 = arith.select %gt3A_906, %broadcast_in_dim3A_909, %broadcast_in_dim3A_910 : vector<16xi1>, vector<16xi32>
      %sub3A_912 = arith.subi %convert_element_type3A_904, %select_n3A_911 : vector<16xi32>
      %convert_element_type3A_913 = arith.fptosi %add3A_898 : vector<16xf32> to vector<16xi32>
      %convert_element_type3A_914 = arith.sitofp %convert_element_type3A_913 : vector<16xi32> to vector<16xf32>
      %gt3A_915 = arith.cmpf ogt, %convert_element_type3A_914, %add3A_898 : vector<16xf32>
      %jit3A_916 = arith.constant 1 : i32
      %jit3A_917 = arith.constant 0 : i32
      %broadcast_in_dim3A_918 = vector.broadcast %jit3A_916 : i32 to vector<16xi32>
      %broadcast_in_dim3A_919 = vector.broadcast %jit3A_917 : i32 to vector<16xi32>
      %select_n3A_920 = arith.select %gt3A_915, %broadcast_in_dim3A_918, %broadcast_in_dim3A_919 : vector<16xi1>, vector<16xi32>
      %sub3A_921 = arith.subi %convert_element_type3A_913, %select_n3A_920 : vector<16xi32>
      %convert_element_type3A_922 = arith.fptosi %add3A_903 : vector<16xf32> to vector<16xi32>
      %convert_element_type3A_923 = arith.sitofp %convert_element_type3A_922 : vector<16xi32> to vector<16xf32>
      %gt3A_924 = arith.cmpf ogt, %convert_element_type3A_923, %add3A_903 : vector<16xf32>
      %jit3A_925 = arith.constant 1 : i32
      %jit3A_926 = arith.constant 0 : i32
      %broadcast_in_dim3A_927 = vector.broadcast %jit3A_925 : i32 to vector<16xi32>
      %broadcast_in_dim3A_928 = vector.broadcast %jit3A_926 : i32 to vector<16xi32>
      %select_n3A_929 = arith.select %gt3A_924, %broadcast_in_dim3A_927, %broadcast_in_dim3A_928 : vector<16xi1>, vector<16xi32>
      %sub3A_930 = arith.subi %convert_element_type3A_922, %select_n3A_929 : vector<16xi32>
      %convert_element_type3A_931 = arith.sitofp %sub3A_912 : vector<16xi32> to vector<16xf32>
      %sub3A_932 = arith.subf %add3A_892, %convert_element_type3A_931 : vector<16xf32>
      %swap3A_933 = arith.constant 0 : i32
      %swap3A_934 = arith.index_cast %swap3A_933 : i32 to index
      %swap3A_935 = arith.constant 48 : index
      %swap3A_936 = tpu.vector_load %arg10[%swap3A_934, %swap3A_935] {strides = array<i32>} : memref<3x128xf32, #tpu.memory_space<vmem>>, vector<16xf32>,
      tpu.vector_store %arg10[%swap3A_934, %swap3A_935], %sub3A_932 {strides = array<i32>} : memref<3x128xf32, #tpu.memory_space<vmem>>, vector<16xf32>,
      %convert_element_type3A_937 = arith.sitofp %sub3A_921 : vector<16xi32> to vector<16xf32>
      %sub3A_938 = arith.subf %add3A_898, %convert_element_type3A_937 : vector<16xf32>
      %swap3A_939 = arith.constant 1 : i32
      %swap3A_940 = arith.index_cast %swap3A_939 : i32 to index
      %swap3A_941 = arith.constant 48 : index
      %swap3A_942 = tpu.vector_load %arg10[%swap3A_940, %swap3A_941] {strides = array<i32>} : memref<3x128xf32, #tpu.memory_space<vmem>>, vector<16xf32>,
      tpu.vector_store %arg10[%swap3A_940, %swap3A_941], %sub3A_938 {strides = array<i32>} : memref<3x128xf32, #tpu.memory_space<vmem>>, vector<16xf32>,
      %convert_element_type3A_943 = arith.sitofp %sub3A_930 : vector<16xi32> to vector<16xf32>
      %sub3A_944 = arith.subf %add3A_903, %convert_element_type3A_943 : vector<16xf32>
      %swap3A_945 = arith.constant 2 : i32
      %swap3A_946 = arith.index_cast %swap3A_945 : i32 to index
      %swap3A_947 = arith.constant 48 : index
      %swap3A_948 = tpu.vector_load %arg10[%swap3A_946, %swap3A_947] {strides = array<i32>} : memref<3x128xf32, #tpu.memory_space<vmem>>, vector<16xf32>,
      tpu.vector_store %arg10[%swap3A_946, %swap3A_947], %sub3A_944 {strides = array<i32>} : memref<3x128xf32, #tpu.memory_space<vmem>>, vector<16xf32>,
      %min3A_949 = arith.constant 127 : i32
      %min3A_950 = vector.broadcast %min3A_949 : i32 to vector<16xi32>
      %min3A_951 = arith.minsi %sub3A_912, %min3A_950 : vector<16xi32>
      %max3A_952 = arith.constant 0 : i32
      %max3A_953 = vector.broadcast %max3A_952 : i32 to vector<16xi32>
      %max3A_954 = arith.maxsi %min3A_951, %max3A_953 : vector<16xi32>
      %shift_left3A_955 = arith.constant 14 : i32
      %shift_left3A_956 = vector.broadcast %shift_left3A_955 : i32 to vector<16xi32>
      %shift_left3A_957 = arith.shli %max3A_954, %shift_left3A_956 : vector<16xi32>
      %add3A_958 = arith.constant 1 : i32
      %add3A_959 = vector.broadcast %add3A_958 : i32 to vector<16xi32>
      %add3A_960 = arith.addi %sub3A_912, %add3A_959 : vector<16xi32>
      %min3A_961 = arith.constant 127 : i32
      %min3A_962 = vector.broadcast %min3A_961 : i32 to vector<16xi32>
      %min3A_963 = arith.minsi %add3A_960, %min3A_962 : vector<16xi32>
      %max3A_964 = arith.constant 0 : i32
      %max3A_965 = vector.broadcast %max3A_964 : i32 to vector<16xi32>
      %max3A_966 = arith.maxsi %min3A_963, %max3A_965 : vector<16xi32>
      %shift_left3A_967 = arith.constant 14 : i32
      %shift_left3A_968 = vector.broadcast %shift_left3A_967 : i32 to vector<16xi32>
      %shift_left3A_969 = arith.shli %max3A_966, %shift_left3A_968 : vector<16xi32>
      %min3A_970 = arith.constant 127 : i32
      %min3A_971 = vector.broadcast %min3A_970 : i32 to vector<16xi32>
      %min3A_972 = arith.minsi %sub3A_921, %min3A_971 : vector<16xi32>
      %max3A_973 = arith.constant 0 : i32
      %max3A_974 = vector.broadcast %max3A_973 : i32 to vector<16xi32>
      %max3A_975 = arith.maxsi %min3A_972, %max3A_974 : vector<16xi32>
      %shift_left3A_976 = arith.constant 7 : i32
      %shift_left3A_977 = vector.broadcast %shift_left3A_976 : i32 to vector<16xi32>
      %shift_left3A_978 = arith.shli %max3A_975, %shift_left3A_977 : vector<16xi32>
      %add3A_979 = arith.constant 1 : i32
      %add3A_980 = vector.broadcast %add3A_979 : i32 to vector<16xi32>
      %add3A_981 = arith.addi %sub3A_921, %add3A_980 : vector<16xi32>
      %min3A_982 = arith.constant 127 : i32
      %min3A_983 = vector.broadcast %min3A_982 : i32 to vector<16xi32>
      %min3A_984 = arith.minsi %add3A_981, %min3A_983 : vector<16xi32>
      %max3A_985 = arith.constant 0 : i32
      %max3A_986 = vector.broadcast %max3A_985 : i32 to vector<16xi32>
      %max3A_987 = arith.maxsi %min3A_984, %max3A_986 : vector<16xi32>
      %shift_left3A_988 = arith.constant 7 : i32
      %shift_left3A_989 = vector.broadcast %shift_left3A_988 : i32 to vector<16xi32>
      %shift_left3A_990 = arith.shli %max3A_987, %shift_left3A_989 : vector<16xi32>
      %min3A_991 = arith.constant 127 : i32
      %min3A_992 = vector.broadcast %min3A_991 : i32 to vector<16xi32>
      %min3A_993 = arith.minsi %sub3A_930, %min3A_992 : vector<16xi32>
      %max3A_994 = arith.constant 0 : i32
      %max3A_995 = vector.broadcast %max3A_994 : i32 to vector<16xi32>
      %max3A_996 = arith.maxsi %min3A_993, %max3A_995 : vector<16xi32>
      %add3A_997 = arith.constant 1 : i32
      %add3A_998 = vector.broadcast %add3A_997 : i32 to vector<16xi32>
      %add3A_999 = arith.addi %sub3A_930, %add3A_998 : vector<16xi32>
      %min3A_1000 = arith.constant 127 : i32
      %min3A_1001 = vector.broadcast %min3A_1000 : i32 to vector<16xi32>
      %min3A_1002 = arith.minsi %add3A_999, %min3A_1001 : vector<16xi32>
      %max3A_1003 = arith.constant 0 : i32
      %max3A_1004 = vector.broadcast %max3A_1003 : i32 to vector<16xi32>
      %max3A_1005 = arith.maxsi %min3A_1002, %max3A_1004 : vector<16xi32>
      %add3A_1006 = vector.broadcast %mul3A_22 : i32 to vector<16xi32>
      %add3A_1007 = arith.addi %add3A_1006, %shift_left3A_957 : vector<16xi32>
      %add3A_1008 = arith.addi %add3A_1007, %shift_left3A_978 : vector<16xi32>
      %add3A_1009 = vector.broadcast %mul3A_22 : i32 to vector<16xi32>
      %add3A_1010 = arith.addi %add3A_1009, %shift_left3A_957 : vector<16xi32>
      %add3A_1011 = arith.addi %add3A_1010, %shift_left3A_990 : vector<16xi32>
      %add3A_1012 = vector.broadcast %mul3A_22 : i32 to vector<16xi32>
      %add3A_1013 = arith.addi %add3A_1012, %shift_left3A_969 : vector<16xi32>
      %add3A_1014 = arith.addi %add3A_1013, %shift_left3A_978 : vector<16xi32>
      %add3A_1015 = vector.broadcast %mul3A_22 : i32 to vector<16xi32>
      %add3A_1016 = arith.addi %add3A_1015, %shift_left3A_969 : vector<16xi32>
      %add3A_1017 = arith.addi %add3A_1016, %shift_left3A_990 : vector<16xi32>
      %add3A_1018 = arith.addi %add3A_1008, %max3A_996 : vector<16xi32>
      %swap3A_1019 = arith.constant 0 : i32
      %swap3A_1020 = arith.index_cast %swap3A_1019 : i32 to index
      %swap3A_1021 = arith.constant 48 : index
      %swap3A_1022 = tpu.vector_load %arg8[%swap3A_1020, %swap3A_1021] {strides = array<i32>} : memref<9x128xi32, #tpu.memory_space<vmem>>, vector<16xi32>,
      tpu.vector_store %arg8[%swap3A_1020, %swap3A_1021], %add3A_1018 {strides = array<i32>} : memref<9x128xi32, #tpu.memory_space<vmem>>, vector<16xi32>,
      %add3A_1023 = arith.addi %add3A_1008, %max3A_1005 : vector<16xi32>
      %swap3A_1024 = arith.constant 1 : i32
      %swap3A_1025 = arith.index_cast %swap3A_1024 : i32 to index
      %swap3A_1026 = arith.constant 48 : index
      %swap3A_1027 = tpu.vector_load %arg8[%swap3A_1025, %swap3A_1026] {strides = array<i32>} : memref<9x128xi32, #tpu.memory_space<vmem>>, vector<16xi32>,
      tpu.vector_store %arg8[%swap3A_1025, %swap3A_1026], %add3A_1023 {strides = array<i32>} : memref<9x128xi32, #tpu.memory_space<vmem>>, vector<16xi32>,
      %add3A_1028 = arith.addi %add3A_1011, %max3A_996 : vector<16xi32>
      %swap3A_1029 = arith.constant 2 : i32
      %swap3A_1030 = arith.index_cast %swap3A_1029 : i32 to index
      %swap3A_1031 = arith.constant 48 : index
      %swap3A_1032 = tpu.vector_load %arg8[%swap3A_1030, %swap3A_1031] {strides = array<i32>} : memref<9x128xi32, #tpu.memory_space<vmem>>, vector<16xi32>,
      tpu.vector_store %arg8[%swap3A_1030, %swap3A_1031], %add3A_1028 {strides = array<i32>} : memref<9x128xi32, #tpu.memory_space<vmem>>, vector<16xi32>,
      %add3A_1033 = arith.addi %add3A_1011, %max3A_1005 : vector<16xi32>
      %swap3A_1034 = arith.constant 3 : i32
      %swap3A_1035 = arith.index_cast %swap3A_1034 : i32 to index
      %swap3A_1036 = arith.constant 48 : index
      %swap3A_1037 = tpu.vector_load %arg8[%swap3A_1035, %swap3A_1036] {strides = array<i32>} : memref<9x128xi32, #tpu.memory_space<vmem>>, vector<16xi32>,
      tpu.vector_store %arg8[%swap3A_1035, %swap3A_1036], %add3A_1033 {strides = array<i32>} : memref<9x128xi32, #tpu.memory_space<vmem>>, vector<16xi32>,
      %add3A_1038 = arith.addi %add3A_1014, %max3A_996 : vector<16xi32>
      %swap3A_1039 = arith.constant 4 : i32
      %swap3A_1040 = arith.index_cast %swap3A_1039 : i32 to index
      %swap3A_1041 = arith.constant 48 : index
      %swap3A_1042 = tpu.vector_load %arg8[%swap3A_1040, %swap3A_1041] {strides = array<i32>} : memref<9x128xi32, #tpu.memory_space<vmem>>, vector<16xi32>,
      tpu.vector_store %arg8[%swap3A_1040, %swap3A_1041], %add3A_1038 {strides = array<i32>} : memref<9x128xi32, #tpu.memory_space<vmem>>, vector<16xi32>,
      %add3A_1043 = arith.addi %add3A_1014, %max3A_1005 : vector<16xi32>
      %swap3A_1044 = arith.constant 5 : i32
      %swap3A_1045 = arith.index_cast %swap3A_1044 : i32 to index
      %swap3A_1046 = arith.constant 48 : index
      %swap3A_1047 = tpu.vector_load %arg8[%swap3A_1045, %swap3A_1046] {strides = array<i32>} : memref<9x128xi32, #tpu.memory_space<vmem>>, vector<16xi32>,
      tpu.vector_store %arg8[%swap3A_1045, %swap3A_1046], %add3A_1043 {strides = array<i32>} : memref<9x128xi32, #tpu.memory_space<vmem>>, vector<16xi32>,
      %add3A_1048 = arith.addi %add3A_1017, %max3A_996 : vector<16xi32>
      %swap3A_1049 = arith.constant 6 : i32
      %swap3A_1050 = arith.index_cast %swap3A_1049 : i32 to index
      %swap3A_1051 = arith.constant 48 : index
      %swap3A_1052 = tpu.vector_load %arg8[%swap3A_1050, %swap3A_1051] {strides = array<i32>} : memref<9x128xi32, #tpu.memory_space<vmem>>, vector<16xi32>,
      tpu.vector_store %arg8[%swap3A_1050, %swap3A_1051], %add3A_1048 {strides = array<i32>} : memref<9x128xi32, #tpu.memory_space<vmem>>, vector<16xi32>,
      %add3A_1053 = arith.addi %add3A_1017, %max3A_1005 : vector<16xi32>
      %swap3A_1054 = arith.constant 7 : i32
      %swap3A_1055 = arith.index_cast %swap3A_1054 : i32 to index
      %swap3A_1056 = arith.constant 48 : index
      %swap3A_1057 = tpu.vector_load %arg8[%swap3A_1055, %swap3A_1056] {strides = array<i32>} : memref<9x128xi32, #tpu.memory_space<vmem>>, vector<16xi32>,
      tpu.vector_store %arg8[%swap3A_1055, %swap3A_1056], %add3A_1053 {strides = array<i32>} : memref<9x128xi32, #tpu.memory_space<vmem>>, vector<16xi32>,
      %add3A_1058 = arith.constant 5.000000e-01 : f32
      %add3A_1059 = vector.broadcast %add3A_1058 : f32 to vector<16xf32>
      %add3A_1060 = arith.addf %add3A_892, %add3A_1059 : vector<16xf32>
      %convert_element_type3A_1061 = arith.fptosi %add3A_1060 : vector<16xf32> to vector<16xi32>
      %convert_element_type3A_1062 = arith.sitofp %convert_element_type3A_1061 : vector<16xi32> to vector<16xf32>
      %gt3A_1063 = arith.cmpf ogt, %convert_element_type3A_1062, %add3A_1060 : vector<16xf32>
      %jit3A_1064 = arith.constant 1 : i32
      %jit3A_1065 = arith.constant 0 : i32
      %broadcast_in_dim3A_1066 = vector.broadcast %jit3A_1064 : i32 to vector<16xi32>
      %broadcast_in_dim3A_1067 = vector.broadcast %jit3A_1065 : i32 to vector<16xi32>
      %select_n3A_1068 = arith.select %gt3A_1063, %broadcast_in_dim3A_1066, %broadcast_in_dim3A_1067 : vector<16xi1>, vector<16xi32>
      %sub3A_1069 = arith.subi %convert_element_type3A_1061, %select_n3A_1068 : vector<16xi32>
      %convert_element_type3A_1070 = arith.sitofp %sub3A_1069 : vector<16xi32> to vector<16xf32>
      %eq3A_1071 = arith.cmpf oeq, %convert_element_type3A_1070, %add3A_1060 : vector<16xf32>
      %and3A_1072 = arith.constant 1 : i32
      %and3A_1073 = vector.broadcast %and3A_1072 : i32 to vector<16xi32>
      %and3A_1074 = arith.andi %sub3A_1069, %and3A_1073 : vector<16xi32>
      %eq3A_1075 = arith.constant 1 : i32
      %eq3A_1076 = vector.broadcast %eq3A_1075 : i32 to vector<16xi32>
      %eq3A_1077 = arith.cmpi eq, %and3A_1074, %eq3A_1076 : vector<16xi32>
      %and3A_1078 = arith.andi %eq3A_1071, %eq3A_1077 : vector<16xi1>
      %jit3A_1079 = arith.constant 1 : i32
      %jit3A_1080 = arith.constant 0 : i32
      %broadcast_in_dim3A_1081 = vector.broadcast %jit3A_1079 : i32 to vector<16xi32>
      %broadcast_in_dim3A_1082 = vector.broadcast %jit3A_1080 : i32 to vector<16xi32>
      %select_n3A_1083 = arith.select %and3A_1078, %broadcast_in_dim3A_1081, %broadcast_in_dim3A_1082 : vector<16xi1>, vector<16xi32>
      %sub3A_1084 = arith.subi %sub3A_1069, %select_n3A_1083 : vector<16xi32>
      %min3A_1085 = arith.constant 127 : i32
      %min3A_1086 = vector.broadcast %min3A_1085 : i32 to vector<16xi32>
      %min3A_1087 = arith.minsi %sub3A_1084, %min3A_1086 : vector<16xi32>
      %max3A_1088 = arith.constant 0 : i32
      %max3A_1089 = vector.broadcast %max3A_1088 : i32 to vector<16xi32>
      %max3A_1090 = arith.maxsi %min3A_1087, %max3A_1089 : vector<16xi32>
      %add3A_1091 = arith.constant 5.000000e-01 : f32
      %add3A_1092 = vector.broadcast %add3A_1091 : f32 to vector<16xf32>
      %add3A_1093 = arith.addf %add3A_898, %add3A_1092 : vector<16xf32>
      %convert_element_type3A_1094 = arith.fptosi %add3A_1093 : vector<16xf32> to vector<16xi32>
      %convert_element_type3A_1095 = arith.sitofp %convert_element_type3A_1094 : vector<16xi32> to vector<16xf32>
      %gt3A_1096 = arith.cmpf ogt, %convert_element_type3A_1095, %add3A_1093 : vector<16xf32>
      %jit3A_1097 = arith.constant 1 : i32
      %jit3A_1098 = arith.constant 0 : i32
      %broadcast_in_dim3A_1099 = vector.broadcast %jit3A_1097 : i32 to vector<16xi32>
      %broadcast_in_dim3A_1100 = vector.broadcast %jit3A_1098 : i32 to vector<16xi32>
      %select_n3A_1101 = arith.select %gt3A_1096, %broadcast_in_dim3A_1099, %broadcast_in_dim3A_1100 : vector<16xi1>, vector<16xi32>
      %sub3A_1102 = arith.subi %convert_element_type3A_1094, %select_n3A_1101 : vector<16xi32>
      %convert_element_type3A_1103 = arith.sitofp %sub3A_1102 : vector<16xi32> to vector<16xf32>
      %eq3A_1104 = arith.cmpf oeq, %convert_element_type3A_1103, %add3A_1093 : vector<16xf32>
      %and3A_1105 = arith.constant 1 : i32
      %and3A_1106 = vector.broadcast %and3A_1105 : i32 to vector<16xi32>
      %and3A_1107 = arith.andi %sub3A_1102, %and3A_1106 : vector<16xi32>
      %eq3A_1108 = arith.constant 1 : i32
      %eq3A_1109 = vector.broadcast %eq3A_1108 : i32 to vector<16xi32>
      %eq3A_1110 = arith.cmpi eq, %and3A_1107, %eq3A_1109 : vector<16xi32>
      %and3A_1111 = arith.andi %eq3A_1104, %eq3A_1110 : vector<16xi1>
      %jit3A_1112 = arith.constant 1 : i32
      %jit3A_1113 = arith.constant 0 : i32
      %broadcast_in_dim3A_1114 = vector.broadcast %jit3A_1112 : i32 to vector<16xi32>
      %broadcast_in_dim3A_1115 = vector.broadcast %jit3A_1113 : i32 to vector<16xi32>
      %select_n3A_1116 = arith.select %and3A_1111, %broadcast_in_dim3A_1114, %broadcast_in_dim3A_1115 : vector<16xi1>, vector<16xi32>
      %sub3A_1117 = arith.subi %sub3A_1102, %select_n3A_1116 : vector<16xi32>
      %min3A_1118 = arith.constant 127 : i32
      %min3A_1119 = vector.broadcast %min3A_1118 : i32 to vector<16xi32>
      %min3A_1120 = arith.minsi %sub3A_1117, %min3A_1119 : vector<16xi32>
      %max3A_1121 = arith.constant 0 : i32
      %max3A_1122 = vector.broadcast %max3A_1121 : i32 to vector<16xi32>
      %max3A_1123 = arith.maxsi %min3A_1120, %max3A_1122 : vector<16xi32>
      %add3A_1124 = arith.constant 5.000000e-01 : f32
      %add3A_1125 = vector.broadcast %add3A_1124 : f32 to vector<16xf32>
      %add3A_1126 = arith.addf %add3A_903, %add3A_1125 : vector<16xf32>
      %convert_element_type3A_1127 = arith.fptosi %add3A_1126 : vector<16xf32> to vector<16xi32>
      %convert_element_type3A_1128 = arith.sitofp %convert_element_type3A_1127 : vector<16xi32> to vector<16xf32>
      %gt3A_1129 = arith.cmpf ogt, %convert_element_type3A_1128, %add3A_1126 : vector<16xf32>
      %jit3A_1130 = arith.constant 1 : i32
      %jit3A_1131 = arith.constant 0 : i32
      %broadcast_in_dim3A_1132 = vector.broadcast %jit3A_1130 : i32 to vector<16xi32>
      %broadcast_in_dim3A_1133 = vector.broadcast %jit3A_1131 : i32 to vector<16xi32>
      %select_n3A_1134 = arith.select %gt3A_1129, %broadcast_in_dim3A_1132, %broadcast_in_dim3A_1133 : vector<16xi1>, vector<16xi32>
      %sub3A_1135 = arith.subi %convert_element_type3A_1127, %select_n3A_1134 : vector<16xi32>
      %convert_element_type3A_1136 = arith.sitofp %sub3A_1135 : vector<16xi32> to vector<16xf32>
      %eq3A_1137 = arith.cmpf oeq, %convert_element_type3A_1136, %add3A_1126 : vector<16xf32>
      %and3A_1138 = arith.constant 1 : i32
      %and3A_1139 = vector.broadcast %and3A_1138 : i32 to vector<16xi32>
      %and3A_1140 = arith.andi %sub3A_1135, %and3A_1139 : vector<16xi32>
      %eq3A_1141 = arith.constant 1 : i32
      %eq3A_1142 = vector.broadcast %eq3A_1141 : i32 to vector<16xi32>
      %eq3A_1143 = arith.cmpi eq, %and3A_1140, %eq3A_1142 : vector<16xi32>
      %and3A_1144 = arith.andi %eq3A_1137, %eq3A_1143 : vector<16xi1>
      %jit3A_1145 = arith.constant 1 : i32
      %jit3A_1146 = arith.constant 0 : i32
      %broadcast_in_dim3A_1147 = vector.broadcast %jit3A_1145 : i32 to vector<16xi32>
      %broadcast_in_dim3A_1148 = vector.broadcast %jit3A_1146 : i32 to vector<16xi32>
      %select_n3A_1149 = arith.select %and3A_1144, %broadcast_in_dim3A_1147, %broadcast_in_dim3A_1148 : vector<16xi1>, vector<16xi32>
      %sub3A_1150 = arith.subi %sub3A_1135, %select_n3A_1149 : vector<16xi32>
      %min3A_1151 = arith.constant 127 : i32
      %min3A_1152 = vector.broadcast %min3A_1151 : i32 to vector<16xi32>
      %min3A_1153 = arith.minsi %sub3A_1150, %min3A_1152 : vector<16xi32>
      %max3A_1154 = arith.constant 0 : i32
      %max3A_1155 = vector.broadcast %max3A_1154 : i32 to vector<16xi32>
      %max3A_1156 = arith.maxsi %min3A_1153, %max3A_1155 : vector<16xi32>
      %shift_left3A_1157 = arith.constant 14 : i32
      %shift_left3A_1158 = vector.broadcast %shift_left3A_1157 : i32 to vector<16xi32>
      %shift_left3A_1159 = arith.shli %max3A_1090, %shift_left3A_1158 : vector<16xi32>
      %add3A_1160 = vector.broadcast %mul3A_22 : i32 to vector<16xi32>
      %add3A_1161 = arith.addi %add3A_1160, %shift_left3A_1159 : vector<16xi32>
      %shift_left3A_1162 = arith.constant 7 : i32
      %shift_left3A_1163 = vector.broadcast %shift_left3A_1162 : i32 to vector<16xi32>
      %shift_left3A_1164 = arith.shli %max3A_1123, %shift_left3A_1163 : vector<16xi32>
      %add3A_1165 = arith.addi %add3A_1161, %shift_left3A_1164 : vector<16xi32>
      %add3A_1166 = arith.addi %add3A_1165, %max3A_1156 : vector<16xi32>
      %swap3A_1167 = arith.constant 8 : i32
      %swap3A_1168 = arith.index_cast %swap3A_1167 : i32 to index
      %swap3A_1169 = arith.constant 48 : index
      %swap3A_1170 = tpu.vector_load %arg8[%swap3A_1168, %swap3A_1169] {strides = array<i32>} : memref<9x128xi32, #tpu.memory_space<vmem>>, vector<16xi32>,
      tpu.vector_store %arg8[%swap3A_1168, %swap3A_1169], %add3A_1166 {strides = array<i32>} : memref<9x128xi32, #tpu.memory_space<vmem>>, vector<16xi32>,
      %iota3A_1171 = tpu.iota {dimensions = array<i32: 0>} : vector<16xi32>
      %add3A_1172 = arith.constant 64 : i32
      %add3A_1173 = vector.broadcast %add3A_1172 : i32 to vector<16xi32>
      %add3A_1174 = arith.addi %iota3A_1171, %add3A_1173 : vector<16xi32>
      %convert_element_type3A_1175 = arith.sitofp %add3A_1174 : vector<16xi32> to vector<16xf32>
      %add3A_1176 = arith.constant 192 : i32
      %add3A_1177 = vector.broadcast %add3A_1176 : i32 to vector<16xi32>
      %add3A_1178 = arith.addi %mul3A_3, %add3A_1177 : vector<16xi32>
      %gather3A_1179 = tpu.vector_load_idx %arg7[%add3A_1178] : memref<384xf32, #tpu.memory_space<vmem>>[vector<16xi32>], vector<16xf32>,
      %add3A_1180 = vector.broadcast %convert_element_type3A : f32 to vector<16xf32>
      %add3A_1181 = arith.addf %gather3A_1179, %add3A_1180 : vector<16xf32>
      %add3A_1182 = arith.constant 1 : i32
      %add3A_1183 = vector.broadcast %add3A_1182 : i32 to vector<16xi32>
      %add3A_1184 = arith.addi %add3A_1178, %add3A_1183 : vector<16xi32>
      %gather3A_1185 = tpu.vector_load_idx %arg7[%add3A_1184] : memref<384xf32, #tpu.memory_space<vmem>>[vector<16xi32>], vector<16xf32>,
      %add3A_1186 = vector.broadcast %convert_element_type3A_23 : f32 to vector<16xf32>
      %add3A_1187 = arith.addf %gather3A_1185, %add3A_1186 : vector<16xf32>
      %add3A_1188 = arith.constant 2 : i32
      %add3A_1189 = vector.broadcast %add3A_1188 : i32 to vector<16xi32>
      %add3A_1190 = arith.addi %add3A_1178, %add3A_1189 : vector<16xi32>
      %gather3A_1191 = tpu.vector_load_idx %arg7[%add3A_1190] : memref<384xf32, #tpu.memory_space<vmem>>[vector<16xi32>], vector<16xf32>,
      %add3A_1192 = arith.addf %gather3A_1191, %convert_element_type3A_1175 : vector<16xf32>
      %convert_element_type3A_1193 = arith.fptosi %add3A_1181 : vector<16xf32> to vector<16xi32>
      %convert_element_type3A_1194 = arith.sitofp %convert_element_type3A_1193 : vector<16xi32> to vector<16xf32>
      %gt3A_1195 = arith.cmpf ogt, %convert_element_type3A_1194, %add3A_1181 : vector<16xf32>
      %jit3A_1196 = arith.constant 1 : i32
      %jit3A_1197 = arith.constant 0 : i32
      %broadcast_in_dim3A_1198 = vector.broadcast %jit3A_1196 : i32 to vector<16xi32>
      %broadcast_in_dim3A_1199 = vector.broadcast %jit3A_1197 : i32 to vector<16xi32>
      %select_n3A_1200 = arith.select %gt3A_1195, %broadcast_in_dim3A_1198, %broadcast_in_dim3A_1199 : vector<16xi1>, vector<16xi32>
      %sub3A_1201 = arith.subi %convert_element_type3A_1193, %select_n3A_1200 : vector<16xi32>
      %convert_element_type3A_1202 = arith.fptosi %add3A_1187 : vector<16xf32> to vector<16xi32>
      %convert_element_type3A_1203 = arith.sitofp %convert_element_type3A_1202 : vector<16xi32> to vector<16xf32>
      %gt3A_1204 = arith.cmpf ogt, %convert_element_type3A_1203, %add3A_1187 : vector<16xf32>
      %jit3A_1205 = arith.constant 1 : i32
      %jit3A_1206 = arith.constant 0 : i32
      %broadcast_in_dim3A_1207 = vector.broadcast %jit3A_1205 : i32 to vector<16xi32>
      %broadcast_in_dim3A_1208 = vector.broadcast %jit3A_1206 : i32 to vector<16xi32>
      %select_n3A_1209 = arith.select %gt3A_1204, %broadcast_in_dim3A_1207, %broadcast_in_dim3A_1208 : vector<16xi1>, vector<16xi32>
      %sub3A_1210 = arith.subi %convert_element_type3A_1202, %select_n3A_1209 : vector<16xi32>
      %convert_element_type3A_1211 = arith.fptosi %add3A_1192 : vector<16xf32> to vector<16xi32>
      %convert_element_type3A_1212 = arith.sitofp %convert_element_type3A_1211 : vector<16xi32> to vector<16xf32>
      %gt3A_1213 = arith.cmpf ogt, %convert_element_type3A_1212, %add3A_1192 : vector<16xf32>
      %jit3A_1214 = arith.constant 1 : i32
      %jit3A_1215 = arith.constant 0 : i32
      %broadcast_in_dim3A_1216 = vector.broadcast %jit3A_1214 : i32 to vector<16xi32>
      %broadcast_in_dim3A_1217 = vector.broadcast %jit3A_1215 : i32 to vector<16xi32>
      %select_n3A_1218 = arith.select %gt3A_1213, %broadcast_in_dim3A_1216, %broadcast_in_dim3A_1217 : vector<16xi1>, vector<16xi32>
      %sub3A_1219 = arith.subi %convert_element_type3A_1211, %select_n3A_1218 : vector<16xi32>
      %convert_element_type3A_1220 = arith.sitofp %sub3A_1201 : vector<16xi32> to vector<16xf32>
      %sub3A_1221 = arith.subf %add3A_1181, %convert_element_type3A_1220 : vector<16xf32>
      %swap3A_1222 = arith.constant 0 : i32
      %swap3A_1223 = arith.index_cast %swap3A_1222 : i32 to index
      %swap3A_1224 = arith.constant 64 : index
      %swap3A_1225 = tpu.vector_load %arg10[%swap3A_1223, %swap3A_1224] {strides = array<i32>} : memref<3x128xf32, #tpu.memory_space<vmem>>, vector<16xf32>,
      tpu.vector_store %arg10[%swap3A_1223, %swap3A_1224], %sub3A_1221 {strides = array<i32>} : memref<3x128xf32, #tpu.memory_space<vmem>>, vector<16xf32>,
      %convert_element_type3A_1226 = arith.sitofp %sub3A_1210 : vector<16xi32> to vector<16xf32>
      %sub3A_1227 = arith.subf %add3A_1187, %convert_element_type3A_1226 : vector<16xf32>
      %swap3A_1228 = arith.constant 1 : i32
      %swap3A_1229 = arith.index_cast %swap3A_1228 : i32 to index
      %swap3A_1230 = arith.constant 64 : index
      %swap3A_1231 = tpu.vector_load %arg10[%swap3A_1229, %swap3A_1230] {strides = array<i32>} : memref<3x128xf32, #tpu.memory_space<vmem>>, vector<16xf32>,
      tpu.vector_store %arg10[%swap3A_1229, %swap3A_1230], %sub3A_1227 {strides = array<i32>} : memref<3x128xf32, #tpu.memory_space<vmem>>, vector<16xf32>,
      %convert_element_type3A_1232 = arith.sitofp %sub3A_1219 : vector<16xi32> to vector<16xf32>
      %sub3A_1233 = arith.subf %add3A_1192, %convert_element_type3A_1232 : vector<16xf32>
      %swap3A_1234 = arith.constant 2 : i32
      %swap3A_1235 = arith.index_cast %swap3A_1234 : i32 to index
      %swap3A_1236 = arith.constant 64 : index
      %swap3A_1237 = tpu.vector_load %arg10[%swap3A_1235, %swap3A_1236] {strides = array<i32>} : memref<3x128xf32, #tpu.memory_space<vmem>>, vector<16xf32>,
      tpu.vector_store %arg10[%swap3A_1235, %swap3A_1236], %sub3A_1233 {strides = array<i32>} : memref<3x128xf32, #tpu.memory_space<vmem>>, vector<16xf32>,
      %min3A_1238 = arith.constant 127 : i32
      %min3A_1239 = vector.broadcast %min3A_1238 : i32 to vector<16xi32>
      %min3A_1240 = arith.minsi %sub3A_1201, %min3A_1239 : vector<16xi32>
      %max3A_1241 = arith.constant 0 : i32
      %max3A_1242 = vector.broadcast %max3A_1241 : i32 to vector<16xi32>
      %max3A_1243 = arith.maxsi %min3A_1240, %max3A_1242 : vector<16xi32>
      %shift_left3A_1244 = arith.constant 14 : i32
      %shift_left3A_1245 = vector.broadcast %shift_left3A_1244 : i32 to vector<16xi32>
      %shift_left3A_1246 = arith.shli %max3A_1243, %shift_left3A_1245 : vector<16xi32>
      %add3A_1247 = arith.constant 1 : i32
      %add3A_1248 = vector.broadcast %add3A_1247 : i32 to vector<16xi32>
      %add3A_1249 = arith.addi %sub3A_1201, %add3A_1248 : vector<16xi32>
      %min3A_1250 = arith.constant 127 : i32
      %min3A_1251 = vector.broadcast %min3A_1250 : i32 to vector<16xi32>
      %min3A_1252 = arith.minsi %add3A_1249, %min3A_1251 : vector<16xi32>
      %max3A_1253 = arith.constant 0 : i32
      %max3A_1254 = vector.broadcast %max3A_1253 : i32 to vector<16xi32>
      %max3A_1255 = arith.maxsi %min3A_1252, %max3A_1254 : vector<16xi32>
      %shift_left3A_1256 = arith.constant 14 : i32
      %shift_left3A_1257 = vector.broadcast %shift_left3A_1256 : i32 to vector<16xi32>
      %shift_left3A_1258 = arith.shli %max3A_1255, %shift_left3A_1257 : vector<16xi32>
      %min3A_1259 = arith.constant 127 : i32
      %min3A_1260 = vector.broadcast %min3A_1259 : i32 to vector<16xi32>
      %min3A_1261 = arith.minsi %sub3A_1210, %min3A_1260 : vector<16xi32>
      %max3A_1262 = arith.constant 0 : i32
      %max3A_1263 = vector.broadcast %max3A_1262 : i32 to vector<16xi32>
      %max3A_1264 = arith.maxsi %min3A_1261, %max3A_1263 : vector<16xi32>
      %shift_left3A_1265 = arith.constant 7 : i32
      %shift_left3A_1266 = vector.broadcast %shift_left3A_1265 : i32 to vector<16xi32>
      %shift_left3A_1267 = arith.shli %max3A_1264, %shift_left3A_1266 : vector<16xi32>
      %add3A_1268 = arith.constant 1 : i32
      %add3A_1269 = vector.broadcast %add3A_1268 : i32 to vector<16xi32>
      %add3A_1270 = arith.addi %sub3A_1210, %add3A_1269 : vector<16xi32>
      %min3A_1271 = arith.constant 127 : i32
      %min3A_1272 = vector.broadcast %min3A_1271 : i32 to vector<16xi32>
      %min3A_1273 = arith.minsi %add3A_1270, %min3A_1272 : vector<16xi32>
      %max3A_1274 = arith.constant 0 : i32
      %max3A_1275 = vector.broadcast %max3A_1274 : i32 to vector<16xi32>
      %max3A_1276 = arith.maxsi %min3A_1273, %max3A_1275 : vector<16xi32>
      %shift_left3A_1277 = arith.constant 7 : i32
      %shift_left3A_1278 = vector.broadcast %shift_left3A_1277 : i32 to vector<16xi32>
      %shift_left3A_1279 = arith.shli %max3A_1276, %shift_left3A_1278 : vector<16xi32>
      %min3A_1280 = arith.constant 127 : i32
      %min3A_1281 = vector.broadcast %min3A_1280 : i32 to vector<16xi32>
      %min3A_1282 = arith.minsi %sub3A_1219, %min3A_1281 : vector<16xi32>
      %max3A_1283 = arith.constant 0 : i32
      %max3A_1284 = vector.broadcast %max3A_1283 : i32 to vector<16xi32>
      %max3A_1285 = arith.maxsi %min3A_1282, %max3A_1284 : vector<16xi32>
      %add3A_1286 = arith.constant 1 : i32
      %add3A_1287 = vector.broadcast %add3A_1286 : i32 to vector<16xi32>
      %add3A_1288 = arith.addi %sub3A_1219, %add3A_1287 : vector<16xi32>
      %min3A_1289 = arith.constant 127 : i32
      %min3A_1290 = vector.broadcast %min3A_1289 : i32 to vector<16xi32>
      %min3A_1291 = arith.minsi %add3A_1288, %min3A_1290 : vector<16xi32>
      %max3A_1292 = arith.constant 0 : i32
      %max3A_1293 = vector.broadcast %max3A_1292 : i32 to vector<16xi32>
      %max3A_1294 = arith.maxsi %min3A_1291, %max3A_1293 : vector<16xi32>
      %add3A_1295 = vector.broadcast %mul3A_22 : i32 to vector<16xi32>
      %add3A_1296 = arith.addi %add3A_1295, %shift_left3A_1246 : vector<16xi32>
      %add3A_1297 = arith.addi %add3A_1296, %shift_left3A_1267 : vector<16xi32>
      %add3A_1298 = vector.broadcast %mul3A_22 : i32 to vector<16xi32>
      %add3A_1299 = arith.addi %add3A_1298, %shift_left3A_1246 : vector<16xi32>
      %add3A_1300 = arith.addi %add3A_1299, %shift_left3A_1279 : vector<16xi32>
      %add3A_1301 = vector.broadcast %mul3A_22 : i32 to vector<16xi32>
      %add3A_1302 = arith.addi %add3A_1301, %shift_left3A_1258 : vector<16xi32>
      %add3A_1303 = arith.addi %add3A_1302, %shift_left3A_1267 : vector<16xi32>
      %add3A_1304 = vector.broadcast %mul3A_22 : i32 to vector<16xi32>
      %add3A_1305 = arith.addi %add3A_1304, %shift_left3A_1258 : vector<16xi32>
      %add3A_1306 = arith.addi %add3A_1305, %shift_left3A_1279 : vector<16xi32>
      %add3A_1307 = arith.addi %add3A_1297, %max3A_1285 : vector<16xi32>
      %swap3A_1308 = arith.constant 0 : i32
      %swap3A_1309 = arith.index_cast %swap3A_1308 : i32 to index
      %swap3A_1310 = arith.constant 64 : index
      %swap3A_1311 = tpu.vector_load %arg8[%swap3A_1309, %swap3A_1310] {strides = array<i32>} : memref<9x128xi32, #tpu.memory_space<vmem>>, vector<16xi32>,
      tpu.vector_store %arg8[%swap3A_1309, %swap3A_1310], %add3A_1307 {strides = array<i32>} : memref<9x128xi32, #tpu.memory_space<vmem>>, vector<16xi32>,
      %add3A_1312 = arith.addi %add3A_1297, %max3A_1294 : vector<16xi32>
      %swap3A_1313 = arith.constant 1 : i32
      %swap3A_1314 = arith.index_cast %swap3A_1313 : i32 to index
      %swap3A_1315 = arith.constant 64 : index
      %swap3A_1316 = tpu.vector_load %arg8[%swap3A_1314, %swap3A_1315] {strides = array<i32>} : memref<9x128xi32, #tpu.memory_space<vmem>>, vector<16xi32>,
      tpu.vector_store %arg8[%swap3A_1314, %swap3A_1315], %add3A_1312 {strides = array<i32>} : memref<9x128xi32, #tpu.memory_space<vmem>>, vector<16xi32>,
      %add3A_1317 = arith.addi %add3A_1300, %max3A_1285 : vector<16xi32>
      %swap3A_1318 = arith.constant 2 : i32
      %swap3A_1319 = arith.index_cast %swap3A_1318 : i32 to index
      %swap3A_1320 = arith.constant 64 : index
      %swap3A_1321 = tpu.vector_load %arg8[%swap3A_1319, %swap3A_1320] {strides = array<i32>} : memref<9x128xi32, #tpu.memory_space<vmem>>, vector<16xi32>,
      tpu.vector_store %arg8[%swap3A_1319, %swap3A_1320], %add3A_1317 {strides = array<i32>} : memref<9x128xi32, #tpu.memory_space<vmem>>, vector<16xi32>,
      %add3A_1322 = arith.addi %add3A_1300, %max3A_1294 : vector<16xi32>
      %swap3A_1323 = arith.constant 3 : i32
      %swap3A_1324 = arith.index_cast %swap3A_1323 : i32 to index
      %swap3A_1325 = arith.constant 64 : index
      %swap3A_1326 = tpu.vector_load %arg8[%swap3A_1324, %swap3A_1325] {strides = array<i32>} : memref<9x128xi32, #tpu.memory_space<vmem>>, vector<16xi32>,
      tpu.vector_store %arg8[%swap3A_1324, %swap3A_1325], %add3A_1322 {strides = array<i32>} : memref<9x128xi32, #tpu.memory_space<vmem>>, vector<16xi32>,
      %add3A_1327 = arith.addi %add3A_1303, %max3A_1285 : vector<16xi32>
      %swap3A_1328 = arith.constant 4 : i32
      %swap3A_1329 = arith.index_cast %swap3A_1328 : i32 to index
      %swap3A_1330 = arith.constant 64 : index
      %swap3A_1331 = tpu.vector_load %arg8[%swap3A_1329, %swap3A_1330] {strides = array<i32>} : memref<9x128xi32, #tpu.memory_space<vmem>>, vector<16xi32>,
      tpu.vector_store %arg8[%swap3A_1329, %swap3A_1330], %add3A_1327 {strides = array<i32>} : memref<9x128xi32, #tpu.memory_space<vmem>>, vector<16xi32>,
      %add3A_1332 = arith.addi %add3A_1303, %max3A_1294 : vector<16xi32>
      %swap3A_1333 = arith.constant 5 : i32
      %swap3A_1334 = arith.index_cast %swap3A_1333 : i32 to index
      %swap3A_1335 = arith.constant 64 : index
      %swap3A_1336 = tpu.vector_load %arg8[%swap3A_1334, %swap3A_1335] {strides = array<i32>} : memref<9x128xi32, #tpu.memory_space<vmem>>, vector<16xi32>,
      tpu.vector_store %arg8[%swap3A_1334, %swap3A_1335], %add3A_1332 {strides = array<i32>} : memref<9x128xi32, #tpu.memory_space<vmem>>, vector<16xi32>,
      %add3A_1337 = arith.addi %add3A_1306, %max3A_1285 : vector<16xi32>
      %swap3A_1338 = arith.constant 6 : i32
      %swap3A_1339 = arith.index_cast %swap3A_1338 : i32 to index
      %swap3A_1340 = arith.constant 64 : index
      %swap3A_1341 = tpu.vector_load %arg8[%swap3A_1339, %swap3A_1340] {strides = array<i32>} : memref<9x128xi32, #tpu.memory_space<vmem>>, vector<16xi32>,
      tpu.vector_store %arg8[%swap3A_1339, %swap3A_1340], %add3A_1337 {strides = array<i32>} : memref<9x128xi32, #tpu.memory_space<vmem>>, vector<16xi32>,
      %add3A_1342 = arith.addi %add3A_1306, %max3A_1294 : vector<16xi32>
      %swap3A_1343 = arith.constant 7 : i32
      %swap3A_1344 = arith.index_cast %swap3A_1343 : i32 to index
      %swap3A_1345 = arith.constant 64 : index
      %swap3A_1346 = tpu.vector_load %arg8[%swap3A_1344, %swap3A_1345] {strides = array<i32>} : memref<9x128xi32, #tpu.memory_space<vmem>>, vector<16xi32>,
      tpu.vector_store %arg8[%swap3A_1344, %swap3A_1345], %add3A_1342 {strides = array<i32>} : memref<9x128xi32, #tpu.memory_space<vmem>>, vector<16xi32>,
      %add3A_1347 = arith.constant 5.000000e-01 : f32
      %add3A_1348 = vector.broadcast %add3A_1347 : f32 to vector<16xf32>
      %add3A_1349 = arith.addf %add3A_1181, %add3A_1348 : vector<16xf32>
      %convert_element_type3A_1350 = arith.fptosi %add3A_1349 : vector<16xf32> to vector<16xi32>
      %convert_element_type3A_1351 = arith.sitofp %convert_element_type3A_1350 : vector<16xi32> to vector<16xf32>
      %gt3A_1352 = arith.cmpf ogt, %convert_element_type3A_1351, %add3A_1349 : vector<16xf32>
      %jit3A_1353 = arith.constant 1 : i32
      %jit3A_1354 = arith.constant 0 : i32
      %broadcast_in_dim3A_1355 = vector.broadcast %jit3A_1353 : i32 to vector<16xi32>
      %broadcast_in_dim3A_1356 = vector.broadcast %jit3A_1354 : i32 to vector<16xi32>
      %select_n3A_1357 = arith.select %gt3A_1352, %broadcast_in_dim3A_1355, %broadcast_in_dim3A_1356 : vector<16xi1>, vector<16xi32>
      %sub3A_1358 = arith.subi %convert_element_type3A_1350, %select_n3A_1357 : vector<16xi32>
      %convert_element_type3A_1359 = arith.sitofp %sub3A_1358 : vector<16xi32> to vector<16xf32>
      %eq3A_1360 = arith.cmpf oeq, %convert_element_type3A_1359, %add3A_1349 : vector<16xf32>
      %and3A_1361 = arith.constant 1 : i32
      %and3A_1362 = vector.broadcast %and3A_1361 : i32 to vector<16xi32>
      %and3A_1363 = arith.andi %sub3A_1358, %and3A_1362 : vector<16xi32>
      %eq3A_1364 = arith.constant 1 : i32
      %eq3A_1365 = vector.broadcast %eq3A_1364 : i32 to vector<16xi32>
      %eq3A_1366 = arith.cmpi eq, %and3A_1363, %eq3A_1365 : vector<16xi32>
      %and3A_1367 = arith.andi %eq3A_1360, %eq3A_1366 : vector<16xi1>
      %jit3A_1368 = arith.constant 1 : i32
      %jit3A_1369 = arith.constant 0 : i32
      %broadcast_in_dim3A_1370 = vector.broadcast %jit3A_1368 : i32 to vector<16xi32>
      %broadcast_in_dim3A_1371 = vector.broadcast %jit3A_1369 : i32 to vector<16xi32>
      %select_n3A_1372 = arith.select %and3A_1367, %broadcast_in_dim3A_1370, %broadcast_in_dim3A_1371 : vector<16xi1>, vector<16xi32>
      %sub3A_1373 = arith.subi %sub3A_1358, %select_n3A_1372 : vector<16xi32>
      %min3A_1374 = arith.constant 127 : i32
      %min3A_1375 = vector.broadcast %min3A_1374 : i32 to vector<16xi32>
      %min3A_1376 = arith.minsi %sub3A_1373, %min3A_1375 : vector<16xi32>
      %max3A_1377 = arith.constant 0 : i32
      %max3A_1378 = vector.broadcast %max3A_1377 : i32 to vector<16xi32>
      %max3A_1379 = arith.maxsi %min3A_1376, %max3A_1378 : vector<16xi32>
      %add3A_1380 = arith.constant 5.000000e-01 : f32
      %add3A_1381 = vector.broadcast %add3A_1380 : f32 to vector<16xf32>
      %add3A_1382 = arith.addf %add3A_1187, %add3A_1381 : vector<16xf32>
      %convert_element_type3A_1383 = arith.fptosi %add3A_1382 : vector<16xf32> to vector<16xi32>
      %convert_element_type3A_1384 = arith.sitofp %convert_element_type3A_1383 : vector<16xi32> to vector<16xf32>
      %gt3A_1385 = arith.cmpf ogt, %convert_element_type3A_1384, %add3A_1382 : vector<16xf32>
      %jit3A_1386 = arith.constant 1 : i32
      %jit3A_1387 = arith.constant 0 : i32
      %broadcast_in_dim3A_1388 = vector.broadcast %jit3A_1386 : i32 to vector<16xi32>
      %broadcast_in_dim3A_1389 = vector.broadcast %jit3A_1387 : i32 to vector<16xi32>
      %select_n3A_1390 = arith.select %gt3A_1385, %broadcast_in_dim3A_1388, %broadcast_in_dim3A_1389 : vector<16xi1>, vector<16xi32>
      %sub3A_1391 = arith.subi %convert_element_type3A_1383, %select_n3A_1390 : vector<16xi32>
      %convert_element_type3A_1392 = arith.sitofp %sub3A_1391 : vector<16xi32> to vector<16xf32>
      %eq3A_1393 = arith.cmpf oeq, %convert_element_type3A_1392, %add3A_1382 : vector<16xf32>
      %and3A_1394 = arith.constant 1 : i32
      %and3A_1395 = vector.broadcast %and3A_1394 : i32 to vector<16xi32>
      %and3A_1396 = arith.andi %sub3A_1391, %and3A_1395 : vector<16xi32>
      %eq3A_1397 = arith.constant 1 : i32
      %eq3A_1398 = vector.broadcast %eq3A_1397 : i32 to vector<16xi32>
      %eq3A_1399 = arith.cmpi eq, %and3A_1396, %eq3A_1398 : vector<16xi32>
      %and3A_1400 = arith.andi %eq3A_1393, %eq3A_1399 : vector<16xi1>
      %jit3A_1401 = arith.constant 1 : i32
      %jit3A_1402 = arith.constant 0 : i32
      %broadcast_in_dim3A_1403 = vector.broadcast %jit3A_1401 : i32 to vector<16xi32>
      %broadcast_in_dim3A_1404 = vector.broadcast %jit3A_1402 : i32 to vector<16xi32>
      %select_n3A_1405 = arith.select %and3A_1400, %broadcast_in_dim3A_1403, %broadcast_in_dim3A_1404 : vector<16xi1>, vector<16xi32>
      %sub3A_1406 = arith.subi %sub3A_1391, %select_n3A_1405 : vector<16xi32>
      %min3A_1407 = arith.constant 127 : i32
      %min3A_1408 = vector.broadcast %min3A_1407 : i32 to vector<16xi32>
      %min3A_1409 = arith.minsi %sub3A_1406, %min3A_1408 : vector<16xi32>
      %max3A_1410 = arith.constant 0 : i32
      %max3A_1411 = vector.broadcast %max3A_1410 : i32 to vector<16xi32>
      %max3A_1412 = arith.maxsi %min3A_1409, %max3A_1411 : vector<16xi32>
      %add3A_1413 = arith.constant 5.000000e-01 : f32
      %add3A_1414 = vector.broadcast %add3A_1413 : f32 to vector<16xf32>
      %add3A_1415 = arith.addf %add3A_1192, %add3A_1414 : vector<16xf32>
      %convert_element_type3A_1416 = arith.fptosi %add3A_1415 : vector<16xf32> to vector<16xi32>
      %convert_element_type3A_1417 = arith.sitofp %convert_element_type3A_1416 : vector<16xi32> to vector<16xf32>
      %gt3A_1418 = arith.cmpf ogt, %convert_element_type3A_1417, %add3A_1415 : vector<16xf32>
      %jit3A_1419 = arith.constant 1 : i32
      %jit3A_1420 = arith.constant 0 : i32
      %broadcast_in_dim3A_1421 = vector.broadcast %jit3A_1419 : i32 to vector<16xi32>
      %broadcast_in_dim3A_1422 = vector.broadcast %jit3A_1420 : i32 to vector<16xi32>
      %select_n3A_1423 = arith.select %gt3A_1418, %broadcast_in_dim3A_1421, %broadcast_in_dim3A_1422 : vector<16xi1>, vector<16xi32>
      %sub3A_1424 = arith.subi %convert_element_type3A_1416, %select_n3A_1423 : vector<16xi32>
      %convert_element_type3A_1425 = arith.sitofp %sub3A_1424 : vector<16xi32> to vector<16xf32>
      %eq3A_1426 = arith.cmpf oeq, %convert_element_type3A_1425, %add3A_1415 : vector<16xf32>
      %and3A_1427 = arith.constant 1 : i32
      %and3A_1428 = vector.broadcast %and3A_1427 : i32 to vector<16xi32>
      %and3A_1429 = arith.andi %sub3A_1424, %and3A_1428 : vector<16xi32>
      %eq3A_1430 = arith.constant 1 : i32
      %eq3A_1431 = vector.broadcast %eq3A_1430 : i32 to vector<16xi32>
      %eq3A_1432 = arith.cmpi eq, %and3A_1429, %eq3A_1431 : vector<16xi32>
      %and3A_1433 = arith.andi %eq3A_1426, %eq3A_1432 : vector<16xi1>
      %jit3A_1434 = arith.constant 1 : i32
      %jit3A_1435 = arith.constant 0 : i32
      %broadcast_in_dim3A_1436 = vector.broadcast %jit3A_1434 : i32 to vector<16xi32>
      %broadcast_in_dim3A_1437 = vector.broadcast %jit3A_1435 : i32 to vector<16xi32>
      %select_n3A_1438 = arith.select %and3A_1433, %broadcast_in_dim3A_1436, %broadcast_in_dim3A_1437 : vector<16xi1>, vector<16xi32>
      %sub3A_1439 = arith.subi %sub3A_1424, %select_n3A_1438 : vector<16xi32>
      %min3A_1440 = arith.constant 127 : i32
      %min3A_1441 = vector.broadcast %min3A_1440 : i32 to vector<16xi32>
      %min3A_1442 = arith.minsi %sub3A_1439, %min3A_1441 : vector<16xi32>
      %max3A_1443 = arith.constant 0 : i32
      %max3A_1444 = vector.broadcast %max3A_1443 : i32 to vector<16xi32>
      %max3A_1445 = arith.maxsi %min3A_1442, %max3A_1444 : vector<16xi32>
      %shift_left3A_1446 = arith.constant 14 : i32
      %shift_left3A_1447 = vector.broadcast %shift_left3A_1446 : i32 to vector<16xi32>
      %shift_left3A_1448 = arith.shli %max3A_1379, %shift_left3A_1447 : vector<16xi32>
      %add3A_1449 = vector.broadcast %mul3A_22 : i32 to vector<16xi32>
      %add3A_1450 = arith.addi %add3A_1449, %shift_left3A_1448 : vector<16xi32>
      %shift_left3A_1451 = arith.constant 7 : i32
      %shift_left3A_1452 = vector.broadcast %shift_left3A_1451 : i32 to vector<16xi32>
      %shift_left3A_1453 = arith.shli %max3A_1412, %shift_left3A_1452 : vector<16xi32>
      %add3A_1454 = arith.addi %add3A_1450, %shift_left3A_1453 : vector<16xi32>
      %add3A_1455 = arith.addi %add3A_1454, %max3A_1445 : vector<16xi32>
      %swap3A_1456 = arith.constant 8 : i32
      %swap3A_1457 = arith.index_cast %swap3A_1456 : i32 to index
      %swap3A_1458 = arith.constant 64 : index
      %swap3A_1459 = tpu.vector_load %arg8[%swap3A_1457, %swap3A_1458] {strides = array<i32>} : memref<9x128xi32, #tpu.memory_space<vmem>>, vector<16xi32>,
      tpu.vector_store %arg8[%swap3A_1457, %swap3A_1458], %add3A_1455 {strides = array<i32>} : memref<9x128xi32, #tpu.memory_space<vmem>>, vector<16xi32>,
      %iota3A_1460 = tpu.iota {dimensions = array<i32: 0>} : vector<16xi32>
      %add3A_1461 = arith.constant 80 : i32
      %add3A_1462 = vector.broadcast %add3A_1461 : i32 to vector<16xi32>
      %add3A_1463 = arith.addi %iota3A_1460, %add3A_1462 : vector<16xi32>
      %convert_element_type3A_1464 = arith.sitofp %add3A_1463 : vector<16xi32> to vector<16xf32>
      %add3A_1465 = arith.constant 240 : i32
      %add3A_1466 = vector.broadcast %add3A_1465 : i32 to vector<16xi32>
      %add3A_1467 = arith.addi %mul3A_3, %add3A_1466 : vector<16xi32>
      %gather3A_1468 = tpu.vector_load_idx %arg7[%add3A_1467] : memref<384xf32, #tpu.memory_space<vmem>>[vector<16xi32>], vector<16xf32>,
      %add3A_1469 = vector.broadcast %convert_element_type3A : f32 to vector<16xf32>
      %add3A_1470 = arith.addf %gather3A_1468, %add3A_1469 : vector<16xf32>
      %add3A_1471 = arith.constant 1 : i32
      %add3A_1472 = vector.broadcast %add3A_1471 : i32 to vector<16xi32>
      %add3A_1473 = arith.addi %add3A_1467, %add3A_1472 : vector<16xi32>
      %gather3A_1474 = tpu.vector_load_idx %arg7[%add3A_1473] : memref<384xf32, #tpu.memory_space<vmem>>[vector<16xi32>], vector<16xf32>,
      %add3A_1475 = vector.broadcast %convert_element_type3A_23 : f32 to vector<16xf32>
      %add3A_1476 = arith.addf %gather3A_1474, %add3A_1475 : vector<16xf32>
      %add3A_1477 = arith.constant 2 : i32
      %add3A_1478 = vector.broadcast %add3A_1477 : i32 to vector<16xi32>
      %add3A_1479 = arith.addi %add3A_1467, %add3A_1478 : vector<16xi32>
      %gather3A_1480 = tpu.vector_load_idx %arg7[%add3A_1479] : memref<384xf32, #tpu.memory_space<vmem>>[vector<16xi32>], vector<16xf32>,
      %add3A_1481 = arith.addf %gather3A_1480, %convert_element_type3A_1464 : vector<16xf32>
      %convert_element_type3A_1482 = arith.fptosi %add3A_1470 : vector<16xf32> to vector<16xi32>
      %convert_element_type3A_1483 = arith.sitofp %convert_element_type3A_1482 : vector<16xi32> to vector<16xf32>
      %gt3A_1484 = arith.cmpf ogt, %convert_element_type3A_1483, %add3A_1470 : vector<16xf32>
      %jit3A_1485 = arith.constant 1 : i32
      %jit3A_1486 = arith.constant 0 : i32
      %broadcast_in_dim3A_1487 = vector.broadcast %jit3A_1485 : i32 to vector<16xi32>
      %broadcast_in_dim3A_1488 = vector.broadcast %jit3A_1486 : i32 to vector<16xi32>
      %select_n3A_1489 = arith.select %gt3A_1484, %broadcast_in_dim3A_1487, %broadcast_in_dim3A_1488 : vector<16xi1>, vector<16xi32>
      %sub3A_1490 = arith.subi %convert_element_type3A_1482, %select_n3A_1489 : vector<16xi32>
      %convert_element_type3A_1491 = arith.fptosi %add3A_1476 : vector<16xf32> to vector<16xi32>
      %convert_element_type3A_1492 = arith.sitofp %convert_element_type3A_1491 : vector<16xi32> to vector<16xf32>
      %gt3A_1493 = arith.cmpf ogt, %convert_element_type3A_1492, %add3A_1476 : vector<16xf32>
      %jit3A_1494 = arith.constant 1 : i32
      %jit3A_1495 = arith.constant 0 : i32
      %broadcast_in_dim3A_1496 = vector.broadcast %jit3A_1494 : i32 to vector<16xi32>
      %broadcast_in_dim3A_1497 = vector.broadcast %jit3A_1495 : i32 to vector<16xi32>
      %select_n3A_1498 = arith.select %gt3A_1493, %broadcast_in_dim3A_1496, %broadcast_in_dim3A_1497 : vector<16xi1>, vector<16xi32>
      %sub3A_1499 = arith.subi %convert_element_type3A_1491, %select_n3A_1498 : vector<16xi32>
      %convert_element_type3A_1500 = arith.fptosi %add3A_1481 : vector<16xf32> to vector<16xi32>
      %convert_element_type3A_1501 = arith.sitofp %convert_element_type3A_1500 : vector<16xi32> to vector<16xf32>
      %gt3A_1502 = arith.cmpf ogt, %convert_element_type3A_1501, %add3A_1481 : vector<16xf32>
      %jit3A_1503 = arith.constant 1 : i32
      %jit3A_1504 = arith.constant 0 : i32
      %broadcast_in_dim3A_1505 = vector.broadcast %jit3A_1503 : i32 to vector<16xi32>
      %broadcast_in_dim3A_1506 = vector.broadcast %jit3A_1504 : i32 to vector<16xi32>
      %select_n3A_1507 = arith.select %gt3A_1502, %broadcast_in_dim3A_1505, %broadcast_in_dim3A_1506 : vector<16xi1>, vector<16xi32>
      %sub3A_1508 = arith.subi %convert_element_type3A_1500, %select_n3A_1507 : vector<16xi32>
      %convert_element_type3A_1509 = arith.sitofp %sub3A_1490 : vector<16xi32> to vector<16xf32>
      %sub3A_1510 = arith.subf %add3A_1470, %convert_element_type3A_1509 : vector<16xf32>
      %swap3A_1511 = arith.constant 0 : i32
      %swap3A_1512 = arith.index_cast %swap3A_1511 : i32 to index
      %swap3A_1513 = arith.constant 80 : index
      %swap3A_1514 = tpu.vector_load %arg10[%swap3A_1512, %swap3A_1513] {strides = array<i32>} : memref<3x128xf32, #tpu.memory_space<vmem>>, vector<16xf32>,
      tpu.vector_store %arg10[%swap3A_1512, %swap3A_1513], %sub3A_1510 {strides = array<i32>} : memref<3x128xf32, #tpu.memory_space<vmem>>, vector<16xf32>,
      %convert_element_type3A_1515 = arith.sitofp %sub3A_1499 : vector<16xi32> to vector<16xf32>
      %sub3A_1516 = arith.subf %add3A_1476, %convert_element_type3A_1515 : vector<16xf32>
      %swap3A_1517 = arith.constant 1 : i32
      %swap3A_1518 = arith.index_cast %swap3A_1517 : i32 to index
      %swap3A_1519 = arith.constant 80 : index
      %swap3A_1520 = tpu.vector_load %arg10[%swap3A_1518, %swap3A_1519] {strides = array<i32>} : memref<3x128xf32, #tpu.memory_space<vmem>>, vector<16xf32>,
      tpu.vector_store %arg10[%swap3A_1518, %swap3A_1519], %sub3A_1516 {strides = array<i32>} : memref<3x128xf32, #tpu.memory_space<vmem>>, vector<16xf32>,
      %convert_element_type3A_1521 = arith.sitofp %sub3A_1508 : vector<16xi32> to vector<16xf32>
      %sub3A_1522 = arith.subf %add3A_1481, %convert_element_type3A_1521 : vector<16xf32>
      %swap3A_1523 = arith.constant 2 : i32
      %swap3A_1524 = arith.index_cast %swap3A_1523 : i32 to index
      %swap3A_1525 = arith.constant 80 : index
      %swap3A_1526 = tpu.vector_load %arg10[%swap3A_1524, %swap3A_1525] {strides = array<i32>} : memref<3x128xf32, #tpu.memory_space<vmem>>, vector<16xf32>,
      tpu.vector_store %arg10[%swap3A_1524, %swap3A_1525], %sub3A_1522 {strides = array<i32>} : memref<3x128xf32, #tpu.memory_space<vmem>>, vector<16xf32>,
      %min3A_1527 = arith.constant 127 : i32
      %min3A_1528 = vector.broadcast %min3A_1527 : i32 to vector<16xi32>
      %min3A_1529 = arith.minsi %sub3A_1490, %min3A_1528 : vector<16xi32>
      %max3A_1530 = arith.constant 0 : i32
      %max3A_1531 = vector.broadcast %max3A_1530 : i32 to vector<16xi32>
      %max3A_1532 = arith.maxsi %min3A_1529, %max3A_1531 : vector<16xi32>
      %shift_left3A_1533 = arith.constant 14 : i32
      %shift_left3A_1534 = vector.broadcast %shift_left3A_1533 : i32 to vector<16xi32>
      %shift_left3A_1535 = arith.shli %max3A_1532, %shift_left3A_1534 : vector<16xi32>
      %add3A_1536 = arith.constant 1 : i32
      %add3A_1537 = vector.broadcast %add3A_1536 : i32 to vector<16xi32>
      %add3A_1538 = arith.addi %sub3A_1490, %add3A_1537 : vector<16xi32>
      %min3A_1539 = arith.constant 127 : i32
      %min3A_1540 = vector.broadcast %min3A_1539 : i32 to vector<16xi32>
      %min3A_1541 = arith.minsi %add3A_1538, %min3A_1540 : vector<16xi32>
      %max3A_1542 = arith.constant 0 : i32
      %max3A_1543 = vector.broadcast %max3A_1542 : i32 to vector<16xi32>
      %max3A_1544 = arith.maxsi %min3A_1541, %max3A_1543 : vector<16xi32>
      %shift_left3A_1545 = arith.constant 14 : i32
      %shift_left3A_1546 = vector.broadcast %shift_left3A_1545 : i32 to vector<16xi32>
      %shift_left3A_1547 = arith.shli %max3A_1544, %shift_left3A_1546 : vector<16xi32>
      %min3A_1548 = arith.constant 127 : i32
      %min3A_1549 = vector.broadcast %min3A_1548 : i32 to vector<16xi32>
      %min3A_1550 = arith.minsi %sub3A_1499, %min3A_1549 : vector<16xi32>
      %max3A_1551 = arith.constant 0 : i32
      %max3A_1552 = vector.broadcast %max3A_1551 : i32 to vector<16xi32>
      %max3A_1553 = arith.maxsi %min3A_1550, %max3A_1552 : vector<16xi32>
      %shift_left3A_1554 = arith.constant 7 : i32
      %shift_left3A_1555 = vector.broadcast %shift_left3A_1554 : i32 to vector<16xi32>
      %shift_left3A_1556 = arith.shli %max3A_1553, %shift_left3A_1555 : vector<16xi32>
      %add3A_1557 = arith.constant 1 : i32
      %add3A_1558 = vector.broadcast %add3A_1557 : i32 to vector<16xi32>
      %add3A_1559 = arith.addi %sub3A_1499, %add3A_1558 : vector<16xi32>
      %min3A_1560 = arith.constant 127 : i32
      %min3A_1561 = vector.broadcast %min3A_1560 : i32 to vector<16xi32>
      %min3A_1562 = arith.minsi %add3A_1559, %min3A_1561 : vector<16xi32>
      %max3A_1563 = arith.constant 0 : i32
      %max3A_1564 = vector.broadcast %max3A_1563 : i32 to vector<16xi32>
      %max3A_1565 = arith.maxsi %min3A_1562, %max3A_1564 : vector<16xi32>
      %shift_left3A_1566 = arith.constant 7 : i32
      %shift_left3A_1567 = vector.broadcast %shift_left3A_1566 : i32 to vector<16xi32>
      %shift_left3A_1568 = arith.shli %max3A_1565, %shift_left3A_1567 : vector<16xi32>
      %min3A_1569 = arith.constant 127 : i32
      %min3A_1570 = vector.broadcast %min3A_1569 : i32 to vector<16xi32>
      %min3A_1571 = arith.minsi %sub3A_1508, %min3A_1570 : vector<16xi32>
      %max3A_1572 = arith.constant 0 : i32
      %max3A_1573 = vector.broadcast %max3A_1572 : i32 to vector<16xi32>
      %max3A_1574 = arith.maxsi %min3A_1571, %max3A_1573 : vector<16xi32>
      %add3A_1575 = arith.constant 1 : i32
      %add3A_1576 = vector.broadcast %add3A_1575 : i32 to vector<16xi32>
      %add3A_1577 = arith.addi %sub3A_1508, %add3A_1576 : vector<16xi32>
      %min3A_1578 = arith.constant 127 : i32
      %min3A_1579 = vector.broadcast %min3A_1578 : i32 to vector<16xi32>
      %min3A_1580 = arith.minsi %add3A_1577, %min3A_1579 : vector<16xi32>
      %max3A_1581 = arith.constant 0 : i32
      %max3A_1582 = vector.broadcast %max3A_1581 : i32 to vector<16xi32>
      %max3A_1583 = arith.maxsi %min3A_1580, %max3A_1582 : vector<16xi32>
      %add3A_1584 = vector.broadcast %mul3A_22 : i32 to vector<16xi32>
      %add3A_1585 = arith.addi %add3A_1584, %shift_left3A_1535 : vector<16xi32>
      %add3A_1586 = arith.addi %add3A_1585, %shift_left3A_1556 : vector<16xi32>
      %add3A_1587 = vector.broadcast %mul3A_22 : i32 to vector<16xi32>
      %add3A_1588 = arith.addi %add3A_1587, %shift_left3A_1535 : vector<16xi32>
      %add3A_1589 = arith.addi %add3A_1588, %shift_left3A_1568 : vector<16xi32>
      %add3A_1590 = vector.broadcast %mul3A_22 : i32 to vector<16xi32>
      %add3A_1591 = arith.addi %add3A_1590, %shift_left3A_1547 : vector<16xi32>
      %add3A_1592 = arith.addi %add3A_1591, %shift_left3A_1556 : vector<16xi32>
      %add3A_1593 = vector.broadcast %mul3A_22 : i32 to vector<16xi32>
      %add3A_1594 = arith.addi %add3A_1593, %shift_left3A_1547 : vector<16xi32>
      %add3A_1595 = arith.addi %add3A_1594, %shift_left3A_1568 : vector<16xi32>
      %add3A_1596 = arith.addi %add3A_1586, %max3A_1574 : vector<16xi32>
      %swap3A_1597 = arith.constant 0 : i32
      %swap3A_1598 = arith.index_cast %swap3A_1597 : i32 to index
      %swap3A_1599 = arith.constant 80 : index
      %swap3A_1600 = tpu.vector_load %arg8[%swap3A_1598, %swap3A_1599] {strides = array<i32>} : memref<9x128xi32, #tpu.memory_space<vmem>>, vector<16xi32>,
      tpu.vector_store %arg8[%swap3A_1598, %swap3A_1599], %add3A_1596 {strides = array<i32>} : memref<9x128xi32, #tpu.memory_space<vmem>>, vector<16xi32>,
      %add3A_1601 = arith.addi %add3A_1586, %max3A_1583 : vector<16xi32>
      %swap3A_1602 = arith.constant 1 : i32
      %swap3A_1603 = arith.index_cast %swap3A_1602 : i32 to index
      %swap3A_1604 = arith.constant 80 : index
      %swap3A_1605 = tpu.vector_load %arg8[%swap3A_1603, %swap3A_1604] {strides = array<i32>} : memref<9x128xi32, #tpu.memory_space<vmem>>, vector<16xi32>,
      tpu.vector_store %arg8[%swap3A_1603, %swap3A_1604], %add3A_1601 {strides = array<i32>} : memref<9x128xi32, #tpu.memory_space<vmem>>, vector<16xi32>,
      %add3A_1606 = arith.addi %add3A_1589, %max3A_1574 : vector<16xi32>
      %swap3A_1607 = arith.constant 2 : i32
      %swap3A_1608 = arith.index_cast %swap3A_1607 : i32 to index
      %swap3A_1609 = arith.constant 80 : index
      %swap3A_1610 = tpu.vector_load %arg8[%swap3A_1608, %swap3A_1609] {strides = array<i32>} : memref<9x128xi32, #tpu.memory_space<vmem>>, vector<16xi32>,
      tpu.vector_store %arg8[%swap3A_1608, %swap3A_1609], %add3A_1606 {strides = array<i32>} : memref<9x128xi32, #tpu.memory_space<vmem>>, vector<16xi32>,
      %add3A_1611 = arith.addi %add3A_1589, %max3A_1583 : vector<16xi32>
      %swap3A_1612 = arith.constant 3 : i32
      %swap3A_1613 = arith.index_cast %swap3A_1612 : i32 to index
      %swap3A_1614 = arith.constant 80 : index
      %swap3A_1615 = tpu.vector_load %arg8[%swap3A_1613, %swap3A_1614] {strides = array<i32>} : memref<9x128xi32, #tpu.memory_space<vmem>>, vector<16xi32>,
      tpu.vector_store %arg8[%swap3A_1613, %swap3A_1614], %add3A_1611 {strides = array<i32>} : memref<9x128xi32, #tpu.memory_space<vmem>>, vector<16xi32>,
      %add3A_1616 = arith.addi %add3A_1592, %max3A_1574 : vector<16xi32>
      %swap3A_1617 = arith.constant 4 : i32
      %swap3A_1618 = arith.index_cast %swap3A_1617 : i32 to index
      %swap3A_1619 = arith.constant 80 : index
      %swap3A_1620 = tpu.vector_load %arg8[%swap3A_1618, %swap3A_1619] {strides = array<i32>} : memref<9x128xi32, #tpu.memory_space<vmem>>, vector<16xi32>,
      tpu.vector_store %arg8[%swap3A_1618, %swap3A_1619], %add3A_1616 {strides = array<i32>} : memref<9x128xi32, #tpu.memory_space<vmem>>, vector<16xi32>,
      %add3A_1621 = arith.addi %add3A_1592, %max3A_1583 : vector<16xi32>
      %swap3A_1622 = arith.constant 5 : i32
      %swap3A_1623 = arith.index_cast %swap3A_1622 : i32 to index
      %swap3A_1624 = arith.constant 80 : index
      %swap3A_1625 = tpu.vector_load %arg8[%swap3A_1623, %swap3A_1624] {strides = array<i32>} : memref<9x128xi32, #tpu.memory_space<vmem>>, vector<16xi32>,
      tpu.vector_store %arg8[%swap3A_1623, %swap3A_1624], %add3A_1621 {strides = array<i32>} : memref<9x128xi32, #tpu.memory_space<vmem>>, vector<16xi32>,
      %add3A_1626 = arith.addi %add3A_1595, %max3A_1574 : vector<16xi32>
      %swap3A_1627 = arith.constant 6 : i32
      %swap3A_1628 = arith.index_cast %swap3A_1627 : i32 to index
      %swap3A_1629 = arith.constant 80 : index
      %swap3A_1630 = tpu.vector_load %arg8[%swap3A_1628, %swap3A_1629] {strides = array<i32>} : memref<9x128xi32, #tpu.memory_space<vmem>>, vector<16xi32>,
      tpu.vector_store %arg8[%swap3A_1628, %swap3A_1629], %add3A_1626 {strides = array<i32>} : memref<9x128xi32, #tpu.memory_space<vmem>>, vector<16xi32>,
      %add3A_1631 = arith.addi %add3A_1595, %max3A_1583 : vector<16xi32>
      %swap3A_1632 = arith.constant 7 : i32
      %swap3A_1633 = arith.index_cast %swap3A_1632 : i32 to index
      %swap3A_1634 = arith.constant 80 : index
      %swap3A_1635 = tpu.vector_load %arg8[%swap3A_1633, %swap3A_1634] {strides = array<i32>} : memref<9x128xi32, #tpu.memory_space<vmem>>, vector<16xi32>,
      tpu.vector_store %arg8[%swap3A_1633, %swap3A_1634], %add3A_1631 {strides = array<i32>} : memref<9x128xi32, #tpu.memory_space<vmem>>, vector<16xi32>,
      %add3A_1636 = arith.constant 5.000000e-01 : f32
      %add3A_1637 = vector.broadcast %add3A_1636 : f32 to vector<16xf32>
      %add3A_1638 = arith.addf %add3A_1470, %add3A_1637 : vector<16xf32>
      %convert_element_type3A_1639 = arith.fptosi %add3A_1638 : vector<16xf32> to vector<16xi32>
      %convert_element_type3A_1640 = arith.sitofp %convert_element_type3A_1639 : vector<16xi32> to vector<16xf32>
      %gt3A_1641 = arith.cmpf ogt, %convert_element_type3A_1640, %add3A_1638 : vector<16xf32>
      %jit3A_1642 = arith.constant 1 : i32
      %jit3A_1643 = arith.constant 0 : i32
      %broadcast_in_dim3A_1644 = vector.broadcast %jit3A_1642 : i32 to vector<16xi32>
      %broadcast_in_dim3A_1645 = vector.broadcast %jit3A_1643 : i32 to vector<16xi32>
      %select_n3A_1646 = arith.select %gt3A_1641, %broadcast_in_dim3A_1644, %broadcast_in_dim3A_1645 : vector<16xi1>, vector<16xi32>
      %sub3A_1647 = arith.subi %convert_element_type3A_1639, %select_n3A_1646 : vector<16xi32>
      %convert_element_type3A_1648 = arith.sitofp %sub3A_1647 : vector<16xi32> to vector<16xf32>
      %eq3A_1649 = arith.cmpf oeq, %convert_element_type3A_1648, %add3A_1638 : vector<16xf32>
      %and3A_1650 = arith.constant 1 : i32
      %and3A_1651 = vector.broadcast %and3A_1650 : i32 to vector<16xi32>
      %and3A_1652 = arith.andi %sub3A_1647, %and3A_1651 : vector<16xi32>
      %eq3A_1653 = arith.constant 1 : i32
      %eq3A_1654 = vector.broadcast %eq3A_1653 : i32 to vector<16xi32>
      %eq3A_1655 = arith.cmpi eq, %and3A_1652, %eq3A_1654 : vector<16xi32>
      %and3A_1656 = arith.andi %eq3A_1649, %eq3A_1655 : vector<16xi1>
      %jit3A_1657 = arith.constant 1 : i32
      %jit3A_1658 = arith.constant 0 : i32
      %broadcast_in_dim3A_1659 = vector.broadcast %jit3A_1657 : i32 to vector<16xi32>
      %broadcast_in_dim3A_1660 = vector.broadcast %jit3A_1658 : i32 to vector<16xi32>
      %select_n3A_1661 = arith.select %and3A_1656, %broadcast_in_dim3A_1659, %broadcast_in_dim3A_1660 : vector<16xi1>, vector<16xi32>
      %sub3A_1662 = arith.subi %sub3A_1647, %select_n3A_1661 : vector<16xi32>
      %min3A_1663 = arith.constant 127 : i32
      %min3A_1664 = vector.broadcast %min3A_1663 : i32 to vector<16xi32>
      %min3A_1665 = arith.minsi %sub3A_1662, %min3A_1664 : vector<16xi32>
      %max3A_1666 = arith.constant 0 : i32
      %max3A_1667 = vector.broadcast %max3A_1666 : i32 to vector<16xi32>
      %max3A_1668 = arith.maxsi %min3A_1665, %max3A_1667 : vector<16xi32>
      %add3A_1669 = arith.constant 5.000000e-01 : f32
      %add3A_1670 = vector.broadcast %add3A_1669 : f32 to vector<16xf32>
      %add3A_1671 = arith.addf %add3A_1476, %add3A_1670 : vector<16xf32>
      %convert_element_type3A_1672 = arith.fptosi %add3A_1671 : vector<16xf32> to vector<16xi32>
      %convert_element_type3A_1673 = arith.sitofp %convert_element_type3A_1672 : vector<16xi32> to vector<16xf32>
      %gt3A_1674 = arith.cmpf ogt, %convert_element_type3A_1673, %add3A_1671 : vector<16xf32>
      %jit3A_1675 = arith.constant 1 : i32
      %jit3A_1676 = arith.constant 0 : i32
      %broadcast_in_dim3A_1677 = vector.broadcast %jit3A_1675 : i32 to vector<16xi32>
      %broadcast_in_dim3A_1678 = vector.broadcast %jit3A_1676 : i32 to vector<16xi32>
      %select_n3A_1679 = arith.select %gt3A_1674, %broadcast_in_dim3A_1677, %broadcast_in_dim3A_1678 : vector<16xi1>, vector<16xi32>
      %sub3A_1680 = arith.subi %convert_element_type3A_1672, %select_n3A_1679 : vector<16xi32>
      %convert_element_type3A_1681 = arith.sitofp %sub3A_1680 : vector<16xi32> to vector<16xf32>
      %eq3A_1682 = arith.cmpf oeq, %convert_element_type3A_1681, %add3A_1671 : vector<16xf32>
      %and3A_1683 = arith.constant 1 : i32
      %and3A_1684 = vector.broadcast %and3A_1683 : i32 to vector<16xi32>
      %and3A_1685 = arith.andi %sub3A_1680, %and3A_1684 : vector<16xi32>
      %eq3A_1686 = arith.constant 1 : i32
      %eq3A_1687 = vector.broadcast %eq3A_1686 : i32 to vector<16xi32>
      %eq3A_1688 = arith.cmpi eq, %and3A_1685, %eq3A_1687 : vector<16xi32>
      %and3A_1689 = arith.andi %eq3A_1682, %eq3A_1688 : vector<16xi1>
      %jit3A_1690 = arith.constant 1 : i32
      %jit3A_1691 = arith.constant 0 : i32
      %broadcast_in_dim3A_1692 = vector.broadcast %jit3A_1690 : i32 to vector<16xi32>
      %broadcast_in_dim3A_1693 = vector.broadcast %jit3A_1691 : i32 to vector<16xi32>
      %select_n3A_1694 = arith.select %and3A_1689, %broadcast_in_dim3A_1692, %broadcast_in_dim3A_1693 : vector<16xi1>, vector<16xi32>
      %sub3A_1695 = arith.subi %sub3A_1680, %select_n3A_1694 : vector<16xi32>
      %min3A_1696 = arith.constant 127 : i32
      %min3A_1697 = vector.broadcast %min3A_1696 : i32 to vector<16xi32>
      %min3A_1698 = arith.minsi %sub3A_1695, %min3A_1697 : vector<16xi32>
      %max3A_1699 = arith.constant 0 : i32
      %max3A_1700 = vector.broadcast %max3A_1699 : i32 to vector<16xi32>
      %max3A_1701 = arith.maxsi %min3A_1698, %max3A_1700 : vector<16xi32>
      %add3A_1702 = arith.constant 5.000000e-01 : f32
      %add3A_1703 = vector.broadcast %add3A_1702 : f32 to vector<16xf32>
      %add3A_1704 = arith.addf %add3A_1481, %add3A_1703 : vector<16xf32>
      %convert_element_type3A_1705 = arith.fptosi %add3A_1704 : vector<16xf32> to vector<16xi32>
      %convert_element_type3A_1706 = arith.sitofp %convert_element_type3A_1705 : vector<16xi32> to vector<16xf32>
      %gt3A_1707 = arith.cmpf ogt, %convert_element_type3A_1706, %add3A_1704 : vector<16xf32>
      %jit3A_1708 = arith.constant 1 : i32
      %jit3A_1709 = arith.constant 0 : i32
      %broadcast_in_dim3A_1710 = vector.broadcast %jit3A_1708 : i32 to vector<16xi32>
      %broadcast_in_dim3A_1711 = vector.broadcast %jit3A_1709 : i32 to vector<16xi32>
      %select_n3A_1712 = arith.select %gt3A_1707, %broadcast_in_dim3A_1710, %broadcast_in_dim3A_1711 : vector<16xi1>, vector<16xi32>
      %sub3A_1713 = arith.subi %convert_element_type3A_1705, %select_n3A_1712 : vector<16xi32>
      %convert_element_type3A_1714 = arith.sitofp %sub3A_1713 : vector<16xi32> to vector<16xf32>
      %eq3A_1715 = arith.cmpf oeq, %convert_element_type3A_1714, %add3A_1704 : vector<16xf32>
      %and3A_1716 = arith.constant 1 : i32
      %and3A_1717 = vector.broadcast %and3A_1716 : i32 to vector<16xi32>
      %and3A_1718 = arith.andi %sub3A_1713, %and3A_1717 : vector<16xi32>
      %eq3A_1719 = arith.constant 1 : i32
      %eq3A_1720 = vector.broadcast %eq3A_1719 : i32 to vector<16xi32>
      %eq3A_1721 = arith.cmpi eq, %and3A_1718, %eq3A_1720 : vector<16xi32>
      %and3A_1722 = arith.andi %eq3A_1715, %eq3A_1721 : vector<16xi1>
      %jit3A_1723 = arith.constant 1 : i32
      %jit3A_1724 = arith.constant 0 : i32
      %broadcast_in_dim3A_1725 = vector.broadcast %jit3A_1723 : i32 to vector<16xi32>
      %broadcast_in_dim3A_1726 = vector.broadcast %jit3A_1724 : i32 to vector<16xi32>
      %select_n3A_1727 = arith.select %and3A_1722, %broadcast_in_dim3A_1725, %broadcast_in_dim3A_1726 : vector<16xi1>, vector<16xi32>
      %sub3A_1728 = arith.subi %sub3A_1713, %select_n3A_1727 : vector<16xi32>
      %min3A_1729 = arith.constant 127 : i32
      %min3A_1730 = vector.broadcast %min3A_1729 : i32 to vector<16xi32>
      %min3A_1731 = arith.minsi %sub3A_1728, %min3A_1730 : vector<16xi32>
      %max3A_1732 = arith.constant 0 : i32
      %max3A_1733 = vector.broadcast %max3A_1732 : i32 to vector<16xi32>
      %max3A_1734 = arith.maxsi %min3A_1731, %max3A_1733 : vector<16xi32>
      %shift_left3A_1735 = arith.constant 14 : i32
      %shift_left3A_1736 = vector.broadcast %shift_left3A_1735 : i32 to vector<16xi32>
      %shift_left3A_1737 = arith.shli %max3A_1668, %shift_left3A_1736 : vector<16xi32>
      %add3A_1738 = vector.broadcast %mul3A_22 : i32 to vector<16xi32>
      %add3A_1739 = arith.addi %add3A_1738, %shift_left3A_1737 : vector<16xi32>
      %shift_left3A_1740 = arith.constant 7 : i32
      %shift_left3A_1741 = vector.broadcast %shift_left3A_1740 : i32 to vector<16xi32>
      %shift_left3A_1742 = arith.shli %max3A_1701, %shift_left3A_1741 : vector<16xi32>
      %add3A_1743 = arith.addi %add3A_1739, %shift_left3A_1742 : vector<16xi32>
      %add3A_1744 = arith.addi %add3A_1743, %max3A_1734 : vector<16xi32>
      %swap3A_1745 = arith.constant 8 : i32
      %swap3A_1746 = arith.index_cast %swap3A_1745 : i32 to index
      %swap3A_1747 = arith.constant 80 : index
      %swap3A_1748 = tpu.vector_load %arg8[%swap3A_1746, %swap3A_1747] {strides = array<i32>} : memref<9x128xi32, #tpu.memory_space<vmem>>, vector<16xi32>,
      tpu.vector_store %arg8[%swap3A_1746, %swap3A_1747], %add3A_1744 {strides = array<i32>} : memref<9x128xi32, #tpu.memory_space<vmem>>, vector<16xi32>,
      %iota3A_1749 = tpu.iota {dimensions = array<i32: 0>} : vector<16xi32>
      %add3A_1750 = arith.constant 96 : i32
      %add3A_1751 = vector.broadcast %add3A_1750 : i32 to vector<16xi32>
      %add3A_1752 = arith.addi %iota3A_1749, %add3A_1751 : vector<16xi32>
      %convert_element_type3A_1753 = arith.sitofp %add3A_1752 : vector<16xi32> to vector<16xf32>
      %add3A_1754 = arith.constant 288 : i32
      %add3A_1755 = vector.broadcast %add3A_1754 : i32 to vector<16xi32>
      %add3A_1756 = arith.addi %mul3A_3, %add3A_1755 : vector<16xi32>
      %gather3A_1757 = tpu.vector_load_idx %arg7[%add3A_1756] : memref<384xf32, #tpu.memory_space<vmem>>[vector<16xi32>], vector<16xf32>,
      %add3A_1758 = vector.broadcast %convert_element_type3A : f32 to vector<16xf32>
      %add3A_1759 = arith.addf %gather3A_1757, %add3A_1758 : vector<16xf32>
      %add3A_1760 = arith.constant 1 : i32
      %add3A_1761 = vector.broadcast %add3A_1760 : i32 to vector<16xi32>
      %add3A_1762 = arith.addi %add3A_1756, %add3A_1761 : vector<16xi32>
      %gather3A_1763 = tpu.vector_load_idx %arg7[%add3A_1762] : memref<384xf32, #tpu.memory_space<vmem>>[vector<16xi32>], vector<16xf32>,
      %add3A_1764 = vector.broadcast %convert_element_type3A_23 : f32 to vector<16xf32>
      %add3A_1765 = arith.addf %gather3A_1763, %add3A_1764 : vector<16xf32>
      %add3A_1766 = arith.constant 2 : i32
      %add3A_1767 = vector.broadcast %add3A_1766 : i32 to vector<16xi32>
      %add3A_1768 = arith.addi %add3A_1756, %add3A_1767 : vector<16xi32>
      %gather3A_1769 = tpu.vector_load_idx %arg7[%add3A_1768] : memref<384xf32, #tpu.memory_space<vmem>>[vector<16xi32>], vector<16xf32>,
      %add3A_1770 = arith.addf %gather3A_1769, %convert_element_type3A_1753 : vector<16xf32>
      %convert_element_type3A_1771 = arith.fptosi %add3A_1759 : vector<16xf32> to vector<16xi32>
      %convert_element_type3A_1772 = arith.sitofp %convert_element_type3A_1771 : vector<16xi32> to vector<16xf32>
      %gt3A_1773 = arith.cmpf ogt, %convert_element_type3A_1772, %add3A_1759 : vector<16xf32>
      %jit3A_1774 = arith.constant 1 : i32
      %jit3A_1775 = arith.constant 0 : i32
      %broadcast_in_dim3A_1776 = vector.broadcast %jit3A_1774 : i32 to vector<16xi32>
      %broadcast_in_dim3A_1777 = vector.broadcast %jit3A_1775 : i32 to vector<16xi32>
      %select_n3A_1778 = arith.select %gt3A_1773, %broadcast_in_dim3A_1776, %broadcast_in_dim3A_1777 : vector<16xi1>, vector<16xi32>
      %sub3A_1779 = arith.subi %convert_element_type3A_1771, %select_n3A_1778 : vector<16xi32>
      %convert_element_type3A_1780 = arith.fptosi %add3A_1765 : vector<16xf32> to vector<16xi32>
      %convert_element_type3A_1781 = arith.sitofp %convert_element_type3A_1780 : vector<16xi32> to vector<16xf32>
      %gt3A_1782 = arith.cmpf ogt, %convert_element_type3A_1781, %add3A_1765 : vector<16xf32>
      %jit3A_1783 = arith.constant 1 : i32
      %jit3A_1784 = arith.constant 0 : i32
      %broadcast_in_dim3A_1785 = vector.broadcast %jit3A_1783 : i32 to vector<16xi32>
      %broadcast_in_dim3A_1786 = vector.broadcast %jit3A_1784 : i32 to vector<16xi32>
      %select_n3A_1787 = arith.select %gt3A_1782, %broadcast_in_dim3A_1785, %broadcast_in_dim3A_1786 : vector<16xi1>, vector<16xi32>
      %sub3A_1788 = arith.subi %convert_element_type3A_1780, %select_n3A_1787 : vector<16xi32>
      %convert_element_type3A_1789 = arith.fptosi %add3A_1770 : vector<16xf32> to vector<16xi32>
      %convert_element_type3A_1790 = arith.sitofp %convert_element_type3A_1789 : vector<16xi32> to vector<16xf32>
      %gt3A_1791 = arith.cmpf ogt, %convert_element_type3A_1790, %add3A_1770 : vector<16xf32>
      %jit3A_1792 = arith.constant 1 : i32
      %jit3A_1793 = arith.constant 0 : i32
      %broadcast_in_dim3A_1794 = vector.broadcast %jit3A_1792 : i32 to vector<16xi32>
      %broadcast_in_dim3A_1795 = vector.broadcast %jit3A_1793 : i32 to vector<16xi32>
      %select_n3A_1796 = arith.select %gt3A_1791, %broadcast_in_dim3A_1794, %broadcast_in_dim3A_1795 : vector<16xi1>, vector<16xi32>
      %sub3A_1797 = arith.subi %convert_element_type3A_1789, %select_n3A_1796 : vector<16xi32>
      %convert_element_type3A_1798 = arith.sitofp %sub3A_1779 : vector<16xi32> to vector<16xf32>
      %sub3A_1799 = arith.subf %add3A_1759, %convert_element_type3A_1798 : vector<16xf32>
      %swap3A_1800 = arith.constant 0 : i32
      %swap3A_1801 = arith.index_cast %swap3A_1800 : i32 to index
      %swap3A_1802 = arith.constant 96 : index
      %swap3A_1803 = tpu.vector_load %arg10[%swap3A_1801, %swap3A_1802] {strides = array<i32>} : memref<3x128xf32, #tpu.memory_space<vmem>>, vector<16xf32>,
      tpu.vector_store %arg10[%swap3A_1801, %swap3A_1802], %sub3A_1799 {strides = array<i32>} : memref<3x128xf32, #tpu.memory_space<vmem>>, vector<16xf32>,
      %convert_element_type3A_1804 = arith.sitofp %sub3A_1788 : vector<16xi32> to vector<16xf32>
      %sub3A_1805 = arith.subf %add3A_1765, %convert_element_type3A_1804 : vector<16xf32>
      %swap3A_1806 = arith.constant 1 : i32
      %swap3A_1807 = arith.index_cast %swap3A_1806 : i32 to index
      %swap3A_1808 = arith.constant 96 : index
      %swap3A_1809 = tpu.vector_load %arg10[%swap3A_1807, %swap3A_1808] {strides = array<i32>} : memref<3x128xf32, #tpu.memory_space<vmem>>, vector<16xf32>,
      tpu.vector_store %arg10[%swap3A_1807, %swap3A_1808], %sub3A_1805 {strides = array<i32>} : memref<3x128xf32, #tpu.memory_space<vmem>>, vector<16xf32>,
      %convert_element_type3A_1810 = arith.sitofp %sub3A_1797 : vector<16xi32> to vector<16xf32>
      %sub3A_1811 = arith.subf %add3A_1770, %convert_element_type3A_1810 : vector<16xf32>
      %swap3A_1812 = arith.constant 2 : i32
      %swap3A_1813 = arith.index_cast %swap3A_1812 : i32 to index
      %swap3A_1814 = arith.constant 96 : index
      %swap3A_1815 = tpu.vector_load %arg10[%swap3A_1813, %swap3A_1814] {strides = array<i32>} : memref<3x128xf32, #tpu.memory_space<vmem>>, vector<16xf32>,
      tpu.vector_store %arg10[%swap3A_1813, %swap3A_1814], %sub3A_1811 {strides = array<i32>} : memref<3x128xf32, #tpu.memory_space<vmem>>, vector<16xf32>,
      %min3A_1816 = arith.constant 127 : i32
      %min3A_1817 = vector.broadcast %min3A_1816 : i32 to vector<16xi32>
      %min3A_1818 = arith.minsi %sub3A_1779, %min3A_1817 : vector<16xi32>
      %max3A_1819 = arith.constant 0 : i32
      %max3A_1820 = vector.broadcast %max3A_1819 : i32 to vector<16xi32>
      %max3A_1821 = arith.maxsi %min3A_1818, %max3A_1820 : vector<16xi32>
      %shift_left3A_1822 = arith.constant 14 : i32
      %shift_left3A_1823 = vector.broadcast %shift_left3A_1822 : i32 to vector<16xi32>
      %shift_left3A_1824 = arith.shli %max3A_1821, %shift_left3A_1823 : vector<16xi32>
      %add3A_1825 = arith.constant 1 : i32
      %add3A_1826 = vector.broadcast %add3A_1825 : i32 to vector<16xi32>
      %add3A_1827 = arith.addi %sub3A_1779, %add3A_1826 : vector<16xi32>
      %min3A_1828 = arith.constant 127 : i32
      %min3A_1829 = vector.broadcast %min3A_1828 : i32 to vector<16xi32>
      %min3A_1830 = arith.minsi %add3A_1827, %min3A_1829 : vector<16xi32>
      %max3A_1831 = arith.constant 0 : i32
      %max3A_1832 = vector.broadcast %max3A_1831 : i32 to vector<16xi32>
      %max3A_1833 = arith.maxsi %min3A_1830, %max3A_1832 : vector<16xi32>
      %shift_left3A_1834 = arith.constant 14 : i32
      %shift_left3A_1835 = vector.broadcast %shift_left3A_1834 : i32 to vector<16xi32>
      %shift_left3A_1836 = arith.shli %max3A_1833, %shift_left3A_1835 : vector<16xi32>
      %min3A_1837 = arith.constant 127 : i32
      %min3A_1838 = vector.broadcast %min3A_1837 : i32 to vector<16xi32>
      %min3A_1839 = arith.minsi %sub3A_1788, %min3A_1838 : vector<16xi32>
      %max3A_1840 = arith.constant 0 : i32
      %max3A_1841 = vector.broadcast %max3A_1840 : i32 to vector<16xi32>
      %max3A_1842 = arith.maxsi %min3A_1839, %max3A_1841 : vector<16xi32>
      %shift_left3A_1843 = arith.constant 7 : i32
      %shift_left3A_1844 = vector.broadcast %shift_left3A_1843 : i32 to vector<16xi32>
      %shift_left3A_1845 = arith.shli %max3A_1842, %shift_left3A_1844 : vector<16xi32>
      %add3A_1846 = arith.constant 1 : i32
      %add3A_1847 = vector.broadcast %add3A_1846 : i32 to vector<16xi32>
      %add3A_1848 = arith.addi %sub3A_1788, %add3A_1847 : vector<16xi32>
      %min3A_1849 = arith.constant 127 : i32
      %min3A_1850 = vector.broadcast %min3A_1849 : i32 to vector<16xi32>
      %min3A_1851 = arith.minsi %add3A_1848, %min3A_1850 : vector<16xi32>
      %max3A_1852 = arith.constant 0 : i32
      %max3A_1853 = vector.broadcast %max3A_1852 : i32 to vector<16xi32>
      %max3A_1854 = arith.maxsi %min3A_1851, %max3A_1853 : vector<16xi32>
      %shift_left3A_1855 = arith.constant 7 : i32
      %shift_left3A_1856 = vector.broadcast %shift_left3A_1855 : i32 to vector<16xi32>
      %shift_left3A_1857 = arith.shli %max3A_1854, %shift_left3A_1856 : vector<16xi32>
      %min3A_1858 = arith.constant 127 : i32
      %min3A_1859 = vector.broadcast %min3A_1858 : i32 to vector<16xi32>
      %min3A_1860 = arith.minsi %sub3A_1797, %min3A_1859 : vector<16xi32>
      %max3A_1861 = arith.constant 0 : i32
      %max3A_1862 = vector.broadcast %max3A_1861 : i32 to vector<16xi32>
      %max3A_1863 = arith.maxsi %min3A_1860, %max3A_1862 : vector<16xi32>
      %add3A_1864 = arith.constant 1 : i32
      %add3A_1865 = vector.broadcast %add3A_1864 : i32 to vector<16xi32>
      %add3A_1866 = arith.addi %sub3A_1797, %add3A_1865 : vector<16xi32>
      %min3A_1867 = arith.constant 127 : i32
      %min3A_1868 = vector.broadcast %min3A_1867 : i32 to vector<16xi32>
      %min3A_1869 = arith.minsi %add3A_1866, %min3A_1868 : vector<16xi32>
      %max3A_1870 = arith.constant 0 : i32
      %max3A_1871 = vector.broadcast %max3A_1870 : i32 to vector<16xi32>
      %max3A_1872 = arith.maxsi %min3A_1869, %max3A_1871 : vector<16xi32>
      %add3A_1873 = vector.broadcast %mul3A_22 : i32 to vector<16xi32>
      %add3A_1874 = arith.addi %add3A_1873, %shift_left3A_1824 : vector<16xi32>
      %add3A_1875 = arith.addi %add3A_1874, %shift_left3A_1845 : vector<16xi32>
      %add3A_1876 = vector.broadcast %mul3A_22 : i32 to vector<16xi32>
      %add3A_1877 = arith.addi %add3A_1876, %shift_left3A_1824 : vector<16xi32>
      %add3A_1878 = arith.addi %add3A_1877, %shift_left3A_1857 : vector<16xi32>
      %add3A_1879 = vector.broadcast %mul3A_22 : i32 to vector<16xi32>
      %add3A_1880 = arith.addi %add3A_1879, %shift_left3A_1836 : vector<16xi32>
      %add3A_1881 = arith.addi %add3A_1880, %shift_left3A_1845 : vector<16xi32>
      %add3A_1882 = vector.broadcast %mul3A_22 : i32 to vector<16xi32>
      %add3A_1883 = arith.addi %add3A_1882, %shift_left3A_1836 : vector<16xi32>
      %add3A_1884 = arith.addi %add3A_1883, %shift_left3A_1857 : vector<16xi32>
      %add3A_1885 = arith.addi %add3A_1875, %max3A_1863 : vector<16xi32>
      %swap3A_1886 = arith.constant 0 : i32
      %swap3A_1887 = arith.index_cast %swap3A_1886 : i32 to index
      %swap3A_1888 = arith.constant 96 : index
      %swap3A_1889 = tpu.vector_load %arg8[%swap3A_1887, %swap3A_1888] {strides = array<i32>} : memref<9x128xi32, #tpu.memory_space<vmem>>, vector<16xi32>,
      tpu.vector_store %arg8[%swap3A_1887, %swap3A_1888], %add3A_1885 {strides = array<i32>} : memref<9x128xi32, #tpu.memory_space<vmem>>, vector<16xi32>,
      %add3A_1890 = arith.addi %add3A_1875, %max3A_1872 : vector<16xi32>
      %swap3A_1891 = arith.constant 1 : i32
      %swap3A_1892 = arith.index_cast %swap3A_1891 : i32 to index
      %swap3A_1893 = arith.constant 96 : index
      %swap3A_1894 = tpu.vector_load %arg8[%swap3A_1892, %swap3A_1893] {strides = array<i32>} : memref<9x128xi32, #tpu.memory_space<vmem>>, vector<16xi32>,
      tpu.vector_store %arg8[%swap3A_1892, %swap3A_1893], %add3A_1890 {strides = array<i32>} : memref<9x128xi32, #tpu.memory_space<vmem>>, vector<16xi32>,
      %add3A_1895 = arith.addi %add3A_1878, %max3A_1863 : vector<16xi32>
      %swap3A_1896 = arith.constant 2 : i32
      %swap3A_1897 = arith.index_cast %swap3A_1896 : i32 to index
      %swap3A_1898 = arith.constant 96 : index
      %swap3A_1899 = tpu.vector_load %arg8[%swap3A_1897, %swap3A_1898] {strides = array<i32>} : memref<9x128xi32, #tpu.memory_space<vmem>>, vector<16xi32>,
      tpu.vector_store %arg8[%swap3A_1897, %swap3A_1898], %add3A_1895 {strides = array<i32>} : memref<9x128xi32, #tpu.memory_space<vmem>>, vector<16xi32>,
      %add3A_1900 = arith.addi %add3A_1878, %max3A_1872 : vector<16xi32>
      %swap3A_1901 = arith.constant 3 : i32
      %swap3A_1902 = arith.index_cast %swap3A_1901 : i32 to index
      %swap3A_1903 = arith.constant 96 : index
      %swap3A_1904 = tpu.vector_load %arg8[%swap3A_1902, %swap3A_1903] {strides = array<i32>} : memref<9x128xi32, #tpu.memory_space<vmem>>, vector<16xi32>,
      tpu.vector_store %arg8[%swap3A_1902, %swap3A_1903], %add3A_1900 {strides = array<i32>} : memref<9x128xi32, #tpu.memory_space<vmem>>, vector<16xi32>,
      %add3A_1905 = arith.addi %add3A_1881, %max3A_1863 : vector<16xi32>
      %swap3A_1906 = arith.constant 4 : i32
      %swap3A_1907 = arith.index_cast %swap3A_1906 : i32 to index
      %swap3A_1908 = arith.constant 96 : index
      %swap3A_1909 = tpu.vector_load %arg8[%swap3A_1907, %swap3A_1908] {strides = array<i32>} : memref<9x128xi32, #tpu.memory_space<vmem>>, vector<16xi32>,
      tpu.vector_store %arg8[%swap3A_1907, %swap3A_1908], %add3A_1905 {strides = array<i32>} : memref<9x128xi32, #tpu.memory_space<vmem>>, vector<16xi32>,
      %add3A_1910 = arith.addi %add3A_1881, %max3A_1872 : vector<16xi32>
      %swap3A_1911 = arith.constant 5 : i32
      %swap3A_1912 = arith.index_cast %swap3A_1911 : i32 to index
      %swap3A_1913 = arith.constant 96 : index
      %swap3A_1914 = tpu.vector_load %arg8[%swap3A_1912, %swap3A_1913] {strides = array<i32>} : memref<9x128xi32, #tpu.memory_space<vmem>>, vector<16xi32>,
      tpu.vector_store %arg8[%swap3A_1912, %swap3A_1913], %add3A_1910 {strides = array<i32>} : memref<9x128xi32, #tpu.memory_space<vmem>>, vector<16xi32>,
      %add3A_1915 = arith.addi %add3A_1884, %max3A_1863 : vector<16xi32>
      %swap3A_1916 = arith.constant 6 : i32
      %swap3A_1917 = arith.index_cast %swap3A_1916 : i32 to index
      %swap3A_1918 = arith.constant 96 : index
      %swap3A_1919 = tpu.vector_load %arg8[%swap3A_1917, %swap3A_1918] {strides = array<i32>} : memref<9x128xi32, #tpu.memory_space<vmem>>, vector<16xi32>,
      tpu.vector_store %arg8[%swap3A_1917, %swap3A_1918], %add3A_1915 {strides = array<i32>} : memref<9x128xi32, #tpu.memory_space<vmem>>, vector<16xi32>,
      %add3A_1920 = arith.addi %add3A_1884, %max3A_1872 : vector<16xi32>
      %swap3A_1921 = arith.constant 7 : i32
      %swap3A_1922 = arith.index_cast %swap3A_1921 : i32 to index
      %swap3A_1923 = arith.constant 96 : index
      %swap3A_1924 = tpu.vector_load %arg8[%swap3A_1922, %swap3A_1923] {strides = array<i32>} : memref<9x128xi32, #tpu.memory_space<vmem>>, vector<16xi32>,
      tpu.vector_store %arg8[%swap3A_1922, %swap3A_1923], %add3A_1920 {strides = array<i32>} : memref<9x128xi32, #tpu.memory_space<vmem>>, vector<16xi32>,
      %add3A_1925 = arith.constant 5.000000e-01 : f32
      %add3A_1926 = vector.broadcast %add3A_1925 : f32 to vector<16xf32>
      %add3A_1927 = arith.addf %add3A_1759, %add3A_1926 : vector<16xf32>
      %convert_element_type3A_1928 = arith.fptosi %add3A_1927 : vector<16xf32> to vector<16xi32>
      %convert_element_type3A_1929 = arith.sitofp %convert_element_type3A_1928 : vector<16xi32> to vector<16xf32>
      %gt3A_1930 = arith.cmpf ogt, %convert_element_type3A_1929, %add3A_1927 : vector<16xf32>
      %jit3A_1931 = arith.constant 1 : i32
      %jit3A_1932 = arith.constant 0 : i32
      %broadcast_in_dim3A_1933 = vector.broadcast %jit3A_1931 : i32 to vector<16xi32>
      %broadcast_in_dim3A_1934 = vector.broadcast %jit3A_1932 : i32 to vector<16xi32>
      %select_n3A_1935 = arith.select %gt3A_1930, %broadcast_in_dim3A_1933, %broadcast_in_dim3A_1934 : vector<16xi1>, vector<16xi32>
      %sub3A_1936 = arith.subi %convert_element_type3A_1928, %select_n3A_1935 : vector<16xi32>
      %convert_element_type3A_1937 = arith.sitofp %sub3A_1936 : vector<16xi32> to vector<16xf32>
      %eq3A_1938 = arith.cmpf oeq, %convert_element_type3A_1937, %add3A_1927 : vector<16xf32>
      %and3A_1939 = arith.constant 1 : i32
      %and3A_1940 = vector.broadcast %and3A_1939 : i32 to vector<16xi32>
      %and3A_1941 = arith.andi %sub3A_1936, %and3A_1940 : vector<16xi32>
      %eq3A_1942 = arith.constant 1 : i32
      %eq3A_1943 = vector.broadcast %eq3A_1942 : i32 to vector<16xi32>
      %eq3A_1944 = arith.cmpi eq, %and3A_1941, %eq3A_1943 : vector<16xi32>
      %and3A_1945 = arith.andi %eq3A_1938, %eq3A_1944 : vector<16xi1>
      %jit3A_1946 = arith.constant 1 : i32
      %jit3A_1947 = arith.constant 0 : i32
      %broadcast_in_dim3A_1948 = vector.broadcast %jit3A_1946 : i32 to vector<16xi32>
      %broadcast_in_dim3A_1949 = vector.broadcast %jit3A_1947 : i32 to vector<16xi32>
      %select_n3A_1950 = arith.select %and3A_1945, %broadcast_in_dim3A_1948, %broadcast_in_dim3A_1949 : vector<16xi1>, vector<16xi32>
      %sub3A_1951 = arith.subi %sub3A_1936, %select_n3A_1950 : vector<16xi32>
      %min3A_1952 = arith.constant 127 : i32
      %min3A_1953 = vector.broadcast %min3A_1952 : i32 to vector<16xi32>
      %min3A_1954 = arith.minsi %sub3A_1951, %min3A_1953 : vector<16xi32>
      %max3A_1955 = arith.constant 0 : i32
      %max3A_1956 = vector.broadcast %max3A_1955 : i32 to vector<16xi32>
      %max3A_1957 = arith.maxsi %min3A_1954, %max3A_1956 : vector<16xi32>
      %add3A_1958 = arith.constant 5.000000e-01 : f32
      %add3A_1959 = vector.broadcast %add3A_1958 : f32 to vector<16xf32>
      %add3A_1960 = arith.addf %add3A_1765, %add3A_1959 : vector<16xf32>
      %convert_element_type3A_1961 = arith.fptosi %add3A_1960 : vector<16xf32> to vector<16xi32>
      %convert_element_type3A_1962 = arith.sitofp %convert_element_type3A_1961 : vector<16xi32> to vector<16xf32>
      %gt3A_1963 = arith.cmpf ogt, %convert_element_type3A_1962, %add3A_1960 : vector<16xf32>
      %jit3A_1964 = arith.constant 1 : i32
      %jit3A_1965 = arith.constant 0 : i32
      %broadcast_in_dim3A_1966 = vector.broadcast %jit3A_1964 : i32 to vector<16xi32>
      %broadcast_in_dim3A_1967 = vector.broadcast %jit3A_1965 : i32 to vector<16xi32>
      %select_n3A_1968 = arith.select %gt3A_1963, %broadcast_in_dim3A_1966, %broadcast_in_dim3A_1967 : vector<16xi1>, vector<16xi32>
      %sub3A_1969 = arith.subi %convert_element_type3A_1961, %select_n3A_1968 : vector<16xi32>
      %convert_element_type3A_1970 = arith.sitofp %sub3A_1969 : vector<16xi32> to vector<16xf32>
      %eq3A_1971 = arith.cmpf oeq, %convert_element_type3A_1970, %add3A_1960 : vector<16xf32>
      %and3A_1972 = arith.constant 1 : i32
      %and3A_1973 = vector.broadcast %and3A_1972 : i32 to vector<16xi32>
      %and3A_1974 = arith.andi %sub3A_1969, %and3A_1973 : vector<16xi32>
      %eq3A_1975 = arith.constant 1 : i32
      %eq3A_1976 = vector.broadcast %eq3A_1975 : i32 to vector<16xi32>
      %eq3A_1977 = arith.cmpi eq, %and3A_1974, %eq3A_1976 : vector<16xi32>
      %and3A_1978 = arith.andi %eq3A_1971, %eq3A_1977 : vector<16xi1>
      %jit3A_1979 = arith.constant 1 : i32
      %jit3A_1980 = arith.constant 0 : i32
      %broadcast_in_dim3A_1981 = vector.broadcast %jit3A_1979 : i32 to vector<16xi32>
      %broadcast_in_dim3A_1982 = vector.broadcast %jit3A_1980 : i32 to vector<16xi32>
      %select_n3A_1983 = arith.select %and3A_1978, %broadcast_in_dim3A_1981, %broadcast_in_dim3A_1982 : vector<16xi1>, vector<16xi32>
      %sub3A_1984 = arith.subi %sub3A_1969, %select_n3A_1983 : vector<16xi32>
      %min3A_1985 = arith.constant 127 : i32
      %min3A_1986 = vector.broadcast %min3A_1985 : i32 to vector<16xi32>
      %min3A_1987 = arith.minsi %sub3A_1984, %min3A_1986 : vector<16xi32>
      %max3A_1988 = arith.constant 0 : i32
      %max3A_1989 = vector.broadcast %max3A_1988 : i32 to vector<16xi32>
      %max3A_1990 = arith.maxsi %min3A_1987, %max3A_1989 : vector<16xi32>
      %add3A_1991 = arith.constant 5.000000e-01 : f32
      %add3A_1992 = vector.broadcast %add3A_1991 : f32 to vector<16xf32>
      %add3A_1993 = arith.addf %add3A_1770, %add3A_1992 : vector<16xf32>
      %convert_element_type3A_1994 = arith.fptosi %add3A_1993 : vector<16xf32> to vector<16xi32>
      %convert_element_type3A_1995 = arith.sitofp %convert_element_type3A_1994 : vector<16xi32> to vector<16xf32>
      %gt3A_1996 = arith.cmpf ogt, %convert_element_type3A_1995, %add3A_1993 : vector<16xf32>
      %jit3A_1997 = arith.constant 1 : i32
      %jit3A_1998 = arith.constant 0 : i32
      %broadcast_in_dim3A_1999 = vector.broadcast %jit3A_1997 : i32 to vector<16xi32>
      %broadcast_in_dim3A_2000 = vector.broadcast %jit3A_1998 : i32 to vector<16xi32>
      %select_n3A_2001 = arith.select %gt3A_1996, %broadcast_in_dim3A_1999, %broadcast_in_dim3A_2000 : vector<16xi1>, vector<16xi32>
      %sub3A_2002 = arith.subi %convert_element_type3A_1994, %select_n3A_2001 : vector<16xi32>
      %convert_element_type3A_2003 = arith.sitofp %sub3A_2002 : vector<16xi32> to vector<16xf32>
      %eq3A_2004 = arith.cmpf oeq, %convert_element_type3A_2003, %add3A_1993 : vector<16xf32>
      %and3A_2005 = arith.constant 1 : i32
      %and3A_2006 = vector.broadcast %and3A_2005 : i32 to vector<16xi32>
      %and3A_2007 = arith.andi %sub3A_2002, %and3A_2006 : vector<16xi32>
      %eq3A_2008 = arith.constant 1 : i32
      %eq3A_2009 = vector.broadcast %eq3A_2008 : i32 to vector<16xi32>
      %eq3A_2010 = arith.cmpi eq, %and3A_2007, %eq3A_2009 : vector<16xi32>
      %and3A_2011 = arith.andi %eq3A_2004, %eq3A_2010 : vector<16xi1>
      %jit3A_2012 = arith.constant 1 : i32
      %jit3A_2013 = arith.constant 0 : i32
      %broadcast_in_dim3A_2014 = vector.broadcast %jit3A_2012 : i32 to vector<16xi32>
      %broadcast_in_dim3A_2015 = vector.broadcast %jit3A_2013 : i32 to vector<16xi32>
      %select_n3A_2016 = arith.select %and3A_2011, %broadcast_in_dim3A_2014, %broadcast_in_dim3A_2015 : vector<16xi1>, vector<16xi32>
      %sub3A_2017 = arith.subi %sub3A_2002, %select_n3A_2016 : vector<16xi32>
      %min3A_2018 = arith.constant 127 : i32
      %min3A_2019 = vector.broadcast %min3A_2018 : i32 to vector<16xi32>
      %min3A_2020 = arith.minsi %sub3A_2017, %min3A_2019 : vector<16xi32>
      %max3A_2021 = arith.constant 0 : i32
      %max3A_2022 = vector.broadcast %max3A_2021 : i32 to vector<16xi32>
      %max3A_2023 = arith.maxsi %min3A_2020, %max3A_2022 : vector<16xi32>
      %shift_left3A_2024 = arith.constant 14 : i32
      %shift_left3A_2025 = vector.broadcast %shift_left3A_2024 : i32 to vector<16xi32>
      %shift_left3A_2026 = arith.shli %max3A_1957, %shift_left3A_2025 : vector<16xi32>
      %add3A_2027 = vector.broadcast %mul3A_22 : i32 to vector<16xi32>
      %add3A_2028 = arith.addi %add3A_2027, %shift_left3A_2026 : vector<16xi32>
      %shift_left3A_2029 = arith.constant 7 : i32
      %shift_left3A_2030 = vector.broadcast %shift_left3A_2029 : i32 to vector<16xi32>
      %shift_left3A_2031 = arith.shli %max3A_1990, %shift_left3A_2030 : vector<16xi32>
      %add3A_2032 = arith.addi %add3A_2028, %shift_left3A_2031 : vector<16xi32>
      %add3A_2033 = arith.addi %add3A_2032, %max3A_2023 : vector<16xi32>
      %swap3A_2034 = arith.constant 8 : i32
      %swap3A_2035 = arith.index_cast %swap3A_2034 : i32 to index
      %swap3A_2036 = arith.constant 96 : index
      %swap3A_2037 = tpu.vector_load %arg8[%swap3A_2035, %swap3A_2036] {strides = array<i32>} : memref<9x128xi32, #tpu.memory_space<vmem>>, vector<16xi32>,
      tpu.vector_store %arg8[%swap3A_2035, %swap3A_2036], %add3A_2033 {strides = array<i32>} : memref<9x128xi32, #tpu.memory_space<vmem>>, vector<16xi32>,
      %iota3A_2038 = tpu.iota {dimensions = array<i32: 0>} : vector<16xi32>
      %add3A_2039 = arith.constant 112 : i32
      %add3A_2040 = vector.broadcast %add3A_2039 : i32 to vector<16xi32>
      %add3A_2041 = arith.addi %iota3A_2038, %add3A_2040 : vector<16xi32>
      %convert_element_type3A_2042 = arith.sitofp %add3A_2041 : vector<16xi32> to vector<16xf32>
      %add3A_2043 = arith.constant 336 : i32
      %add3A_2044 = vector.broadcast %add3A_2043 : i32 to vector<16xi32>
      %add3A_2045 = arith.addi %mul3A_3, %add3A_2044 : vector<16xi32>
      %gather3A_2046 = tpu.vector_load_idx %arg7[%add3A_2045] : memref<384xf32, #tpu.memory_space<vmem>>[vector<16xi32>], vector<16xf32>,
      %add3A_2047 = vector.broadcast %convert_element_type3A : f32 to vector<16xf32>
      %add3A_2048 = arith.addf %gather3A_2046, %add3A_2047 : vector<16xf32>
      %add3A_2049 = arith.constant 1 : i32
      %add3A_2050 = vector.broadcast %add3A_2049 : i32 to vector<16xi32>
      %add3A_2051 = arith.addi %add3A_2045, %add3A_2050 : vector<16xi32>
      %gather3A_2052 = tpu.vector_load_idx %arg7[%add3A_2051] : memref<384xf32, #tpu.memory_space<vmem>>[vector<16xi32>], vector<16xf32>,
      %add3A_2053 = vector.broadcast %convert_element_type3A_23 : f32 to vector<16xf32>
      %add3A_2054 = arith.addf %gather3A_2052, %add3A_2053 : vector<16xf32>
      %add3A_2055 = arith.constant 2 : i32
      %add3A_2056 = vector.broadcast %add3A_2055 : i32 to vector<16xi32>
      %add3A_2057 = arith.addi %add3A_2045, %add3A_2056 : vector<16xi32>
      %gather3A_2058 = tpu.vector_load_idx %arg7[%add3A_2057] : memref<384xf32, #tpu.memory_space<vmem>>[vector<16xi32>], vector<16xf32>,
      %add3A_2059 = arith.addf %gather3A_2058, %convert_element_type3A_2042 : vector<16xf32>
      %convert_element_type3A_2060 = arith.fptosi %add3A_2048 : vector<16xf32> to vector<16xi32>
      %convert_element_type3A_2061 = arith.sitofp %convert_element_type3A_2060 : vector<16xi32> to vector<16xf32>
      %gt3A_2062 = arith.cmpf ogt, %convert_element_type3A_2061, %add3A_2048 : vector<16xf32>
      %jit3A_2063 = arith.constant 1 : i32
      %jit3A_2064 = arith.constant 0 : i32
      %broadcast_in_dim3A_2065 = vector.broadcast %jit3A_2063 : i32 to vector<16xi32>
      %broadcast_in_dim3A_2066 = vector.broadcast %jit3A_2064 : i32 to vector<16xi32>
      %select_n3A_2067 = arith.select %gt3A_2062, %broadcast_in_dim3A_2065, %broadcast_in_dim3A_2066 : vector<16xi1>, vector<16xi32>
      %sub3A_2068 = arith.subi %convert_element_type3A_2060, %select_n3A_2067 : vector<16xi32>
      %convert_element_type3A_2069 = arith.fptosi %add3A_2054 : vector<16xf32> to vector<16xi32>
      %convert_element_type3A_2070 = arith.sitofp %convert_element_type3A_2069 : vector<16xi32> to vector<16xf32>
      %gt3A_2071 = arith.cmpf ogt, %convert_element_type3A_2070, %add3A_2054 : vector<16xf32>
      %jit3A_2072 = arith.constant 1 : i32
      %jit3A_2073 = arith.constant 0 : i32
      %broadcast_in_dim3A_2074 = vector.broadcast %jit3A_2072 : i32 to vector<16xi32>
      %broadcast_in_dim3A_2075 = vector.broadcast %jit3A_2073 : i32 to vector<16xi32>
      %select_n3A_2076 = arith.select %gt3A_2071, %broadcast_in_dim3A_2074, %broadcast_in_dim3A_2075 : vector<16xi1>, vector<16xi32>
      %sub3A_2077 = arith.subi %convert_element_type3A_2069, %select_n3A_2076 : vector<16xi32>
      %convert_element_type3A_2078 = arith.fptosi %add3A_2059 : vector<16xf32> to vector<16xi32>
      %convert_element_type3A_2079 = arith.sitofp %convert_element_type3A_2078 : vector<16xi32> to vector<16xf32>
      %gt3A_2080 = arith.cmpf ogt, %convert_element_type3A_2079, %add3A_2059 : vector<16xf32>
      %jit3A_2081 = arith.constant 1 : i32
      %jit3A_2082 = arith.constant 0 : i32
      %broadcast_in_dim3A_2083 = vector.broadcast %jit3A_2081 : i32 to vector<16xi32>
      %broadcast_in_dim3A_2084 = vector.broadcast %jit3A_2082 : i32 to vector<16xi32>
      %select_n3A_2085 = arith.select %gt3A_2080, %broadcast_in_dim3A_2083, %broadcast_in_dim3A_2084 : vector<16xi1>, vector<16xi32>
      %sub3A_2086 = arith.subi %convert_element_type3A_2078, %select_n3A_2085 : vector<16xi32>
      %convert_element_type3A_2087 = arith.sitofp %sub3A_2068 : vector<16xi32> to vector<16xf32>
      %sub3A_2088 = arith.subf %add3A_2048, %convert_element_type3A_2087 : vector<16xf32>
      %swap3A_2089 = arith.constant 0 : i32
      %swap3A_2090 = arith.index_cast %swap3A_2089 : i32 to index
      %swap3A_2091 = arith.constant 112 : index
      %swap3A_2092 = tpu.vector_load %arg10[%swap3A_2090, %swap3A_2091] {strides = array<i32>} : memref<3x128xf32, #tpu.memory_space<vmem>>, vector<16xf32>,
      tpu.vector_store %arg10[%swap3A_2090, %swap3A_2091], %sub3A_2088 {strides = array<i32>} : memref<3x128xf32, #tpu.memory_space<vmem>>, vector<16xf32>,
      %convert_element_type3A_2093 = arith.sitofp %sub3A_2077 : vector<16xi32> to vector<16xf32>
      %sub3A_2094 = arith.subf %add3A_2054, %convert_element_type3A_2093 : vector<16xf32>
      %swap3A_2095 = arith.constant 1 : i32
      %swap3A_2096 = arith.index_cast %swap3A_2095 : i32 to index
      %swap3A_2097 = arith.constant 112 : index
      %swap3A_2098 = tpu.vector_load %arg10[%swap3A_2096, %swap3A_2097] {strides = array<i32>} : memref<3x128xf32, #tpu.memory_space<vmem>>, vector<16xf32>,
      tpu.vector_store %arg10[%swap3A_2096, %swap3A_2097], %sub3A_2094 {strides = array<i32>} : memref<3x128xf32, #tpu.memory_space<vmem>>, vector<16xf32>,
      %convert_element_type3A_2099 = arith.sitofp %sub3A_2086 : vector<16xi32> to vector<16xf32>
      %sub3A_2100 = arith.subf %add3A_2059, %convert_element_type3A_2099 : vector<16xf32>
      %swap3A_2101 = arith.constant 2 : i32
      %swap3A_2102 = arith.index_cast %swap3A_2101 : i32 to index
      %swap3A_2103 = arith.constant 112 : index
      %swap3A_2104 = tpu.vector_load %arg10[%swap3A_2102, %swap3A_2103] {strides = array<i32>} : memref<3x128xf32, #tpu.memory_space<vmem>>, vector<16xf32>,
      tpu.vector_store %arg10[%swap3A_2102, %swap3A_2103], %sub3A_2100 {strides = array<i32>} : memref<3x128xf32, #tpu.memory_space<vmem>>, vector<16xf32>,
      %min3A_2105 = arith.constant 127 : i32
      %min3A_2106 = vector.broadcast %min3A_2105 : i32 to vector<16xi32>
      %min3A_2107 = arith.minsi %sub3A_2068, %min3A_2106 : vector<16xi32>
      %max3A_2108 = arith.constant 0 : i32
      %max3A_2109 = vector.broadcast %max3A_2108 : i32 to vector<16xi32>
      %max3A_2110 = arith.maxsi %min3A_2107, %max3A_2109 : vector<16xi32>
      %shift_left3A_2111 = arith.constant 14 : i32
      %shift_left3A_2112 = vector.broadcast %shift_left3A_2111 : i32 to vector<16xi32>
      %shift_left3A_2113 = arith.shli %max3A_2110, %shift_left3A_2112 : vector<16xi32>
      %add3A_2114 = arith.constant 1 : i32
      %add3A_2115 = vector.broadcast %add3A_2114 : i32 to vector<16xi32>
      %add3A_2116 = arith.addi %sub3A_2068, %add3A_2115 : vector<16xi32>
      %min3A_2117 = arith.constant 127 : i32
      %min3A_2118 = vector.broadcast %min3A_2117 : i32 to vector<16xi32>
      %min3A_2119 = arith.minsi %add3A_2116, %min3A_2118 : vector<16xi32>
      %max3A_2120 = arith.constant 0 : i32
      %max3A_2121 = vector.broadcast %max3A_2120 : i32 to vector<16xi32>
      %max3A_2122 = arith.maxsi %min3A_2119, %max3A_2121 : vector<16xi32>
      %shift_left3A_2123 = arith.constant 14 : i32
      %shift_left3A_2124 = vector.broadcast %shift_left3A_2123 : i32 to vector<16xi32>
      %shift_left3A_2125 = arith.shli %max3A_2122, %shift_left3A_2124 : vector<16xi32>
      %min3A_2126 = arith.constant 127 : i32
      %min3A_2127 = vector.broadcast %min3A_2126 : i32 to vector<16xi32>
      %min3A_2128 = arith.minsi %sub3A_2077, %min3A_2127 : vector<16xi32>
      %max3A_2129 = arith.constant 0 : i32
      %max3A_2130 = vector.broadcast %max3A_2129 : i32 to vector<16xi32>
      %max3A_2131 = arith.maxsi %min3A_2128, %max3A_2130 : vector<16xi32>
      %shift_left3A_2132 = arith.constant 7 : i32
      %shift_left3A_2133 = vector.broadcast %shift_left3A_2132 : i32 to vector<16xi32>
      %shift_left3A_2134 = arith.shli %max3A_2131, %shift_left3A_2133 : vector<16xi32>
      %add3A_2135 = arith.constant 1 : i32
      %add3A_2136 = vector.broadcast %add3A_2135 : i32 to vector<16xi32>
      %add3A_2137 = arith.addi %sub3A_2077, %add3A_2136 : vector<16xi32>
      %min3A_2138 = arith.constant 127 : i32
      %min3A_2139 = vector.broadcast %min3A_2138 : i32 to vector<16xi32>
      %min3A_2140 = arith.minsi %add3A_2137, %min3A_2139 : vector<16xi32>
      %max3A_2141 = arith.constant 0 : i32
      %max3A_2142 = vector.broadcast %max3A_2141 : i32 to vector<16xi32>
      %max3A_2143 = arith.maxsi %min3A_2140, %max3A_2142 : vector<16xi32>
      %shift_left3A_2144 = arith.constant 7 : i32
      %shift_left3A_2145 = vector.broadcast %shift_left3A_2144 : i32 to vector<16xi32>
      %shift_left3A_2146 = arith.shli %max3A_2143, %shift_left3A_2145 : vector<16xi32>
      %min3A_2147 = arith.constant 127 : i32
      %min3A_2148 = vector.broadcast %min3A_2147 : i32 to vector<16xi32>
      %min3A_2149 = arith.minsi %sub3A_2086, %min3A_2148 : vector<16xi32>
      %max3A_2150 = arith.constant 0 : i32
      %max3A_2151 = vector.broadcast %max3A_2150 : i32 to vector<16xi32>
      %max3A_2152 = arith.maxsi %min3A_2149, %max3A_2151 : vector<16xi32>
      %add3A_2153 = arith.constant 1 : i32
      %add3A_2154 = vector.broadcast %add3A_2153 : i32 to vector<16xi32>
      %add3A_2155 = arith.addi %sub3A_2086, %add3A_2154 : vector<16xi32>
      %min3A_2156 = arith.constant 127 : i32
      %min3A_2157 = vector.broadcast %min3A_2156 : i32 to vector<16xi32>
      %min3A_2158 = arith.minsi %add3A_2155, %min3A_2157 : vector<16xi32>
      %max3A_2159 = arith.constant 0 : i32
      %max3A_2160 = vector.broadcast %max3A_2159 : i32 to vector<16xi32>
      %max3A_2161 = arith.maxsi %min3A_2158, %max3A_2160 : vector<16xi32>
      %add3A_2162 = vector.broadcast %mul3A_22 : i32 to vector<16xi32>
      %add3A_2163 = arith.addi %add3A_2162, %shift_left3A_2113 : vector<16xi32>
      %add3A_2164 = arith.addi %add3A_2163, %shift_left3A_2134 : vector<16xi32>
      %add3A_2165 = vector.broadcast %mul3A_22 : i32 to vector<16xi32>
      %add3A_2166 = arith.addi %add3A_2165, %shift_left3A_2113 : vector<16xi32>
      %add3A_2167 = arith.addi %add3A_2166, %shift_left3A_2146 : vector<16xi32>
      %add3A_2168 = vector.broadcast %mul3A_22 : i32 to vector<16xi32>
      %add3A_2169 = arith.addi %add3A_2168, %shift_left3A_2125 : vector<16xi32>
      %add3A_2170 = arith.addi %add3A_2169, %shift_left3A_2134 : vector<16xi32>
      %add3A_2171 = vector.broadcast %mul3A_22 : i32 to vector<16xi32>
      %add3A_2172 = arith.addi %add3A_2171, %shift_left3A_2125 : vector<16xi32>
      %add3A_2173 = arith.addi %add3A_2172, %shift_left3A_2146 : vector<16xi32>
      %add3A_2174 = arith.addi %add3A_2164, %max3A_2152 : vector<16xi32>
      %swap3A_2175 = arith.constant 0 : i32
      %swap3A_2176 = arith.index_cast %swap3A_2175 : i32 to index
      %swap3A_2177 = arith.constant 112 : index
      %swap3A_2178 = tpu.vector_load %arg8[%swap3A_2176, %swap3A_2177] {strides = array<i32>} : memref<9x128xi32, #tpu.memory_space<vmem>>, vector<16xi32>,
      tpu.vector_store %arg8[%swap3A_2176, %swap3A_2177], %add3A_2174 {strides = array<i32>} : memref<9x128xi32, #tpu.memory_space<vmem>>, vector<16xi32>,
      %add3A_2179 = arith.addi %add3A_2164, %max3A_2161 : vector<16xi32>
      %swap3A_2180 = arith.constant 1 : i32
      %swap3A_2181 = arith.index_cast %swap3A_2180 : i32 to index
      %swap3A_2182 = arith.constant 112 : index
      %swap3A_2183 = tpu.vector_load %arg8[%swap3A_2181, %swap3A_2182] {strides = array<i32>} : memref<9x128xi32, #tpu.memory_space<vmem>>, vector<16xi32>,
      tpu.vector_store %arg8[%swap3A_2181, %swap3A_2182], %add3A_2179 {strides = array<i32>} : memref<9x128xi32, #tpu.memory_space<vmem>>, vector<16xi32>,
      %add3A_2184 = arith.addi %add3A_2167, %max3A_2152 : vector<16xi32>
      %swap3A_2185 = arith.constant 2 : i32
      %swap3A_2186 = arith.index_cast %swap3A_2185 : i32 to index
      %swap3A_2187 = arith.constant 112 : index
      %swap3A_2188 = tpu.vector_load %arg8[%swap3A_2186, %swap3A_2187] {strides = array<i32>} : memref<9x128xi32, #tpu.memory_space<vmem>>, vector<16xi32>,
      tpu.vector_store %arg8[%swap3A_2186, %swap3A_2187], %add3A_2184 {strides = array<i32>} : memref<9x128xi32, #tpu.memory_space<vmem>>, vector<16xi32>,
      %add3A_2189 = arith.addi %add3A_2167, %max3A_2161 : vector<16xi32>
      %swap3A_2190 = arith.constant 3 : i32
      %swap3A_2191 = arith.index_cast %swap3A_2190 : i32 to index
      %swap3A_2192 = arith.constant 112 : index
      %swap3A_2193 = tpu.vector_load %arg8[%swap3A_2191, %swap3A_2192] {strides = array<i32>} : memref<9x128xi32, #tpu.memory_space<vmem>>, vector<16xi32>,
      tpu.vector_store %arg8[%swap3A_2191, %swap3A_2192], %add3A_2189 {strides = array<i32>} : memref<9x128xi32, #tpu.memory_space<vmem>>, vector<16xi32>,
      %add3A_2194 = arith.addi %add3A_2170, %max3A_2152 : vector<16xi32>
      %swap3A_2195 = arith.constant 4 : i32
      %swap3A_2196 = arith.index_cast %swap3A_2195 : i32 to index
      %swap3A_2197 = arith.constant 112 : index
      %swap3A_2198 = tpu.vector_load %arg8[%swap3A_2196, %swap3A_2197] {strides = array<i32>} : memref<9x128xi32, #tpu.memory_space<vmem>>, vector<16xi32>,
      tpu.vector_store %arg8[%swap3A_2196, %swap3A_2197], %add3A_2194 {strides = array<i32>} : memref<9x128xi32, #tpu.memory_space<vmem>>, vector<16xi32>,
      %add3A_2199 = arith.addi %add3A_2170, %max3A_2161 : vector<16xi32>
      %swap3A_2200 = arith.constant 5 : i32
      %swap3A_2201 = arith.index_cast %swap3A_2200 : i32 to index
      %swap3A_2202 = arith.constant 112 : index
      %swap3A_2203 = tpu.vector_load %arg8[%swap3A_2201, %swap3A_2202] {strides = array<i32>} : memref<9x128xi32, #tpu.memory_space<vmem>>, vector<16xi32>,
      tpu.vector_store %arg8[%swap3A_2201, %swap3A_2202], %add3A_2199 {strides = array<i32>} : memref<9x128xi32, #tpu.memory_space<vmem>>, vector<16xi32>,
      %add3A_2204 = arith.addi %add3A_2173, %max3A_2152 : vector<16xi32>
      %swap3A_2205 = arith.constant 6 : i32
      %swap3A_2206 = arith.index_cast %swap3A_2205 : i32 to index
      %swap3A_2207 = arith.constant 112 : index
      %swap3A_2208 = tpu.vector_load %arg8[%swap3A_2206, %swap3A_2207] {strides = array<i32>} : memref<9x128xi32, #tpu.memory_space<vmem>>, vector<16xi32>,
      tpu.vector_store %arg8[%swap3A_2206, %swap3A_2207], %add3A_2204 {strides = array<i32>} : memref<9x128xi32, #tpu.memory_space<vmem>>, vector<16xi32>,
      %add3A_2209 = arith.addi %add3A_2173, %max3A_2161 : vector<16xi32>
      %swap3A_2210 = arith.constant 7 : i32
      %swap3A_2211 = arith.index_cast %swap3A_2210 : i32 to index
      %swap3A_2212 = arith.constant 112 : index
      %swap3A_2213 = tpu.vector_load %arg8[%swap3A_2211, %swap3A_2212] {strides = array<i32>} : memref<9x128xi32, #tpu.memory_space<vmem>>, vector<16xi32>,
      tpu.vector_store %arg8[%swap3A_2211, %swap3A_2212], %add3A_2209 {strides = array<i32>} : memref<9x128xi32, #tpu.memory_space<vmem>>, vector<16xi32>,
      %add3A_2214 = arith.constant 5.000000e-01 : f32
      %add3A_2215 = vector.broadcast %add3A_2214 : f32 to vector<16xf32>
      %add3A_2216 = arith.addf %add3A_2048, %add3A_2215 : vector<16xf32>
      %convert_element_type3A_2217 = arith.fptosi %add3A_2216 : vector<16xf32> to vector<16xi32>
      %convert_element_type3A_2218 = arith.sitofp %convert_element_type3A_2217 : vector<16xi32> to vector<16xf32>
      %gt3A_2219 = arith.cmpf ogt, %convert_element_type3A_2218, %add3A_2216 : vector<16xf32>
      %jit3A_2220 = arith.constant 1 : i32
      %jit3A_2221 = arith.constant 0 : i32
      %broadcast_in_dim3A_2222 = vector.broadcast %jit3A_2220 : i32 to vector<16xi32>
      %broadcast_in_dim3A_2223 = vector.broadcast %jit3A_2221 : i32 to vector<16xi32>
      %select_n3A_2224 = arith.select %gt3A_2219, %broadcast_in_dim3A_2222, %broadcast_in_dim3A_2223 : vector<16xi1>, vector<16xi32>
      %sub3A_2225 = arith.subi %convert_element_type3A_2217, %select_n3A_2224 : vector<16xi32>
      %convert_element_type3A_2226 = arith.sitofp %sub3A_2225 : vector<16xi32> to vector<16xf32>
      %eq3A_2227 = arith.cmpf oeq, %convert_element_type3A_2226, %add3A_2216 : vector<16xf32>
      %and3A_2228 = arith.constant 1 : i32
      %and3A_2229 = vector.broadcast %and3A_2228 : i32 to vector<16xi32>
      %and3A_2230 = arith.andi %sub3A_2225, %and3A_2229 : vector<16xi32>
      %eq3A_2231 = arith.constant 1 : i32
      %eq3A_2232 = vector.broadcast %eq3A_2231 : i32 to vector<16xi32>
      %eq3A_2233 = arith.cmpi eq, %and3A_2230, %eq3A_2232 : vector<16xi32>
      %and3A_2234 = arith.andi %eq3A_2227, %eq3A_2233 : vector<16xi1>
      %jit3A_2235 = arith.constant 1 : i32
      %jit3A_2236 = arith.constant 0 : i32
      %broadcast_in_dim3A_2237 = vector.broadcast %jit3A_2235 : i32 to vector<16xi32>
      %broadcast_in_dim3A_2238 = vector.broadcast %jit3A_2236 : i32 to vector<16xi32>
      %select_n3A_2239 = arith.select %and3A_2234, %broadcast_in_dim3A_2237, %broadcast_in_dim3A_2238 : vector<16xi1>, vector<16xi32>
      %sub3A_2240 = arith.subi %sub3A_2225, %select_n3A_2239 : vector<16xi32>
      %min3A_2241 = arith.constant 127 : i32
      %min3A_2242 = vector.broadcast %min3A_2241 : i32 to vector<16xi32>
      %min3A_2243 = arith.minsi %sub3A_2240, %min3A_2242 : vector<16xi32>
      %max3A_2244 = arith.constant 0 : i32
      %max3A_2245 = vector.broadcast %max3A_2244 : i32 to vector<16xi32>
      %max3A_2246 = arith.maxsi %min3A_2243, %max3A_2245 : vector<16xi32>
      %add3A_2247 = arith.constant 5.000000e-01 : f32
      %add3A_2248 = vector.broadcast %add3A_2247 : f32 to vector<16xf32>
      %add3A_2249 = arith.addf %add3A_2054, %add3A_2248 : vector<16xf32>
      %convert_element_type3A_2250 = arith.fptosi %add3A_2249 : vector<16xf32> to vector<16xi32>
      %convert_element_type3A_2251 = arith.sitofp %convert_element_type3A_2250 : vector<16xi32> to vector<16xf32>
      %gt3A_2252 = arith.cmpf ogt, %convert_element_type3A_2251, %add3A_2249 : vector<16xf32>
      %jit3A_2253 = arith.constant 1 : i32
      %jit3A_2254 = arith.constant 0 : i32
      %broadcast_in_dim3A_2255 = vector.broadcast %jit3A_2253 : i32 to vector<16xi32>
      %broadcast_in_dim3A_2256 = vector.broadcast %jit3A_2254 : i32 to vector<16xi32>
      %select_n3A_2257 = arith.select %gt3A_2252, %broadcast_in_dim3A_2255, %broadcast_in_dim3A_2256 : vector<16xi1>, vector<16xi32>
      %sub3A_2258 = arith.subi %convert_element_type3A_2250, %select_n3A_2257 : vector<16xi32>
      %convert_element_type3A_2259 = arith.sitofp %sub3A_2258 : vector<16xi32> to vector<16xf32>
      %eq3A_2260 = arith.cmpf oeq, %convert_element_type3A_2259, %add3A_2249 : vector<16xf32>
      %and3A_2261 = arith.constant 1 : i32
      %and3A_2262 = vector.broadcast %and3A_2261 : i32 to vector<16xi32>
      %and3A_2263 = arith.andi %sub3A_2258, %and3A_2262 : vector<16xi32>
      %eq3A_2264 = arith.constant 1 : i32
      %eq3A_2265 = vector.broadcast %eq3A_2264 : i32 to vector<16xi32>
      %eq3A_2266 = arith.cmpi eq, %and3A_2263, %eq3A_2265 : vector<16xi32>
      %and3A_2267 = arith.andi %eq3A_2260, %eq3A_2266 : vector<16xi1>
      %jit3A_2268 = arith.constant 1 : i32
      %jit3A_2269 = arith.constant 0 : i32
      %broadcast_in_dim3A_2270 = vector.broadcast %jit3A_2268 : i32 to vector<16xi32>
      %broadcast_in_dim3A_2271 = vector.broadcast %jit3A_2269 : i32 to vector<16xi32>
      %select_n3A_2272 = arith.select %and3A_2267, %broadcast_in_dim3A_2270, %broadcast_in_dim3A_2271 : vector<16xi1>, vector<16xi32>
      %sub3A_2273 = arith.subi %sub3A_2258, %select_n3A_2272 : vector<16xi32>
      %min3A_2274 = arith.constant 127 : i32
      %min3A_2275 = vector.broadcast %min3A_2274 : i32 to vector<16xi32>
      %min3A_2276 = arith.minsi %sub3A_2273, %min3A_2275 : vector<16xi32>
      %max3A_2277 = arith.constant 0 : i32
      %max3A_2278 = vector.broadcast %max3A_2277 : i32 to vector<16xi32>
      %max3A_2279 = arith.maxsi %min3A_2276, %max3A_2278 : vector<16xi32>
      %add3A_2280 = arith.constant 5.000000e-01 : f32
      %add3A_2281 = vector.broadcast %add3A_2280 : f32 to vector<16xf32>
      %add3A_2282 = arith.addf %add3A_2059, %add3A_2281 : vector<16xf32>
      %convert_element_type3A_2283 = arith.fptosi %add3A_2282 : vector<16xf32> to vector<16xi32>
      %convert_element_type3A_2284 = arith.sitofp %convert_element_type3A_2283 : vector<16xi32> to vector<16xf32>
      %gt3A_2285 = arith.cmpf ogt, %convert_element_type3A_2284, %add3A_2282 : vector<16xf32>
      %jit3A_2286 = arith.constant 1 : i32
      %jit3A_2287 = arith.constant 0 : i32
      %broadcast_in_dim3A_2288 = vector.broadcast %jit3A_2286 : i32 to vector<16xi32>
      %broadcast_in_dim3A_2289 = vector.broadcast %jit3A_2287 : i32 to vector<16xi32>
      %select_n3A_2290 = arith.select %gt3A_2285, %broadcast_in_dim3A_2288, %broadcast_in_dim3A_2289 : vector<16xi1>, vector<16xi32>
      %sub3A_2291 = arith.subi %convert_element_type3A_2283, %select_n3A_2290 : vector<16xi32>
      %convert_element_type3A_2292 = arith.sitofp %sub3A_2291 : vector<16xi32> to vector<16xf32>
      %eq3A_2293 = arith.cmpf oeq, %convert_element_type3A_2292, %add3A_2282 : vector<16xf32>
      %and3A_2294 = arith.constant 1 : i32
      %and3A_2295 = vector.broadcast %and3A_2294 : i32 to vector<16xi32>
      %and3A_2296 = arith.andi %sub3A_2291, %and3A_2295 : vector<16xi32>
      %eq3A_2297 = arith.constant 1 : i32
      %eq3A_2298 = vector.broadcast %eq3A_2297 : i32 to vector<16xi32>
      %eq3A_2299 = arith.cmpi eq, %and3A_2296, %eq3A_2298 : vector<16xi32>
      %and3A_2300 = arith.andi %eq3A_2293, %eq3A_2299 : vector<16xi1>
      %jit3A_2301 = arith.constant 1 : i32
      %jit3A_2302 = arith.constant 0 : i32
      %broadcast_in_dim3A_2303 = vector.broadcast %jit3A_2301 : i32 to vector<16xi32>
      %broadcast_in_dim3A_2304 = vector.broadcast %jit3A_2302 : i32 to vector<16xi32>
      %select_n3A_2305 = arith.select %and3A_2300, %broadcast_in_dim3A_2303, %broadcast_in_dim3A_2304 : vector<16xi1>, vector<16xi32>
      %sub3A_2306 = arith.subi %sub3A_2291, %select_n3A_2305 : vector<16xi32>
      %min3A_2307 = arith.constant 127 : i32
      %min3A_2308 = vector.broadcast %min3A_2307 : i32 to vector<16xi32>
      %min3A_2309 = arith.minsi %sub3A_2306, %min3A_2308 : vector<16xi32>
      %max3A_2310 = arith.constant 0 : i32
      %max3A_2311 = vector.broadcast %max3A_2310 : i32 to vector<16xi32>
      %max3A_2312 = arith.maxsi %min3A_2309, %max3A_2311 : vector<16xi32>
      %shift_left3A_2313 = arith.constant 14 : i32
      %shift_left3A_2314 = vector.broadcast %shift_left3A_2313 : i32 to vector<16xi32>
      %shift_left3A_2315 = arith.shli %max3A_2246, %shift_left3A_2314 : vector<16xi32>
      %add3A_2316 = vector.broadcast %mul3A_22 : i32 to vector<16xi32>
      %add3A_2317 = arith.addi %add3A_2316, %shift_left3A_2315 : vector<16xi32>
      %shift_left3A_2318 = arith.constant 7 : i32
      %shift_left3A_2319 = vector.broadcast %shift_left3A_2318 : i32 to vector<16xi32>
      %shift_left3A_2320 = arith.shli %max3A_2279, %shift_left3A_2319 : vector<16xi32>
      %add3A_2321 = arith.addi %add3A_2317, %shift_left3A_2320 : vector<16xi32>
      %add3A_2322 = arith.addi %add3A_2321, %max3A_2312 : vector<16xi32>
      %swap3A_2323 = arith.constant 8 : i32
      %swap3A_2324 = arith.index_cast %swap3A_2323 : i32 to index
      %swap3A_2325 = arith.constant 112 : index
      %swap3A_2326 = tpu.vector_load %arg8[%swap3A_2324, %swap3A_2325] {strides = array<i32>} : memref<9x128xi32, #tpu.memory_space<vmem>>, vector<16xi32>,
      tpu.vector_store %arg8[%swap3A_2324, %swap3A_2325], %add3A_2322 {strides = array<i32>} : memref<9x128xi32, #tpu.memory_space<vmem>>, vector<16xi32>,
      %dma_start3A = arith.constant 0 : i32
      %dma_start3A_2327 = arith.constant 0 : i32
      %dma_start3A_2328 = arith.constant 0 : i32
      %dma_start3A_2329 = tpu.memref_slice %arg9[%dma_start3A_2327, %dma_start3A_2328] : memref<9x128xf32, #tpu.memory_space<vmem>> -> memref<1x128xf32, #tpu.memory_space<vmem>>
      %dma_start3A_2330 = tpu.memref_squeeze %dma_start3A_2329 : memref<1x128xf32, #tpu.memory_space<vmem>> -> memref<128xf32, #tpu.memory_space<vmem>>
      %dma_start3A_2331 = arith.constant 0 : i32
      %dma_start3A_2332 = tpu.memref_slice %arg8[%dma_start3A, %dma_start3A_2331] : memref<9x128xi32, #tpu.memory_space<vmem>> -> memref<1x128xi32, #tpu.memory_space<vmem>>
      %dma_start3A_2333 = tpu.memref_squeeze %dma_start3A_2332 : memref<1x128xi32, #tpu.memory_space<vmem>> -> memref<128xi32, #tpu.memory_space<vmem>>
      %dma_start3A_2334 = arith.constant 0 : i32
      %dma_start3A_2335 = tpu.memref_slice %arg3[%dma_start3A_2334] : memref<4194304xf32, #tpu.memory_space<hbm>> -> memref<4194304xf32, #tpu.memory_space<hbm>>
      tpu.enqueue_indirect_dma source(%dma_start3A_2335 : memref<4194304xf32, #tpu.memory_space<hbm>>) target(%dma_start3A_2330 : memref<128xf32, #tpu.memory_space<vmem>>) offsets(%dma_start3A_2333 : memref<128xi32, #tpu.memory_space<vmem>>) semaphore(%arg12 : memref<!tpu.dma_semaphore, #tpu.memory_space<semaphore_mem>>)
      %dma_start3A_2336 = arith.constant 1 : i32
      %dma_start3A_2337 = arith.constant 1 : i32
      %dma_start3A_2338 = arith.constant 0 : i32
      %dma_start3A_2339 = tpu.memref_slice %arg9[%dma_start3A_2337, %dma_start3A_2338] : memref<9x128xf32, #tpu.memory_space<vmem>> -> memref<1x128xf32, #tpu.memory_space<vmem>>
      %dma_start3A_2340 = tpu.memref_squeeze %dma_start3A_2339 : memref<1x128xf32, #tpu.memory_space<vmem>> -> memref<128xf32, #tpu.memory_space<vmem>>
      %dma_start3A_2341 = arith.constant 0 : i32
      %dma_start3A_2342 = tpu.memref_slice %arg8[%dma_start3A_2336, %dma_start3A_2341] : memref<9x128xi32, #tpu.memory_space<vmem>> -> memref<1x128xi32, #tpu.memory_space<vmem>>
      %dma_start3A_2343 = tpu.memref_squeeze %dma_start3A_2342 : memref<1x128xi32, #tpu.memory_space<vmem>> -> memref<128xi32, #tpu.memory_space<vmem>>
      %dma_start3A_2344 = arith.constant 0 : i32
      %dma_start3A_2345 = tpu.memref_slice %arg3[%dma_start3A_2344] : memref<4194304xf32, #tpu.memory_space<hbm>> -> memref<4194304xf32, #tpu.memory_space<hbm>>
      tpu.enqueue_indirect_dma source(%dma_start3A_2345 : memref<4194304xf32, #tpu.memory_space<hbm>>) target(%dma_start3A_2340 : memref<128xf32, #tpu.memory_space<vmem>>) offsets(%dma_start3A_2343 : memref<128xi32, #tpu.memory_space<vmem>>) semaphore(%arg12 : memref<!tpu.dma_semaphore, #tpu.memory_space<semaphore_mem>>)
      %dma_start3A_2346 = arith.constant 2 : i32
      %dma_start3A_2347 = arith.constant 2 : i32
      %dma_start3A_2348 = arith.constant 0 : i32
      %dma_start3A_2349 = tpu.memref_slice %arg9[%dma_start3A_2347, %dma_start3A_2348] : memref<9x128xf32, #tpu.memory_space<vmem>> -> memref<1x128xf32, #tpu.memory_space<vmem>>
      %dma_start3A_2350 = tpu.memref_squeeze %dma_start3A_2349 : memref<1x128xf32, #tpu.memory_space<vmem>> -> memref<128xf32, #tpu.memory_space<vmem>>
      %dma_start3A_2351 = arith.constant 0 : i32
      %dma_start3A_2352 = tpu.memref_slice %arg8[%dma_start3A_2346, %dma_start3A_2351] : memref<9x128xi32, #tpu.memory_space<vmem>> -> memref<1x128xi32, #tpu.memory_space<vmem>>
      %dma_start3A_2353 = tpu.memref_squeeze %dma_start3A_2352 : memref<1x128xi32, #tpu.memory_space<vmem>> -> memref<128xi32, #tpu.memory_space<vmem>>
      %dma_start3A_2354 = arith.constant 0 : i32
      %dma_start3A_2355 = tpu.memref_slice %arg3[%dma_start3A_2354] : memref<4194304xf32, #tpu.memory_space<hbm>> -> memref<4194304xf32, #tpu.memory_space<hbm>>
      tpu.enqueue_indirect_dma source(%dma_start3A_2355 : memref<4194304xf32, #tpu.memory_space<hbm>>) target(%dma_start3A_2350 : memref<128xf32, #tpu.memory_space<vmem>>) offsets(%dma_start3A_2353 : memref<128xi32, #tpu.memory_space<vmem>>) semaphore(%arg12 : memref<!tpu.dma_semaphore, #tpu.memory_space<semaphore_mem>>)
      %dma_start3A_2356 = arith.constant 3 : i32
      %dma_start3A_2357 = arith.constant 3 : i32
      %dma_start3A_2358 = arith.constant 0 : i32
      %dma_start3A_2359 = tpu.memref_slice %arg9[%dma_start3A_2357, %dma_start3A_2358] : memref<9x128xf32, #tpu.memory_space<vmem>> -> memref<1x128xf32, #tpu.memory_space<vmem>>
      %dma_start3A_2360 = tpu.memref_squeeze %dma_start3A_2359 : memref<1x128xf32, #tpu.memory_space<vmem>> -> memref<128xf32, #tpu.memory_space<vmem>>
      %dma_start3A_2361 = arith.constant 0 : i32
      %dma_start3A_2362 = tpu.memref_slice %arg8[%dma_start3A_2356, %dma_start3A_2361] : memref<9x128xi32, #tpu.memory_space<vmem>> -> memref<1x128xi32, #tpu.memory_space<vmem>>
      %dma_start3A_2363 = tpu.memref_squeeze %dma_start3A_2362 : memref<1x128xi32, #tpu.memory_space<vmem>> -> memref<128xi32, #tpu.memory_space<vmem>>
      %dma_start3A_2364 = arith.constant 0 : i32
      %dma_start3A_2365 = tpu.memref_slice %arg3[%dma_start3A_2364] : memref<4194304xf32, #tpu.memory_space<hbm>> -> memref<4194304xf32, #tpu.memory_space<hbm>>
      tpu.enqueue_indirect_dma source(%dma_start3A_2365 : memref<4194304xf32, #tpu.memory_space<hbm>>) target(%dma_start3A_2360 : memref<128xf32, #tpu.memory_space<vmem>>) offsets(%dma_start3A_2363 : memref<128xi32, #tpu.memory_space<vmem>>) semaphore(%arg12 : memref<!tpu.dma_semaphore, #tpu.memory_space<semaphore_mem>>)
      %dma_start3A_2366 = arith.constant 4 : i32
      %dma_start3A_2367 = arith.constant 4 : i32
      %dma_start3A_2368 = arith.constant 0 : i32
      %dma_start3A_2369 = tpu.memref_slice %arg9[%dma_start3A_2367, %dma_start3A_2368] : memref<9x128xf32, #tpu.memory_space<vmem>> -> memref<1x128xf32, #tpu.memory_space<vmem>>
      %dma_start3A_2370 = tpu.memref_squeeze %dma_start3A_2369 : memref<1x128xf32, #tpu.memory_space<vmem>> -> memref<128xf32, #tpu.memory_space<vmem>>
      %dma_start3A_2371 = arith.constant 0 : i32
      %dma_start3A_2372 = tpu.memref_slice %arg8[%dma_start3A_2366, %dma_start3A_2371] : memref<9x128xi32, #tpu.memory_space<vmem>> -> memref<1x128xi32, #tpu.memory_space<vmem>>
      %dma_start3A_2373 = tpu.memref_squeeze %dma_start3A_2372 : memref<1x128xi32, #tpu.memory_space<vmem>> -> memref<128xi32, #tpu.memory_space<vmem>>
      %dma_start3A_2374 = arith.constant 0 : i32
      %dma_start3A_2375 = tpu.memref_slice %arg3[%dma_start3A_2374] : memref<4194304xf32, #tpu.memory_space<hbm>> -> memref<4194304xf32, #tpu.memory_space<hbm>>
      tpu.enqueue_indirect_dma source(%dma_start3A_2375 : memref<4194304xf32, #tpu.memory_space<hbm>>) target(%dma_start3A_2370 : memref<128xf32, #tpu.memory_space<vmem>>) offsets(%dma_start3A_2373 : memref<128xi32, #tpu.memory_space<vmem>>) semaphore(%arg12 : memref<!tpu.dma_semaphore, #tpu.memory_space<semaphore_mem>>)
      %dma_start3A_2376 = arith.constant 5 : i32
      %dma_start3A_2377 = arith.constant 5 : i32
      %dma_start3A_2378 = arith.constant 0 : i32
      %dma_start3A_2379 = tpu.memref_slice %arg9[%dma_start3A_2377, %dma_start3A_2378] : memref<9x128xf32, #tpu.memory_space<vmem>> -> memref<1x128xf32, #tpu.memory_space<vmem>>
      %dma_start3A_2380 = tpu.memref_squeeze %dma_start3A_2379 : memref<1x128xf32, #tpu.memory_space<vmem>> -> memref<128xf32, #tpu.memory_space<vmem>>
      %dma_start3A_2381 = arith.constant 0 : i32
      %dma_start3A_2382 = tpu.memref_slice %arg8[%dma_start3A_2376, %dma_start3A_2381] : memref<9x128xi32, #tpu.memory_space<vmem>> -> memref<1x128xi32, #tpu.memory_space<vmem>>
      %dma_start3A_2383 = tpu.memref_squeeze %dma_start3A_2382 : memref<1x128xi32, #tpu.memory_space<vmem>> -> memref<128xi32, #tpu.memory_space<vmem>>
      %dma_start3A_2384 = arith.constant 0 : i32
      %dma_start3A_2385 = tpu.memref_slice %arg3[%dma_start3A_2384] : memref<4194304xf32, #tpu.memory_space<hbm>> -> memref<4194304xf32, #tpu.memory_space<hbm>>
      tpu.enqueue_indirect_dma source(%dma_start3A_2385 : memref<4194304xf32, #tpu.memory_space<hbm>>) target(%dma_start3A_2380 : memref<128xf32, #tpu.memory_space<vmem>>) offsets(%dma_start3A_2383 : memref<128xi32, #tpu.memory_space<vmem>>) semaphore(%arg12 : memref<!tpu.dma_semaphore, #tpu.memory_space<semaphore_mem>>)
      %dma_start3A_2386 = arith.constant 6 : i32
      %dma_start3A_2387 = arith.constant 6 : i32
      %dma_start3A_2388 = arith.constant 0 : i32
      %dma_start3A_2389 = tpu.memref_slice %arg9[%dma_start3A_2387, %dma_start3A_2388] : memref<9x128xf32, #tpu.memory_space<vmem>> -> memref<1x128xf32, #tpu.memory_space<vmem>>
      %dma_start3A_2390 = tpu.memref_squeeze %dma_start3A_2389 : memref<1x128xf32, #tpu.memory_space<vmem>> -> memref<128xf32, #tpu.memory_space<vmem>>
      %dma_start3A_2391 = arith.constant 0 : i32
      %dma_start3A_2392 = tpu.memref_slice %arg8[%dma_start3A_2386, %dma_start3A_2391] : memref<9x128xi32, #tpu.memory_space<vmem>> -> memref<1x128xi32, #tpu.memory_space<vmem>>
      %dma_start3A_2393 = tpu.memref_squeeze %dma_start3A_2392 : memref<1x128xi32, #tpu.memory_space<vmem>> -> memref<128xi32, #tpu.memory_space<vmem>>
      %dma_start3A_2394 = arith.constant 0 : i32
      %dma_start3A_2395 = tpu.memref_slice %arg3[%dma_start3A_2394] : memref<4194304xf32, #tpu.memory_space<hbm>> -> memref<4194304xf32, #tpu.memory_space<hbm>>
      tpu.enqueue_indirect_dma source(%dma_start3A_2395 : memref<4194304xf32, #tpu.memory_space<hbm>>) target(%dma_start3A_2390 : memref<128xf32, #tpu.memory_space<vmem>>) offsets(%dma_start3A_2393 : memref<128xi32, #tpu.memory_space<vmem>>) semaphore(%arg12 : memref<!tpu.dma_semaphore, #tpu.memory_space<semaphore_mem>>)
      %dma_start3A_2396 = arith.constant 7 : i32
      %dma_start3A_2397 = arith.constant 7 : i32
      %dma_start3A_2398 = arith.constant 0 : i32
      %dma_start3A_2399 = tpu.memref_slice %arg9[%dma_start3A_2397, %dma_start3A_2398] : memref<9x128xf32, #tpu.memory_space<vmem>> -> memref<1x128xf32, #tpu.memory_space<vmem>>
      %dma_start3A_2400 = tpu.memref_squeeze %dma_start3A_2399 : memref<1x128xf32, #tpu.memory_space<vmem>> -> memref<128xf32, #tpu.memory_space<vmem>>
      %dma_start3A_2401 = arith.constant 0 : i32
      %dma_start3A_2402 = tpu.memref_slice %arg8[%dma_start3A_2396, %dma_start3A_2401] : memref<9x128xi32, #tpu.memory_space<vmem>> -> memref<1x128xi32, #tpu.memory_space<vmem>>
      %dma_start3A_2403 = tpu.memref_squeeze %dma_start3A_2402 : memref<1x128xi32, #tpu.memory_space<vmem>> -> memref<128xi32, #tpu.memory_space<vmem>>
      %dma_start3A_2404 = arith.constant 0 : i32
      %dma_start3A_2405 = tpu.memref_slice %arg3[%dma_start3A_2404] : memref<4194304xf32, #tpu.memory_space<hbm>> -> memref<4194304xf32, #tpu.memory_space<hbm>>
      tpu.enqueue_indirect_dma source(%dma_start3A_2405 : memref<4194304xf32, #tpu.memory_space<hbm>>) target(%dma_start3A_2400 : memref<128xf32, #tpu.memory_space<vmem>>) offsets(%dma_start3A_2403 : memref<128xi32, #tpu.memory_space<vmem>>) semaphore(%arg12 : memref<!tpu.dma_semaphore, #tpu.memory_space<semaphore_mem>>)
      %dma_start3A_2406 = arith.constant 8 : i32
      %dma_start3A_2407 = arith.constant 8 : i32
      %dma_start3A_2408 = arith.constant 0 : i32
      %dma_start3A_2409 = tpu.memref_slice %arg9[%dma_start3A_2407, %dma_start3A_2408] : memref<9x128xf32, #tpu.memory_space<vmem>> -> memref<1x128xf32, #tpu.memory_space<vmem>>
      %dma_start3A_2410 = tpu.memref_squeeze %dma_start3A_2409 : memref<1x128xf32, #tpu.memory_space<vmem>> -> memref<128xf32, #tpu.memory_space<vmem>>
      %dma_start3A_2411 = arith.constant 0 : i32
      %dma_start3A_2412 = tpu.memref_slice %arg8[%dma_start3A_2406, %dma_start3A_2411] : memref<9x128xi32, #tpu.memory_space<vmem>> -> memref<1x128xi32, #tpu.memory_space<vmem>>
      %dma_start3A_2413 = tpu.memref_squeeze %dma_start3A_2412 : memref<1x128xi32, #tpu.memory_space<vmem>> -> memref<128xi32, #tpu.memory_space<vmem>>
      %dma_start3A_2414 = arith.constant 0 : i32
      %dma_start3A_2415 = tpu.memref_slice %arg4[%dma_start3A_2414] : memref<4194304xf32, #tpu.memory_space<hbm>> -> memref<4194304xf32, #tpu.memory_space<hbm>>
      tpu.enqueue_indirect_dma source(%dma_start3A_2415 : memref<4194304xf32, #tpu.memory_space<hbm>>) target(%dma_start3A_2410 : memref<128xf32, #tpu.memory_space<vmem>>) offsets(%dma_start3A_2413 : memref<128xi32, #tpu.memory_space<vmem>>) semaphore(%arg12 : memref<!tpu.dma_semaphore, #tpu.memory_space<semaphore_mem>>)
      %dma_wait3A = arith.constant 0 : i32
      %dma_wait3A_2416 = arith.constant 0 : i32
      %dma_wait3A_2417 = arith.constant 0 : i32
      %dma_wait3A_2418 = tpu.memref_slice %arg9[%dma_wait3A_2416, %dma_wait3A_2417] : memref<9x128xf32, #tpu.memory_space<vmem>> -> memref<1x128xf32, #tpu.memory_space<vmem>>
      %dma_wait3A_2419 = tpu.memref_squeeze %dma_wait3A_2418 : memref<1x128xf32, #tpu.memory_space<vmem>> -> memref<128xf32, #tpu.memory_space<vmem>>
      %dma_wait3A_2420 = arith.constant 0 : i32
      %dma_wait3A_2421 = tpu.memref_slice %arg8[%dma_wait3A, %dma_wait3A_2420] : memref<9x128xi32, #tpu.memory_space<vmem>> -> memref<1x128xi32, #tpu.memory_space<vmem>>
      %dma_wait3A_2422 = tpu.memref_squeeze %dma_wait3A_2421 : memref<1x128xi32, #tpu.memory_space<vmem>> -> memref<128xi32, #tpu.memory_space<vmem>>
      %dma_wait3A_2423 = arith.constant 0 : i32
      %dma_wait3A_2424 = tpu.memref_slice %arg3[%dma_wait3A_2423] : memref<4194304xf32, #tpu.memory_space<hbm>> -> memref<4194304xf32, #tpu.memory_space<hbm>>
      tpu.wait_indirect_dma semaphore(%arg12 : memref<!tpu.dma_semaphore, #tpu.memory_space<semaphore_mem>>) src(%dma_wait3A_2424 : memref<4194304xf32, #tpu.memory_space<hbm>>) dst(%dma_wait3A_2419 : memref<128xf32, #tpu.memory_space<vmem>>)
      %dma_wait3A_2425 = arith.constant 1 : i32
      %dma_wait3A_2426 = arith.constant 1 : i32
      %dma_wait3A_2427 = arith.constant 0 : i32
      %dma_wait3A_2428 = tpu.memref_slice %arg9[%dma_wait3A_2426, %dma_wait3A_2427] : memref<9x128xf32, #tpu.memory_space<vmem>> -> memref<1x128xf32, #tpu.memory_space<vmem>>
      %dma_wait3A_2429 = tpu.memref_squeeze %dma_wait3A_2428 : memref<1x128xf32, #tpu.memory_space<vmem>> -> memref<128xf32, #tpu.memory_space<vmem>>
      %dma_wait3A_2430 = arith.constant 0 : i32
      %dma_wait3A_2431 = tpu.memref_slice %arg8[%dma_wait3A_2425, %dma_wait3A_2430] : memref<9x128xi32, #tpu.memory_space<vmem>> -> memref<1x128xi32, #tpu.memory_space<vmem>>
      %dma_wait3A_2432 = tpu.memref_squeeze %dma_wait3A_2431 : memref<1x128xi32, #tpu.memory_space<vmem>> -> memref<128xi32, #tpu.memory_space<vmem>>
      %dma_wait3A_2433 = arith.constant 0 : i32
      %dma_wait3A_2434 = tpu.memref_slice %arg3[%dma_wait3A_2433] : memref<4194304xf32, #tpu.memory_space<hbm>> -> memref<4194304xf32, #tpu.memory_space<hbm>>
      tpu.wait_indirect_dma semaphore(%arg12 : memref<!tpu.dma_semaphore, #tpu.memory_space<semaphore_mem>>) src(%dma_wait3A_2434 : memref<4194304xf32, #tpu.memory_space<hbm>>) dst(%dma_wait3A_2429 : memref<128xf32, #tpu.memory_space<vmem>>)
      %dma_wait3A_2435 = arith.constant 2 : i32
      %dma_wait3A_2436 = arith.constant 2 : i32
      %dma_wait3A_2437 = arith.constant 0 : i32
      %dma_wait3A_2438 = tpu.memref_slice %arg9[%dma_wait3A_2436, %dma_wait3A_2437] : memref<9x128xf32, #tpu.memory_space<vmem>> -> memref<1x128xf32, #tpu.memory_space<vmem>>
      %dma_wait3A_2439 = tpu.memref_squeeze %dma_wait3A_2438 : memref<1x128xf32, #tpu.memory_space<vmem>> -> memref<128xf32, #tpu.memory_space<vmem>>
      %dma_wait3A_2440 = arith.constant 0 : i32
      %dma_wait3A_2441 = tpu.memref_slice %arg8[%dma_wait3A_2435, %dma_wait3A_2440] : memref<9x128xi32, #tpu.memory_space<vmem>> -> memref<1x128xi32, #tpu.memory_space<vmem>>
      %dma_wait3A_2442 = tpu.memref_squeeze %dma_wait3A_2441 : memref<1x128xi32, #tpu.memory_space<vmem>> -> memref<128xi32, #tpu.memory_space<vmem>>
      %dma_wait3A_2443 = arith.constant 0 : i32
      %dma_wait3A_2444 = tpu.memref_slice %arg3[%dma_wait3A_2443] : memref<4194304xf32, #tpu.memory_space<hbm>> -> memref<4194304xf32, #tpu.memory_space<hbm>>
      tpu.wait_indirect_dma semaphore(%arg12 : memref<!tpu.dma_semaphore, #tpu.memory_space<semaphore_mem>>) src(%dma_wait3A_2444 : memref<4194304xf32, #tpu.memory_space<hbm>>) dst(%dma_wait3A_2439 : memref<128xf32, #tpu.memory_space<vmem>>)
      %dma_wait3A_2445 = arith.constant 3 : i32
      %dma_wait3A_2446 = arith.constant 3 : i32
      %dma_wait3A_2447 = arith.constant 0 : i32
      %dma_wait3A_2448 = tpu.memref_slice %arg9[%dma_wait3A_2446, %dma_wait3A_2447] : memref<9x128xf32, #tpu.memory_space<vmem>> -> memref<1x128xf32, #tpu.memory_space<vmem>>
      %dma_wait3A_2449 = tpu.memref_squeeze %dma_wait3A_2448 : memref<1x128xf32, #tpu.memory_space<vmem>> -> memref<128xf32, #tpu.memory_space<vmem>>
      %dma_wait3A_2450 = arith.constant 0 : i32
      %dma_wait3A_2451 = tpu.memref_slice %arg8[%dma_wait3A_2445, %dma_wait3A_2450] : memref<9x128xi32, #tpu.memory_space<vmem>> -> memref<1x128xi32, #tpu.memory_space<vmem>>
      %dma_wait3A_2452 = tpu.memref_squeeze %dma_wait3A_2451 : memref<1x128xi32, #tpu.memory_space<vmem>> -> memref<128xi32, #tpu.memory_space<vmem>>
      %dma_wait3A_2453 = arith.constant 0 : i32
      %dma_wait3A_2454 = tpu.memref_slice %arg3[%dma_wait3A_2453] : memref<4194304xf32, #tpu.memory_space<hbm>> -> memref<4194304xf32, #tpu.memory_space<hbm>>
      tpu.wait_indirect_dma semaphore(%arg12 : memref<!tpu.dma_semaphore, #tpu.memory_space<semaphore_mem>>) src(%dma_wait3A_2454 : memref<4194304xf32, #tpu.memory_space<hbm>>) dst(%dma_wait3A_2449 : memref<128xf32, #tpu.memory_space<vmem>>)
      %dma_wait3A_2455 = arith.constant 4 : i32
      %dma_wait3A_2456 = arith.constant 4 : i32
      %dma_wait3A_2457 = arith.constant 0 : i32
      %dma_wait3A_2458 = tpu.memref_slice %arg9[%dma_wait3A_2456, %dma_wait3A_2457] : memref<9x128xf32, #tpu.memory_space<vmem>> -> memref<1x128xf32, #tpu.memory_space<vmem>>
      %dma_wait3A_2459 = tpu.memref_squeeze %dma_wait3A_2458 : memref<1x128xf32, #tpu.memory_space<vmem>> -> memref<128xf32, #tpu.memory_space<vmem>>
      %dma_wait3A_2460 = arith.constant 0 : i32
      %dma_wait3A_2461 = tpu.memref_slice %arg8[%dma_wait3A_2455, %dma_wait3A_2460] : memref<9x128xi32, #tpu.memory_space<vmem>> -> memref<1x128xi32, #tpu.memory_space<vmem>>
      %dma_wait3A_2462 = tpu.memref_squeeze %dma_wait3A_2461 : memref<1x128xi32, #tpu.memory_space<vmem>> -> memref<128xi32, #tpu.memory_space<vmem>>
      %dma_wait3A_2463 = arith.constant 0 : i32
      %dma_wait3A_2464 = tpu.memref_slice %arg3[%dma_wait3A_2463] : memref<4194304xf32, #tpu.memory_space<hbm>> -> memref<4194304xf32, #tpu.memory_space<hbm>>
      tpu.wait_indirect_dma semaphore(%arg12 : memref<!tpu.dma_semaphore, #tpu.memory_space<semaphore_mem>>) src(%dma_wait3A_2464 : memref<4194304xf32, #tpu.memory_space<hbm>>) dst(%dma_wait3A_2459 : memref<128xf32, #tpu.memory_space<vmem>>)
      %dma_wait3A_2465 = arith.constant 5 : i32
      %dma_wait3A_2466 = arith.constant 5 : i32
      %dma_wait3A_2467 = arith.constant 0 : i32
      %dma_wait3A_2468 = tpu.memref_slice %arg9[%dma_wait3A_2466, %dma_wait3A_2467] : memref<9x128xf32, #tpu.memory_space<vmem>> -> memref<1x128xf32, #tpu.memory_space<vmem>>
      %dma_wait3A_2469 = tpu.memref_squeeze %dma_wait3A_2468 : memref<1x128xf32, #tpu.memory_space<vmem>> -> memref<128xf32, #tpu.memory_space<vmem>>
      %dma_wait3A_2470 = arith.constant 0 : i32
      %dma_wait3A_2471 = tpu.memref_slice %arg8[%dma_wait3A_2465, %dma_wait3A_2470] : memref<9x128xi32, #tpu.memory_space<vmem>> -> memref<1x128xi32, #tpu.memory_space<vmem>>
      %dma_wait3A_2472 = tpu.memref_squeeze %dma_wait3A_2471 : memref<1x128xi32, #tpu.memory_space<vmem>> -> memref<128xi32, #tpu.memory_space<vmem>>
      %dma_wait3A_2473 = arith.constant 0 : i32
      %dma_wait3A_2474 = tpu.memref_slice %arg3[%dma_wait3A_2473] : memref<4194304xf32, #tpu.memory_space<hbm>> -> memref<4194304xf32, #tpu.memory_space<hbm>>
      tpu.wait_indirect_dma semaphore(%arg12 : memref<!tpu.dma_semaphore, #tpu.memory_space<semaphore_mem>>) src(%dma_wait3A_2474 : memref<4194304xf32, #tpu.memory_space<hbm>>) dst(%dma_wait3A_2469 : memref<128xf32, #tpu.memory_space<vmem>>)
      %dma_wait3A_2475 = arith.constant 6 : i32
      %dma_wait3A_2476 = arith.constant 6 : i32
      %dma_wait3A_2477 = arith.constant 0 : i32
      %dma_wait3A_2478 = tpu.memref_slice %arg9[%dma_wait3A_2476, %dma_wait3A_2477] : memref<9x128xf32, #tpu.memory_space<vmem>> -> memref<1x128xf32, #tpu.memory_space<vmem>>
      %dma_wait3A_2479 = tpu.memref_squeeze %dma_wait3A_2478 : memref<1x128xf32, #tpu.memory_space<vmem>> -> memref<128xf32, #tpu.memory_space<vmem>>
      %dma_wait3A_2480 = arith.constant 0 : i32
      %dma_wait3A_2481 = tpu.memref_slice %arg8[%dma_wait3A_2475, %dma_wait3A_2480] : memref<9x128xi32, #tpu.memory_space<vmem>> -> memref<1x128xi32, #tpu.memory_space<vmem>>
      %dma_wait3A_2482 = tpu.memref_squeeze %dma_wait3A_2481 : memref<1x128xi32, #tpu.memory_space<vmem>> -> memref<128xi32, #tpu.memory_space<vmem>>
      %dma_wait3A_2483 = arith.constant 0 : i32
      %dma_wait3A_2484 = tpu.memref_slice %arg3[%dma_wait3A_2483] : memref<4194304xf32, #tpu.memory_space<hbm>> -> memref<4194304xf32, #tpu.memory_space<hbm>>
      tpu.wait_indirect_dma semaphore(%arg12 : memref<!tpu.dma_semaphore, #tpu.memory_space<semaphore_mem>>) src(%dma_wait3A_2484 : memref<4194304xf32, #tpu.memory_space<hbm>>) dst(%dma_wait3A_2479 : memref<128xf32, #tpu.memory_space<vmem>>)
      %dma_wait3A_2485 = arith.constant 7 : i32
      %dma_wait3A_2486 = arith.constant 7 : i32
      %dma_wait3A_2487 = arith.constant 0 : i32
      %dma_wait3A_2488 = tpu.memref_slice %arg9[%dma_wait3A_2486, %dma_wait3A_2487] : memref<9x128xf32, #tpu.memory_space<vmem>> -> memref<1x128xf32, #tpu.memory_space<vmem>>
      %dma_wait3A_2489 = tpu.memref_squeeze %dma_wait3A_2488 : memref<1x128xf32, #tpu.memory_space<vmem>> -> memref<128xf32, #tpu.memory_space<vmem>>
      %dma_wait3A_2490 = arith.constant 0 : i32
      %dma_wait3A_2491 = tpu.memref_slice %arg8[%dma_wait3A_2485, %dma_wait3A_2490] : memref<9x128xi32, #tpu.memory_space<vmem>> -> memref<1x128xi32, #tpu.memory_space<vmem>>
      %dma_wait3A_2492 = tpu.memref_squeeze %dma_wait3A_2491 : memref<1x128xi32, #tpu.memory_space<vmem>> -> memref<128xi32, #tpu.memory_space<vmem>>
      %dma_wait3A_2493 = arith.constant 0 : i32
      %dma_wait3A_2494 = tpu.memref_slice %arg3[%dma_wait3A_2493] : memref<4194304xf32, #tpu.memory_space<hbm>> -> memref<4194304xf32, #tpu.memory_space<hbm>>
      tpu.wait_indirect_dma semaphore(%arg12 : memref<!tpu.dma_semaphore, #tpu.memory_space<semaphore_mem>>) src(%dma_wait3A_2494 : memref<4194304xf32, #tpu.memory_space<hbm>>) dst(%dma_wait3A_2489 : memref<128xf32, #tpu.memory_space<vmem>>)
      %dma_wait3A_2495 = arith.constant 8 : i32
      %dma_wait3A_2496 = arith.constant 8 : i32
      %dma_wait3A_2497 = arith.constant 0 : i32
      %dma_wait3A_2498 = tpu.memref_slice %arg9[%dma_wait3A_2496, %dma_wait3A_2497] : memref<9x128xf32, #tpu.memory_space<vmem>> -> memref<1x128xf32, #tpu.memory_space<vmem>>
      %dma_wait3A_2499 = tpu.memref_squeeze %dma_wait3A_2498 : memref<1x128xf32, #tpu.memory_space<vmem>> -> memref<128xf32, #tpu.memory_space<vmem>>
      %dma_wait3A_2500 = arith.constant 0 : i32
      %dma_wait3A_2501 = tpu.memref_slice %arg8[%dma_wait3A_2495, %dma_wait3A_2500] : memref<9x128xi32, #tpu.memory_space<vmem>> -> memref<1x128xi32, #tpu.memory_space<vmem>>
      %dma_wait3A_2502 = tpu.memref_squeeze %dma_wait3A_2501 : memref<1x128xi32, #tpu.memory_space<vmem>> -> memref<128xi32, #tpu.memory_space<vmem>>
      %dma_wait3A_2503 = arith.constant 0 : i32
      %dma_wait3A_2504 = tpu.memref_slice %arg4[%dma_wait3A_2503] : memref<4194304xf32, #tpu.memory_space<hbm>> -> memref<4194304xf32, #tpu.memory_space<hbm>>
      tpu.wait_indirect_dma semaphore(%arg12 : memref<!tpu.dma_semaphore, #tpu.memory_space<semaphore_mem>>) src(%dma_wait3A_2504 : memref<4194304xf32, #tpu.memory_space<hbm>>) dst(%dma_wait3A_2499 : memref<128xf32, #tpu.memory_space<vmem>>)
      %get3A = arith.constant 0 : i32
      %get3A_2505 = arith.index_cast %get3A : i32 to index
      %get3A_2506 = arith.constant 0 : index
      %get3A_2507 = tpu.vector_load %arg10[%get3A_2505, %get3A_2506] {strides = array<i32>} : memref<3x128xf32, #tpu.memory_space<vmem>>, vector<16xf32>,
      %get3A_2508 = arith.constant 1 : i32
      %get3A_2509 = arith.index_cast %get3A_2508 : i32 to index
      %get3A_2510 = arith.constant 0 : index
      %get3A_2511 = tpu.vector_load %arg10[%get3A_2509, %get3A_2510] {strides = array<i32>} : memref<3x128xf32, #tpu.memory_space<vmem>>, vector<16xf32>,
      %get3A_2512 = arith.constant 2 : i32
      %get3A_2513 = arith.index_cast %get3A_2512 : i32 to index
      %get3A_2514 = arith.constant 0 : index
      %get3A_2515 = tpu.vector_load %arg10[%get3A_2513, %get3A_2514] {strides = array<i32>} : memref<3x128xf32, #tpu.memory_space<vmem>>, vector<16xf32>,
      %get3A_2516 = arith.constant 0 : i32
      %get3A_2517 = arith.index_cast %get3A_2516 : i32 to index
      %get3A_2518 = arith.constant 0 : index
      %get3A_2519 = tpu.vector_load %arg9[%get3A_2517, %get3A_2518] {strides = array<i32>} : memref<9x128xf32, #tpu.memory_space<vmem>>, vector<16xf32>,
      %get3A_2520 = arith.constant 1 : i32
      %get3A_2521 = arith.index_cast %get3A_2520 : i32 to index
      %get3A_2522 = arith.constant 0 : index
      %get3A_2523 = tpu.vector_load %arg9[%get3A_2521, %get3A_2522] {strides = array<i32>} : memref<9x128xf32, #tpu.memory_space<vmem>>, vector<16xf32>,
      %get3A_2524 = arith.constant 2 : i32
      %get3A_2525 = arith.index_cast %get3A_2524 : i32 to index
      %get3A_2526 = arith.constant 0 : index
      %get3A_2527 = tpu.vector_load %arg9[%get3A_2525, %get3A_2526] {strides = array<i32>} : memref<9x128xf32, #tpu.memory_space<vmem>>, vector<16xf32>,
      %get3A_2528 = arith.constant 3 : i32
      %get3A_2529 = arith.index_cast %get3A_2528 : i32 to index
      %get3A_2530 = arith.constant 0 : index
      %get3A_2531 = tpu.vector_load %arg9[%get3A_2529, %get3A_2530] {strides = array<i32>} : memref<9x128xf32, #tpu.memory_space<vmem>>, vector<16xf32>,
      %get3A_2532 = arith.constant 4 : i32
      %get3A_2533 = arith.index_cast %get3A_2532 : i32 to index
      %get3A_2534 = arith.constant 0 : index
      %get3A_2535 = tpu.vector_load %arg9[%get3A_2533, %get3A_2534] {strides = array<i32>} : memref<9x128xf32, #tpu.memory_space<vmem>>, vector<16xf32>,
      %get3A_2536 = arith.constant 5 : i32
      %get3A_2537 = arith.index_cast %get3A_2536 : i32 to index
      %get3A_2538 = arith.constant 0 : index
      %get3A_2539 = tpu.vector_load %arg9[%get3A_2537, %get3A_2538] {strides = array<i32>} : memref<9x128xf32, #tpu.memory_space<vmem>>, vector<16xf32>,
      %get3A_2540 = arith.constant 6 : i32
      %get3A_2541 = arith.index_cast %get3A_2540 : i32 to index
      %get3A_2542 = arith.constant 0 : index
      %get3A_2543 = tpu.vector_load %arg9[%get3A_2541, %get3A_2542] {strides = array<i32>} : memref<9x128xf32, #tpu.memory_space<vmem>>, vector<16xf32>,
      %get3A_2544 = arith.constant 7 : i32
      %get3A_2545 = arith.index_cast %get3A_2544 : i32 to index
      %get3A_2546 = arith.constant 0 : index
      %get3A_2547 = tpu.vector_load %arg9[%get3A_2545, %get3A_2546] {strides = array<i32>} : memref<9x128xf32, #tpu.memory_space<vmem>>, vector<16xf32>,
      %sub3A_2548 = arith.subf %get3A_2523, %get3A_2519 : vector<16xf32>
      %mul3A_2549 = arith.mulf %get3A_2515, %sub3A_2548 : vector<16xf32>
      %add3A_2550 = arith.addf %get3A_2519, %mul3A_2549 : vector<16xf32>
      %sub3A_2551 = arith.subf %get3A_2531, %get3A_2527 : vector<16xf32>
      %mul3A_2552 = arith.mulf %get3A_2515, %sub3A_2551 : vector<16xf32>
      %add3A_2553 = arith.addf %get3A_2527, %mul3A_2552 : vector<16xf32>
      %sub3A_2554 = arith.subf %get3A_2539, %get3A_2535 : vector<16xf32>
      %mul3A_2555 = arith.mulf %get3A_2515, %sub3A_2554 : vector<16xf32>
      %add3A_2556 = arith.addf %get3A_2535, %mul3A_2555 : vector<16xf32>
      %sub3A_2557 = arith.subf %get3A_2547, %get3A_2543 : vector<16xf32>
      %mul3A_2558 = arith.mulf %get3A_2515, %sub3A_2557 : vector<16xf32>
      %add3A_2559 = arith.addf %get3A_2543, %mul3A_2558 : vector<16xf32>
      %sub3A_2560 = arith.subf %add3A_2553, %add3A_2550 : vector<16xf32>
      %mul3A_2561 = arith.mulf %get3A_2511, %sub3A_2560 : vector<16xf32>
      %add3A_2562 = arith.addf %add3A_2550, %mul3A_2561 : vector<16xf32>
      %sub3A_2563 = arith.subf %add3A_2559, %add3A_2556 : vector<16xf32>
      %mul3A_2564 = arith.mulf %get3A_2511, %sub3A_2563 : vector<16xf32>
      %add3A_2565 = arith.addf %add3A_2556, %mul3A_2564 : vector<16xf32>
      %sub3A_2566 = arith.subf %add3A_2565, %add3A_2562 : vector<16xf32>
      %mul3A_2567 = arith.mulf %get3A_2507, %sub3A_2566 : vector<16xf32>
      %add3A_2568 = arith.addf %add3A_2562, %mul3A_2567 : vector<16xf32>
      %swap3A_2569 = arith.constant 0 : index
      %swap3A_2570 = tpu.vector_load %arg11[%swap3A_2569] {strides = array<i32>} : memref<128xf32, #tpu.memory_space<vmem>>, vector<16xf32>,
      tpu.vector_store %arg11[%swap3A_2569], %add3A_2568 {strides = array<i32>} : memref<128xf32, #tpu.memory_space<vmem>>, vector<16xf32>,
      %get3A_2571 = arith.constant 0 : i32
      %get3A_2572 = arith.index_cast %get3A_2571 : i32 to index
      %get3A_2573 = arith.constant 16 : index
      %get3A_2574 = tpu.vector_load %arg10[%get3A_2572, %get3A_2573] {strides = array<i32>} : memref<3x128xf32, #tpu.memory_space<vmem>>, vector<16xf32>,
      %get3A_2575 = arith.constant 1 : i32
      %get3A_2576 = arith.index_cast %get3A_2575 : i32 to index
      %get3A_2577 = arith.constant 16 : index
      %get3A_2578 = tpu.vector_load %arg10[%get3A_2576, %get3A_2577] {strides = array<i32>} : memref<3x128xf32, #tpu.memory_space<vmem>>, vector<16xf32>,
      %get3A_2579 = arith.constant 2 : i32
      %get3A_2580 = arith.index_cast %get3A_2579 : i32 to index
      %get3A_2581 = arith.constant 16 : index
      %get3A_2582 = tpu.vector_load %arg10[%get3A_2580, %get3A_2581] {strides = array<i32>} : memref<3x128xf32, #tpu.memory_space<vmem>>, vector<16xf32>,
      %get3A_2583 = arith.constant 0 : i32
      %get3A_2584 = arith.index_cast %get3A_2583 : i32 to index
      %get3A_2585 = arith.constant 16 : index
      %get3A_2586 = tpu.vector_load %arg9[%get3A_2584, %get3A_2585] {strides = array<i32>} : memref<9x128xf32, #tpu.memory_space<vmem>>, vector<16xf32>,
      %get3A_2587 = arith.constant 1 : i32
      %get3A_2588 = arith.index_cast %get3A_2587 : i32 to index
      %get3A_2589 = arith.constant 16 : index
      %get3A_2590 = tpu.vector_load %arg9[%get3A_2588, %get3A_2589] {strides = array<i32>} : memref<9x128xf32, #tpu.memory_space<vmem>>, vector<16xf32>,
      %get3A_2591 = arith.constant 2 : i32
      %get3A_2592 = arith.index_cast %get3A_2591 : i32 to index
      %get3A_2593 = arith.constant 16 : index
      %get3A_2594 = tpu.vector_load %arg9[%get3A_2592, %get3A_2593] {strides = array<i32>} : memref<9x128xf32, #tpu.memory_space<vmem>>, vector<16xf32>,
      %get3A_2595 = arith.constant 3 : i32
      %get3A_2596 = arith.index_cast %get3A_2595 : i32 to index
      %get3A_2597 = arith.constant 16 : index
      %get3A_2598 = tpu.vector_load %arg9[%get3A_2596, %get3A_2597] {strides = array<i32>} : memref<9x128xf32, #tpu.memory_space<vmem>>, vector<16xf32>,
      %get3A_2599 = arith.constant 4 : i32
      %get3A_2600 = arith.index_cast %get3A_2599 : i32 to index
      %get3A_2601 = arith.constant 16 : index
      %get3A_2602 = tpu.vector_load %arg9[%get3A_2600, %get3A_2601] {strides = array<i32>} : memref<9x128xf32, #tpu.memory_space<vmem>>, vector<16xf32>,
      %get3A_2603 = arith.constant 5 : i32
      %get3A_2604 = arith.index_cast %get3A_2603 : i32 to index
      %get3A_2605 = arith.constant 16 : index
      %get3A_2606 = tpu.vector_load %arg9[%get3A_2604, %get3A_2605] {strides = array<i32>} : memref<9x128xf32, #tpu.memory_space<vmem>>, vector<16xf32>,
      %get3A_2607 = arith.constant 6 : i32
      %get3A_2608 = arith.index_cast %get3A_2607 : i32 to index
      %get3A_2609 = arith.constant 16 : index
      %get3A_2610 = tpu.vector_load %arg9[%get3A_2608, %get3A_2609] {strides = array<i32>} : memref<9x128xf32, #tpu.memory_space<vmem>>, vector<16xf32>,
      %get3A_2611 = arith.constant 7 : i32
      %get3A_2612 = arith.index_cast %get3A_2611 : i32 to index
      %get3A_2613 = arith.constant 16 : index
      %get3A_2614 = tpu.vector_load %arg9[%get3A_2612, %get3A_2613] {strides = array<i32>} : memref<9x128xf32, #tpu.memory_space<vmem>>, vector<16xf32>,
      %sub3A_2615 = arith.subf %get3A_2590, %get3A_2586 : vector<16xf32>
      %mul3A_2616 = arith.mulf %get3A_2582, %sub3A_2615 : vector<16xf32>
      %add3A_2617 = arith.addf %get3A_2586, %mul3A_2616 : vector<16xf32>
      %sub3A_2618 = arith.subf %get3A_2598, %get3A_2594 : vector<16xf32>
      %mul3A_2619 = arith.mulf %get3A_2582, %sub3A_2618 : vector<16xf32>
      %add3A_2620 = arith.addf %get3A_2594, %mul3A_2619 : vector<16xf32>
      %sub3A_2621 = arith.subf %get3A_2606, %get3A_2602 : vector<16xf32>
      %mul3A_2622 = arith.mulf %get3A_2582, %sub3A_2621 : vector<16xf32>
      %add3A_2623 = arith.addf %get3A_2602, %mul3A_2622 : vector<16xf32>
      %sub3A_2624 = arith.subf %get3A_2614, %get3A_2610 : vector<16xf32>
      %mul3A_2625 = arith.mulf %get3A_2582, %sub3A_2624 : vector<16xf32>
      %add3A_2626 = arith.addf %get3A_2610, %mul3A_2625 : vector<16xf32>
      %sub3A_2627 = arith.subf %add3A_2620, %add3A_2617 : vector<16xf32>
      %mul3A_2628 = arith.mulf %get3A_2578, %sub3A_2627 : vector<16xf32>
      %add3A_2629 = arith.addf %add3A_2617, %mul3A_2628 : vector<16xf32>
      %sub3A_2630 = arith.subf %add3A_2626, %add3A_2623 : vector<16xf32>
      %mul3A_2631 = arith.mulf %get3A_2578, %sub3A_2630 : vector<16xf32>
      %add3A_2632 = arith.addf %add3A_2623, %mul3A_2631 : vector<16xf32>
      %sub3A_2633 = arith.subf %add3A_2632, %add3A_2629 : vector<16xf32>
      %mul3A_2634 = arith.mulf %get3A_2574, %sub3A_2633 : vector<16xf32>
      %add3A_2635 = arith.addf %add3A_2629, %mul3A_2634 : vector<16xf32>
      %swap3A_2636 = arith.constant 16 : index
      %swap3A_2637 = tpu.vector_load %arg11[%swap3A_2636] {strides = array<i32>} : memref<128xf32, #tpu.memory_space<vmem>>, vector<16xf32>,
      tpu.vector_store %arg11[%swap3A_2636], %add3A_2635 {strides = array<i32>} : memref<128xf32, #tpu.memory_space<vmem>>, vector<16xf32>,
      %get3A_2638 = arith.constant 0 : i32
      %get3A_2639 = arith.index_cast %get3A_2638 : i32 to index
      %get3A_2640 = arith.constant 32 : index
      %get3A_2641 = tpu.vector_load %arg10[%get3A_2639, %get3A_2640] {strides = array<i32>} : memref<3x128xf32, #tpu.memory_space<vmem>>, vector<16xf32>,
      %get3A_2642 = arith.constant 1 : i32
      %get3A_2643 = arith.index_cast %get3A_2642 : i32 to index
      %get3A_2644 = arith.constant 32 : index
      %get3A_2645 = tpu.vector_load %arg10[%get3A_2643, %get3A_2644] {strides = array<i32>} : memref<3x128xf32, #tpu.memory_space<vmem>>, vector<16xf32>,
      %get3A_2646 = arith.constant 2 : i32
      %get3A_2647 = arith.index_cast %get3A_2646 : i32 to index
      %get3A_2648 = arith.constant 32 : index
      %get3A_2649 = tpu.vector_load %arg10[%get3A_2647, %get3A_2648] {strides = array<i32>} : memref<3x128xf32, #tpu.memory_space<vmem>>, vector<16xf32>,
      %get3A_2650 = arith.constant 0 : i32
      %get3A_2651 = arith.index_cast %get3A_2650 : i32 to index
      %get3A_2652 = arith.constant 32 : index
      %get3A_2653 = tpu.vector_load %arg9[%get3A_2651, %get3A_2652] {strides = array<i32>} : memref<9x128xf32, #tpu.memory_space<vmem>>, vector<16xf32>,
      %get3A_2654 = arith.constant 1 : i32
      %get3A_2655 = arith.index_cast %get3A_2654 : i32 to index
      %get3A_2656 = arith.constant 32 : index
      %get3A_2657 = tpu.vector_load %arg9[%get3A_2655, %get3A_2656] {strides = array<i32>} : memref<9x128xf32, #tpu.memory_space<vmem>>, vector<16xf32>,
      %get3A_2658 = arith.constant 2 : i32
      %get3A_2659 = arith.index_cast %get3A_2658 : i32 to index
      %get3A_2660 = arith.constant 32 : index
      %get3A_2661 = tpu.vector_load %arg9[%get3A_2659, %get3A_2660] {strides = array<i32>} : memref<9x128xf32, #tpu.memory_space<vmem>>, vector<16xf32>,
      %get3A_2662 = arith.constant 3 : i32
      %get3A_2663 = arith.index_cast %get3A_2662 : i32 to index
      %get3A_2664 = arith.constant 32 : index
      %get3A_2665 = tpu.vector_load %arg9[%get3A_2663, %get3A_2664] {strides = array<i32>} : memref<9x128xf32, #tpu.memory_space<vmem>>, vector<16xf32>,
      %get3A_2666 = arith.constant 4 : i32
      %get3A_2667 = arith.index_cast %get3A_2666 : i32 to index
      %get3A_2668 = arith.constant 32 : index
      %get3A_2669 = tpu.vector_load %arg9[%get3A_2667, %get3A_2668] {strides = array<i32>} : memref<9x128xf32, #tpu.memory_space<vmem>>, vector<16xf32>,
      %get3A_2670 = arith.constant 5 : i32
      %get3A_2671 = arith.index_cast %get3A_2670 : i32 to index
      %get3A_2672 = arith.constant 32 : index
      %get3A_2673 = tpu.vector_load %arg9[%get3A_2671, %get3A_2672] {strides = array<i32>} : memref<9x128xf32, #tpu.memory_space<vmem>>, vector<16xf32>,
      %get3A_2674 = arith.constant 6 : i32
      %get3A_2675 = arith.index_cast %get3A_2674 : i32 to index
      %get3A_2676 = arith.constant 32 : index
      %get3A_2677 = tpu.vector_load %arg9[%get3A_2675, %get3A_2676] {strides = array<i32>} : memref<9x128xf32, #tpu.memory_space<vmem>>, vector<16xf32>,
      %get3A_2678 = arith.constant 7 : i32
      %get3A_2679 = arith.index_cast %get3A_2678 : i32 to index
      %get3A_2680 = arith.constant 32 : index
      %get3A_2681 = tpu.vector_load %arg9[%get3A_2679, %get3A_2680] {strides = array<i32>} : memref<9x128xf32, #tpu.memory_space<vmem>>, vector<16xf32>,
      %sub3A_2682 = arith.subf %get3A_2657, %get3A_2653 : vector<16xf32>
      %mul3A_2683 = arith.mulf %get3A_2649, %sub3A_2682 : vector<16xf32>
      %add3A_2684 = arith.addf %get3A_2653, %mul3A_2683 : vector<16xf32>
      %sub3A_2685 = arith.subf %get3A_2665, %get3A_2661 : vector<16xf32>
      %mul3A_2686 = arith.mulf %get3A_2649, %sub3A_2685 : vector<16xf32>
      %add3A_2687 = arith.addf %get3A_2661, %mul3A_2686 : vector<16xf32>
      %sub3A_2688 = arith.subf %get3A_2673, %get3A_2669 : vector<16xf32>
      %mul3A_2689 = arith.mulf %get3A_2649, %sub3A_2688 : vector<16xf32>
      %add3A_2690 = arith.addf %get3A_2669, %mul3A_2689 : vector<16xf32>
      %sub3A_2691 = arith.subf %get3A_2681, %get3A_2677 : vector<16xf32>
      %mul3A_2692 = arith.mulf %get3A_2649, %sub3A_2691 : vector<16xf32>
      %add3A_2693 = arith.addf %get3A_2677, %mul3A_2692 : vector<16xf32>
      %sub3A_2694 = arith.subf %add3A_2687, %add3A_2684 : vector<16xf32>
      %mul3A_2695 = arith.mulf %get3A_2645, %sub3A_2694 : vector<16xf32>
      %add3A_2696 = arith.addf %add3A_2684, %mul3A_2695 : vector<16xf32>
      %sub3A_2697 = arith.subf %add3A_2693, %add3A_2690 : vector<16xf32>
      %mul3A_2698 = arith.mulf %get3A_2645, %sub3A_2697 : vector<16xf32>
      %add3A_2699 = arith.addf %add3A_2690, %mul3A_2698 : vector<16xf32>
      %sub3A_2700 = arith.subf %add3A_2699, %add3A_2696 : vector<16xf32>
      %mul3A_2701 = arith.mulf %get3A_2641, %sub3A_2700 : vector<16xf32>
      %add3A_2702 = arith.addf %add3A_2696, %mul3A_2701 : vector<16xf32>
      %swap3A_2703 = arith.constant 32 : index
      %swap3A_2704 = tpu.vector_load %arg11[%swap3A_2703] {strides = array<i32>} : memref<128xf32, #tpu.memory_space<vmem>>, vector<16xf32>,
      tpu.vector_store %arg11[%swap3A_2703], %add3A_2702 {strides = array<i32>} : memref<128xf32, #tpu.memory_space<vmem>>, vector<16xf32>,
      %get3A_2705 = arith.constant 0 : i32
      %get3A_2706 = arith.index_cast %get3A_2705 : i32 to index
      %get3A_2707 = arith.constant 48 : index
      %get3A_2708 = tpu.vector_load %arg10[%get3A_2706, %get3A_2707] {strides = array<i32>} : memref<3x128xf32, #tpu.memory_space<vmem>>, vector<16xf32>,
      %get3A_2709 = arith.constant 1 : i32
      %get3A_2710 = arith.index_cast %get3A_2709 : i32 to index
      %get3A_2711 = arith.constant 48 : index
      %get3A_2712 = tpu.vector_load %arg10[%get3A_2710, %get3A_2711] {strides = array<i32>} : memref<3x128xf32, #tpu.memory_space<vmem>>, vector<16xf32>,
      %get3A_2713 = arith.constant 2 : i32
      %get3A_2714 = arith.index_cast %get3A_2713 : i32 to index
      %get3A_2715 = arith.constant 48 : index
      %get3A_2716 = tpu.vector_load %arg10[%get3A_2714, %get3A_2715] {strides = array<i32>} : memref<3x128xf32, #tpu.memory_space<vmem>>, vector<16xf32>,
      %get3A_2717 = arith.constant 0 : i32
      %get3A_2718 = arith.index_cast %get3A_2717 : i32 to index
      %get3A_2719 = arith.constant 48 : index
      %get3A_2720 = tpu.vector_load %arg9[%get3A_2718, %get3A_2719] {strides = array<i32>} : memref<9x128xf32, #tpu.memory_space<vmem>>, vector<16xf32>,
      %get3A_2721 = arith.constant 1 : i32
      %get3A_2722 = arith.index_cast %get3A_2721 : i32 to index
      %get3A_2723 = arith.constant 48 : index
      %get3A_2724 = tpu.vector_load %arg9[%get3A_2722, %get3A_2723] {strides = array<i32>} : memref<9x128xf32, #tpu.memory_space<vmem>>, vector<16xf32>,
      %get3A_2725 = arith.constant 2 : i32
      %get3A_2726 = arith.index_cast %get3A_2725 : i32 to index
      %get3A_2727 = arith.constant 48 : index
      %get3A_2728 = tpu.vector_load %arg9[%get3A_2726, %get3A_2727] {strides = array<i32>} : memref<9x128xf32, #tpu.memory_space<vmem>>, vector<16xf32>,
      %get3A_2729 = arith.constant 3 : i32
      %get3A_2730 = arith.index_cast %get3A_2729 : i32 to index
      %get3A_2731 = arith.constant 48 : index
      %get3A_2732 = tpu.vector_load %arg9[%get3A_2730, %get3A_2731] {strides = array<i32>} : memref<9x128xf32, #tpu.memory_space<vmem>>, vector<16xf32>,
      %get3A_2733 = arith.constant 4 : i32
      %get3A_2734 = arith.index_cast %get3A_2733 : i32 to index
      %get3A_2735 = arith.constant 48 : index
      %get3A_2736 = tpu.vector_load %arg9[%get3A_2734, %get3A_2735] {strides = array<i32>} : memref<9x128xf32, #tpu.memory_space<vmem>>, vector<16xf32>,
      %get3A_2737 = arith.constant 5 : i32
      %get3A_2738 = arith.index_cast %get3A_2737 : i32 to index
      %get3A_2739 = arith.constant 48 : index
      %get3A_2740 = tpu.vector_load %arg9[%get3A_2738, %get3A_2739] {strides = array<i32>} : memref<9x128xf32, #tpu.memory_space<vmem>>, vector<16xf32>,
      %get3A_2741 = arith.constant 6 : i32
      %get3A_2742 = arith.index_cast %get3A_2741 : i32 to index
      %get3A_2743 = arith.constant 48 : index
      %get3A_2744 = tpu.vector_load %arg9[%get3A_2742, %get3A_2743] {strides = array<i32>} : memref<9x128xf32, #tpu.memory_space<vmem>>, vector<16xf32>,
      %get3A_2745 = arith.constant 7 : i32
      %get3A_2746 = arith.index_cast %get3A_2745 : i32 to index
      %get3A_2747 = arith.constant 48 : index
      %get3A_2748 = tpu.vector_load %arg9[%get3A_2746, %get3A_2747] {strides = array<i32>} : memref<9x128xf32, #tpu.memory_space<vmem>>, vector<16xf32>,
      %sub3A_2749 = arith.subf %get3A_2724, %get3A_2720 : vector<16xf32>
      %mul3A_2750 = arith.mulf %get3A_2716, %sub3A_2749 : vector<16xf32>
      %add3A_2751 = arith.addf %get3A_2720, %mul3A_2750 : vector<16xf32>
      %sub3A_2752 = arith.subf %get3A_2732, %get3A_2728 : vector<16xf32>
      %mul3A_2753 = arith.mulf %get3A_2716, %sub3A_2752 : vector<16xf32>
      %add3A_2754 = arith.addf %get3A_2728, %mul3A_2753 : vector<16xf32>
      %sub3A_2755 = arith.subf %get3A_2740, %get3A_2736 : vector<16xf32>
      %mul3A_2756 = arith.mulf %get3A_2716, %sub3A_2755 : vector<16xf32>
      %add3A_2757 = arith.addf %get3A_2736, %mul3A_2756 : vector<16xf32>
      %sub3A_2758 = arith.subf %get3A_2748, %get3A_2744 : vector<16xf32>
      %mul3A_2759 = arith.mulf %get3A_2716, %sub3A_2758 : vector<16xf32>
      %add3A_2760 = arith.addf %get3A_2744, %mul3A_2759 : vector<16xf32>
      %sub3A_2761 = arith.subf %add3A_2754, %add3A_2751 : vector<16xf32>
      %mul3A_2762 = arith.mulf %get3A_2712, %sub3A_2761 : vector<16xf32>
      %add3A_2763 = arith.addf %add3A_2751, %mul3A_2762 : vector<16xf32>
      %sub3A_2764 = arith.subf %add3A_2760, %add3A_2757 : vector<16xf32>
      %mul3A_2765 = arith.mulf %get3A_2712, %sub3A_2764 : vector<16xf32>
      %add3A_2766 = arith.addf %add3A_2757, %mul3A_2765 : vector<16xf32>
      %sub3A_2767 = arith.subf %add3A_2766, %add3A_2763 : vector<16xf32>
      %mul3A_2768 = arith.mulf %get3A_2708, %sub3A_2767 : vector<16xf32>
      %add3A_2769 = arith.addf %add3A_2763, %mul3A_2768 : vector<16xf32>
      %swap3A_2770 = arith.constant 48 : index
      %swap3A_2771 = tpu.vector_load %arg11[%swap3A_2770] {strides = array<i32>} : memref<128xf32, #tpu.memory_space<vmem>>, vector<16xf32>,
      tpu.vector_store %arg11[%swap3A_2770], %add3A_2769 {strides = array<i32>} : memref<128xf32, #tpu.memory_space<vmem>>, vector<16xf32>,
      %get3A_2772 = arith.constant 0 : i32
      %get3A_2773 = arith.index_cast %get3A_2772 : i32 to index
      %get3A_2774 = arith.constant 64 : index
      %get3A_2775 = tpu.vector_load %arg10[%get3A_2773, %get3A_2774] {strides = array<i32>} : memref<3x128xf32, #tpu.memory_space<vmem>>, vector<16xf32>,
      %get3A_2776 = arith.constant 1 : i32
      %get3A_2777 = arith.index_cast %get3A_2776 : i32 to index
      %get3A_2778 = arith.constant 64 : index
      %get3A_2779 = tpu.vector_load %arg10[%get3A_2777, %get3A_2778] {strides = array<i32>} : memref<3x128xf32, #tpu.memory_space<vmem>>, vector<16xf32>,
      %get3A_2780 = arith.constant 2 : i32
      %get3A_2781 = arith.index_cast %get3A_2780 : i32 to index
      %get3A_2782 = arith.constant 64 : index
      %get3A_2783 = tpu.vector_load %arg10[%get3A_2781, %get3A_2782] {strides = array<i32>} : memref<3x128xf32, #tpu.memory_space<vmem>>, vector<16xf32>,
      %get3A_2784 = arith.constant 0 : i32
      %get3A_2785 = arith.index_cast %get3A_2784 : i32 to index
      %get3A_2786 = arith.constant 64 : index
      %get3A_2787 = tpu.vector_load %arg9[%get3A_2785, %get3A_2786] {strides = array<i32>} : memref<9x128xf32, #tpu.memory_space<vmem>>, vector<16xf32>,
      %get3A_2788 = arith.constant 1 : i32
      %get3A_2789 = arith.index_cast %get3A_2788 : i32 to index
      %get3A_2790 = arith.constant 64 : index
      %get3A_2791 = tpu.vector_load %arg9[%get3A_2789, %get3A_2790] {strides = array<i32>} : memref<9x128xf32, #tpu.memory_space<vmem>>, vector<16xf32>,
      %get3A_2792 = arith.constant 2 : i32
      %get3A_2793 = arith.index_cast %get3A_2792 : i32 to index
      %get3A_2794 = arith.constant 64 : index
      %get3A_2795 = tpu.vector_load %arg9[%get3A_2793, %get3A_2794] {strides = array<i32>} : memref<9x128xf32, #tpu.memory_space<vmem>>, vector<16xf32>,
      %get3A_2796 = arith.constant 3 : i32
      %get3A_2797 = arith.index_cast %get3A_2796 : i32 to index
      %get3A_2798 = arith.constant 64 : index
      %get3A_2799 = tpu.vector_load %arg9[%get3A_2797, %get3A_2798] {strides = array<i32>} : memref<9x128xf32, #tpu.memory_space<vmem>>, vector<16xf32>,
      %get3A_2800 = arith.constant 4 : i32
      %get3A_2801 = arith.index_cast %get3A_2800 : i32 to index
      %get3A_2802 = arith.constant 64 : index
      %get3A_2803 = tpu.vector_load %arg9[%get3A_2801, %get3A_2802] {strides = array<i32>} : memref<9x128xf32, #tpu.memory_space<vmem>>, vector<16xf32>,
      %get3A_2804 = arith.constant 5 : i32
      %get3A_2805 = arith.index_cast %get3A_2804 : i32 to index
      %get3A_2806 = arith.constant 64 : index
      %get3A_2807 = tpu.vector_load %arg9[%get3A_2805, %get3A_2806] {strides = array<i32>} : memref<9x128xf32, #tpu.memory_space<vmem>>, vector<16xf32>,
      %get3A_2808 = arith.constant 6 : i32
      %get3A_2809 = arith.index_cast %get3A_2808 : i32 to index
      %get3A_2810 = arith.constant 64 : index
      %get3A_2811 = tpu.vector_load %arg9[%get3A_2809, %get3A_2810] {strides = array<i32>} : memref<9x128xf32, #tpu.memory_space<vmem>>, vector<16xf32>,
      %get3A_2812 = arith.constant 7 : i32
      %get3A_2813 = arith.index_cast %get3A_2812 : i32 to index
      %get3A_2814 = arith.constant 64 : index
      %get3A_2815 = tpu.vector_load %arg9[%get3A_2813, %get3A_2814] {strides = array<i32>} : memref<9x128xf32, #tpu.memory_space<vmem>>, vector<16xf32>,
      %sub3A_2816 = arith.subf %get3A_2791, %get3A_2787 : vector<16xf32>
      %mul3A_2817 = arith.mulf %get3A_2783, %sub3A_2816 : vector<16xf32>
      %add3A_2818 = arith.addf %get3A_2787, %mul3A_2817 : vector<16xf32>
      %sub3A_2819 = arith.subf %get3A_2799, %get3A_2795 : vector<16xf32>
      %mul3A_2820 = arith.mulf %get3A_2783, %sub3A_2819 : vector<16xf32>
      %add3A_2821 = arith.addf %get3A_2795, %mul3A_2820 : vector<16xf32>
      %sub3A_2822 = arith.subf %get3A_2807, %get3A_2803 : vector<16xf32>
      %mul3A_2823 = arith.mulf %get3A_2783, %sub3A_2822 : vector<16xf32>
      %add3A_2824 = arith.addf %get3A_2803, %mul3A_2823 : vector<16xf32>
      %sub3A_2825 = arith.subf %get3A_2815, %get3A_2811 : vector<16xf32>
      %mul3A_2826 = arith.mulf %get3A_2783, %sub3A_2825 : vector<16xf32>
      %add3A_2827 = arith.addf %get3A_2811, %mul3A_2826 : vector<16xf32>
      %sub3A_2828 = arith.subf %add3A_2821, %add3A_2818 : vector<16xf32>
      %mul3A_2829 = arith.mulf %get3A_2779, %sub3A_2828 : vector<16xf32>
      %add3A_2830 = arith.addf %add3A_2818, %mul3A_2829 : vector<16xf32>
      %sub3A_2831 = arith.subf %add3A_2827, %add3A_2824 : vector<16xf32>
      %mul3A_2832 = arith.mulf %get3A_2779, %sub3A_2831 : vector<16xf32>
      %add3A_2833 = arith.addf %add3A_2824, %mul3A_2832 : vector<16xf32>
      %sub3A_2834 = arith.subf %add3A_2833, %add3A_2830 : vector<16xf32>
      %mul3A_2835 = arith.mulf %get3A_2775, %sub3A_2834 : vector<16xf32>
      %add3A_2836 = arith.addf %add3A_2830, %mul3A_2835 : vector<16xf32>
      %swap3A_2837 = arith.constant 64 : index
      %swap3A_2838 = tpu.vector_load %arg11[%swap3A_2837] {strides = array<i32>} : memref<128xf32, #tpu.memory_space<vmem>>, vector<16xf32>,
      tpu.vector_store %arg11[%swap3A_2837], %add3A_2836 {strides = array<i32>} : memref<128xf32, #tpu.memory_space<vmem>>, vector<16xf32>,
      %get3A_2839 = arith.constant 0 : i32
      %get3A_2840 = arith.index_cast %get3A_2839 : i32 to index
      %get3A_2841 = arith.constant 80 : index
      %get3A_2842 = tpu.vector_load %arg10[%get3A_2840, %get3A_2841] {strides = array<i32>} : memref<3x128xf32, #tpu.memory_space<vmem>>, vector<16xf32>,
      %get3A_2843 = arith.constant 1 : i32
      %get3A_2844 = arith.index_cast %get3A_2843 : i32 to index
      %get3A_2845 = arith.constant 80 : index
      %get3A_2846 = tpu.vector_load %arg10[%get3A_2844, %get3A_2845] {strides = array<i32>} : memref<3x128xf32, #tpu.memory_space<vmem>>, vector<16xf32>,
      %get3A_2847 = arith.constant 2 : i32
      %get3A_2848 = arith.index_cast %get3A_2847 : i32 to index
      %get3A_2849 = arith.constant 80 : index
      %get3A_2850 = tpu.vector_load %arg10[%get3A_2848, %get3A_2849] {strides = array<i32>} : memref<3x128xf32, #tpu.memory_space<vmem>>, vector<16xf32>,
      %get3A_2851 = arith.constant 0 : i32
      %get3A_2852 = arith.index_cast %get3A_2851 : i32 to index
      %get3A_2853 = arith.constant 80 : index
      %get3A_2854 = tpu.vector_load %arg9[%get3A_2852, %get3A_2853] {strides = array<i32>} : memref<9x128xf32, #tpu.memory_space<vmem>>, vector<16xf32>,
      %get3A_2855 = arith.constant 1 : i32
      %get3A_2856 = arith.index_cast %get3A_2855 : i32 to index
      %get3A_2857 = arith.constant 80 : index
      %get3A_2858 = tpu.vector_load %arg9[%get3A_2856, %get3A_2857] {strides = array<i32>} : memref<9x128xf32, #tpu.memory_space<vmem>>, vector<16xf32>,
      %get3A_2859 = arith.constant 2 : i32
      %get3A_2860 = arith.index_cast %get3A_2859 : i32 to index
      %get3A_2861 = arith.constant 80 : index
      %get3A_2862 = tpu.vector_load %arg9[%get3A_2860, %get3A_2861] {strides = array<i32>} : memref<9x128xf32, #tpu.memory_space<vmem>>, vector<16xf32>,
      %get3A_2863 = arith.constant 3 : i32
      %get3A_2864 = arith.index_cast %get3A_2863 : i32 to index
      %get3A_2865 = arith.constant 80 : index
      %get3A_2866 = tpu.vector_load %arg9[%get3A_2864, %get3A_2865] {strides = array<i32>} : memref<9x128xf32, #tpu.memory_space<vmem>>, vector<16xf32>,
      %get3A_2867 = arith.constant 4 : i32
      %get3A_2868 = arith.index_cast %get3A_2867 : i32 to index
      %get3A_2869 = arith.constant 80 : index
      %get3A_2870 = tpu.vector_load %arg9[%get3A_2868, %get3A_2869] {strides = array<i32>} : memref<9x128xf32, #tpu.memory_space<vmem>>, vector<16xf32>,
      %get3A_2871 = arith.constant 5 : i32
      %get3A_2872 = arith.index_cast %get3A_2871 : i32 to index
      %get3A_2873 = arith.constant 80 : index
      %get3A_2874 = tpu.vector_load %arg9[%get3A_2872, %get3A_2873] {strides = array<i32>} : memref<9x128xf32, #tpu.memory_space<vmem>>, vector<16xf32>,
      %get3A_2875 = arith.constant 6 : i32
      %get3A_2876 = arith.index_cast %get3A_2875 : i32 to index
      %get3A_2877 = arith.constant 80 : index
      %get3A_2878 = tpu.vector_load %arg9[%get3A_2876, %get3A_2877] {strides = array<i32>} : memref<9x128xf32, #tpu.memory_space<vmem>>, vector<16xf32>,
      %get3A_2879 = arith.constant 7 : i32
      %get3A_2880 = arith.index_cast %get3A_2879 : i32 to index
      %get3A_2881 = arith.constant 80 : index
      %get3A_2882 = tpu.vector_load %arg9[%get3A_2880, %get3A_2881] {strides = array<i32>} : memref<9x128xf32, #tpu.memory_space<vmem>>, vector<16xf32>,
      %sub3A_2883 = arith.subf %get3A_2858, %get3A_2854 : vector<16xf32>
      %mul3A_2884 = arith.mulf %get3A_2850, %sub3A_2883 : vector<16xf32>
      %add3A_2885 = arith.addf %get3A_2854, %mul3A_2884 : vector<16xf32>
      %sub3A_2886 = arith.subf %get3A_2866, %get3A_2862 : vector<16xf32>
      %mul3A_2887 = arith.mulf %get3A_2850, %sub3A_2886 : vector<16xf32>
      %add3A_2888 = arith.addf %get3A_2862, %mul3A_2887 : vector<16xf32>
      %sub3A_2889 = arith.subf %get3A_2874, %get3A_2870 : vector<16xf32>
      %mul3A_2890 = arith.mulf %get3A_2850, %sub3A_2889 : vector<16xf32>
      %add3A_2891 = arith.addf %get3A_2870, %mul3A_2890 : vector<16xf32>
      %sub3A_2892 = arith.subf %get3A_2882, %get3A_2878 : vector<16xf32>
      %mul3A_2893 = arith.mulf %get3A_2850, %sub3A_2892 : vector<16xf32>
      %add3A_2894 = arith.addf %get3A_2878, %mul3A_2893 : vector<16xf32>
      %sub3A_2895 = arith.subf %add3A_2888, %add3A_2885 : vector<16xf32>
      %mul3A_2896 = arith.mulf %get3A_2846, %sub3A_2895 : vector<16xf32>
      %add3A_2897 = arith.addf %add3A_2885, %mul3A_2896 : vector<16xf32>
      %sub3A_2898 = arith.subf %add3A_2894, %add3A_2891 : vector<16xf32>
      %mul3A_2899 = arith.mulf %get3A_2846, %sub3A_2898 : vector<16xf32>
      %add3A_2900 = arith.addf %add3A_2891, %mul3A_2899 : vector<16xf32>
      %sub3A_2901 = arith.subf %add3A_2900, %add3A_2897 : vector<16xf32>
      %mul3A_2902 = arith.mulf %get3A_2842, %sub3A_2901 : vector<16xf32>
      %add3A_2903 = arith.addf %add3A_2897, %mul3A_2902 : vector<16xf32>
      %swap3A_2904 = arith.constant 80 : index
      %swap3A_2905 = tpu.vector_load %arg11[%swap3A_2904] {strides = array<i32>} : memref<128xf32, #tpu.memory_space<vmem>>, vector<16xf32>,
      tpu.vector_store %arg11[%swap3A_2904], %add3A_2903 {strides = array<i32>} : memref<128xf32, #tpu.memory_space<vmem>>, vector<16xf32>,
      %get3A_2906 = arith.constant 0 : i32
      %get3A_2907 = arith.index_cast %get3A_2906 : i32 to index
      %get3A_2908 = arith.constant 96 : index
      %get3A_2909 = tpu.vector_load %arg10[%get3A_2907, %get3A_2908] {strides = array<i32>} : memref<3x128xf32, #tpu.memory_space<vmem>>, vector<16xf32>,
      %get3A_2910 = arith.constant 1 : i32
      %get3A_2911 = arith.index_cast %get3A_2910 : i32 to index
      %get3A_2912 = arith.constant 96 : index
      %get3A_2913 = tpu.vector_load %arg10[%get3A_2911, %get3A_2912] {strides = array<i32>} : memref<3x128xf32, #tpu.memory_space<vmem>>, vector<16xf32>,
      %get3A_2914 = arith.constant 2 : i32
      %get3A_2915 = arith.index_cast %get3A_2914 : i32 to index
      %get3A_2916 = arith.constant 96 : index
      %get3A_2917 = tpu.vector_load %arg10[%get3A_2915, %get3A_2916] {strides = array<i32>} : memref<3x128xf32, #tpu.memory_space<vmem>>, vector<16xf32>,
      %get3A_2918 = arith.constant 0 : i32
      %get3A_2919 = arith.index_cast %get3A_2918 : i32 to index
      %get3A_2920 = arith.constant 96 : index
      %get3A_2921 = tpu.vector_load %arg9[%get3A_2919, %get3A_2920] {strides = array<i32>} : memref<9x128xf32, #tpu.memory_space<vmem>>, vector<16xf32>,
      %get3A_2922 = arith.constant 1 : i32
      %get3A_2923 = arith.index_cast %get3A_2922 : i32 to index
      %get3A_2924 = arith.constant 96 : index
      %get3A_2925 = tpu.vector_load %arg9[%get3A_2923, %get3A_2924] {strides = array<i32>} : memref<9x128xf32, #tpu.memory_space<vmem>>, vector<16xf32>,
      %get3A_2926 = arith.constant 2 : i32
      %get3A_2927 = arith.index_cast %get3A_2926 : i32 to index
      %get3A_2928 = arith.constant 96 : index
      %get3A_2929 = tpu.vector_load %arg9[%get3A_2927, %get3A_2928] {strides = array<i32>} : memref<9x128xf32, #tpu.memory_space<vmem>>, vector<16xf32>,
      %get3A_2930 = arith.constant 3 : i32
      %get3A_2931 = arith.index_cast %get3A_2930 : i32 to index
      %get3A_2932 = arith.constant 96 : index
      %get3A_2933 = tpu.vector_load %arg9[%get3A_2931, %get3A_2932] {strides = array<i32>} : memref<9x128xf32, #tpu.memory_space<vmem>>, vector<16xf32>,
      %get3A_2934 = arith.constant 4 : i32
      %get3A_2935 = arith.index_cast %get3A_2934 : i32 to index
      %get3A_2936 = arith.constant 96 : index
      %get3A_2937 = tpu.vector_load %arg9[%get3A_2935, %get3A_2936] {strides = array<i32>} : memref<9x128xf32, #tpu.memory_space<vmem>>, vector<16xf32>,
      %get3A_2938 = arith.constant 5 : i32
      %get3A_2939 = arith.index_cast %get3A_2938 : i32 to index
      %get3A_2940 = arith.constant 96 : index
      %get3A_2941 = tpu.vector_load %arg9[%get3A_2939, %get3A_2940] {strides = array<i32>} : memref<9x128xf32, #tpu.memory_space<vmem>>, vector<16xf32>,
      %get3A_2942 = arith.constant 6 : i32
      %get3A_2943 = arith.index_cast %get3A_2942 : i32 to index
      %get3A_2944 = arith.constant 96 : index
      %get3A_2945 = tpu.vector_load %arg9[%get3A_2943, %get3A_2944] {strides = array<i32>} : memref<9x128xf32, #tpu.memory_space<vmem>>, vector<16xf32>,
      %get3A_2946 = arith.constant 7 : i32
      %get3A_2947 = arith.index_cast %get3A_2946 : i32 to index
      %get3A_2948 = arith.constant 96 : index
      %get3A_2949 = tpu.vector_load %arg9[%get3A_2947, %get3A_2948] {strides = array<i32>} : memref<9x128xf32, #tpu.memory_space<vmem>>, vector<16xf32>,
      %sub3A_2950 = arith.subf %get3A_2925, %get3A_2921 : vector<16xf32>
      %mul3A_2951 = arith.mulf %get3A_2917, %sub3A_2950 : vector<16xf32>
      %add3A_2952 = arith.addf %get3A_2921, %mul3A_2951 : vector<16xf32>
      %sub3A_2953 = arith.subf %get3A_2933, %get3A_2929 : vector<16xf32>
      %mul3A_2954 = arith.mulf %get3A_2917, %sub3A_2953 : vector<16xf32>
      %add3A_2955 = arith.addf %get3A_2929, %mul3A_2954 : vector<16xf32>
      %sub3A_2956 = arith.subf %get3A_2941, %get3A_2937 : vector<16xf32>
      %mul3A_2957 = arith.mulf %get3A_2917, %sub3A_2956 : vector<16xf32>
      %add3A_2958 = arith.addf %get3A_2937, %mul3A_2957 : vector<16xf32>
      %sub3A_2959 = arith.subf %get3A_2949, %get3A_2945 : vector<16xf32>
      %mul3A_2960 = arith.mulf %get3A_2917, %sub3A_2959 : vector<16xf32>
      %add3A_2961 = arith.addf %get3A_2945, %mul3A_2960 : vector<16xf32>
      %sub3A_2962 = arith.subf %add3A_2955, %add3A_2952 : vector<16xf32>
      %mul3A_2963 = arith.mulf %get3A_2913, %sub3A_2962 : vector<16xf32>
      %add3A_2964 = arith.addf %add3A_2952, %mul3A_2963 : vector<16xf32>
      %sub3A_2965 = arith.subf %add3A_2961, %add3A_2958 : vector<16xf32>
      %mul3A_2966 = arith.mulf %get3A_2913, %sub3A_2965 : vector<16xf32>
      %add3A_2967 = arith.addf %add3A_2958, %mul3A_2966 : vector<16xf32>
      %sub3A_2968 = arith.subf %add3A_2967, %add3A_2964 : vector<16xf32>
      %mul3A_2969 = arith.mulf %get3A_2909, %sub3A_2968 : vector<16xf32>
      %add3A_2970 = arith.addf %add3A_2964, %mul3A_2969 : vector<16xf32>
      %swap3A_2971 = arith.constant 96 : index
      %swap3A_2972 = tpu.vector_load %arg11[%swap3A_2971] {strides = array<i32>} : memref<128xf32, #tpu.memory_space<vmem>>, vector<16xf32>,
      tpu.vector_store %arg11[%swap3A_2971], %add3A_2970 {strides = array<i32>} : memref<128xf32, #tpu.memory_space<vmem>>, vector<16xf32>,
      %get3A_2973 = arith.constant 0 : i32
      %get3A_2974 = arith.index_cast %get3A_2973 : i32 to index
      %get3A_2975 = arith.constant 112 : index
      %get3A_2976 = tpu.vector_load %arg10[%get3A_2974, %get3A_2975] {strides = array<i32>} : memref<3x128xf32, #tpu.memory_space<vmem>>, vector<16xf32>,
      %get3A_2977 = arith.constant 1 : i32
      %get3A_2978 = arith.index_cast %get3A_2977 : i32 to index
      %get3A_2979 = arith.constant 112 : index
      %get3A_2980 = tpu.vector_load %arg10[%get3A_2978, %get3A_2979] {strides = array<i32>} : memref<3x128xf32, #tpu.memory_space<vmem>>, vector<16xf32>,
      %get3A_2981 = arith.constant 2 : i32
      %get3A_2982 = arith.index_cast %get3A_2981 : i32 to index
      %get3A_2983 = arith.constant 112 : index
      %get3A_2984 = tpu.vector_load %arg10[%get3A_2982, %get3A_2983] {strides = array<i32>} : memref<3x128xf32, #tpu.memory_space<vmem>>, vector<16xf32>,
      %get3A_2985 = arith.constant 0 : i32
      %get3A_2986 = arith.index_cast %get3A_2985 : i32 to index
      %get3A_2987 = arith.constant 112 : index
      %get3A_2988 = tpu.vector_load %arg9[%get3A_2986, %get3A_2987] {strides = array<i32>} : memref<9x128xf32, #tpu.memory_space<vmem>>, vector<16xf32>,
      %get3A_2989 = arith.constant 1 : i32
      %get3A_2990 = arith.index_cast %get3A_2989 : i32 to index
      %get3A_2991 = arith.constant 112 : index
      %get3A_2992 = tpu.vector_load %arg9[%get3A_2990, %get3A_2991] {strides = array<i32>} : memref<9x128xf32, #tpu.memory_space<vmem>>, vector<16xf32>,
      %get3A_2993 = arith.constant 2 : i32
      %get3A_2994 = arith.index_cast %get3A_2993 : i32 to index
      %get3A_2995 = arith.constant 112 : index
      %get3A_2996 = tpu.vector_load %arg9[%get3A_2994, %get3A_2995] {strides = array<i32>} : memref<9x128xf32, #tpu.memory_space<vmem>>, vector<16xf32>,
      %get3A_2997 = arith.constant 3 : i32
      %get3A_2998 = arith.index_cast %get3A_2997 : i32 to index
      %get3A_2999 = arith.constant 112 : index
      %get3A_3000 = tpu.vector_load %arg9[%get3A_2998, %get3A_2999] {strides = array<i32>} : memref<9x128xf32, #tpu.memory_space<vmem>>, vector<16xf32>,
      %get3A_3001 = arith.constant 4 : i32
      %get3A_3002 = arith.index_cast %get3A_3001 : i32 to index
      %get3A_3003 = arith.constant 112 : index
      %get3A_3004 = tpu.vector_load %arg9[%get3A_3002, %get3A_3003] {strides = array<i32>} : memref<9x128xf32, #tpu.memory_space<vmem>>, vector<16xf32>,
      %get3A_3005 = arith.constant 5 : i32
      %get3A_3006 = arith.index_cast %get3A_3005 : i32 to index
      %get3A_3007 = arith.constant 112 : index
      %get3A_3008 = tpu.vector_load %arg9[%get3A_3006, %get3A_3007] {strides = array<i32>} : memref<9x128xf32, #tpu.memory_space<vmem>>, vector<16xf32>,
      %get3A_3009 = arith.constant 6 : i32
      %get3A_3010 = arith.index_cast %get3A_3009 : i32 to index
      %get3A_3011 = arith.constant 112 : index
      %get3A_3012 = tpu.vector_load %arg9[%get3A_3010, %get3A_3011] {strides = array<i32>} : memref<9x128xf32, #tpu.memory_space<vmem>>, vector<16xf32>,
      %get3A_3013 = arith.constant 7 : i32
      %get3A_3014 = arith.index_cast %get3A_3013 : i32 to index
      %get3A_3015 = arith.constant 112 : index
      %get3A_3016 = tpu.vector_load %arg9[%get3A_3014, %get3A_3015] {strides = array<i32>} : memref<9x128xf32, #tpu.memory_space<vmem>>, vector<16xf32>,
      %sub3A_3017 = arith.subf %get3A_2992, %get3A_2988 : vector<16xf32>
      %mul3A_3018 = arith.mulf %get3A_2984, %sub3A_3017 : vector<16xf32>
      %add3A_3019 = arith.addf %get3A_2988, %mul3A_3018 : vector<16xf32>
      %sub3A_3020 = arith.subf %get3A_3000, %get3A_2996 : vector<16xf32>
      %mul3A_3021 = arith.mulf %get3A_2984, %sub3A_3020 : vector<16xf32>
      %add3A_3022 = arith.addf %get3A_2996, %mul3A_3021 : vector<16xf32>
      %sub3A_3023 = arith.subf %get3A_3008, %get3A_3004 : vector<16xf32>
      %mul3A_3024 = arith.mulf %get3A_2984, %sub3A_3023 : vector<16xf32>
      %add3A_3025 = arith.addf %get3A_3004, %mul3A_3024 : vector<16xf32>
      %sub3A_3026 = arith.subf %get3A_3016, %get3A_3012 : vector<16xf32>
      %mul3A_3027 = arith.mulf %get3A_2984, %sub3A_3026 : vector<16xf32>
      %add3A_3028 = arith.addf %get3A_3012, %mul3A_3027 : vector<16xf32>
      %sub3A_3029 = arith.subf %add3A_3022, %add3A_3019 : vector<16xf32>
      %mul3A_3030 = arith.mulf %get3A_2980, %sub3A_3029 : vector<16xf32>
      %add3A_3031 = arith.addf %add3A_3019, %mul3A_3030 : vector<16xf32>
      %sub3A_3032 = arith.subf %add3A_3028, %add3A_3025 : vector<16xf32>
      %mul3A_3033 = arith.mulf %get3A_2980, %sub3A_3032 : vector<16xf32>
      %add3A_3034 = arith.addf %add3A_3025, %mul3A_3033 : vector<16xf32>
      %sub3A_3035 = arith.subf %add3A_3034, %add3A_3031 : vector<16xf32>
      %mul3A_3036 = arith.mulf %get3A_2976, %sub3A_3035 : vector<16xf32>
      %add3A_3037 = arith.addf %add3A_3031, %mul3A_3036 : vector<16xf32>
      %swap3A_3038 = arith.constant 112 : index
      %swap3A_3039 = tpu.vector_load %arg11[%swap3A_3038] {strides = array<i32>} : memref<128xf32, #tpu.memory_space<vmem>>, vector<16xf32>,
      tpu.vector_store %arg11[%swap3A_3038], %add3A_3037 {strides = array<i32>} : memref<128xf32, #tpu.memory_space<vmem>>, vector<16xf32>,
      "tpu.region"() ({
        %run_scoped3A_3040 = tpu.sem_alloc : memref<!tpu.dma_semaphore, #tpu.memory_space<semaphore_mem>>
        %dma_start3A_3041 = tpu.memref_slice %arg5[%mul3A_20] : memref<4194304xf32, #tpu.memory_space<hbm>> -> memref<128xf32, #tpu.memory_space<hbm>>
        %dma_start3A_3042 = tpu.memref_slice %arg5[%mul3A_20] : memref<4194304xf32, #tpu.memory_space<hbm>> -> memref<128xf32, #tpu.memory_space<hbm>>
        tpu.enqueue_dma source(%arg11 : memref<128xf32, #tpu.memory_space<vmem>>) target(%dma_start3A_3042 : memref<128xf32, #tpu.memory_space<hbm>>) target_semaphore(%run_scoped3A_3040 : memref<!tpu.dma_semaphore, #tpu.memory_space<semaphore_mem>>)
        %dma_wait3A_3043 = tpu.memref_slice %arg5[%mul3A_20] : memref<4194304xf32, #tpu.memory_space<hbm>> -> memref<128xf32, #tpu.memory_space<hbm>>
        %dma_wait3A_3044 = tpu.memref_slice %arg5[%mul3A_20] : memref<4194304xf32, #tpu.memory_space<hbm>> -> memref<128xf32, #tpu.memory_space<hbm>>
        tpu.wait_dma2 semaphore(%run_scoped3A_3040 : memref<!tpu.dma_semaphore, #tpu.memory_space<semaphore_mem>>) src(%arg11 : memref<128xf32, #tpu.memory_space<vmem>>) dst(%dma_wait3A_3044 : memref<128xf32, #tpu.memory_space<hbm>>)
        tpu.yield
      }) : () -> ()
      %run_scoped3A = arith.constant 8 : i32
      "tpu.region"() ({
        %run_scoped3A_3040 = tpu.sem_alloc : memref<!tpu.dma_semaphore, #tpu.memory_space<semaphore_mem>>
        %dma_start3A_3041 = arith.constant 0 : i32
        %dma_start3A_3042 = tpu.memref_slice %arg9[%run_scoped3A, %dma_start3A_3041] : memref<9x128xf32, #tpu.memory_space<vmem>> -> memref<1x128xf32, #tpu.memory_space<vmem>>
        %dma_start3A_3043 = tpu.memref_squeeze %dma_start3A_3042 : memref<1x128xf32, #tpu.memory_space<vmem>> -> memref<128xf32, #tpu.memory_space<vmem>>
        %dma_start3A_3044 = tpu.memref_slice %arg6[%mul3A_20] : memref<4194304xf32, #tpu.memory_space<hbm>> -> memref<128xf32, #tpu.memory_space<hbm>>
        %dma_start3A_3045 = tpu.memref_slice %arg6[%mul3A_20] : memref<4194304xf32, #tpu.memory_space<hbm>> -> memref<128xf32, #tpu.memory_space<hbm>>
        %dma_start3A_3046 = arith.constant 0 : i32
        %dma_start3A_3047 = tpu.memref_slice %arg9[%run_scoped3A, %dma_start3A_3046] : memref<9x128xf32, #tpu.memory_space<vmem>> -> memref<1x128xf32, #tpu.memory_space<vmem>>
        %dma_start3A_3048 = tpu.memref_squeeze %dma_start3A_3047 : memref<1x128xf32, #tpu.memory_space<vmem>> -> memref<128xf32, #tpu.memory_space<vmem>>
        tpu.enqueue_dma source(%dma_start3A_3048 : memref<128xf32, #tpu.memory_space<vmem>>) target(%dma_start3A_3045 : memref<128xf32, #tpu.memory_space<hbm>>) target_semaphore(%run_scoped3A_3040 : memref<!tpu.dma_semaphore, #tpu.memory_space<semaphore_mem>>)
        %dma_wait3A_3049 = arith.constant 0 : i32
        %dma_wait3A_3050 = tpu.memref_slice %arg9[%run_scoped3A, %dma_wait3A_3049] : memref<9x128xf32, #tpu.memory_space<vmem>> -> memref<1x128xf32, #tpu.memory_space<vmem>>
        %dma_wait3A_3051 = tpu.memref_squeeze %dma_wait3A_3050 : memref<1x128xf32, #tpu.memory_space<vmem>> -> memref<128xf32, #tpu.memory_space<vmem>>
        %dma_wait3A_3052 = tpu.memref_slice %arg6[%mul3A_20] : memref<4194304xf32, #tpu.memory_space<hbm>> -> memref<128xf32, #tpu.memory_space<hbm>>
        %dma_wait3A_3053 = tpu.memref_slice %arg6[%mul3A_20] : memref<4194304xf32, #tpu.memory_space<hbm>> -> memref<128xf32, #tpu.memory_space<hbm>>
        %dma_wait3A_3054 = arith.constant 0 : i32
        %dma_wait3A_3055 = tpu.memref_slice %arg9[%run_scoped3A, %dma_wait3A_3054] : memref<9x128xf32, #tpu.memory_space<vmem>> -> memref<1x128xf32, #tpu.memory_space<vmem>>
        %dma_wait3A_3056 = tpu.memref_squeeze %dma_wait3A_3055 : memref<1x128xf32, #tpu.memory_space<vmem>> -> memref<128xf32, #tpu.memory_space<vmem>>
        tpu.wait_dma2 semaphore(%run_scoped3A_3040 : memref<!tpu.dma_semaphore, #tpu.memory_space<semaphore_mem>>) src(%dma_wait3A_3056 : memref<128xf32, #tpu.memory_space<vmem>>) dst(%dma_wait3A_3053 : memref<128xf32, #tpu.memory_space<hbm>>)
        tpu.yield
      }) : () -> ()
    }
    %scan3A_8 = arith.constant 1024 : i32
    return
  }
}

</mosaic_0001>

<sc_bundles>
// kernel: kernel.3.cloned.1.call-start
scs
__scs_entry_jumppad:
0x0: {  	(pc) =	sbr.rel $0x88, $3  }
0x1: {  	(tag) =	ssettag $0x0;
	lr =	simm.s32 $0x1  }
0x2: {  	[smem:$0x3F9E] =	sst lr;
	_ =	strace $0xD0000000  }
0x3: {  	_ = 	snop  }
0x4: {  	_ = 	snop  }
0x5: {  	_ = 	snop  }
0x6: {  	_ = 	snop  }
0x7: {  	_ = 	snop  }
__scs_overlays_trampoline_lowered:
0x8: {  	[smem:$0x3FAD] =	sst s0  }
0x9: {  	[smem:$0x3FAE] =	sst s1  }
0xa: {  	[smem:$0x3FAF] =	sst s2  }
0xb: {  	[smem:$0x3FB0] =	sst s3  }
0xc: {  	[smem:$0x3FB1] =	sst s4  }
0xd: {  	[smem:$0x3FB2] =	sst s5  }
0xe: {  	[smem:$0x3FB3] =	sst s6  }
0xf: {  	[smem:$0x3FB4] =	sst s7  }
0x10: {  	[smem:$0x3FB5] =	sst s8  }
0x11: {  	[smem:$0x3FB6] =	sst s9;
	s0 =	simm.s32 @!p0 $0x0  }
0x12: {  	s1 =	sld [smem:$0x3F9C];
	s0 =	simm.s32 @p0 $0x1  }
0x13: {  	[smem:$0x3FB7] =	sst s0;
	s0 =	simm.s32 @!p1 $0x0  }
0x14: {  	s2 =	sld [smem:$0x3F9B];
	s0 =	simm.s32 @p1 $0x1  }
0x15: {  	[smem:$0x3FB8] =	sst s0;
	s0 =	simm.s32 @!p2 $0x0  }
0x16: {  	s3 =	sld [smem:$0x3FDB];
	s0 =	simm.s32 @p2 $0x1  }
0x17: {  	s4 =	simm.s32 $0x1BF5;
	[smem:$0x3FBA] =	sst s0  }
0x18: {  	s0 =	sld [smem:$0x3F9D];
	_ =	swait.ge [sflag:s4], $0x0  }
0x19: {  	s7 =	sld [smem:$0x3F9E]  }
0x1a: {  	s8 =	sadd.s32 $0xFFFFE003, lr  }
0x1b: {  	s9 =	sadd.s32 $0xFFFFFEF7, lr;
	s5 =	simm.s32 $0xFFFFFFFF;
	p2 =	slt.u32 s8, $0xFFFFF086  }
0x1c: {  	p1 =	slt.u32 s9, $0xF7A;
	s5 =	simm.s32 @!p2 $0x0  }
0x1d: {  	s5 =	simm.s32 @p1 $0x1;
	p0 =	seq.s32 s7, s2  }
0x1e: {  	s7 =	smul.u32 @!p0 $0xF7A, s2;
	p2 =	seq.s32 @!p0 s5, $0x0  }
0x1f: {  	s9 =	smul.u32 $0xF7A, s1;
	s8 =	simm.s32 @!p0 $0x1BF5;
	p2 =	por !p2, p0  }
0x20: {  	[sflag:s8] =	ssyncset.s32 @!p0 $0xFFFFF086;
	s6 =	sadd.s32 @!p0 s3, s7;
	s7 =	simm.s32 @!p0 $0x108  }
0x21: {  	s3 =	sadd.s32 s3, s9;
	s6 =	sadd.s32 @!p0 $0x88, s6;
	s7 =	simm.s32 @p2 $0x1082  }
0x22: {  	[simem:s7], [sflag:s8] =	dma.local @!p0 [hbm:s6], $0xF7A  }
0x23: {  	s9 =	sor.u32 $0xD0000000, s2;
	s6 =	simm.s32 $0x108;
	_ =	swait.ge @!p0 [sflag:s8], $0x0  }
0x24: {  	s3 =	sadd.s32 $0x88, s3;
	s6 =	simm.s32 @!p1 $0x1082;
	[sflag:s4] =	ssyncset.s32 $0xFFFFF086  }
0x25: {  	[simem:s6], [sflag:s4] =	dma.local [hbm:s3], $0xF7A  }
0x26: {  	[smem:$0x3F9E] =	sst s1;
	(tag) =	ssettag s2;
	_ =	strace s9  }
0x27: {  	s1 =	sld [smem:$0x3FAE]  }
0x28: {  	s2 =	sld [smem:$0x3FAF]  }
0x29: {  	s4 =	sld [smem:$0x3FB1]  }
0x2a: {  	p0 =	seq.s32 s5, $0x0;
	s5 =	sld [smem:$0x3FB2]  }
0x2b: {  	s6 =	sld [smem:$0x3FB3]  }
0x2c: {  	s7 =	sld [smem:$0x3FB4]  }
0x2d: {  	s3 =	simm.s32 $0x108;
	s8 =	sld [smem:$0x3FB5]  }
0x2e: {  	s3 =	simm.s32 @!p0 $0x1082;
	s9 =	sld [smem:$0x3FB6]  }
0x2f: {  	lr =	sadd.s32 s0, s3;
	s0 =	sld [smem:$0x3FAD]  }
0x30: {  	s3 =	sld [smem:$0x3FB0]  }
0x31: {  	[smem:$0x3FB9] =	sst s10  }
0x32: {  	s10 =	sld [smem:$0x3FB7];
	_ =	sdelay $0x3  }
0x33: {  	p0 =	seq.s32 s10, $0x1;
	s10 =	sld [smem:$0x3FB9];
	_ =	sdelay $0x3  }
0x34: {  	[smem:$0x3FB9] =	sst s10  }
0x35: {  	s10 =	sld [smem:$0x3FB8];
	_ =	sdelay $0x3  }
0x36: {  	p1 =	seq.s32 s10, $0x1;
	s10 =	sld [smem:$0x3FB9];
	_ =	sdelay $0x3  }
0x37: {  	[smem:$0x3FB9] =	sst s10  }
0x38: {  	s10 =	sld [smem:$0x3FBA]  }
0x39: {  	_ = 	snop;
	(pc) =	sbr.ind lr, $3  }
0x3a: {  	_ = 	snop  }
0x3b: {  	_ = 	snop  }
0x3c: {  	p2 =	seq.s32 s10, $0x1;
	s10 =	sld [smem:$0x3FB9]  }
0x3d: {  	_ =	shalt  }
0x3e: {  	_ =	shalt  }
0x3f: {  	_ =	shalt  }
0x40: {  	_ =	shalt  }
0x41: {  	_ =	shalt  }
0x42: {  	_ =	shalt  }
0x43: {  	_ =	shalt  }
0x44: {  	_ =	shalt  }
0x45: {  	_ =	shalt  }
0x46: {  	_ =	shalt  }
0x47: {  	_ =	shalt  }
0x48: {  	_ =	shalt  }
0x49: {  	_ =	shalt  }
0x4a: {  	_ =	shalt  }
0x4b: {  	_ =	shalt  }
0x4c: {  	_ =	shalt  }
0x4d: {  	_ =	shalt  }
0x4e: {  	_ =	shalt  }
0x4f: {  	_ =	shalt  }
0x50: {  	_ =	shalt  }
0x51: {  	_ =	shalt  }
0x52: {  	_ =	shalt  }
0x53: {  	_ =	shalt  }
0x54: {  	_ =	shalt  }
0x55: {  	_ =	shalt  }
0x56: {  	_ =	shalt  }
0x57: {  	_ =	shalt  }
0x58: {  	_ =	shalt  }
0x59: {  	_ =	shalt  }
0x5a: {  	_ =	shalt  }
0x5b: {  	_ =	shalt  }
0x5c: {  	_ =	shalt  }
0x5d: {  	_ =	shalt  }
0x5e: {  	_ =	shalt  }
0x5f: {  	_ =	shalt  }
0x60: {  	_ =	shalt  }
0x61: {  	_ =	shalt  }
0x62: {  	_ =	shalt  }
0x63: {  	_ =	shalt  }
0x64: {  	_ =	shalt  }
0x65: {  	_ =	shalt  }
0x66: {  	_ =	shalt  }
0x67: {  	_ =	shalt  }
0x68: {  	_ =	shalt  }
0x69: {  	_ =	shalt  }
0x6a: {  	_ =	shalt  }
0x6b: {  	_ =	shalt  }
0x6c: {  	_ =	shalt  }
0x6d: {  	_ =	shalt  }
0x6e: {  	_ =	shalt  }
0x6f: {  	_ =	shalt  }
0x70: {  	_ =	shalt  }
0x71: {  	_ =	shalt  }
0x72: {  	_ =	shalt  }
0x73: {  	_ =	shalt  }
0x74: {  	_ =	shalt  }
0x75: {  	_ =	shalt  }
0x76: {  	_ =	shalt  }
0x77: {  	_ =	shalt  }
0x78: {  	_ =	shalt  }
0x79: {  	_ =	shalt  }
0x7a: {  	_ =	shalt  }
0x7b: {  	_ =	shalt  }
0x7c: {  	_ =	shalt  }
0x7d: {  	_ =	shalt  }
0x7e: {  	_ =	shalt  }
0x7f: {  	_ =	shalt  }
0x80: {  	_ =	shalt  }
0x81: {  	_ =	shalt  }
0x82: {  	_ =	shalt  }
0x83: {  	_ =	shalt  }
0x84: {  	_ =	shalt  }
0x85: {  	_ =	shalt  }
0x86: {  	_ =	shalt  }
0x87: {  	_ =	shalt  }
.Lfunc_end0:
.L_simem_size_0:
called_computation.1_lowered:
.L_overlay_start_0:
0x88: {  	s2 =	sld [smem:$0x3FD9]  }
0x89: {  	s3 =	sld [smem:$0x3FFE];
	_ =	sdelay $0x1  }
0x8a: {  	s1 =	srdreg.scid  }
0x8b: {  	s0 =	sand.u32 $0x1, s1  }
0x8c: {  	s14 =	sshll.u32 s0, $0xA;
	s2 =	sadd.s32 s3, s2  }
0x8d: {  	s2 =	sadd.s32 s2, s14  }
0x8e: {  	[smem:$0x3FC5] =	sst s2  }
0x8f: {  	_ = 	snop  }
0x90: {  	s2 =	sld [smem:$0x3FD0];
	_ =	sdelay $0x1  }
0x91: {  	s15 =	sld [smem:$0x3FC9]  }
0x92: {  	s5 =	simm.s32 $0xA;
	s6 =	simm.s32 $0x10;
	s4 =	sld [smem:$0x3FC8]  }
0x93: {  	[smem:s6], [sflag:s5] =	dma.local [hbm:s2], $0x1  }
0x94: {  	_ =	swait.eq [sflag:s5], $0x1  }
0x95: {  	[sflag:s5] =	ssyncset.done $0x0  }
0x96: {  	s16 =	sld [smem:$0x10];
	[sflag:s5] =	ssyncadd.s32 $0xFFFFFFFF  }
0x97: {  	s17 =	sld [smem:$0x11];
	(tm) =	ssettm $0x1  }
0x98: {  	s18 =	sld [smem:$0x3FFB];
	_ =	sdelay $0x3  }
0x99: {  	_ =	strace s18  }
0x9a: {  	s6 =	sld [smem:$0x3FFC];
	_ =	sdelay $0x3  }
0x9b: {  	_ =	strace s6  }
0x9c: {  	s6 =	sld [smem:$0x3FFD];
	_ =	sdelay $0x3  }
0x9d: {  	_ =	strace s6  }
0x9e: {  	_ =	strace $0x8FFFFFFF  }
0x9f: {  	s19 =	sld [smem:$0x3FDB];
	_ =	sdelay $0x1  }
0xa0: {  	s7 =	simm.s32 $_scs_section_size  }
0xa1: {  	s8 =	simm.s32 $_size__tile_overlayer_lowered;
	s9 =	simm.s32 $_tile_overlayer_lowered  }
0xa2: {  	s22 =	simm.s32 $0x1BFF;
	s21 =	sshll.u32 s9, $0x1;
	s6 =	sadd.s32 s7, s19  }
0xa3: {  	s10 =	simm.s32 $0x0;
	s20 =	sshll.u32 s8, $0x1;
	s8 =	sadd.s32 s21, s6  }
0xa4: {  	[timem:s10], [sflag:s22] =	dma.local [hbm:s8], s20  }
0xa5: {  	_ =	swait.ge [sflag:s22], s20  }
0xa6: {  	s7 =	ssub.s32 $0x0, s20;
	[sflag:s22] =	ssyncset.done $0x0  }
0xa7: {  	[sflag:s22] =	ssyncadd.s32 s7;
	_ =	sdelay $0x1  }
0xa8: {  	s23 =	simm.s32 $0x1B8B  }
0xa9: {  	_ =	swait.ge [sflag:s23], $0x1  }
0xaa: {  	[sflag:s23] =	ssyncset.done $0x0  }
0xab: {  	s25 =	simm.s32 $0x1B8E;
	s24 =	sld [smem:$0x3FFE];
	[sflag:s23] =	ssyncadd.s32 $0xFFFFFFFF  }
0xac: {  	s26 =	simm.s32 $execute0_lowered;
	[smem:$0x3FD2] =	sst s25  }
0xad: {  	s8 =	sshll.u32 s26, $0x1;
	_ =	strace $0x80000049;
	[dreg:$0x1] =	wrdreg $0xFFFFFFFF  }
0xae: {  	s28 =	simm.s32 $_size_execute0_lowered;
	s6 =	sadd.s32 s6, s8;
	[dreg:$0x0] =	wrdreg $0x0  }
0xaf: {  	s8 =	sshll.u32 s28, $0x1;
	[dreg:$0x2] =	wrdreg s6  }
0xb0: {  	[dreg:$0x3] =	wrdreg s8  }
0xb1: {  	[dreg:$0x4] =	wrdreg $0xC0  }
0xb2: {  	_ =	task [dreg:s10], $0x5FFFF  }
0xb3: {  	[dreg:$0x1] =	wrdreg $0xFFFFFFFF  }
0xb4: {  	[dreg:$0x0] =	wrdreg $0x60  }
0xb5: {  	[dreg:$0x2] =	wrdreg s24  }
0xb6: {  	[dreg:$0x3] =	wrdreg s15  }
0xb7: {  	[dreg:$0x4] =	wrdreg s4  }
0xb8: {  	[dreg:$0x5] =	wrdreg s16  }
0xb9: {  	[dreg:$0x6] =	wrdreg s17  }
0xba: {  	[dreg:$0x7] =	wrdreg $0x9  }
0xbb: {  	_ =	task.clear_ibuf [dreg:s10], $0x8FFFF;
	_ =	strace $0x90000049  }
0xbc: {  	s29 =	simm.s32 $0x9;
	_ =	strace $0x8000004B  }
0xbd: {  	_ =	swait.ge [sflag:s29], $0x1  }
0xbe: {  	[sflag:s29] =	ssyncadd.s32 $0xFFFFFFFF  }
0xbf: {  	_ =	strace $0x9000004B  }
0xc0: {  	_ =	sfence  }
0xc1: {  	s30 =	sld [smem:$0x0];
	_ =	sdelay $0x2  }
0xc2: {  	s31 =	sshll.u32 s1, $0xD;
	s1 =	sshrl.u32 s1, $0x2  }
0xc3: {  	s3 =	sand.u32 $0x4000, s31;
	s1 =	sadd.s32 s1, s30  }
0xc4: {  	s0 =	sor.u32 s3, s0;
	s1 =	sshll.u32 s1, $0x11  }
0xc5: {  	s0 =	sor.u32 s1, s0  }
0xc6: {  	s0 =	sadd.s32 $0x8F2B, s0  }
0xc7: {  	[sflag:s0] =	ssyncadd.remote.s32 $0x1  }
0xc8: {  	_ =	sfence.sel $0xFFFF  }
0xc9: {  	[dreg:$0x0] =	wrdreg $0xFFFFFFFF;
	(pc) =	sbr.abs _section_cstart, $3  }
0xca: {  	[dreg:$0x1] =	wrdreg $0xFFFFFFFF  }
0xcb: {  	_ =	task.clear_ibuf [dreg:s10], $0x2FFFF;
	_ =	strace $0x9FFFFFFF  }
0xcc: {  	(tm) =	ssettm $0x7FFFFFFF  }
0xcd: {  	_ =	shalt  }
tec
execute0_lowered:
.L_overlay_start_1:
0x0: {  	(tag) =	ssettag $0x1  }
0x1: {  	v0 =	vlaneseq.u32;
	v3 =	vimm.f32 $1.500000000e+01  }
0x2: {  	vm14 =	vcmask $0x300;
	vm13 =	vcmask $0x704;
	vm12 =	vcmask $0xB08  }
0x3: {  	vm11 =	vcmask $0xF0C;
	v5 =	vimm.f32 $3.100000000e+01;
	vm10 =	vcmask $0x1310  }
0x4: {  	vm9 =	vcmask $0x1714;
	vm8 =	vcmask $0x1B18;
	vm7 =	vcmask $0x1F1C  }
0x5: {  	vm6 =	vcmask $0x2320;
	vm5 =	vcmask $0x2724;
	vm4 =	vcmask $0x2B28  }
0x6: {  	vm3 =	vcmask $0x2F2C;
	vm2 =	vcmask $0x3330;
	vm1 =	vcmask $0x3734  }
0x7: {  	vm0 =	vcmask $0x3B38;
	v9 =	vimm.f32 $4.700000000e+01;
	v13 =	vimm.f32 $6.300000000e+01  }
0x8: {  	v15 =	vimm.f32 $7.900000000e+01;
	v21 =	vimm.f32 $9.500000000e+01;
	v26 =	vimm.f32 $1.110000000e+02  }
0x9: {  	v27 =	vimm.f32 $1.270000000e+02;
	v0 =	vmul.u32 $0x3, v0;
	v4 =	vsel vm14, $0x0, v3  }
0xa: {  	v5 =	vsel vm14, $0x41800000, v5;
	v11 =	vsel vm14, $0x42000000, v9;
	v13 =	vsel vm14, $0x42400000, v13  }
0xb: {  	v15 =	vsel vm14, $0x42800000, v15;
	v23 =	vsel vm14, $0x42A00000, v21;
	v26 =	vsel vm14, $0x42C00000, v26  }
0xc: {  	s0 =	stileid.u32;
	v27 =	vsel vm14, $0x42E00000, v27;
	v4 =	vsel vm13, $0x3F800000, v4;
	v5 =	vsel vm13, $0x41880000, v5  }
0xd: {  	s1 =	sshll.u32 s0, $0x12;
	v11 =	vsel vm13, $0x42040000, v11;
	v13 =	vsel vm13, $0x42440000, v13;
	v15 =	vsel vm13, $0x42820000, v15  }
0xe: {  	s1 =	sand.u32 $0x200000, s1;
	v24 =	vsel vm13, $0x42A20000, v23;
	v26 =	vsel vm13, $0x42C20000, v26;
	v27 =	vsel vm13, $0x42E20000, v27  }
0xf: {  	v1 =	vmov s1;
	v2 =	vadd.s32 $0x1, v0;
	v3 =	vadd.s32 $0x2, v0  }
0x10: {  	v4 =	vsel vm12, $0x40000000, v4;
	v5 =	vsel vm12, $0x41900000, v5;
	v12 =	vsel vm12, $0x42080000, v11  }
0x11: {  	v11 =	vadd.s32 $0x61, v0;
	v32 =	vadd.s32 $0x62, v0;
	v13 =	vsel vm12, $0x42480000, v13  }
0x12: {  	v15 =	vsel vm12, $0x42840000, v15;
	v23 =	vadd.s32 $0xF1, v0;
	v25 =	vsel vm12, $0x42A40000, v24  }
0x13: {  	v24 =	vadd.s32 $0xF2, v0;
	v26 =	vsel vm12, $0x42C40000, v26;
	v27 =	vsel vm12, $0x42E40000, v27  }
0x14: {  	v21 =	vadd.s32 $0x122, v0;
	v4 =	vsel vm11, $0x40400000, v4;
	v5 =	vsel vm11, $0x41980000, v5  }
0x15: {  	v14 =	vsel vm11, $0x420C0000, v12;
	v13 =	vsel vm11, $0x424C0000, v13;
	v15 =	vsel vm11, $0x42860000, v15  }
0x16: {  	v25 =	vsel vm11, $0x42A60000, v25;
	v26 =	vsel vm11, $0x42C60000, v26;
	v27 =	vsel vm11, $0x42E60000, v27  }
0x17: {  	v12 =	vadd.s32 $0x120, v0;
	v4 =	vsel vm10, $0x40800000, v4;
	v5 =	vsel vm10, $0x41A00000, v5  }
0x18: {  	v14 =	vsel vm10, $0x42100000, v14;
	v13 =	vsel vm10, $0x42500000, v13;
	v15 =	vsel vm10, $0x42880000, v15  }
0x19: {  	v25 =	vsel vm10, $0x42A80000, v25;
	v26 =	vsel vm10, $0x42C80000, v26;
	v27 =	vsel vm10, $0x42E80000, v27  }
0x1a: {  	v4 =	vsel vm9, $0x40A00000, v4;
	v5 =	vsel vm9, $0x41A80000, v5;
	v14 =	vsel vm9, $0x42140000, v14  }
0x1b: {  	v13 =	vsel vm9, $0x42540000, v13;
	v15 =	vsel vm9, $0x428A0000, v15;
	v25 =	vsel vm9, $0x42AA0000, v25  }
0x1c: {  	v26 =	vsel vm9, $0x42CA0000, v26;
	v27 =	vsel vm9, $0x42EA0000, v27;
	v4 =	vsel vm8, $0x40C00000, v4  }
0x1d: {  	v5 =	vsel vm8, $0x41B00000, v5;
	v14 =	vsel vm8, $0x42180000, v14;
	v13 =	vsel vm8, $0x42580000, v13  }
0x1e: {  	v15 =	vsel vm8, $0x428C0000, v15;
	v25 =	vsel vm8, $0x42AC0000, v25;
	v26 =	vsel vm8, $0x42CC0000, v26  }
0x1f: {  	v27 =	vsel vm8, $0x42EC0000, v27;
	v4 =	vsel vm7, $0x40E00000, v4;
	v5 =	vsel vm7, $0x41B80000, v5  }
0x20: {  	v14 =	vsel vm7, $0x421C0000, v14;
	v13 =	vsel vm7, $0x425C0000, v13;
	v15 =	vsel vm7, $0x428E0000, v15  }
0x21: {  	v25 =	vsel vm7, $0x42AE0000, v25;
	v26 =	vsel vm7, $0x42CE0000, v26;
	v27 =	vsel vm7, $0x42EE0000, v27  }
0x22: {  	v4 =	vsel vm6, $0x41000000, v4;
	v5 =	vsel vm6, $0x41C00000, v5;
	v14 =	vsel vm6, $0x42200000, v14  }
0x23: {  	v13 =	vsel vm6, $0x42600000, v13;
	v15 =	vsel vm6, $0x42900000, v15;
	v25 =	vsel vm6, $0x42B00000, v25  }
0x24: {  	s4 =	rddreg [dreg:$0x0];
	v26 =	vsel vm6, $0x42D00000, v26;
	v27 =	vsel vm6, $0x42F00000, v27;
	v4 =	vsel vm5, $0x41100000, v4  }
0x25: {  	s2 =	rddreg [dreg:$0x2];
	v5 =	vsel vm5, $0x41C80000, v5;
	v14 =	vsel vm5, $0x42240000, v14;
	v13 =	vsel vm5, $0x42640000, v13  }
0x26: {  	s6 =	rddreg [dreg:$0x3];
	v17 =	vsel vm5, $0x42920000, v15;
	v15 =	vadd.s32 $0x91, v0;
	v25 =	vsel vm5, $0x42B20000, v25  }
0x27: {  	s5 =	rddreg [dreg:$0x4];
	s7 =	srdreg.scid;
	v26 =	vsel vm5, $0x42D20000, v26;
	v27 =	vsel vm5, $0x42F20000, v27;
	v4 =	vsel vm4, $0x41200000, v4  }
0x28: {  	s3 =	simm.s32 $0x0;
	s25 =	simm.s32 $0x180;
	s26 =	simm.s32 $0x980;
	v6 =	vsel vm4, $0x41D00000, v5;
	v5 =	vimm.s32 $0x0;
	v14 =	vsel vm4, $0x42280000, v14  }
0x29: {  	s28 =	simm.s32 $0x200;
	s29 =	simm.s32 $0xA00;
	s30 =	simm.s32 $0x280;
	v16 =	vsel vm4, $0x42680000, v13;
	v19 =	vsel vm4, $0x42940000, v17;
	v25 =	vsel vm4, $0x42B40000, v25  }
0x2a: {  	s31 =	simm.s32 $0xA80;
	s13 =	simm.s32 $0xB80;
	s14 =	simm.s32 $0x400;
	v28 =	vsel vm4, $0x42D40000, v26;
	v29 =	vsel vm4, $0x42F40000, v27;
	v26 =	vadd.s32 $0x121, v0  }
0x2b: {  	s15 =	simm.s32 $0xC00;
	s16 =	simm.s32 $0x480;
	s17 =	simm.s32 $0xC80;
	v4 =	vsel vm3, $0x41300000, v4;
	v7 =	vsel vm3, $0x41D80000, v6;
	v6 =	vadd.s32 $0x30, v0  }
0x2c: {  	s18 =	simm.s32 $0x500;
	s19 =	simm.s32 $0xD00;
	s20 =	simm.s32 $0x580;
	v14 =	vsel vm3, $0x422C0000, v14;
	v16 =	vsel vm3, $0x426C0000, v16;
	v19 =	vsel vm3, $0x42960000, v19  }
0x2d: {  	s21 =	simm.s32 $0xD80;
	[dreg:$0x6] =	wrdreg s2;
	s7 =	sand.u32 $0x1, s7;
	v25 =	vsel vm3, $0x42B60000, v25;
	v28 =	vsel vm3, $0x42D60000, v28;
	v29 =	vsel vm3, $0x42F60000, v29  }
0x2e: {  	[smem:$0x7FF] =	sst s3;
	s8 =	smul.u32 $0x18000, s0;
	s23 =	sshll.u32 s0, $0xB;
	v4 =	vsel vm2, $0x41400000, v4;
	v8 =	vsel vm2, $0x41E00000, v7;
	v7 =	vadd.s32 $0x31, v0  }
0x2f: {  	s11 =	sshll.u32 s0, $0xF;
	s9 =	ssub.s32 $0x2, s7;
	s1 =	rddreg [dreg:$0x1];
	v14 =	vsel vm2, $0x42300000, v14;
	v16 =	vsel vm2, $0x42700000, v16;
	v20 =	vsel vm2, $0x42980000, v19  }
0x30: {  	s24 =	sshll.u32 s7, $0xA;
	_ =	strace $0x8000004A;
	[dreg:$0x8] =	wrdreg s25;
	v19 =	vadd.s32 $0xC1, v0;
	v25 =	vsel vm2, $0x42B80000, v25;
	v30 =	vsel vm2, $0x42D80000, v28  }
0x31: {  	s5 =	sadd.s32 s11, s5;
	s12 =	sshll.u32 s7, $0xE;
	[dreg:$0x9] =	wrdreg s26;
	[tilespmem:$0x1FFA0] =	vst v21;
	v31 =	vsel vm2, $0x42F80000, v29;
	v28 =	vadd.s32 $0x150, v0;
	v29 =	vadd.s32 $0x151, v0  }
0x32: {  	s6 =	sadd.s32 s11, s6;
	s7 =	smul.u32 $0xC000, s7;
	[dreg:$0xa] =	wrdreg s28;
	[tilespmem:$0x1FFB0] =	vst v32;
	v4 =	vsel vm1, $0x41500000, v4;
	v10 =	vsel vm1, $0x41E80000, v8;
	v8 =	vadd.s32 $0x32, v0  }
0x33: {  	s11 =	simm.s32 $0xB00;
	s10 =	sshrl.u32 s9, $0x1;
	[dreg:$0xb] =	wrdreg s29;
	[tilespmem:$0x1FFC0] =	vst v2;
	v14 =	vsel vm1, $0x42340000, v14;
	v18 =	vsel vm1, $0x42740000, v16;
	v16 =	vadd.s32 $0x92, v0  }
0x34: {  	s8 =	sadd.s32 s8, s4;
	s5 =	sadd.s32 s12, s5;
	[dreg:$0xc] =	wrdreg s30;
	[tilespmem:$0x1FF80] =	vst v12;
	v22 =	vsel vm1, $0x429A0000, v20;
	v20 =	vadd.s32 $0xC2, v0;
	v25 =	vsel vm1, $0x42BA0000, v25  }
0x35: {  	s6 =	sadd.s32 s12, s6;
	[dreg:$0xd] =	wrdreg s31;
	s12 =	simm.s32 $0x380;
	v30 =	vsel vm1, $0x42DA0000, v30;
	v33 =	vsel vm1, $0x42FA0000, v31;
	[tilespmem:$0x1FFD0] =	vst v29;
	v4 =	vsel vm0, $0x41600000, v4  }
0x36: {  	s22 =	ssub.s32 s9, s10;
	s9 =	sor.u32 s24, s23;
	s7 =	sadd.s32 s7, s8;
	v9 =	vsel vm0, $0x41F00000, v10;
	v10 =	vadd.s32 $0x60, v0;
	v54 =	vsel vm0, $0x429C0000, v22;
	[tilespmem:$0x1FF90] =	vst v20  }
0x37: {  	s8 =	simm.s32 $0x2;
	s10 =	simm.s32 $0x300;
	s23 =	simm.s32 $0x1380;
	v13 =	vsel vm0, $0x42380000, v14;
	v27 =	vsel vm0, $0x42DC0000, v30;
	v30 =	vadd.s32 $0x152, v0;
	[tilespmem:$0x1FF70] =	vst v54  }
0x38: {  	s24 =	simm.s32 $0x0;
	s4 =	smax.u32 s22, $0x1;
	[dreg:$0x7] =	wrdreg s9;
	v14 =	vadd.s32 $0x90, v0;
	v17 =	vsel vm0, $0x42780000, v18;
	v31 =	vsel vm0, $0x42FC0000, v33;
	[tilespmem:$0x1FFE0] =	vst v30  }
0x39: {  	s7 =	sadd.s32 $0x2400, s7;
	s9 =	simm.s32 $0x80;
	s22 =	simm.s32 $0x1;
	v18 =	vor.u32 $0xC0, v0;
	v22 =	vadd.s32 $0xF0, v0;
	v25 =	vsel vm0, $0x42BC0000, v25;
	[tilespmem:$0x1FFF0] =	vst v31  }
.LBB2_1:
0x3a: {  	s25 =	smov.u32 s7  }
0x3b: {  	s26 =	smov.u32 s6;
	s28 =	smov.u32 s5;
	s29 =	simm.s32 $0x0  }
.LBB2_2:
0x3c: {  	[tilespmem:s3], [sflag:$0x2] =	stream.linear.gather [hbm4b:s25+s3], $0x180, $0x38;
	[tilespmem:$0x1400] =	vst v63  }
0x3d: {  	s30 =	rddreg [dreg:$0x7];
	_ =	swait.ge [sflag:s8], $0x180  }
0x3e: {  	[sflag:s8] =	ssyncset.done $0x0  }
0x3f: {  	[sflag:s8] =	ssyncadd.s32 $0xFFFFFE80  }
0x40: {  	v34 =	vld.idx.msk [tilespmem:v0+s3+$0x0], $0xffff  }
0x41: {  	s30 =	sadd.s32 s29, s30;
	v35 =	vld.idx.msk [tilespmem:v2+s3+$0x0], $0xffff  }
0x42: {  	s30 =	sshrl.u32 s30, $0x7;
	v36 =	vld.idx.msk [tilespmem:v3+s3+$0x0], $0xffff  }
0x43: {  	s31 =	sand.u32 $0x7F, s29;
	s30 =	sand.u32 $0x7F, s30  }
0x44: {  	s31 =	scvt.s32.f32 s31;
	s30 =	scvt.s32.f32 s30  }
0x45: {  	_ = 	snop  }
0x46: {  	v34 =	vadd.f32 s30, v34;
	v35 =	vadd.f32 s31, v35  }
0x47: {  	v36 =	vadd.f32 v4, v36  }
0x48: {  	v37 =	vtrunc.f32 v34;
	v56 =	vtrunc.f32 v35  }
0x49: {  	v57 =	vtrunc.f32 v36;
	v38 =	vcvt.f32.s32 v37;
	vm0 =	vlt.f32 v34, v37  }
0x4a: {  	v39 =	vcvt.f32.s32 v56;
	vm12 =	vlt.f32 v35, v56;
	v41 =	vcvt.f32.s32 v57  }
0x4b: {  	vm13 =	vlt.f32 v36, v57;
	v37 =	vsel vm0, $0xFFFFFFFF, v5;
	v40 =	vsel vm12, $0xFFFFFFFF, v5  }
0x4c: {  	v59 =	vsel vm13, $0xFFFFFFFF, v5;
	v37 =	vadd.s32 v38, v37;
	v58 =	vadd.s32 v39, v40  }
0x4d: {  	v39 =	vadd.s32 v41, v59;
	v60 =	vcvt.s32.f32 v37;
	v61 =	vcvt.s32.f32 v58  }
0x4e: {  	v42 =	vcvt.s32.f32 v39;
	vm14 =	vgt.s32 v37, $0x0;
	vm4 =	vgt.s32 v58, $0x0  }
0x4f: {  	v38 =	vadd.s32 $0x1, v58;
	vm6 =	vgt.s32 v39, $0x0;
	v43 =	vnsel vm14, $0x0, v37  }
0x50: {  	v37 =	vadd.s32 $0x1, v37;
	v44 =	vnsel vm4, $0x0, v58;
	vm5 =	vgt.s32 v38, $0x0  }
0x51: {  	v45 =	vnsel vm6, $0x0, v39;
	v39 =	vadd.s32 $0x1, v39;
	v40 =	vsub.f32 v34, v60  }
0x52: {  	v41 =	vsub.f32 v35, v61;
	v42 =	vsub.f32 v36, v42;
	v43 =	vmin.u32 v43, $0x7F  }
0x53: {  	vm15 =	vgt.s32 v37, $0x0;
	v44 =	vmin.u32 v44, $0x7F;
	v38 =	vnsel vm5, $0x0, v38  }
0x54: {  	v45 =	vmin.u32 v45, $0x7F;
	vm7 =	vgt.s32 v39, $0x0;
	v34 =	vadd.f32 $5.000000000e-01, v34  }
0x55: {  	v35 =	vadd.f32 $5.000000000e-01, v35;
	v36 =	vadd.f32 $5.000000000e-01, v36;
	v43 =	vshll.u32 v43, $0xE  }
0x56: {  	v37 =	vnsel vm15, $0x0, v37;
	v44 =	vshll.u32 v44, $0x7;
	v38 =	vmin.u32 v38, $0x7F  }
0x57: {  	v39 =	vnsel vm7, $0x0, v39;
	v37 =	vmin.u32 v37, $0x7F;
	v38 =	vshll.u32 v38, $0x7  }
0x58: {  	v43 =	vor.u32 v1, v43;
	v39 =	vmin.u32 v39, $0x7F;
	v47 =	vtrunc.f32 v34  }
0x59: {  	v51 =	vtrunc.f32 v35;
	v52 =	vtrunc.f32 v36;
	v37 =	vshll.u32 v37, $0xE  }
0x5a: {  	v46 =	vor.u32 v44, v43;
	v43 =	vor.u32 v43, v38;
	v62 =	vcvt.f32.s32 v47  }
0x5b: {  	vm8 =	vlt.f32 v34, v47;
	v63 =	vcvt.f32.s32 v51;
	vm1 =	vlt.f32 v35, v51  }
0x5c: {  	v57 =	vcvt.f32.s32 v52;
	vm10 =	vlt.f32 v36, v52;
	v37 =	vor.u32 v1, v37  }
0x5d: {  	v47 =	vor.u32 v45, v46;
	v46 =	vor.u32 v39, v46;
	v48 =	vsel vm8, $0xFFFFFFFF, v5  }
0x5e: {  	v44 =	vor.u32 v44, v37;
	v37 =	vor.u32 v38, v37;
	v38 =	vadd.s32 v62, v48  }
0x5f: {  	v49 =	vor.u32 v45, v43;
	v43 =	vor.u32 v39, v43;
	v50 =	vcvt.s32.f32 v38  }
0x60: {  	v51 =	vsel vm1, $0xFFFFFFFF, v5;
	v52 =	vsel vm10, $0xFFFFFFFF, v5;
	v48 =	vor.u32 v45, v44  }
0x61: {  	v56 =	vand.u32 $0x1, v38;
	vm9 =	veq.f32 v34, v50;
	v34 =	vadd.s32 v63, v51  }
0x62: {  	v44 =	vor.u32 v39, v44;
	vm2 =	veq.s32 v56, $0x1;
	v58 =	vcvt.s32.f32 v34  }
0x63: {  	v51 =	vadd.s32 v57, v52;
	vm0 =	vmand vm9, vm2;
	v53 =	vand.u32 $0x1, v34  }
0x64: {  	[tilespmem:$0x1180] =	vst v40;
	v59 =	vcvt.s32.f32 v51;
	vm12 =	veq.s32 v53, $0x1;
	vm11 =	veq.f32 v35, v58  }
0x65: {  	[tilespmem:$0x1200] =	vst v41;
	v61 =	vand.u32 $0x1, v51;
	v60 =	vsel vm0, $0xFFFFFFFF, v5;
	vm13 =	vmand vm11, vm12  }
0x66: {  	[tilespmem:$0x1280] =	vst v42;
	vm15 =	veq.s32 v61, $0x1;
	vm14 =	veq.f32 v36, v59;
	v62 =	vsel vm13, $0xFFFFFFFF, v5  }
0x67: {  	[tilespmem:$0x180] =	vst v47;
	v63 =	vadd.s32 v60, v38;
	vm0 =	vmand vm14, vm15;
	v34 =	vadd.s32 v62, v34  }
0x68: {  	[tilespmem:$0x200] =	vst v46;
	vm4 =	vgt.s32 v63, $0x0;
	v40 =	vsel vm0, $0xFFFFFFFF, v5;
	vm5 =	vgt.s32 v34, $0x0  }
0x69: {  	[tilespmem:$0x280] =	vst v49;
	v35 =	vnsel vm4, $0x0, v63;
	v36 =	vadd.s32 v40, v51;
	v34 =	vnsel vm5, $0x0, v34  }
0x6a: {  	[tilespmem:$0x300] =	vst v43;
	v35 =	vmin.u32 v35, $0x7F;
	vm6 =	vgt.s32 v36, $0x0;
	v34 =	vmin.u32 v34, $0x7F  }
0x6b: {  	[tilespmem:$0x380] =	vst v48;
	v35 =	vshll.u32 v35, $0xE;
	v36 =	vnsel vm6, $0x0, v36;
	v34 =	vshll.u32 v34, $0x7  }
0x6c: {  	v41 =	vor.u32 v45, v37;
	[tilespmem:$0x400] =	vst v44;
	v36 =	vmin.u32 v36, $0x7F;
	v34 =	vor.u32 v35, v34  }
0x6d: {  	v42 =	vor.u32 v39, v37;
	[tilespmem:$0x480] =	vst v41;
	v34 =	vor.u32 v36, v34  }
0x6e: {  	[tilespmem:$0x500] =	vst v42;
	v34 =	vor.u32 v1, v34  }
0x6f: {  	[tilespmem:$0x580] =	vst v34  }
0x70: {  	v34 =	vld.idx.msk [tilespmem:v6+s3+$0x0], $0xffff  }
0x71: {  	v35 =	vld.idx.msk [tilespmem:v7+s3+$0x0], $0xffff  }
0x72: {  	v43 =	vld.idx.msk [tilespmem:v8+s3+$0x0], $0xffff;
	_ =	sdelay $0x3  }
0x73: {  	v34 =	vadd.f32 s30, v34;
	v35 =	vadd.f32 s31, v35  }
0x74: {  	v36 =	vadd.f32 v9, v43  }
0x75: {  	v44 =	vtrunc.f32 v34;
	v46 =	vtrunc.f32 v35  }
0x76: {  	v48 =	vtrunc.f32 v36;
	v45 =	vcvt.f32.s32 v44;
	vm7 =	vlt.f32 v34, v44  }
0x77: {  	v47 =	vcvt.f32.s32 v46;
	vm8 =	vlt.f32 v35, v46;
	v50 =	vcvt.f32.s32 v48  }
0x78: {  	vm9 =	vlt.f32 v36, v48;
	v37 =	vsel vm7, $0xFFFFFFFF, v5;
	v49 =	vsel vm8, $0xFFFFFFFF, v5  }
0x79: {  	v52 =	vsel vm9, $0xFFFFFFFF, v5;
	v37 =	vadd.s32 v45, v37;
	v51 =	vadd.s32 v47, v49  }
0x7a: {  	v39 =	vadd.s32 v50, v52;
	v53 =	vcvt.s32.f32 v37;
	v55 =	vcvt.s32.f32 v51  }
0x7b: {  	v56 =	vcvt.s32.f32 v39;
	vm10 =	vgt.s32 v37, $0x0;
	vm12 =	vgt.s32 v51, $0x0  }
0x7c: {  	v38 =	vadd.s32 $0x1, v51;
	vm14 =	vgt.s32 v39, $0x0;
	v57 =	vnsel vm10, $0x0, v37  }
0x7d: {  	v37 =	vadd.s32 $0x1, v37;
	v58 =	vnsel vm12, $0x0, v51;
	vm13 =	vgt.s32 v38, $0x0  }
0x7e: {  	v59 =	vnsel vm14, $0x0, v39;
	v39 =	vadd.s32 $0x1, v39;
	v40 =	vsub.f32 v34, v53  }
0x7f: {  	v41 =	vsub.f32 v35, v55;
	v42 =	vsub.f32 v36, v56;
	v43 =	vmin.u32 v57, $0x7F  }
0x80: {  	vm11 =	vgt.s32 v37, $0x0;
	v44 =	vmin.u32 v58, $0x7F;
	v38 =	vnsel vm13, $0x0, v38  }
0x81: {  	v45 =	vmin.u32 v59, $0x7F;
	vm15 =	vgt.s32 v39, $0x0;
	v34 =	vadd.f32 $5.000000000e-01, v34  }
0x82: {  	v35 =	vadd.f32 $5.000000000e-01, v35;
	v36 =	vadd.f32 $5.000000000e-01, v36;
	v43 =	vshll.u32 v43, $0xE  }
0x83: {  	v37 =	vnsel vm11, $0x0, v37;
	v44 =	vshll.u32 v44, $0x7;
	v38 =	vmin.u32 v38, $0x7F  }
0x84: {  	v39 =	vnsel vm15, $0x0, v39;
	v37 =	vmin.u32 v37, $0x7F;
	v38 =	vshll.u32 v38, $0x7  }
0x85: {  	v43 =	vor.u32 v1, v43;
	v39 =	vmin.u32 v39, $0x7F;
	v61 =	vtrunc.f32 v34  }
0x86: {  	v55 =	vtrunc.f32 v35;
	v58 =	vtrunc.f32 v36;
	v37 =	vshll.u32 v37, $0xE  }
0x87: {  	v60 =	vor.u32 v44, v43;
	v43 =	vor.u32 v43, v38;
	v62 =	vcvt.f32.s32 v61  }
0x88: {  	vm4 =	vlt.f32 v34, v61;
	v56 =	vcvt.f32.s32 v55;
	vm6 =	vlt.f32 v35, v55  }
0x89: {  	v59 =	vcvt.f32.s32 v58;
	vm7 =	vlt.f32 v36, v58;
	v37 =	vor.u32 v1, v37  }
0x8a: {  	v47 =	vor.u32 v45, v60;
	v46 =	vor.u32 v39, v60;
	v63 =	vsel vm4, $0xFFFFFFFF, v5  }
0x8b: {  	v44 =	vor.u32 v44, v37;
	v37 =	vor.u32 v38, v37;
	v38 =	vadd.s32 v62, v63  }
0x8c: {  	v49 =	vor.u32 v45, v43;
	v43 =	vor.u32 v39, v43;
	v33 =	vcvt.s32.f32 v38  }
0x8d: {  	v51 =	vsel vm6, $0xFFFFFFFF, v5;
	v52 =	vsel vm7, $0xFFFFFFFF, v5;
	v48 =	vor.u32 v45, v44  }
0x8e: {  	v57 =	vand.u32 $0x1, v38;
	vm5 =	veq.f32 v34, v33;
	v34 =	vadd.s32 v56, v51  }
0x8f: {  	v44 =	vor.u32 v39, v44;
	vm8 =	veq.s32 v57, $0x1;
	v60 =	vcvt.s32.f32 v34  }
0x90: {  	v51 =	vadd.s32 v59, v52;
	vm0 =	vmand vm5, vm8;
	v61 =	vand.u32 $0x1, v34  }
0x91: {  	[tilespmem:$0x1190] =	vst v40;
	v62 =	vcvt.s32.f32 v51;
	vm10 =	veq.s32 v61, $0x1;
	vm9 =	veq.f32 v35, v60  }
0x92: {  	[tilespmem:$0x1210] =	vst v41;
	v33 =	vand.u32 $0x1, v51;
	v63 =	vsel vm0, $0xFFFFFFFF, v5;
	vm11 =	vmand vm9, vm10  }
0x93: {  	[tilespmem:$0x1290] =	vst v42;
	vm13 =	veq.s32 v33, $0x1;
	vm12 =	veq.f32 v36, v62;
	v50 =	vsel vm11, $0xFFFFFFFF, v5  }
0x94: {  	[tilespmem:$0x190] =	vst v47;
	v52 =	vadd.s32 v63, v38;
	vm0 =	vmand vm12, vm13;
	v34 =	vadd.s32 v50, v34  }
0x95: {  	[tilespmem:$0x210] =	vst v46;
	vm14 =	vgt.s32 v52, $0x0;
	v53 =	vsel vm0, $0xFFFFFFFF, v5;
	vm15 =	vgt.s32 v34, $0x0  }
0x96: {  	[tilespmem:$0x290] =	vst v49;
	v35 =	vnsel vm14, $0x0, v52;
	v36 =	vadd.s32 v53, v51;
	v34 =	vnsel vm15, $0x0, v34  }
0x97: {  	[tilespmem:$0x310] =	vst v43;
	v35 =	vmin.u32 v35, $0x7F;
	vm4 =	vgt.s32 v36, $0x0;
	v34 =	vmin.u32 v34, $0x7F  }
0x98: {  	[tilespmem:$0x390] =	vst v48;
	v35 =	vshll.u32 v35, $0xE;
	v36 =	vnsel vm4, $0x0, v36;
	v34 =	vshll.u32 v34, $0x7  }
0x99: {  	v55 =	vor.u32 v45, v37;
	[tilespmem:$0x410] =	vst v44;
	v36 =	vmin.u32 v36, $0x7F;
	v34 =	vor.u32 v35, v34  }
0x9a: {  	[tilespmem:$0x490] =	vst v55;
	v56 =	vor.u32 v39, v37;
	v34 =	vor.u32 v36, v34  }
0x9b: {  	[tilespmem:$0x510] =	vst v56;
	v34 =	vor.u32 v1, v34  }
0x9c: {  	[tilespmem:$0x590] =	vst v34  }
0x9d: {  	v34 =	vld.idx.msk [tilespmem:v10+s3+$0x0], $0xffff  }
0x9e: {  	v35 =	vld.idx.msk [tilespmem:v11+s3+$0x0], $0xffff  }
0x9f: {  	v57 =	vld.idx.msk [tilespmem:v32+s3+$0x0], $0xffff;
	_ =	sdelay $0x3  }
0xa0: {  	v34 =	vadd.f32 s30, v34;
	v35 =	vadd.f32 s31, v35  }
0xa1: {  	v36 =	vadd.f32 v13, v57  }
0xa2: {  	v58 =	vtrunc.f32 v34;
	v60 =	vtrunc.f32 v35  }
0xa3: {  	v62 =	vtrunc.f32 v36;
	v59 =	vcvt.f32.s32 v58;
	vm5 =	vlt.f32 v34, v58  }
0xa4: {  	v61 =	vcvt.f32.s32 v60;
	vm6 =	vlt.f32 v35, v60;
	v32 =	vcvt.f32.s32 v62  }
0xa5: {  	vm7 =	vlt.f32 v36, v62;
	v37 =	vsel vm5, $0xFFFFFFFF, v5;
	v63 =	vsel vm6, $0xFFFFFFFF, v5  }
0xa6: {  	v48 =	vsel vm7, $0xFFFFFFFF, v5;
	v37 =	vadd.s32 v59, v37;
	v33 =	vadd.s32 v61, v63  }
0xa7: {  	v39 =	vadd.s32 v32, v48;
	v49 =	vcvt.s32.f32 v37;
	v50 =	vcvt.s32.f32 v33  }
0xa8: {  	v51 =	vcvt.s32.f32 v39;
	vm8 =	vgt.s32 v37, $0x0;
	vm10 =	vgt.s32 v33, $0x0  }
0xa9: {  	v38 =	vadd.s32 $0x1, v33;
	vm12 =	vgt.s32 v39, $0x0;
	v52 =	vnsel vm8, $0x0, v37  }
0xaa: {  	v37 =	vadd.s32 $0x1, v37;
	v53 =	vnsel vm10, $0x0, v33;
	vm11 =	vgt.s32 v38, $0x0  }
0xab: {  	v55 =	vnsel vm12, $0x0, v39;
	v39 =	vadd.s32 $0x1, v39;
	v40 =	vsub.f32 v34, v49  }
0xac: {  	v41 =	vsub.f32 v35, v50;
	v42 =	vsub.f32 v36, v51;
	v43 =	vmin.u32 v52, $0x7F  }
0xad: {  	vm9 =	vgt.s32 v37, $0x0;
	v44 =	vmin.u32 v53, $0x7F;
	v38 =	vnsel vm11, $0x0, v38  }
0xae: {  	v45 =	vmin.u32 v55, $0x7F;
	vm13 =	vgt.s32 v39, $0x0;
	v34 =	vadd.f32 $5.000000000e-01, v34  }
0xaf: {  	v35 =	vadd.f32 $5.000000000e-01, v35;
	v36 =	vadd.f32 $5.000000000e-01, v36;
	v43 =	vshll.u32 v43, $0xE  }
0xb0: {  	v37 =	vnsel vm9, $0x0, v37;
	v44 =	vshll.u32 v44, $0x7;
	v38 =	vmin.u32 v38, $0x7F  }
0xb1: {  	v39 =	vnsel vm13, $0x0, v39;
	v37 =	vmin.u32 v37, $0x7F;
	v38 =	vshll.u32 v38, $0x7  }
0xb2: {  	v43 =	vor.u32 v1, v43;
	v39 =	vmin.u32 v39, $0x7F;
	v57 =	vtrunc.f32 v34  }
0xb3: {  	v61 =	vtrunc.f32 v35;
	v37 =	vshll.u32 v37, $0xE;
	v56 =	vor.u32 v44, v43  }
0xb4: {  	v43 =	vor.u32 v43, v38;
	v58 =	vcvt.f32.s32 v57;
	vm14 =	vlt.f32 v34, v57  }
0xb5: {  	v62 =	vcvt.f32.s32 v61;
	vm4 =	vlt.f32 v35, v61;
	v37 =	vor.u32 v1, v37  }
0xb6: {  	v47 =	vor.u32 v45, v56;
	v46 =	vor.u32 v39, v56;
	v59 =	vsel vm14, $0xFFFFFFFF, v5  }
0xb7: {  	v49 =	vor.u32 v45, v43;
	v43 =	vor.u32 v39, v43;
	v56 =	vtrunc.f32 v36  }
0xb8: {  	v44 =	vor.u32 v44, v37;
	v37 =	vor.u32 v38, v37;
	v38 =	vadd.s32 v58, v59  }
0xb9: {  	v51 =	vsel vm4, $0xFFFFFFFF, v5;
	v57 =	vcvt.f32.s32 v56;
	v60 =	vcvt.s32.f32 v38  }
0xba: {  	vm5 =	vlt.f32 v36, v56;
	v48 =	vor.u32 v45, v44;
	v44 =	vor.u32 v39, v44  }
0xbb: {  	v63 =	vand.u32 $0x1, v38;
	vm15 =	veq.f32 v34, v60;
	v34 =	vadd.s32 v62, v51  }
0xbc: {  	v52 =	vsel vm5, $0xFFFFFFFF, v5;
	vm6 =	veq.s32 v63, $0x1;
	v58 =	vcvt.s32.f32 v34  }
0xbd: {  	v51 =	vadd.s32 v57, v52;
	vm0 =	vmand vm15, vm6;
	v59 =	vand.u32 $0x1, v34  }
0xbe: {  	[tilespmem:$0x11A0] =	vst v40;
	v60 =	vcvt.s32.f32 v51;
	vm8 =	veq.s32 v59, $0x1;
	vm7 =	veq.f32 v35, v58  }
0xbf: {  	[tilespmem:$0x1220] =	vst v41;
	v62 =	vand.u32 $0x1, v51;
	v61 =	vsel vm0, $0xFFFFFFFF, v5;
	vm9 =	vmand vm7, vm8  }
0xc0: {  	[tilespmem:$0x12A0] =	vst v42;
	vm11 =	veq.s32 v62, $0x1;
	vm10 =	veq.f32 v36, v60;
	v63 =	vsel vm9, $0xFFFFFFFF, v5  }
0xc1: {  	[tilespmem:$0x1A0] =	vst v47;
	v50 =	vadd.s32 v61, v38;
	vm0 =	vmand vm10, vm11;
	v34 =	vadd.s32 v63, v34  }
0xc2: {  	[tilespmem:$0x220] =	vst v46;
	vm12 =	vgt.s32 v50, $0x0;
	v52 =	vsel vm0, $0xFFFFFFFF, v5;
	vm13 =	vgt.s32 v34, $0x0  }
0xc3: {  	[tilespmem:$0x2A0] =	vst v49;
	v35 =	vnsel vm12, $0x0, v50;
	v36 =	vadd.s32 v52, v51;
	v34 =	vnsel vm13, $0x0, v34  }
0xc4: {  	[tilespmem:$0x320] =	vst v43;
	v35 =	vmin.u32 v35, $0x7F;
	vm14 =	vgt.s32 v36, $0x0;
	v34 =	vmin.u32 v34, $0x7F  }
0xc5: {  	[tilespmem:$0x3A0] =	vst v48;
	v35 =	vshll.u32 v35, $0xE;
	v36 =	vnsel vm14, $0x0, v36;
	v34 =	vshll.u32 v34, $0x7  }
0xc6: {  	v53 =	vor.u32 v45, v37;
	[tilespmem:$0x420] =	vst v44;
	v36 =	vmin.u32 v36, $0x7F;
	v34 =	vor.u32 v35, v34  }
0xc7: {  	v55 =	vor.u32 v39, v37;
	[tilespmem:$0x4A0] =	vst v53;
	v34 =	vor.u32 v36, v34  }
0xc8: {  	[tilespmem:$0x520] =	vst v55;
	v34 =	vor.u32 v1, v34  }
0xc9: {  	[tilespmem:$0x5A0] =	vst v34  }
0xca: {  	v34 =	vld.idx.msk [tilespmem:v14+s3+$0x0], $0xffff  }
0xcb: {  	v35 =	vld.idx.msk [tilespmem:v15+s3+$0x0], $0xffff  }
0xcc: {  	v56 =	vld.idx.msk [tilespmem:v16+s3+$0x0], $0xffff;
	_ =	sdelay $0x3  }
0xcd: {  	v34 =	vadd.f32 s30, v34;
	v35 =	vadd.f32 s31, v35  }
0xce: {  	v36 =	vadd.f32 v17, v56  }
0xcf: {  	v57 =	vtrunc.f32 v34;
	v59 =	vtrunc.f32 v35  }
0xd0: {  	v61 =	vtrunc.f32 v36;
	v58 =	vcvt.f32.s32 v57;
	vm15 =	vlt.f32 v34, v57  }
0xd1: {  	v60 =	vcvt.f32.s32 v59;
	vm4 =	vlt.f32 v35, v59;
	v63 =	vcvt.f32.s32 v61  }
0xd2: {  	vm5 =	vlt.f32 v36, v61;
	v37 =	vsel vm15, $0xFFFFFFFF, v5;
	v62 =	vsel vm4, $0xFFFFFFFF, v5  }
0xd3: {  	v33 =	vsel vm5, $0xFFFFFFFF, v5;
	v37 =	vadd.s32 v58, v37;
	v32 =	vadd.s32 v60, v62  }
0xd4: {  	v39 =	vadd.s32 v63, v33;
	v44 =	vcvt.s32.f32 v37;
	v45 =	vcvt.s32.f32 v32  }
0xd5: {  	v46 =	vcvt.s32.f32 v39;
	vm6 =	vgt.s32 v37, $0x0;
	vm8 =	vgt.s32 v32, $0x0  }
0xd6: {  	v38 =	vadd.s32 $0x1, v32;
	vm10 =	vgt.s32 v39, $0x0;
	v47 =	vnsel vm6, $0x0, v37  }
0xd7: {  	v37 =	vadd.s32 $0x1, v37;
	v48 =	vnsel vm8, $0x0, v32;
	vm9 =	vgt.s32 v38, $0x0  }
0xd8: {  	v49 =	vnsel vm10, $0x0, v39;
	v39 =	vadd.s32 $0x1, v39;
	v40 =	vsub.f32 v34, v44  }
0xd9: {  	v41 =	vsub.f32 v35, v45;
	v42 =	vsub.f32 v36, v46;
	v43 =	vmin.u32 v47, $0x7F  }
0xda: {  	vm7 =	vgt.s32 v37, $0x0;
	v44 =	vmin.u32 v48, $0x7F;
	v38 =	vnsel vm9, $0x0, v38  }
0xdb: {  	v45 =	vmin.u32 v49, $0x7F;
	vm11 =	vgt.s32 v39, $0x0;
	v34 =	vadd.f32 $5.000000000e-01, v34  }
0xdc: {  	v35 =	vadd.f32 $5.000000000e-01, v35;
	v36 =	vadd.f32 $5.000000000e-01, v36;
	v43 =	vshll.u32 v43, $0xE  }
0xdd: {  	v37 =	vnsel vm7, $0x0, v37;
	v44 =	vshll.u32 v44, $0x7;
	v38 =	vmin.u32 v38, $0x7F  }
0xde: {  	v39 =	vnsel vm11, $0x0, v39;
	v37 =	vmin.u32 v37, $0x7F;
	v38 =	vshll.u32 v38, $0x7  }
0xdf: {  	v43 =	vor.u32 v1, v43;
	v39 =	vmin.u32 v39, $0x7F;
	v51 =	vtrunc.f32 v34  }
0xe0: {  	v56 =	vtrunc.f32 v35;
	v59 =	vtrunc.f32 v36;
	v37 =	vshll.u32 v37, $0xE  }
0xe1: {  	v50 =	vor.u32 v44, v43;
	v43 =	vor.u32 v43, v38;
	v52 =	vcvt.f32.s32 v51  }
0xe2: {  	vm12 =	vlt.f32 v34, v51;
	v57 =	vcvt.f32.s32 v56;
	vm14 =	vlt.f32 v35, v56  }
0xe3: {  	v60 =	vcvt.f32.s32 v59;
	vm15 =	vlt.f32 v36, v59;
	v37 =	vor.u32 v1, v37  }
0xe4: {  	v47 =	vor.u32 v45, v50;
	v46 =	vor.u32 v39, v50;
	v53 =	vsel vm12, $0xFFFFFFFF, v5  }
0xe5: {  	v44 =	vor.u32 v44, v37;
	v37 =	vor.u32 v38, v37;
	v38 =	vadd.s32 v52, v53  }
0xe6: {  	v49 =	vor.u32 v45, v43;
	v43 =	vor.u32 v39, v43;
	v55 =	vcvt.s32.f32 v38  }
0xe7: {  	v51 =	vsel vm14, $0xFFFFFFFF, v5;
	v52 =	vsel vm15, $0xFFFFFFFF, v5;
	v48 =	vor.u32 v45, v44  }
0xe8: {  	v58 =	vand.u32 $0x1, v38;
	vm13 =	veq.f32 v34, v55;
	v34 =	vadd.s32 v57, v51  }
0xe9: {  	v44 =	vor.u32 v39, v44;
	vm4 =	veq.s32 v58, $0x1;
	v61 =	vcvt.s32.f32 v34  }
0xea: {  	v51 =	vadd.s32 v60, v52;
	vm0 =	vmand vm13, vm4;
	v62 =	vand.u32 $0x1, v34  }
0xeb: {  	[tilespmem:$0x11B0] =	vst v40;
	v63 =	vcvt.s32.f32 v51;
	vm6 =	veq.s32 v62, $0x1;
	vm5 =	veq.f32 v35, v61  }
0xec: {  	[tilespmem:$0x1230] =	vst v41;
	v33 =	vand.u32 $0x1, v51;
	v32 =	vsel vm0, $0xFFFFFFFF, v5;
	vm7 =	vmand vm5, vm6  }
0xed: {  	[tilespmem:$0x12B0] =	vst v42;
	vm9 =	veq.s32 v33, $0x1;
	vm8 =	veq.f32 v36, v63;
	v50 =	vsel vm7, $0xFFFFFFFF, v5  }
0xee: {  	[tilespmem:$0x1B0] =	vst v47;
	v52 =	vadd.s32 v32, v38;
	vm0 =	vmand vm8, vm9;
	v34 =	vadd.s32 v50, v34  }
0xef: {  	[tilespmem:$0x230] =	vst v46;
	vm10 =	vgt.s32 v52, $0x0;
	v53 =	vsel vm0, $0xFFFFFFFF, v5;
	vm11 =	vgt.s32 v34, $0x0  }
0xf0: {  	[tilespmem:$0x2B0] =	vst v49;
	v35 =	vnsel vm10, $0x0, v52;
	v36 =	vadd.s32 v53, v51;
	v34 =	vnsel vm11, $0x0, v34  }
0xf1: {  	[tilespmem:$0x330] =	vst v43;
	v35 =	vmin.u32 v35, $0x7F;
	vm12 =	vgt.s32 v36, $0x0;
	v34 =	vmin.u32 v34, $0x7F  }
0xf2: {  	[tilespmem:$0x3B0] =	vst v48;
	v35 =	vshll.u32 v35, $0xE;
	v36 =	vnsel vm12, $0x0, v36;
	v34 =	vshll.u32 v34, $0x7  }
0xf3: {  	v56 =	vor.u32 v39, v37;
	[tilespmem:$0x430] =	vst v44;
	v36 =	vmin.u32 v36, $0x7F;
	v34 =	vor.u32 v35, v34  }
0xf4: {  	[tilespmem:$0x530] =	vst v56;
	v55 =	vor.u32 v45, v37;
	v34 =	vor.u32 v36, v34  }
0xf5: {  	[tilespmem:$0x4B0] =	vst v55;
	v34 =	vor.u32 v1, v34  }
0xf6: {  	[tilespmem:$0x5B0] =	vst v34  }
0xf7: {  	v34 =	vld.idx.msk [tilespmem:v18+s3+$0x0], $0xffff  }
0xf8: {  	v35 =	vld.idx.msk [tilespmem:v19+s3+$0x0], $0xffff  }
0xf9: {  	v57 =	vld.idx.msk [tilespmem:v20+s3+$0x0], $0xffff;
	_ =	sdelay $0x3  }
0xfa: {  	v34 =	vadd.f32 s30, v34;
	v35 =	vadd.f32 s31, v35  }
0xfb: {  	v36 =	vadd.f32 v54, v57  }
0xfc: {  	v58 =	vtrunc.f32 v34;
	v60 =	vtrunc.f32 v35  }
0xfd: {  	v62 =	vtrunc.f32 v36;
	v59 =	vcvt.f32.s32 v58;
	vm13 =	vlt.f32 v34, v58  }
0xfe: {  	v61 =	vcvt.f32.s32 v60;
	vm14 =	vlt.f32 v35, v60;
	v32 =	vcvt.f32.s32 v62  }
0xff: {  	vm15 =	vlt.f32 v36, v62;
	v37 =	vsel vm13, $0xFFFFFFFF, v5;
	v63 =	vsel vm14, $0xFFFFFFFF, v5  }
0x100: {  	v44 =	vsel vm15, $0xFFFFFFFF, v5;
	v37 =	vadd.s32 v59, v37;
	v33 =	vadd.s32 v61, v63  }
0x101: {  	v39 =	vadd.s32 v32, v44;
	v45 =	vcvt.s32.f32 v37;
	v46 =	vcvt.s32.f32 v33  }
0x102: {  	v47 =	vcvt.s32.f32 v39;
	vm4 =	vgt.s32 v37, $0x0;
	vm6 =	vgt.s32 v33, $0x0  }
0x103: {  	v38 =	vadd.s32 $0x1, v33;
	vm8 =	vgt.s32 v39, $0x0;
	v48 =	vnsel vm4, $0x0, v37  }
0x104: {  	v37 =	vadd.s32 $0x1, v37;
	v49 =	vnsel vm6, $0x0, v33;
	vm7 =	vgt.s32 v38, $0x0  }
0x105: {  	v50 =	vnsel vm8, $0x0, v39;
	v39 =	vadd.s32 $0x1, v39;
	v40 =	vsub.f32 v34, v45  }
0x106: {  	v41 =	vsub.f32 v35, v46;
	v42 =	vsub.f32 v36, v47;
	v43 =	vmin.u32 v48, $0x7F  }
0x107: {  	vm5 =	vgt.s32 v37, $0x0;
	v44 =	vmin.u32 v49, $0x7F;
	v38 =	vnsel vm7, $0x0, v38  }
0x108: {  	v45 =	vmin.u32 v50, $0x7F;
	vm9 =	vgt.s32 v39, $0x0;
	v34 =	vadd.f32 $5.000000000e-01, v34  }
0x109: {  	v35 =	vadd.f32 $5.000000000e-01, v35;
	v36 =	vadd.f32 $5.000000000e-01, v36;
	v43 =	vshll.u32 v43, $0xE  }
0x10a: {  	v37 =	vnsel vm5, $0x0, v37;
	v44 =	vshll.u32 v44, $0x7;
	v38 =	vmin.u32 v38, $0x7F  }
0x10b: {  	v39 =	vnsel vm9, $0x0, v39;
	v37 =	vmin.u32 v37, $0x7F;
	v38 =	vshll.u32 v38, $0x7  }
0x10c: {  	v43 =	vor.u32 v1, v43;
	v39 =	vmin.u32 v39, $0x7F;
	v52 =	vtrunc.f32 v34  }
0x10d: {  	v56 =	vtrunc.f32 v35;
	v59 =	vtrunc.f32 v36;
	v37 =	vshll.u32 v37, $0xE  }
0x10e: {  	v51 =	vor.u32 v44, v43;
	v43 =	vor.u32 v43, v38;
	v53 =	vcvt.f32.s32 v52  }
0x10f: {  	vm10 =	vlt.f32 v34, v52;
	v57 =	vcvt.f32.s32 v56;
	vm12 =	vlt.f32 v35, v56  }
0x110: {  	v60 =	vcvt.f32.s32 v59;
	vm13 =	vlt.f32 v36, v59;
	v37 =	vor.u32 v1, v37  }
0x111: {  	v47 =	vor.u32 v45, v51;
	v46 =	vor.u32 v39, v51;
	v54 =	vsel vm10, $0xFFFFFFFF, v5  }
0x112: {  	v44 =	vor.u32 v44, v37;
	v37 =	vor.u32 v38, v37;
	v38 =	vadd.s32 v53, v54  }
0x113: {  	v49 =	vor.u32 v45, v43;
	v43 =	vor.u32 v39, v43;
	v55 =	vcvt.s32.f32 v38  }
0x114: {  	v51 =	vsel vm12, $0xFFFFFFFF, v5;
	v52 =	vsel vm13, $0xFFFFFFFF, v5;
	v48 =	vor.u32 v45, v44  }
0x115: {  	v58 =	vand.u32 $0x1, v38;
	vm11 =	veq.f32 v34, v55;
	v34 =	vadd.s32 v57, v51  }
0x116: {  	v44 =	vor.u32 v39, v44;
	vm14 =	veq.s32 v58, $0x1;
	v61 =	vcvt.s32.f32 v34  }
0x117: {  	v51 =	vadd.s32 v60, v52;
	vm0 =	vmand vm11, vm14;
	v62 =	vand.u32 $0x1, v34  }
0x118: {  	[tilespmem:$0x11C0] =	vst v40;
	v63 =	vcvt.s32.f32 v51;
	vm4 =	veq.s32 v62, $0x1;
	vm15 =	veq.f32 v35, v61  }
0x119: {  	[tilespmem:$0x1240] =	vst v41;
	v50 =	vand.u32 $0x1, v51;
	v33 =	vsel vm0, $0xFFFFFFFF, v5;
	vm5 =	vmand vm15, vm4  }
0x11a: {  	[tilespmem:$0x12C0] =	vst v42;
	vm7 =	veq.s32 v50, $0x1;
	vm6 =	veq.f32 v36, v63;
	v52 =	vsel vm5, $0xFFFFFFFF, v5  }
0x11b: {  	[tilespmem:$0x1C0] =	vst v47;
	v53 =	vadd.s32 v33, v38;
	vm0 =	vmand vm6, vm7;
	v34 =	vadd.s32 v52, v34  }
0x11c: {  	[tilespmem:$0x240] =	vst v46;
	vm8 =	vgt.s32 v53, $0x0;
	v54 =	vsel vm0, $0xFFFFFFFF, v5;
	vm9 =	vgt.s32 v34, $0x0  }
0x11d: {  	[tilespmem:$0x2C0] =	vst v49;
	v35 =	vnsel vm8, $0x0, v53;
	v36 =	vadd.s32 v54, v51;
	v34 =	vnsel vm9, $0x0, v34  }
0x11e: {  	[tilespmem:$0x340] =	vst v43;
	v35 =	vmin.u32 v35, $0x7F;
	vm10 =	vgt.s32 v36, $0x0;
	v34 =	vmin.u32 v34, $0x7F  }
0x11f: {  	[tilespmem:$0x3C0] =	vst v48;
	v35 =	vshll.u32 v35, $0xE;
	v36 =	vnsel vm10, $0x0, v36;
	v34 =	vshll.u32 v34, $0x7  }
0x120: {  	v56 =	vor.u32 v39, v37;
	[tilespmem:$0x440] =	vst v44;
	v36 =	vmin.u32 v36, $0x7F;
	v34 =	vor.u32 v35, v34  }
0x121: {  	[tilespmem:$0x540] =	vst v56;
	v55 =	vor.u32 v45, v37;
	v34 =	vor.u32 v36, v34  }
0x122: {  	[tilespmem:$0x4C0] =	vst v55;
	v34 =	vor.u32 v1, v34  }
0x123: {  	[tilespmem:$0x5C0] =	vst v34  }
0x124: {  	v34 =	vld.idx.msk [tilespmem:v22+s3+$0x0], $0xffff  }
0x125: {  	v35 =	vld.idx.msk [tilespmem:v23+s3+$0x0], $0xffff  }
0x126: {  	v57 =	vld.idx.msk [tilespmem:v24+s3+$0x0], $0xffff;
	_ =	sdelay $0x3  }
0x127: {  	v34 =	vadd.f32 s30, v34;
	v35 =	vadd.f32 s31, v35  }
0x128: {  	v36 =	vadd.f32 v25, v57  }
0x129: {  	v58 =	vtrunc.f32 v34;
	v60 =	vtrunc.f32 v35  }
0x12a: {  	v62 =	vtrunc.f32 v36;
	v59 =	vcvt.f32.s32 v58;
	vm11 =	vlt.f32 v34, v58  }
0x12b: {  	v61 =	vcvt.f32.s32 v60;
	vm12 =	vlt.f32 v35, v60;
	v32 =	vcvt.f32.s32 v62  }
0x12c: {  	vm13 =	vlt.f32 v36, v62;
	v37 =	vsel vm11, $0xFFFFFFFF, v5;
	v63 =	vsel vm12, $0xFFFFFFFF, v5  }
0x12d: {  	v44 =	vsel vm13, $0xFFFFFFFF, v5;
	v37 =	vadd.s32 v59, v37;
	v33 =	vadd.s32 v61, v63  }
0x12e: {  	v39 =	vadd.s32 v32, v44;
	v45 =	vcvt.s32.f32 v37;
	v46 =	vcvt.s32.f32 v33  }
0x12f: {  	v47 =	vcvt.s32.f32 v39;
	vm14 =	vgt.s32 v37, $0x0;
	vm4 =	vgt.s32 v33, $0x0  }
0x130: {  	v38 =	vadd.s32 $0x1, v33;
	vm6 =	vgt.s32 v39, $0x0;
	v48 =	vnsel vm14, $0x0, v37  }
0x131: {  	v37 =	vadd.s32 $0x1, v37;
	v49 =	vnsel vm4, $0x0, v33;
	vm5 =	vgt.s32 v38, $0x0  }
0x132: {  	v50 =	vnsel vm6, $0x0, v39;
	v39 =	vadd.s32 $0x1, v39;
	v40 =	vsub.f32 v34, v45  }
0x133: {  	v41 =	vsub.f32 v35, v46;
	v42 =	vsub.f32 v36, v47;
	v43 =	vmin.u32 v48, $0x7F  }
0x134: {  	vm15 =	vgt.s32 v37, $0x0;
	v44 =	vmin.u32 v49, $0x7F;
	v38 =	vnsel vm5, $0x0, v38  }
0x135: {  	v45 =	vmin.u32 v50, $0x7F;
	vm7 =	vgt.s32 v39, $0x0;
	v34 =	vadd.f32 $5.000000000e-01, v34  }
0x136: {  	v35 =	vadd.f32 $5.000000000e-01, v35;
	v36 =	vadd.f32 $5.000000000e-01, v36;
	v43 =	vshll.u32 v43, $0xE  }
0x137: {  	v37 =	vnsel vm15, $0x0, v37;
	v44 =	vshll.u32 v44, $0x7;
	v38 =	vmin.u32 v38, $0x7F  }
0x138: {  	v39 =	vnsel vm7, $0x0, v39;
	v37 =	vmin.u32 v37, $0x7F;
	v38 =	vshll.u32 v38, $0x7  }
0x139: {  	v43 =	vor.u32 v1, v43;
	v39 =	vmin.u32 v39, $0x7F;
	v52 =	vtrunc.f32 v34  }
0x13a: {  	v56 =	vtrunc.f32 v35;
	v59 =	vtrunc.f32 v36;
	v37 =	vshll.u32 v37, $0xE  }
0x13b: {  	v51 =	vor.u32 v44, v43;
	v43 =	vor.u32 v43, v38;
	v53 =	vcvt.f32.s32 v52  }
0x13c: {  	vm8 =	vlt.f32 v34, v52;
	v57 =	vcvt.f32.s32 v56;
	vm10 =	vlt.f32 v35, v56  }
0x13d: {  	v60 =	vcvt.f32.s32 v59;
	vm11 =	vlt.f32 v36, v59;
	v37 =	vor.u32 v1, v37  }
0x13e: {  	v47 =	vor.u32 v45, v51;
	v46 =	vor.u32 v39, v51;
	v54 =	vsel vm8, $0xFFFFFFFF, v5  }
0x13f: {  	v44 =	vor.u32 v44, v37;
	v37 =	vor.u32 v38, v37;
	v38 =	vadd.s32 v53, v54  }
0x140: {  	v49 =	vor.u32 v45, v43;
	v43 =	vor.u32 v39, v43;
	v55 =	vcvt.s32.f32 v38  }
0x141: {  	v51 =	vsel vm10, $0xFFFFFFFF, v5;
	v52 =	vsel vm11, $0xFFFFFFFF, v5;
	v48 =	vor.u32 v45, v44  }
0x142: {  	v58 =	vand.u32 $0x1, v38;
	vm9 =	veq.f32 v34, v55;
	v34 =	vadd.s32 v57, v51  }
0x143: {  	v44 =	vor.u32 v39, v44;
	vm12 =	veq.s32 v58, $0x1;
	v61 =	vcvt.s32.f32 v34  }
0x144: {  	v51 =	vadd.s32 v60, v52;
	vm0 =	vmand vm9, vm12;
	v62 =	vand.u32 $0x1, v34  }
0x145: {  	[tilespmem:$0x11D0] =	vst v40;
	v63 =	vcvt.s32.f32 v51;
	vm14 =	veq.s32 v62, $0x1;
	vm13 =	veq.f32 v35, v61  }
0x146: {  	[tilespmem:$0x1250] =	vst v41;
	v50 =	vand.u32 $0x1, v51;
	v33 =	vsel vm0, $0xFFFFFFFF, v5;
	vm15 =	vmand vm13, vm14  }
0x147: {  	[tilespmem:$0x12D0] =	vst v42;
	vm5 =	veq.s32 v50, $0x1;
	vm4 =	veq.f32 v36, v63;
	v52 =	vsel vm15, $0xFFFFFFFF, v5  }
0x148: {  	[tilespmem:$0x1D0] =	vst v47;
	v53 =	vadd.s32 v33, v38;
	vm0 =	vmand vm4, vm5;
	v34 =	vadd.s32 v52, v34  }
0x149: {  	[tilespmem:$0x250] =	vst v46;
	vm6 =	vgt.s32 v53, $0x0;
	v54 =	vsel vm0, $0xFFFFFFFF, v5;
	vm7 =	vgt.s32 v34, $0x0  }
0x14a: {  	[tilespmem:$0x2D0] =	vst v49;
	v35 =	vnsel vm6, $0x0, v53;
	v36 =	vadd.s32 v54, v51;
	v34 =	vnsel vm7, $0x0, v34  }
0x14b: {  	[tilespmem:$0x350] =	vst v43;
	v35 =	vmin.u32 v35, $0x7F;
	vm8 =	vgt.s32 v36, $0x0;
	v34 =	vmin.u32 v34, $0x7F  }
0x14c: {  	[tilespmem:$0x3D0] =	vst v48;
	v35 =	vshll.u32 v35, $0xE;
	v36 =	vnsel vm8, $0x0, v36;
	v34 =	vshll.u32 v34, $0x7  }
0x14d: {  	v56 =	vor.u32 v39, v37;
	[tilespmem:$0x450] =	vst v44;
	v36 =	vmin.u32 v36, $0x7F;
	v34 =	vor.u32 v35, v34  }
0x14e: {  	[tilespmem:$0x550] =	vst v56;
	v55 =	vor.u32 v45, v37;
	v34 =	vor.u32 v36, v34  }
0x14f: {  	[tilespmem:$0x4D0] =	vst v55;
	v34 =	vor.u32 v1, v34  }
0x150: {  	[tilespmem:$0x5D0] =	vst v34  }
0x151: {  	v34 =	vld.idx.msk [tilespmem:v12+s3+$0x0], $0xffff  }
0x152: {  	v35 =	vld.idx.msk [tilespmem:v26+s3+$0x0], $0xffff  }
0x153: {  	v57 =	vld.idx.msk [tilespmem:v21+s3+$0x0], $0xffff;
	_ =	sdelay $0x3  }
0x154: {  	v34 =	vadd.f32 s30, v34;
	v35 =	vadd.f32 s31, v35  }
0x155: {  	v36 =	vadd.f32 v27, v57  }
0x156: {  	v58 =	vtrunc.f32 v34;
	v60 =	vtrunc.f32 v35  }
0x157: {  	v62 =	vtrunc.f32 v36;
	v59 =	vcvt.f32.s32 v58;
	vm9 =	vlt.f32 v34, v58  }
0x158: {  	v61 =	vcvt.f32.s32 v60;
	vm10 =	vlt.f32 v35, v60;
	v32 =	vcvt.f32.s32 v62  }
0x159: {  	vm11 =	vlt.f32 v36, v62;
	v37 =	vsel vm9, $0xFFFFFFFF, v5;
	v63 =	vsel vm10, $0xFFFFFFFF, v5  }
0x15a: {  	v47 =	vsel vm11, $0xFFFFFFFF, v5;
	v37 =	vadd.s32 v59, v37;
	v33 =	vadd.s32 v61, v63  }
0x15b: {  	v39 =	vadd.s32 v32, v47;
	v48 =	vcvt.s32.f32 v37;
	v49 =	vcvt.s32.f32 v33  }
0x15c: {  	v50 =	vcvt.s32.f32 v39;
	vm12 =	vgt.s32 v37, $0x0;
	vm14 =	vgt.s32 v33, $0x0  }
0x15d: {  	v38 =	vadd.s32 $0x1, v33;
	vm4 =	vgt.s32 v39, $0x0;
	v51 =	vnsel vm12, $0x0, v37  }
0x15e: {  	v37 =	vadd.s32 $0x1, v37;
	v52 =	vnsel vm14, $0x0, v33;
	vm15 =	vgt.s32 v38, $0x0  }
0x15f: {  	v53 =	vnsel vm4, $0x0, v39;
	v39 =	vadd.s32 $0x1, v39;
	v40 =	vsub.f32 v34, v48  }
0x160: {  	v41 =	vsub.f32 v35, v49;
	v42 =	vsub.f32 v36, v50;
	v43 =	vmin.u32 v51, $0x7F  }
0x161: {  	vm13 =	vgt.s32 v37, $0x0;
	v44 =	vmin.u32 v52, $0x7F;
	v38 =	vnsel vm15, $0x0, v38  }
0x162: {  	v45 =	vmin.u32 v53, $0x7F;
	vm5 =	vgt.s32 v39, $0x0;
	v34 =	vadd.f32 $5.000000000e-01, v34  }
0x163: {  	v35 =	vadd.f32 $5.000000000e-01, v35;
	v36 =	vadd.f32 $5.000000000e-01, v36;
	v43 =	vshll.u32 v43, $0xE  }
0x164: {  	v37 =	vnsel vm13, $0x0, v37;
	v44 =	vshll.u32 v44, $0x7;
	v38 =	vmin.u32 v38, $0x7F  }
0x165: {  	v39 =	vnsel vm5, $0x0, v39;
	v37 =	vmin.u32 v37, $0x7F;
	v38 =	vshll.u32 v38, $0x7  }
0x166: {  	v43 =	vor.u32 v1, v43;
	v39 =	vmin.u32 v39, $0x7F;
	v55 =	vtrunc.f32 v34  }
0x167: {  	v59 =	vtrunc.f32 v35;
	v62 =	vtrunc.f32 v36;
	v37 =	vshll.u32 v37, $0xE  }
0x168: {  	v54 =	vor.u32 v44, v43;
	v43 =	vor.u32 v43, v38;
	v56 =	vcvt.f32.s32 v55  }
0x169: {  	vm6 =	vlt.f32 v34, v55;
	v60 =	vcvt.f32.s32 v59;
	vm8 =	vlt.f32 v35, v59  }
0x16a: {  	v63 =	vcvt.f32.s32 v62;
	vm9 =	vlt.f32 v36, v62;
	v37 =	vor.u32 v1, v37  }
0x16b: {  	v47 =	vor.u32 v45, v54;
	v46 =	vor.u32 v39, v54;
	v57 =	vsel vm6, $0xFFFFFFFF, v5  }
0x16c: {  	v44 =	vor.u32 v44, v37;
	v37 =	vor.u32 v38, v37;
	v38 =	vadd.s32 v56, v57  }
0x16d: {  	v49 =	vor.u32 v45, v43;
	v43 =	vor.u32 v39, v43;
	v58 =	vcvt.s32.f32 v38  }
0x16e: {  	v51 =	vsel vm8, $0xFFFFFFFF, v5;
	v52 =	vsel vm9, $0xFFFFFFFF, v5;
	v48 =	vor.u32 v45, v44  }
0x16f: {  	v61 =	vand.u32 $0x1, v38;
	vm7 =	veq.f32 v34, v58;
	v34 =	vadd.s32 v60, v51  }
0x170: {  	v44 =	vor.u32 v39, v44;
	vm10 =	veq.s32 v61, $0x1;
	v32 =	vcvt.s32.f32 v34  }
0x171: {  	v51 =	vadd.s32 v63, v52;
	vm0 =	vmand vm7, vm10;
	v33 =	vand.u32 $0x1, v34  }
0x172: {  	[tilespmem:$0x11E0] =	vst v40;
	v53 =	vcvt.s32.f32 v51;
	vm12 =	veq.s32 v33, $0x1;
	vm11 =	veq.f32 v35, v32  }
0x173: {  	[tilespmem:$0x1260] =	vst v41;
	v55 =	vand.u32 $0x1, v51;
	v54 =	vsel vm0, $0xFFFFFFFF, v5;
	vm13 =	vmand vm11, vm12  }
0x174: {  	[tilespmem:$0x12E0] =	vst v42;
	vm15 =	veq.s32 v55, $0x1;
	vm14 =	veq.f32 v36, v53;
	v56 =	vsel vm13, $0xFFFFFFFF, v5  }
0x175: {  	[tilespmem:$0x1E0] =	vst v47;
	v57 =	vadd.s32 v54, v38;
	vm0 =	vmand vm14, vm15;
	v34 =	vadd.s32 v56, v34  }
0x176: {  	[tilespmem:$0x260] =	vst v46;
	vm4 =	vgt.s32 v57, $0x0;
	v58 =	vsel vm0, $0xFFFFFFFF, v5;
	vm5 =	vgt.s32 v34, $0x0  }
0x177: {  	[tilespmem:$0x2E0] =	vst v49;
	v35 =	vnsel vm4, $0x0, v57;
	v36 =	vadd.s32 v58, v51;
	v34 =	vnsel vm5, $0x0, v34  }
0x178: {  	[tilespmem:$0x360] =	vst v43;
	v35 =	vmin.u32 v35, $0x7F;
	vm6 =	vgt.s32 v36, $0x0;
	v34 =	vmin.u32 v34, $0x7F  }
0x179: {  	[tilespmem:$0x3E0] =	vst v48;
	v35 =	vshll.u32 v35, $0xE;
	v36 =	vnsel vm6, $0x0, v36;
	v34 =	vshll.u32 v34, $0x7  }
0x17a: {  	v59 =	vor.u32 v45, v37;
	[tilespmem:$0x460] =	vst v44;
	v36 =	vmin.u32 v36, $0x7F;
	v34 =	vor.u32 v35, v34  }
0x17b: {  	[tilespmem:$0x4E0] =	vst v59;
	v60 =	vor.u32 v39, v37;
	v34 =	vor.u32 v36, v34  }
0x17c: {  	[tilespmem:$0x560] =	vst v60;
	v34 =	vor.u32 v1, v34  }
0x17d: {  	[tilespmem:$0x5E0] =	vst v34  }
0x17e: {  	v34 =	vld.idx.msk [tilespmem:v28+s3+$0x0], $0xffff  }
0x17f: {  	v35 =	vld.idx.msk [tilespmem:v29+s3+$0x0], $0xffff  }
0x180: {  	v61 =	vld.idx.msk [tilespmem:v30+s3+$0x0], $0xffff;
	_ =	sdelay $0x3  }
0x181: {  	v34 =	vadd.f32 s30, v34;
	v35 =	vadd.f32 s31, v35  }
0x182: {  	v36 =	vadd.f32 v31, v61  }
0x183: {  	v62 =	vtrunc.f32 v34;
	v32 =	vtrunc.f32 v35  }
0x184: {  	v45 =	vtrunc.f32 v36;
	v63 =	vcvt.f32.s32 v62;
	vm7 =	vlt.f32 v34, v62  }
0x185: {  	v33 =	vcvt.f32.s32 v32;
	vm8 =	vlt.f32 v35, v32;
	v46 =	vcvt.f32.s32 v45  }
0x186: {  	vm9 =	vlt.f32 v36, v45;
	v47 =	vsel vm7, $0xFFFFFFFF, v5;
	v48 =	vsel vm8, $0xFFFFFFFF, v5  }
0x187: {  	v49 =	vsel vm9, $0xFFFFFFFF, v5;
	v38 =	vadd.s32 v63, v47;
	v37 =	vadd.s32 v33, v48  }
0x188: {  	v39 =	vadd.s32 v46, v49;
	v40 =	vcvt.s32.f32 v38;
	v41 =	vcvt.s32.f32 v37  }
0x189: {  	vm10 =	vgt.s32 v38, $0x0;
	v42 =	vcvt.s32.f32 v39;
	vm12 =	vgt.s32 v37, $0x0  }
0x18a: {  	v51 =	vadd.s32 $0x1, v37;
	vm14 =	vgt.s32 v39, $0x0;
	v52 =	vadd.s32 $0x1, v39  }
0x18b: {  	v50 =	vnsel vm10, $0x0, v38;
	v38 =	vadd.s32 $0x1, v38;
	v37 =	vnsel vm12, $0x0, v37  }
0x18c: {  	vm13 =	vgt.s32 v51, $0x0;
	v39 =	vnsel vm14, $0x0, v39;
	vm15 =	vgt.s32 v52, $0x0  }
0x18d: {  	v40 =	vsub.f32 v34, v40;
	v41 =	vsub.f32 v35, v41;
	v43 =	vmin.u32 v50, $0x7F  }
0x18e: {  	v42 =	vsub.f32 v36, v42;
	vm11 =	vgt.s32 v38, $0x0;
	v37 =	vmin.u32 v37, $0x7F  }
0x18f: {  	v44 =	vnsel vm13, $0x0, v51;
	v34 =	vadd.f32 $5.000000000e-01, v34;
	v39 =	vmin.u32 v39, $0x7F  }
0x190: {  	v45 =	vnsel vm15, $0x0, v52;
	v35 =	vadd.f32 $5.000000000e-01, v35;
	v36 =	vadd.f32 $5.000000000e-01, v36  }
0x191: {  	v43 =	vshll.u32 v43, $0xE;
	v38 =	vnsel vm11, $0x0, v38;
	v37 =	vshll.u32 v37, $0x7  }
0x192: {  	v44 =	vmin.u32 v44, $0x7F;
	v45 =	vmin.u32 v45, $0x7F;
	v38 =	vmin.u32 v38, $0x7F  }
0x193: {  	v44 =	vshll.u32 v44, $0x7;
	v53 =	vtrunc.f32 v34;
	v43 =	vor.u32 v1, v43  }
0x194: {  	v59 =	vtrunc.f32 v35;
	v62 =	vtrunc.f32 v36;
	v38 =	vshll.u32 v38, $0xE  }
0x195: {  	v54 =	vcvt.f32.s32 v53;
	vm4 =	vlt.f32 v34, v53;
	v55 =	vor.u32 v37, v43  }
0x196: {  	v43 =	vor.u32 v43, v44;
	v60 =	vcvt.f32.s32 v59;
	vm7 =	vlt.f32 v35, v59  }
0x197: {  	v63 =	vcvt.f32.s32 v62;
	vm8 =	vlt.f32 v36, v62;
	v56 =	vsel vm4, $0xFFFFFFFF, v5  }
0x198: {  	v38 =	vor.u32 v1, v38;
	v48 =	vor.u32 v39, v55;
	v46 =	vor.u32 v45, v55  }
0x199: {  	v49 =	vor.u32 v39, v43;
	v61 =	vsel vm7, $0xFFFFFFFF, v5;
	v47 =	vadd.s32 v54, v56  }
0x19a: {  	v33 =	vsel vm8, $0xFFFFFFFF, v5;
	v37 =	vor.u32 v37, v38;
	v57 =	vcvt.s32.f32 v47  }
0x19b: {  	v38 =	vor.u32 v44, v38;
	v44 =	vadd.s32 v63, v33;
	v58 =	vand.u32 $0x1, v47  }
0x19c: {  	vm5 =	veq.f32 v34, v57;
	v34 =	vor.u32 v45, v43;
	v43 =	vadd.s32 v60, v61  }
0x19d: {  	v50 =	vor.u32 v39, v37;
	v59 =	vcvt.s32.f32 v44;
	v32 =	vcvt.s32.f32 v43  }
0x19e: {  	v37 =	vor.u32 v45, v37;
	vm6 =	veq.s32 v58, $0x1;
	v58 =	vand.u32 $0x1, v43  }
0x19f: {  	[tilespmem:$0x11F0] =	vst v40;
	vm0 =	vmand vm5, vm6;
	vm10 =	veq.s32 v58, $0x1;
	vm9 =	veq.f32 v35, v32  }
0x1a0: {  	[tilespmem:$0x1270] =	vst v41;
	v60 =	vand.u32 $0x1, v44;
	v57 =	vsel vm0, $0xFFFFFFFF, v5;
	vm0 =	vmand vm9, vm10  }
0x1a1: {  	[tilespmem:$0x12F0] =	vst v42;
	vm11 =	veq.f32 v36, v59;
	vm12 =	veq.s32 v60, $0x1;
	v61 =	vsel vm0, $0xFFFFFFFF, v5  }
0x1a2: {  	[tilespmem:$0x1F0] =	vst v48;
	v62 =	vadd.s32 v57, v47;
	vm0 =	vmand vm11, vm12;
	v63 =	vadd.s32 v61, v43  }
0x1a3: {  	[tilespmem:$0x270] =	vst v46;
	vm13 =	vgt.s32 v62, $0x0;
	v47 =	vsel vm0, $0xFFFFFFFF, v5;
	vm14 =	vgt.s32 v63, $0x0  }
0x1a4: {  	[tilespmem:$0x2F0] =	vst v49;
	v35 =	vnsel vm13, $0x0, v62;
	v40 =	vadd.s32 v47, v44;
	v36 =	vnsel vm14, $0x0, v63  }
0x1a5: {  	[tilespmem:$0x3F0] =	vst v50;
	v48 =	vmin.u32 v35, $0x7F;
	vm15 =	vgt.s32 v40, $0x0;
	v49 =	vmin.u32 v36, $0x7F  }
0x1a6: {  	[tilespmem:$0x370] =	vst v34;
	v34 =	vshll.u32 v48, $0xE;
	v50 =	vnsel vm15, $0x0, v40;
	v35 =	vshll.u32 v49, $0x7  }
0x1a7: {  	s0 =	rddreg [dreg:$0x8];
	v51 =	vor.u32 v39, v38;
	[tilespmem:$0x470] =	vst v37;
	v36 =	vmin.u32 v50, $0x7F;
	v34 =	vor.u32 v34, v35  }
0x1a8: {  	s2 =	rddreg [dreg:$0x9];
	v52 =	vor.u32 v45, v38;
	[tilespmem:$0x4F0] =	vst v51;
	v34 =	vor.u32 v36, v34  }
0x1a9: {  	s30 =	rddreg [dreg:$0xa];
	[tilespmem:$0x570] =	vst v52;
	v34 =	vor.u32 v1, v34  }
0x1aa: {  	s31 =	rddreg [dreg:$0xb];
	[tilespmem:$0x5F0] =	vst v34  }
0x1ab: {  	[tilespmem:s2], [sflag:$0x1] =	stream.indirect.gather [hbm4b:s1+s9], $0x1, s0, s9, $0xb8;
	[tilespmem:$0x1400] =	vst v63  }
0x1ac: {  	s2 =	rddreg [dreg:$0xc]  }
0x1ad: {  	[tilespmem:s31], [sflag:$0x1] =	stream.indirect.gather [hbm4b:s1+s9], $0x1, s30, s9, $0xb8;
	[tilespmem:$0x1400] =	vst v63  }
0x1ae: {  	s0 =	rddreg [dreg:$0xd]  }
0x1af: {  	[tilespmem:s0], [sflag:$0x1] =	stream.indirect.gather [hbm4b:s1+s9], $0x1, s2, s9, $0xb8;
	[tilespmem:$0x1400] =	vst v63  }
0x1b0: {  	_ = 	snop  }
0x1b1: {  	[tilespmem:s11], [sflag:$0x1] =	stream.indirect.gather [hbm4b:s1+s9], $0x1, s10, s9, $0xb8;
	[tilespmem:$0x1400] =	vst v63  }
0x1b2: {  	_ = 	snop  }
0x1b3: {  	[tilespmem:s13], [sflag:$0x1] =	stream.indirect.gather [hbm4b:s1+s9], $0x1, s12, s9, $0xb8;
	[tilespmem:$0x1400] =	vst v63  }
0x1b4: {  	_ = 	snop  }
0x1b5: {  	[tilespmem:s15], [sflag:$0x1] =	stream.indirect.gather [hbm4b:s1+s9], $0x1, s14, s9, $0xb8;
	[tilespmem:$0x1400] =	vst v63  }
0x1b6: {  	_ = 	snop  }
0x1b7: {  	[tilespmem:s17], [sflag:$0x1] =	stream.indirect.gather [hbm4b:s1+s9], $0x1, s16, s9, $0xb8;
	[tilespmem:$0x1400] =	vst v63  }
0x1b8: {  	_ = 	snop  }
0x1b9: {  	[tilespmem:s19], [sflag:$0x1] =	stream.indirect.gather [hbm4b:s1+s9], $0x1, s18, s9, $0xb8;
	[tilespmem:$0x1400] =	vst v63  }
0x1ba: {  	s31 =	rddreg [dreg:$0x6]  }
0x1bb: {  	[tilespmem:s21], [sflag:$0x1] =	stream.indirect.gather [hbm4b:s31+s9], $0x1, s20, s9, $0xb8;
	[tilespmem:$0x1400] =	vst v63  }
0x1bc: {  	_ =	swait.ge [sflag:s22], $0x80  }
0x1bd: {  	[sflag:s22] =	ssyncset.done $0x0  }
0x1be: {  	[sflag:s22] =	ssyncadd.s32 $0xFFFFFF80  }
0x1bf: {  	_ =	swait.ge [sflag:s22], $0x80  }
0x1c0: {  	[sflag:s22] =	ssyncset.done $0x0  }
0x1c1: {  	[sflag:s22] =	ssyncadd.s32 $0xFFFFFF80  }
0x1c2: {  	_ =	swait.ge [sflag:s22], $0x80  }
0x1c3: {  	[sflag:s22] =	ssyncset.done $0x0  }
0x1c4: {  	[sflag:s22] =	ssyncadd.s32 $0xFFFFFF80  }
0x1c5: {  	_ =	swait.ge [sflag:s22], $0x80  }
0x1c6: {  	[sflag:s22] =	ssyncset.done $0x0  }
0x1c7: {  	[sflag:s22] =	ssyncadd.s32 $0xFFFFFF80  }
0x1c8: {  	_ =	swait.ge [sflag:s22], $0x80  }
0x1c9: {  	[sflag:s22] =	ssyncset.done $0x0  }
0x1ca: {  	[sflag:s22] =	ssyncadd.s32 $0xFFFFFF80  }
0x1cb: {  	_ =	swait.ge [sflag:s22], $0x80  }
0x1cc: {  	[sflag:s22] =	ssyncset.done $0x0  }
0x1cd: {  	[sflag:s22] =	ssyncadd.s32 $0xFFFFFF80  }
0x1ce: {  	_ =	swait.ge [sflag:s22], $0x80  }
0x1cf: {  	[sflag:s22] =	ssyncset.done $0x0  }
0x1d0: {  	[sflag:s22] =	ssyncadd.s32 $0xFFFFFF80  }
0x1d1: {  	_ =	swait.ge [sflag:s22], $0x80  }
0x1d2: {  	[sflag:s22] =	ssyncset.done $0x0  }
0x1d3: {  	[sflag:s22] =	ssyncadd.s32 $0xFFFFFF80  }
0x1d4: {  	_ =	swait.ge [sflag:s22], $0x80  }
0x1d5: {  	[sflag:s22] =	ssyncset.done $0x0  }
0x1d6: {  	[sflag:s22] =	ssyncadd.s32 $0xFFFFFF80  }
0x1d7: {  	v34 =	vld [tilespmem:$0x1180]  }
0x1d8: {  	v35 =	vld [tilespmem:$0x1200]  }
0x1d9: {  	v36 =	vld [tilespmem:$0x1280]  }
0x1da: {  	v37 =	vld [tilespmem:$0x980]  }
0x1db: {  	v38 =	vld [tilespmem:$0xA00]  }
0x1dc: {  	v39 =	vld [tilespmem:$0xA80]  }
0x1dd: {  	v40 =	vld [tilespmem:$0xB00]  }
0x1de: {  	v41 =	vld [tilespmem:$0xB80]  }
0x1df: {  	v42 =	vld [tilespmem:$0xC00]  }
0x1e0: {  	v43 =	vld [tilespmem:$0xC80]  }
0x1e1: {  	v44 =	vld [tilespmem:$0xD00]  }
0x1e2: {  	v45 =	vld [tilespmem:$0x1190]  }
0x1e3: {  	v46 =	vld [tilespmem:$0x1210]  }
0x1e4: {  	v47 =	vld [tilespmem:$0x1290]  }
0x1e5: {  	v48 =	vld [tilespmem:$0x990]  }
0x1e6: {  	v49 =	vld [tilespmem:$0xA10]  }
0x1e7: {  	v50 =	vld [tilespmem:$0xA90]  }
0x1e8: {  	v51 =	vld [tilespmem:$0xB10]  }
0x1e9: {  	v52 =	vld [tilespmem:$0xB90]  }
0x1ea: {  	v53 =	vld [tilespmem:$0xC10]  }
0x1eb: {  	v54 =	vld [tilespmem:$0xC90]  }
0x1ec: {  	v55 =	vld [tilespmem:$0xD10]  }
0x1ed: {  	v56 =	vld [tilespmem:$0x1220]  }
0x1ee: {  	v57 =	vld [tilespmem:$0x12A0]  }
0x1ef: {  	v58 =	vld [tilespmem:$0x9A0]  }
0x1f0: {  	v59 =	vld [tilespmem:$0xA20]  }
0x1f1: {  	v60 =	vld [tilespmem:$0xAA0]  }
0x1f2: {  	v61 =	vld [tilespmem:$0xB20]  }
0x1f3: {  	v62 =	vld [tilespmem:$0xBA0]  }
0x1f4: {  	v2 =	vld [tilespmem:$0xCA0]  }
0x1f5: {  	v21 =	vmov v3;
	v3 =	vld [tilespmem:$0xD20]  }
0x1f6: {  	v33 =	vmov v15;
	v15 =	vmov v6;
	v6 =	vld [tilespmem:$0x9B0]  }
0x1f7: {  	v32 =	vmov v14;
	v14 =	vmov v16;
	v16 =	vmov v7;
	v7 =	vld [tilespmem:$0xA30]  }
0x1f8: {  	v63 =	vld [tilespmem:$0xC20]  }
0x1f9: {  	v29 =	vmov v0;
	v0 =	vld [tilespmem:$0x1230];
	v38 =	vsub.f32 v38, v37  }
0x1fa: {  	v20 =	vmovc v4;
	v12 =	vmovc v18;
	v18 =	vmov v9;
	v31 =	vmov v22;
	v4 =	vld [tilespmem:$0x12B0];
	v40 =	vsub.f32 v40, v39  }
0x1fb: {  	v22 =	vmovc v13;
	v13 =	vmovc v17;
	v17 =	vmov v8;
	v8 =	vld [tilespmem:$0xAB0];
	v49 =	vsub.f32 v49, v48;
	v38 =	vmul.f32 v38, v36  }
0x1fc: {  	v30 =	vmovc v11;
	v9 =	vld [tilespmem:$0xB30];
	v3 =	vsub.f32 v3, v2;
	v7 =	vsub.f32 v7, v6;
	v40 =	vmul.f32 v40, v36  }
0x1fd: {  	v11 =	vmovc v28;
	v28 =	vmovc v19;
	v19 =	vmov v10;
	v10 =	vld [tilespmem:$0xCB0];
	v37 =	vadd.f32 v38, v37;
	v38 =	vsub.f32 v42, v41  }
0x1fe: {  	v3 =	vmul.f32 v3, v57;
	v42 =	vld [tilespmem:$0xBB0];
	v39 =	vadd.f32 v40, v39;
	v40 =	vsub.f32 v44, v43  }
0x1ff: {  	v51 =	vsub.f32 v51, v50;
	v7 =	vmul.f32 v7, v4;
	v44 =	vld [tilespmem:$0xC30];
	v38 =	vmul.f32 v38, v36  }
0x200: {  	v36 =	vmul.f32 v40, v36;
	v40 =	vsub.f32 v53, v52;
	v53 =	vsub.f32 v55, v54;
	v55 =	vld [tilespmem:$0xD30]  }
0x201: {  	v38 =	vadd.f32 v38, v41;
	v41 =	vmul.f32 v49, v47;
	v49 =	vmul.f32 v51, v47;
	v51 =	vld [tilespmem:$0x1240]  }
0x202: {  	v9 =	vsub.f32 v9, v8;
	v40 =	vmul.f32 v40, v47;
	v53 =	vmul.f32 v53, v47;
	v47 =	vld [tilespmem:$0x12C0]  }
0x203: {  	v41 =	vadd.f32 v41, v48;
	v48 =	vadd.f32 v49, v50;
	v49 =	vld [tilespmem:$0x9C0]  }
0x204: {  	v2 =	vadd.f32 v3, v2;
	v6 =	vadd.f32 v7, v6;
	v50 =	vld [tilespmem:$0xA40]  }
0x205: {  	v3 =	vmul.f32 v9, v4;
	v36 =	vadd.f32 v36, v43;
	v40 =	vadd.f32 v40, v52;
	v52 =	vld [tilespmem:$0xAC0]  }
0x206: {  	v39 =	vsub.f32 v39, v37;
	v43 =	vadd.f32 v53, v54;
	v53 =	vld [tilespmem:$0xB40]  }
0x207: {  	v3 =	vadd.f32 v3, v8;
	v36 =	vsub.f32 v36, v38;
	v54 =	vld [tilespmem:$0xA50]  }
0x208: {  	v39 =	vmul.f32 v39, v35;
	v44 =	vsub.f32 v44, v42;
	v9 =	vsub.f32 v55, v10;
	v55 =	vld [tilespmem:$0x12E0]  }
0x209: {  	v48 =	vsub.f32 v48, v41;
	v43 =	vsub.f32 v43, v40;
	v35 =	vmul.f32 v36, v35;
	v36 =	vld [tilespmem:$0xBC0]  }
0x20a: {  	v7 =	vmul.f32 v44, v4;
	v4 =	vmul.f32 v9, v4;
	v9 =	vld [tilespmem:$0xA60]  }
0x20b: {  	v3 =	vsub.f32 v3, v6;
	v48 =	vmul.f32 v48, v46;
	v43 =	vmul.f32 v43, v46;
	v46 =	vld [tilespmem:$0xC40]  }
0x20c: {  	v37 =	vadd.f32 v39, v37;
	v35 =	vadd.f32 v35, v38;
	v38 =	vld [tilespmem:$0xCC0]  }
0x20d: {  	v7 =	vadd.f32 v7, v42;
	v39 =	vadd.f32 v48, v41;
	v41 =	vld [tilespmem:$0xD40]  }
0x20e: {  	v40 =	vadd.f32 v43, v40;
	v35 =	vsub.f32 v35, v37;
	v43 =	vld [tilespmem:$0x12D0]  }
0x20f: {  	v8 =	vsub.f32 v53, v52;
	v4 =	vadd.f32 v4, v10;
	v48 =	vld [tilespmem:$0x9D0]  }
0x210: {  	v40 =	vsub.f32 v40, v39;
	v34 =	vmul.f32 v35, v34;
	v35 =	vsub.f32 v59, v58;
	v59 =	vld [tilespmem:$0xAD0]  }
0x211: {  	v4 =	vsub.f32 v4, v7;
	v53 =	vsub.f32 v46, v36;
	v46 =	vld [tilespmem:$0xAE0]  }
0x212: {  	v40 =	vmul.f32 v40, v45;
	v45 =	vsub.f32 v61, v60;
	v61 =	vsub.f32 v63, v62;
	v63 =	vld [tilespmem:$0xB50]  }
0x213: {  	v3 =	vmul.f32 v3, v0;
	v0 =	vmul.f32 v4, v0;
	v10 =	vsub.f32 v41, v38;
	v41 =	vld [tilespmem:$0xB60]  }
0x214: {  	v34 =	vadd.f32 v34, v37;
	v37 =	vmul.f32 v35, v57;
	v44 =	vmul.f32 v53, v47;
	v53 =	vld [tilespmem:$0xBF0]  }
0x215: {  	v3 =	vadd.f32 v3, v6;
	v8 =	vmul.f32 v8, v47;
	v35 =	vadd.f32 v40, v39;
	v40 =	vld [tilespmem:$0xBD0]  }
0x216: {  	v0 =	vadd.f32 v0, v7;
	v37 =	vadd.f32 v37, v58;
	v58 =	vld [tilespmem:$0xC50]  }
0x217: {  	v8 =	vadd.f32 v8, v52;
	v39 =	vmul.f32 v45, v57;
	v61 =	vmul.f32 v61, v57;
	v57 =	vld [tilespmem:$0xCD0]  }
0x218: {  	v10 =	vmul.f32 v10, v47;
	v36 =	vadd.f32 v44, v36;
	v44 =	vld [tilespmem:$0xCE0];
	v0 =	vsub.f32 v0, v3  }
0x219: {  	v39 =	vadd.f32 v39, v60;
	v45 =	vadd.f32 v61, v62;
	v60 =	vld [tilespmem:$0xD50]  }
0x21a: {  	v61 =	vsub.f32 v50, v49;
	v50 =	vld [tilespmem:$0x9E0];
	v10 =	vadd.f32 v10, v38  }
0x21b: {  	v38 =	vld [tilespmem:$0xD60];
	v7 =	vsub.f32 v63, v59;
	v39 =	vsub.f32 v39, v37  }
0x21c: {  	v62 =	vmul.f32 v61, v47;
	v2 =	vsub.f32 v2, v45;
	v47 =	vld [tilespmem:$0xC60];
	v41 =	vsub.f32 v41, v46  }
0x21d: {  	v4 =	vsub.f32 v10, v36;
	v10 =	vld [tilespmem:$0x9F0];
	v61 =	vsub.f32 v58, v40  }
0x21e: {  	v7 =	vmul.f32 v7, v43;
	v42 =	vadd.f32 v62, v49;
	v49 =	vld [tilespmem:$0xBE0];
	v39 =	vmul.f32 v39, v56  }
0x21f: {  	v2 =	vmul.f32 v2, v56;
	v62 =	vld [tilespmem:$0xB70];
	v63 =	vsub.f32 v60, v57;
	v9 =	vsub.f32 v9, v50  }
0x220: {  	v56 =	vld [tilespmem:$0xCF0];
	v41 =	vmul.f32 v41, v55;
	v7 =	vadd.f32 v7, v59;
	v37 =	vadd.f32 v39, v37  }
0x221: {  	v4 =	vmul.f32 v4, v51;
	v59 =	vld [tilespmem:$0xD70];
	v8 =	vsub.f32 v8, v42;
	v2 =	vadd.f32 v2, v45  }
0x222: {  	v39 =	vld [tilespmem:$0x12F0];
	v38 =	vsub.f32 v38, v44;
	v41 =	vadd.f32 v41, v46  }
0x223: {  	v45 =	vld [tilespmem:$0xA70];
	v4 =	vadd.f32 v4, v36;
	v36 =	vmul.f32 v63, v43;
	v9 =	vmul.f32 v9, v55  }
0x224: {  	v6 =	vmul.f32 v8, v51;
	v8 =	vsub.f32 v54, v48;
	v51 =	vld [tilespmem:$0xAF0];
	v2 =	vsub.f32 v2, v37  }
0x225: {  	v54 =	vld [tilespmem:$0xC70];
	v38 =	vmul.f32 v38, v55;
	v58 =	vsub.f32 v47, v49;
	v36 =	vadd.f32 v36, v57  }
0x226: {  	v9 =	vadd.f32 v9, v50;
	v6 =	vadd.f32 v6, v42;
	v8 =	vmul.f32 v8, v43  }
0x227: {  	v42 =	vmul.f32 v61, v43;
	v38 =	vadd.f32 v38, v44;
	v47 =	vsub.f32 v59, v56  }
0x228: {  	v60 =	vld [tilespmem:$0x1250];
	v45 =	vsub.f32 v45, v10;
	v8 =	vadd.f32 v8, v48  }
0x229: {  	v40 =	vadd.f32 v42, v40;
	v42 =	vmul.f32 v58, v55;
	v61 =	vsub.f32 v62, v51  }
0x22a: {  	v41 =	vsub.f32 v41, v9;
	v45 =	vmul.f32 v45, v39;
	v48 =	vsub.f32 v54, v53  }
0x22b: {  	v62 =	vld [tilespmem:$0x1260];
	v42 =	vadd.f32 v42, v49;
	v7 =	vsub.f32 v7, v8;
	v63 =	vmul.f32 v61, v39  }
0x22c: {  	v36 =	vsub.f32 v36, v40;
	v52 =	vmul.f32 v48, v39;
	v39 =	vmul.f32 v47, v39  }
0x22d: {  	v55 =	vld [tilespmem:$0x1270];
	v10 =	vadd.f32 v45, v10;
	v7 =	vmul.f32 v7, v60;
	v54 =	vadd.f32 v63, v51  }
0x22e: {  	v45 =	vadd.f32 v52, v53;
	v39 =	vadd.f32 v39, v56;
	v56 =	vld [tilespmem:$0x11A0]  }
0x22f: {  	v36 =	vmul.f32 v36, v60;
	v38 =	vsub.f32 v38, v42;
	v7 =	vadd.f32 v7, v8;
	v8 =	vld [tilespmem:$0x11B0]  }
0x230: {  	v58 =	vld [tilespmem:$0x11C0];
	v41 =	vmul.f32 v41, v62;
	v57 =	vsub.f32 v54, v10;
	v39 =	vsub.f32 v39, v45  }
0x231: {  	v59 =	vld [tilespmem:$0x11D0];
	v4 =	vsub.f32 v4, v6;
	v36 =	vadd.f32 v36, v40;
	v38 =	vmul.f32 v38, v62  }
0x232: {  	v61 =	vld [tilespmem:$0x11E0];
	v9 =	vadd.f32 v41, v9;
	v60 =	vmul.f32 v57, v55;
	v39 =	vmul.f32 v39, v55  }
0x233: {  	v38 =	vadd.f32 v38, v42;
	v36 =	vsub.f32 v36, v7;
	v2 =	vmul.f32 v2, v56  }
0x234: {  	v62 =	vld [tilespmem:$0x11F0];
	v10 =	vadd.f32 v60, v10;
	v0 =	vmul.f32 v0, v8;
	v8 =	vadd.f32 v39, v45  }
0x235: {  	v4 =	vmul.f32 v4, v58;
	v63 =	vsub.f32 v38, v9;
	v2 =	vadd.f32 v2, v37  }
0x236: {  	[tilespmem:$0x1380] =	vst v34;
	v0 =	vadd.f32 v0, v3;
	v3 =	vmul.f32 v36, v59;
	v8 =	vsub.f32 v8, v10  }
0x237: {  	v54 =	vld [tilespmem:$0x1FF70];
	[tilespmem:$0x13A0] =	vst v2;
	v2 =	vadd.f32 v4, v6;
	v4 =	vmul.f32 v63, v61  }
0x238: {  	[tilespmem:$0x13B0] =	vst v0;
	v0 =	vadd.f32 v3, v7;
	v7 =	vmovc v16;
	v16 =	vmov v14;
	v14 =	vmov v32;
	v32 =	vld [tilespmem:$0x1FFB0]  }
0x239: {  	v3 =	vmul.f32 v8, v62;
	[tilespmem:$0x13C0] =	vst v2;
	v2 =	vadd.f32 v4, v9;
	v9 =	vmovc v18;
	v18 =	vmov v12;
	v12 =	vld [tilespmem:$0x1FF80]  }
0x23a: {  	[tilespmem:$0x1390] =	vst v35;
	v8 =	vmovc v17;
	v17 =	vmov v13;
	v13 =	vmov v22;
	v22 =	vmov v31;
	v31 =	vld [tilespmem:$0x1FFF0]  }
0x23b: {  	[tilespmem:$0x13D0] =	vst v0;
	v0 =	vadd.f32 v3, v10;
	v10 =	vmovc v19;
	v19 =	vmovc v28;
	v28 =	vmov v11;
	v11 =	vmov v30;
	v30 =	vld [tilespmem:$0x1FFE0]  }
0x23c: {  	[tilespmem:$0x13E0] =	vst v2;
	v2 =	vld [tilespmem:$0x1FFC0]  }
0x23d: {  	v4 =	vmov v20;
	v20 =	vld [tilespmem:$0x1FF90];
	[tilespmem:$0x13F0] =	vst v0  }
0x23e: {  	v3 =	vmov v21;
	v21 =	vld [tilespmem:$0x1FFA0];
	[hbm4b:s26+s3] =	stream.linear.scatter [tilespmem:s23], [sflag:$0x2], $0x80, $0x38  }
0x23f: {  	v0 =	vmov v29;
	v29 =	vld [tilespmem:$0x1FFD0];
	_ =	swait.ge [sflag:s8], $0x80  }
0x240: {  	p0 =	sne.s32 s29, $0x3FF;
	[sflag:s8] =	ssyncset.done $0x0  }
.Ltmp0:
0x241: {  	[sflag:s8] =	ssyncadd.s32 $0xFFFFFF80;
	(pc) =	sbr.rel @p0 .LBB2_2-.Ltmp0, $4  }
0x242: {  	[hbm4b:s28+s3] =	stream.linear.scatter [tilespmem:s21], [sflag:$0x2], $0x80, $0x38;
	[tilespmem:$0x1400] =	vst v63  }
0x243: {  	_ =	swait.ge [sflag:s8], $0x80  }
0x244: {  	s25 =	sadd.s32 $0x30, s25;
	s29 =	sadd.s32 $0x1, s29;
	[sflag:s8] =	ssyncset.done $0x0  }
0x245: {  	v6 =	vmov v15;
	v15 =	vmov v33;
	s26 =	sadd.s32 $0x10, s26;
	s28 =	sadd.s32 $0x10, s28;
	[sflag:s8] =	ssyncadd.s32 $0xFFFFFF80  }
0x246: {  	s24 =	sadd.s32 $0x1, s24  }
0x247: {  	p0 =	sne.s32 s24, s4  }
.Ltmp1:
0x248: {  	_ = 	snop;
	(pc) =	sbr.rel @p0 .LBB2_1-.Ltmp1, $1  }
0x249: {  	_ =	sdelay $0x3  }
0x24a: {  	_ =	sfence.sel $0x180000  }
0x24b: {  	[bflag:$0x0] =	sbarrier.arrive $0xFFFF  }
0x24c: {  	_ =	strace $0x9000004A  }
0x24d: {  	s0 =	stileid.u32;
	[bflag:$0x2] =	sbarrier.arrive $0xFFFF  }
0x24e: {  	p0 =	sne.s32 s0, $0x0;
	s0 =	rddreg [dreg:$0x5]  }
0x24f: {  	s0 =	sadd.s32 @!p0 $0x100000, s0  }
0x250: {  	[sflag:s0] =	ssyncadd.tile.s32 @!p0 $0x1;
	_ =	shalt  }
.Lfunc_end2:
_tile_overlayer_lowered:
.L_overlay_start_2:
0x251: {  	(tag) =	ssettag $0x2  }
0x252: {  	s0 =	rddreg [dreg:$0x0];
	s2 =	stileid.u32  }
0x253: {  	s1 =	rddreg [dreg:$0x1];
	p0 =	sne.s32 s2, $0x0  }
0x254: {  	s3 =	rddreg [dreg:$0x2];
	[bflag:$0x3] =	sbarrier.arrive $0xFFFF;
	s2 =	simm.s32 @!p0 $0x1C02  }
0x255: {  	[timem:s3], [sflag:s2] =	dma.local @!p0 [hbm:s0], s1  }
0x256: {  	s0 =	simm.s32 @!p0 $0x2  }
0x257: {  	_ =	swait.ge @!p0 [sflag:s0], s1  }
0x258: {  	s1 =	ssub.s32 @!p0 $0x0, s1;
	[sflag:s0] =	ssyncset.done @!p0 $0x0  }
0x259: {  	[sflag:s0] =	ssyncadd.s32 @!p0 s1  }
0x25a: {  	[bflag:$0x3] =	sbarrier.arrive $0xFFFF  }
0x25b: {  	_ =	shalt  }

// kernel: sparse-core-data-format-call.cloned.1.call-start
scs
called_computation_lowered:
.L_overlay_start_0:
0x0: {  	s1 =	sld [smem:$0x3FD9]  }
0x1: {  	s2 =	sld [smem:$0x3FFE];
	_ =	sdelay $0x1  }
0x2: {  	s3 =	srdreg.scid  }
0x3: {  	s0 =	sand.u32 $0x1, s3  }
0x4: {  	s17 =	sshll.u32 s0, $0xA;
	s1 =	sadd.s32 s2, s1  }
0x5: {  	s1 =	sadd.s32 s1, s17  }
0x6: {  	[smem:$0x3FC5] =	sst s1  }
0x7: {  	_ = 	snop  }
0x8: {  	(tm) =	ssettm $0x1  }
0x9: {  	s18 =	sld [smem:$0x3FFB];
	_ =	sdelay $0x3  }
0xa: {  	_ =	strace s18  }
0xb: {  	s1 =	sld [smem:$0x3FFC];
	_ =	sdelay $0x3  }
0xc: {  	_ =	strace s1  }
0xd: {  	s1 =	sld [smem:$0x3FFD];
	_ =	sdelay $0x3  }
0xe: {  	_ =	strace s1  }
0xf: {  	_ =	strace $0x8FFFFFFF  }
0x10: {  	s19 =	sld [smem:$0x3FDB];
	_ =	sdelay $0x1  }
0x11: {  	s20 =	simm.s32 $_scs_section_size  }
0x12: {  	s4 =	simm.s32 $_size__tile_overlayer_lowered;
	s5 =	simm.s32 $_tile_overlayer_lowered  }
0x13: {  	s23 =	simm.s32 $0x1BFF;
	s22 =	sshll.u32 s5, $0x1;
	s1 =	sadd.s32 s20, s19  }
0x14: {  	s6 =	simm.s32 $0x0;
	s21 =	sshll.u32 s4, $0x1;
	s4 =	sadd.s32 s22, s1  }
0x15: {  	[timem:s6], [sflag:s23] =	dma.local [hbm:s4], s21  }
0x16: {  	_ =	swait.ge [sflag:s23], s21  }
0x17: {  	s2 =	ssub.s32 $0x0, s21;
	[sflag:s23] =	ssyncset.done $0x0  }
0x18: {  	[sflag:s23] =	ssyncadd.s32 s2;
	_ =	sdelay $0x1  }
0x19: {  	s24 =	simm.s32 $0x1B8B  }
0x1a: {  	_ =	swait.ge [sflag:s24], $0x1  }
0x1b: {  	[sflag:s24] =	ssyncset.done $0x0  }
0x1c: {  	s26 =	simm.s32 $0x1B8E;
	s25 =	sld [smem:$0x3FFE];
	[sflag:s24] =	ssyncadd.s32 $0xFFFFFFFF  }
0x1d: {  	s27 =	simm.s32 $execute0_lowered;
	[smem:$0x3FD2] =	sst s26  }
0x1e: {  	s4 =	sshll.u32 s27, $0x1;
	_ =	strace $0x80000046;
	[dreg:$0x1] =	wrdreg $0xFFFFFFFF  }
0x1f: {  	s28 =	simm.s32 $_size_execute0_lowered;
	s1 =	sadd.s32 s1, s4;
	[dreg:$0x0] =	wrdreg $0x0  }
0x20: {  	s4 =	sshll.u32 s28, $0x1;
	[dreg:$0x2] =	wrdreg s1  }
0x21: {  	[dreg:$0x3] =	wrdreg s4  }
0x22: {  	[dreg:$0x4] =	wrdreg $0xC0  }
0x23: {  	_ =	task [dreg:s6], $0x5FFFF  }
0x24: {  	[dreg:$0x1] =	wrdreg $0xFFFFFFFF  }
0x25: {  	[dreg:$0x0] =	wrdreg $0x60  }
0x26: {  	[dreg:$0x2] =	wrdreg s25  }
0x27: {  	[dreg:$0x3] =	wrdreg $0x9  }
0x28: {  	_ =	task.clear_ibuf [dreg:s6], $0x4FFFF;
	_ =	strace $0x90000046  }
0x29: {  	s29 =	simm.s32 $0x9;
	_ =	strace $0x80000048  }
0x2a: {  	_ =	swait.ge [sflag:s29], $0x1  }
0x2b: {  	[sflag:s29] =	ssyncadd.s32 $0xFFFFFFFF  }
0x2c: {  	_ =	strace $0x90000048  }
0x2d: {  	_ =	sfence  }
0x2e: {  	s30 =	sld [smem:$0x0];
	_ =	sdelay $0x2  }
0x2f: {  	s31 =	sshll.u32 s3, $0xD;
	s3 =	sshrl.u32 s3, $0x2  }
0x30: {  	s2 =	sand.u32 $0x4000, s31;
	s1 =	sadd.s32 s3, s30  }
0x31: {  	s0 =	sor.u32 s2, s0;
	s1 =	sshll.u32 s1, $0x11  }
0x32: {  	s0 =	sor.u32 s1, s0  }
0x33: {  	s0 =	sadd.s32 $0x8F2B, s0  }
0x34: {  	[sflag:s0] =	ssyncadd.remote.s32 $0x1  }
0x35: {  	_ =	sfence.sel $0xFFFF  }
0x36: {  	[dreg:$0x0] =	wrdreg $0xFFFFFFFF;
	(pc) =	sbr.abs _section_cstart, $3  }
0x37: {  	[dreg:$0x1] =	wrdreg $0xFFFFFFFF  }
0x38: {  	_ =	task.clear_ibuf [dreg:s6], $0x2FFFF;
	_ =	strace $0x9FFFFFFF  }
0x39: {  	(tm) =	ssettm $0x7FFFFFFF  }
tec
execute0_lowered:
.L_overlay_start_1:
0x0: {  	(tag) =	ssettag $0x1  }
0x1: {  	s4 =	rddreg [dreg:$0x0]  }
0x2: {  	s0 =	rddreg [dreg:$0x1];
	_ =	strace $0x80000047;
	s1 =	stileid.u32  }
0x3: {  	s5 =	srdreg.scid;
	s9 =	simm.s32 $0x2;
	s15 =	simm.s32 $0x0  }
0x4: {  	p0 =	por $0x0, $0x0;
	s16 =	simm.s32 $0x0;
	s17 =	simm.s32 $0x0  }
0x5: {  	s18 =	simm.s32 $0x0;
	s10 =	simm.s32 $0x0;
	s11 =	simm.s32 $0x0  }
0x6: {  	s14 =	simm.s32 $0x0;
	s2 =	sadd.s32 $0x2400, s4;
	s3 =	sand.u32 $0x1, s1  }
0x7: {  	s4 =	sadd.s32 $0x182400, s4;
	s5 =	sshll.u32 s5, $0x4;
	s6 =	ssub.s32 $0x2, s3  }
.Ltmp0:
0x8: {  	s5 =	sand.u32 $0x10, s5;
	s7 =	sshrl.u32 s6, $0x1;
	(pc) =	sbr.rel .LBB1_1-.Ltmp0, $4  }
0x9: {  	s6 =	sand.u32 $0x1, s6;
	s8 =	sor.u32 s1, s5;
	s5 =	simm.s32 $0x1  }
0xa: {  	s13 =	smov.u32 s3;
	s6 =	sadd.s32 s6, s7;
	[sflag:s5] =	ssyncpa.u1 $0x0  }
0xb: {  	s7 =	sshrl.u32 s8, $0x1;
	s6 =	sshll.u32 s6, $0x5;
	[sflag:s9] =	ssyncpa.u1 $0x0  }
0xc: {  	s9 =	simm.s32 $0x80;
	s12 =	smov.u32 s7;
	s8 =	sor.u32 $0x1, s6  }
.LBB1_7:
0xd: {  	s19 =	sadd.s32 $0x20, s10  }
0xe: {  	s15 =	sadd.s32 $0x4, s11;
	s20 =	smov.u32 s11;
	p2 =	sgt.s32 s19, $0x7F  }
0xf: {  	s20 =	smov.u32 @p2 s15  }
0x10: {  	s21 =	smov.u32 s12;
	s15 =	sadd.s32 $0x10, s12;
	p3 =	sgt.s32 s20, $0x2  }
0x11: {  	s21 =	smov.u32 @p3 s15  }
0x12: {  	s22 =	smov.u32 s13;
	s15 =	sadd.s32 $0x2, s13;
	p4 =	sgt.s32 s21, $0x7F  }
0x13: {  	p1 =	slt.u32 s14, $0x2;
	s22 =	smov.u32 @p4 s15  }
0x14: {  	s16 =	smov.u32 s11;
	s19 =	simm.s32 @p2 $0x0;
	p2 =	sgt.s32 s22, $0x1  }
0x15: {  	s23 =	simm.s32 @!p1 $0x2;
	s22 =	smov.u32 @p2 s3;
	p2 =	sne.s32 s14, s8  }
.Ltmp1:
0x16: {  	s17 =	smov.u32 s12;
	_ =	swait.ge @!p1 [sflag:s23], $0x4000;
	(pc) =	sbr.rel @!p2 .LBB1_8-.Ltmp1, $4  }
0x17: {  	s18 =	smov.u32 s13;
	[sflag:s23] =	ssyncset.done @!p1 $0x0;
	s20 =	simm.s32 @p3 $0x0  }
0x18: {  	p0 =	por !p0, !p0;
	[sflag:s23] =	ssyncadd.s32 @!p1 $0xFFFFC000;
	s11 =	smov.u32 s20  }
0x19: {  	s21 =	smov.u32 @p4 s7;
	s15 =	smov.u32 s10;
	s10 =	smov.u32 s19  }
0x1a: {  	s12 =	smov.u32 s21;
	s14 =	sadd.s32 $0x1, s14;
	s13 =	smov.u32 s22  }
.LBB1_1:
0x1b: {  	p1 =	sge.u32 s14, s6;
	s20 =	smov.u32 s12;
	s22 =	smov.u32 s13  }
0x1c: {  	p2 =	sgt.s32 @!p1 s13, $0x1;
	p3 =	sgt.s32 @!p1 s12, $0x7F;
	s19 =	sshra.s32 @!p1 s13, $0x1F  }
0x1d: {  	s21 =	sshra.s32 @!p1 s12, $0x1F;
	p2 =	por !p2, p1;
	p3 =	por !p3, p1  }
0x1e: {  	s19 =	sand.u32 @!p1 s19, s13;
	s21 =	sand.u32 @!p1 s21, s12;
	s20 =	simm.s32 @p3 $0x7F  }
0x1f: {  	s22 =	simm.s32 @p2 $0x1;
	s19 =	sxor.u32 @!p1 $0xFFFFFFFF, s19;
	s20 =	ssub.s32 @!p1 s20, s21  }
0x20: {  	s23 =	smov.u32 s10;
	s19 =	sadd.s32 @!p1 s19, s22;
	s21 =	sadd.s32 @!p1 $0xFFFFFF81, s20  }
0x21: {  	s20 =	ssub.s32 @!p1 $0x80, s20;
	p3 =	sgt.s32 @!p1 s19, $0x0;
	s19 =	sshll.u32 @!p1 s19, $0x7  }
0x22: {  	p2 =	sgt.s32 @!p1 s21, $0x0;
	s21 =	sshra.s32 @!p1 s11, $0x1F;
	s19 =	ssub.s32 @!p1 $0x80, s19  }
0x23: {  	p2 =	por !p2, p1;
	s22 =	sor.u32 @!p1 s21, s11;
	s21 =	sand.u32 @!p1 s21, s11  }
0x24: {  	s20 =	simm.s32 @!p2 $0x0;
	s21 =	ssub.s32 @!p1 s22, s21;
	p2 =	sgt.s32 @!p1 s10, $0x60  }
0x25: {  	p3 =	por !p3, p1;
	s22 =	sadd.s32 @!p1 $0x1, s21;
	p2 =	por !p2, p1  }
0x26: {  	s23 =	simm.s32 @p2 $0x60;
	p2 =	sgt.s32 @!p1 s22, $0x3;
	s22 =	sshra.s32 @!p1 s10, $0x1F  }
0x27: {  	s19 =	simm.s32 @!p3 $0x0;
	s21 =	ssub.s32 @!p1 $0x3, s21;
	s22 =	sand.u32 @!p1 s22, s10  }
0x28: {  	s19 =	smul.u32 @!p1 s20, s19;
	p2 =	por !p2, p1;
	s22 =	ssub.s32 @!p1 s23, s22  }
0x29: {  	s31 =	sadd.s32 $0xFFFFFFFF, s14;
	s21 =	simm.s32 @!p2 $0x0;
	s20 =	sadd.s32 @!p1 $0xFFFFFFA0, s22  }
0x2a: {  	s23 =	sxor.u32 @!p1 $0xFFFFFFFF, s14;
	s19 =	smul.u32 @!p1 s21, s19;
	p2 =	sgt.s32 @!p1 s20, $0x1F  }
0x2b: {  	s21 =	smul.u32 @!p1 $0xC0000, s13;
	s20 =	ssub.s32 @!p1 $0x80, s22;
	p2 =	por !p2, p1  }
0x2c: {  	s22 =	sshll.u32 @!p1 s23, $0xE;
	s23 =	smul.u32 @!p1 $0x1800, s12;
	s20 =	simm.s32 @!p2 $0x0  }
0x2d: {  	s24 =	sshll.u32 @!p1 s10, $0x4;
	s19 =	smul.u32 @!p1 s20, s19;
	s20 =	sadd.s32 @!p1 s2, s21  }
0x2e: {  	s22 =	sand.u32 @!p1 $0x4000, s22;
	s21 =	sshll.u32 @!p1 s11, $0xB;
	s20 =	sadd.s32 @!p1 s23, s20  }
0x2f: {  	s23 =	sand.u32 @!p1 $0x7F0, s24;
	s19 =	sand.u32 @!p1 $0x3FFFFF80, s19;
	s20 =	sadd.s32 @!p1 s21, s20  }
0x30: {  	s21 =	simm.s32 @!p1 $0x1000;
	s20 =	sadd.s32 @!p1 s23, s20;
	s23 =	simm.s32 @!p1 $0x4000  }
0x31: {  	[tilespmem:s22], [sflag:$0x1] =	stream.strided.gather @!p1 [hbm4b:s20+s21], s19, s23, s21, $0x38;
	[tilespmem:$0x10000] =	vst v63  }
0x32: {  	p1 =	sge.u32 s31, s6  }
.Ltmp2:
0x33: {  	_ = 	snop;
	(pc) =	sbr.rel @p1 .LBB1_7-.Ltmp2, $1  }
0x34: {  	_ =	sdelay $0x3  }
0x35: {  	p1 =	sgt.s32 s17, $0x7F;
	s19 =	smov.u32 s17  }
0x36: {  	s20 =	sshra.s32 s17, $0x1F;
	s21 =	sshra.s32 s18, $0x1F;
	s22 =	smov.u32 s18  }
0x37: {  	s27 =	sshra.s32 s16, $0x1F;
	s23 =	smov.u32 s15;
	s24 =	sshra.s32 s15, $0x1F  }
0x38: {  	s19 =	simm.s32 @!p1 $0x7F;
	s20 =	sand.u32 s20, s17;
	p1 =	sgt.s32 s18, $0x1  }
0x39: {  	s21 =	sand.u32 s21, s18;
	s28 =	sor.u32 s27, s16;
	s29 =	sand.u32 s24, s15  }
0x3a: {  	s19 =	ssub.s32 s19, s20;
	s22 =	simm.s32 @!p1 $0x1;
	s25 =	sxor.u32 $0xFFFFFFFF, s21  }
0x3b: {  	s21 =	sand.u32 s27, s16;
	s26 =	sadd.s32 $0xFFFFFF81, s19;
	s20 =	sadd.s32 s25, s22  }
0x3c: {  	s19 =	ssub.s32 $0x80, s19;
	s21 =	ssub.s32 s28, s21;
	p1 =	sgt.s32 s26, $0x0  }
0x3d: {  	p2 =	sgt.s32 s20, $0x0;
	s22 =	sadd.s32 $0x1, s21;
	s20 =	sshll.u32 s20, $0x7  }
0x3e: {  	s19 =	simm.s32 @p1 $0x0;
	p1 =	sgt.s32 s15, $0x60;
	s20 =	ssub.s32 $0x80, s20  }
0x3f: {  	s21 =	ssub.s32 $0x3, s21;
	s23 =	simm.s32 @!p1 $0x60;
	s20 =	simm.s32 @p2 $0x0  }
0x40: {  	p1 =	sgt.s32 s22, $0x3;
	s22 =	ssub.s32 s23, s29;
	s19 =	smul.u32 s19, s20  }
0x41: {  	s21 =	simm.s32 @p1 $0x0;
	s30 =	sadd.s32 $0xFFFFFFA0, s22  }
0x42: {  	s20 =	ssub.s32 $0x80, s22;
	p1 =	sgt.s32 s30, $0x1F;
	s19 =	smul.u32 s21, s19  }
0x43: {  	s20 =	simm.s32 @p1 $0x0  }
0x44: {  	s19 =	smul.u32 s20, s19;
	s20 =	simm.s32 $0x1  }
0x45: {  	s20 =	simm.s32 @!p0 $0x0  }
0x46: {  	s20 =	sshll.u32 s20, $0x10  }
0x47: {  	s20 =	sshrl.u32 s20, $0x2  }
0x48: {  	v0 =	vmov s20  }
0x49: {  	s31 =	sshll.u32 s14, $0xE;
	s19 =	sand.u32 $0x3FFFFF80, s19  }
0x4a: {  	s23 =	simm.s32 $0x70;
	s22 =	simm.s32 $0x8000;
	_ =	swait.ge [sflag:s5], s19  }
0x4b: {  	s21 =	sand.u32 $0x4000, s31;
	s19 =	ssub.s32 $0x0, s19;
	[sflag:s5] =	ssyncset.done $0x0  }
0x4c: {  	[sflag:s5] =	ssyncadd.s32 s19;
	s19 =	sor.u32 $0x8000, s21;
	s21 =	simm.s32 $0x0  }
.LBB1_3:
0x4d: {  	_ =	sdelay $0x3  }
0x4e: {  	v1 =	vld.idx.msk [tilespmem:v0+s23+$0x0 ss:$0x1], $0xffff  }
0x4f: {  	v2 =	vld.idx.msk [tilespmem:v0+s23+$0xFFFFFFA0 ss:$0x1], $0xffff  }
0x50: {  	v7 =	vld.idx.msk [tilespmem:v0+s23+$0xFFFFFFB0 ss:$0x1], $0xffff  }
0x51: {  	v4 =	vld.idx.msk [tilespmem:v0+s23+$0xFFFFFFC0 ss:$0x1], $0xffff  }
0x52: {  	v3 =	vld.idx.msk [tilespmem:v0+s23+$0xFFFFFFD0 ss:$0x1], $0xffff  }
0x53: {  	s25 =	sadd.s32 s20, s22;
	v5 =	vld.idx.msk [tilespmem:v0+s23+$0xFFFFFFE0 ss:$0x1], $0xffff  }
0x54: {  	v6 =	vld.idx.msk [tilespmem:v0+s23+$0xFFFFFFF0 ss:$0x1], $0xffff;
	[tilespmem:s25+$0x1C0 ss:$0x4] =	vst.msk $0xffff, v1  }
0x55: {  	s24 =	sadd.s32 $0x80, s23;
	v1 =	vld.idx.msk [tilespmem:v0+s23+$0xFFFFFF90 ss:$0x1], $0xffff;
	[tilespmem:s25+$0x40 ss:$0x4] =	vst.msk $0xffff, v2  }
0x56: {  	s27 =	simm.s32 $0x1E;
	s26 =	smov.u32 s22;
	v2 =	vld.idx.msk [tilespmem:v0+s24+$0x0 ss:$0x1], $0xffff;
	[tilespmem:s25+$0x80 ss:$0x4] =	vst.msk $0xffff, v7  }
.LBB1_4:
0x57: {  	p1 =	sne.s32 s27, $0x1;
	v7 =	vld.idx.msk [tilespmem:v0+s24+$0xFFFFFFA0 ss:$0x1], $0xffff;
	[tilespmem:s25+$0xC0 ss:$0x4] =	vst.msk $0xffff, v4  }
0x58: {  	v8 =	vld.idx.msk [tilespmem:v0+s24+$0xFFFFFFB0 ss:$0x1], $0xffff;
	[tilespmem:s25+$0x100 ss:$0x4] =	vst.msk $0xffff, v3  }
0x59: {  	v4 =	vld.idx.msk [tilespmem:v0+s24+$0xFFFFFFC0 ss:$0x1], $0xffff;
	[tilespmem:s25+$0x140 ss:$0x4] =	vst.msk $0xffff, v5  }
.Ltmp3:
0x5a: {  	s26 =	sadd.s32 $0x200, s26;
	v3 =	vld.idx.msk [tilespmem:v0+s24+$0xFFFFFFD0 ss:$0x1], $0xffff;
	[tilespmem:s25+$0x180 ss:$0x4] =	vst.msk $0xffff, v6;
	(pc) =	sbr.rel @p1 .LBB1_4-.Ltmp3, $4  }
0x5b: {  	v5 =	vld.idx.msk [tilespmem:v0+s24+$0xFFFFFFE0 ss:$0x1], $0xffff;
	[tilespmem:s25+$0x0 ss:$0x4] =	vst.msk $0xffff, v1;
	s25 =	sadd.s32 s20, s26  }
0x5c: {  	v6 =	vld.idx.msk [tilespmem:v0+s24+$0xFFFFFFF0 ss:$0x1], $0xffff;
	[tilespmem:s25+$0x1C0 ss:$0x4] =	vst.msk $0xffff, v2  }
0x5d: {  	v1 =	vld.idx.msk [tilespmem:v0+s24+$0xFFFFFF90 ss:$0x1], $0xffff;
	[tilespmem:s25+$0x40 ss:$0x4] =	vst.msk $0xffff, v7;
	s24 =	sadd.s32 $0x80, s24  }
0x5e: {  	s27 =	sadd.s32 $0xFFFFFFFF, s27;
	v2 =	vld.idx.msk [tilespmem:v0+s24+$0x0 ss:$0x1], $0xffff;
	[tilespmem:s25+$0x80 ss:$0x4] =	vst.msk $0xffff, v8  }
0x5f: {  	_ =	sdelay $0x2  }
0x60: {  	[tilespmem:s25+$0xC0 ss:$0x4] =	vst.msk $0xffff, v4  }
0x61: {  	v60 =	vld.idx.msk [tilespmem:v0+s24+$0xFFFFFFA0 ss:$0x1], $0xffff;
	[tilespmem:s25+$0x100 ss:$0x4] =	vst.msk $0xffff, v3  }
0x62: {  	v3 =	vld.idx.msk [tilespmem:v0+s24+$0xFFFFFFB0 ss:$0x1], $0xffff;
	[tilespmem:s25+$0x140 ss:$0x4] =	vst.msk $0xffff, v5  }
0x63: {  	v61 =	vld.idx.msk [tilespmem:v0+s24+$0xFFFFFFC0 ss:$0x1], $0xffff;
	s26 =	sadd.s32 $0x200, s26;
	[tilespmem:s25+$0x180 ss:$0x4] =	vst.msk $0xffff, v6  }
0x64: {  	v62 =	vld.idx.msk [tilespmem:v0+s24+$0xFFFFFFD0 ss:$0x1], $0xffff;
	s26 =	sadd.s32 s20, s26;
	[tilespmem:s25+$0x0 ss:$0x4] =	vst.msk $0xffff, v1  }
0x65: {  	v63 =	vld.idx.msk [tilespmem:v0+s24+$0xFFFFFF90 ss:$0x1], $0xffff;
	[tilespmem:s26+$0x1C0 ss:$0x4] =	vst.msk $0xffff, v2  }
0x66: {  	s21 =	sadd.s32 $0x1, s21;
	v1 =	vld.idx.msk [tilespmem:v0+s24+$0xFFFFFFE0 ss:$0x1], $0xffff;
	[tilespmem:s26+$0x40 ss:$0x4] =	vst.msk $0xffff, v60  }
0x67: {  	p1 =	sne.s32 s21, $0x4;
	v2 =	vld.idx.msk [tilespmem:v0+s24+$0xFFFFFFF0 ss:$0x1], $0xffff;
	[tilespmem:s26+$0x80 ss:$0x4] =	vst.msk $0xffff, v3  }
.Ltmp4:
0x68: {  	[tilespmem:s26+$0xC0 ss:$0x4] =	vst.msk $0xffff, v61;
	(pc) =	sbr.rel @p1 .LBB1_3-.Ltmp4, $4  }
0x69: {  	[tilespmem:s26+$0x100 ss:$0x4] =	vst.msk $0xffff, v62  }
0x6a: {  	[tilespmem:s26+$0x0 ss:$0x4] =	vst.msk $0xffff, v63  }
0x6b: {  	[tilespmem:s26+$0x140 ss:$0x4] =	vst.msk $0xffff, v1  }
0x6c: {  	s22 =	sadd.s32 $0x1, s22;
	s23 =	sadd.s32 $0x1000, s23;
	[tilespmem:s26+$0x180 ss:$0x4] =	vst.msk $0xffff, v2  }
0x6d: {  	s18 =	sshll.u32 s18, $0x19  }
0x6e: {  	s17 =	sshll.u32 s17, $0x12;
	s20 =	sand.u32 $0x780, s16;
	s18 =	sadd.s32 s4, s18  }
.Ltmp5:
0x6f: {  	s15 =	sshll.u32 s15, $0xB;
	s17 =	sadd.s32 s17, s18;
	(pc) =	sbr.rel .LBB1_7-.Ltmp5, $4  }
0x70: {  	s30 =	sshrl.u32 s16, $0x3;
	s31 =	sand.u32 $0x7, s16;
	s17 =	sadd.s32 s20, s17  }
0x71: {  	s16 =	sshll.u32 s31, $0x12;
	s18 =	sand.u32 $0xF, s30;
	s15 =	sadd.s32 s15, s17  }
0x72: {  	s16 =	sor.u32 $0x4, s16;
	s15 =	sadd.s32 s18, s15  }
0x73: {  	[hbm4b:s15+s16] =	stream.strided.scatter [tilespmem:s19], [sflag:$0x2], $0x4000, s9, s16, $0x38;
	[tilespmem:$0x10000] =	vst v63  }
.LBB1_8:
0x74: {  	_ =	sfence.sel $0x180000  }
0x75: {  	s2 =	simm.s32 $0x1;
	[bflag:$0x0] =	sbarrier.arrive $0xFFFF  }
0x76: {  	s31 =	simm.s32 $0x2;
	[sflag:s2] =	ssyncpa.u1 $0x1  }
0x77: {  	[sflag:s31] =	ssyncpa.u1 $0x1  }
0x78: {  	p0 =	sne.s32 s1, $0x0;
	_ =	strace $0x90000047  }
0x79: {  	s0 =	sadd.s32 @!p0 $0x100000, s0;
	[bflag:$0x2] =	sbarrier.arrive $0xFFFF  }
0x7a: {  	[sflag:s0] =	ssyncadd.tile.s32 @!p0 $0x1;
	_ =	shalt  }
.Lfunc_end1:
_tile_overlayer_lowered:
.L_overlay_start_2:
0x7b: {  	(tag) =	ssettag $0x2  }
0x7c: {  	s0 =	rddreg [dreg:$0x0];
	s2 =	stileid.u32  }
0x7d: {  	s1 =	rddreg [dreg:$0x1];
	p0 =	sne.s32 s2, $0x0  }
0x7e: {  	s3 =	rddreg [dreg:$0x2];
	[bflag:$0x3] =	sbarrier.arrive $0xFFFF;
	s2 =	simm.s32 @!p0 $0x1C01  }
0x7f: {  	[timem:s3], [sflag:s2] =	dma.local @!p0 [hbm:s0], s1  }
0x80: {  	s0 =	simm.s32 @!p0 $0x1  }
0x81: {  	_ =	swait.ge @!p0 [sflag:s0], s1  }
0x82: {  	s1 =	ssub.s32 @!p0 $0x0, s1;
	[sflag:s0] =	ssyncset.done @!p0 $0x0  }
0x83: {  	[sflag:s0] =	ssyncadd.s32 @!p0 s1  }
0x84: {  	[bflag:$0x3] =	sbarrier.arrive $0xFFFF  }
0x85: {  	_ =	shalt  }

</sc_bundles>
